<compile_context>
chip_gen: v7x
topology: tpu7x:2x2x1
jax: 0.10.2.dev20260603
libtpu: 0.0.44.dev20260713+nightly
codegen_flags: <defaults>
</compile_context>

<pallas_src>
import functools

import jax
import jax.numpy as jnp
from jax import lax
from jax.experimental import pallas as pl
from jax.experimental.pallas import tpu as pltpu
from jax.experimental.pallas import tpu_sc as plsc

NUM_CLASSES = 1000000
EMBED_DIM = 32
BATCH = 16384

_NC = 2
_NS = 16
_NW = _NC * _NS
_B_PER_W = BATCH // _NW
_CHUNK = 128
_NCHUNK = _B_PER_W // _CHUNK

_BS = 16384
_G = -(-NUM_CLASSES // _BS)
_PACKED_ROWS = NUM_CLASSES // 4


def _pack_body(x_ref, o_ref):
    xt = jnp.transpose(x_ref[...], (1, 0))
    xt3 = xt.reshape(_BS // 4, 4, 32)
    for q in range(4):
        o_ref[:, 32 * q:32 * (q + 1)] = xt3[:, q, :]


_tc_pack = pl.pallas_call(
    _pack_body,
    grid=(_G,),
    in_specs=[pl.BlockSpec((32, _BS), lambda k: (0, k))],
    out_specs=pl.BlockSpec((_BS // 4, 128), lambda k: (k, 0)),
    out_shape=jax.ShapeDtypeStruct((_PACKED_ROWS, 128), jnp.float32),
)


def _gather_body(idx_hbm, packed_hbm, out_hbm, idx_v, ridx_v, rows_v,
                 res_v, sem):
    wid = lax.axis_index("s") * _NC + lax.axis_index("c")
    base = wid * _B_PER_W
    for c in range(_NCHUNK):
        pltpu.sync_copy(idx_hbm.at[pl.ds(base + c * _CHUNK, _CHUNK)],
                        idx_v.at[c])
    for c in range(_NCHUNK):
        for s in range(_CHUNK // 16):
            i = idx_v[c, pl.ds(s * 16, 16)]
            ridx_v[c, pl.ds(s * 16, 16)] = lax.shift_right_logical(i, 2)

    copies = [pltpu.async_copy(packed_hbm.at[ridx_v.at[0]], rows_v.at[0],
                               sem)]
    for c in range(_NCHUNK):
        copies[c].wait()
        if c + 1 < _NCHUNK:
            copies.append(pltpu.async_copy(
                packed_hbm.at[ridx_v.at[c + 1]], rows_v.at[(c + 1) % 2],
                sem))

        def gloop(g, _, c=c):
            i16 = idx_v[c, pl.ds(g * 16, 16)]
            for l in range(16):
                i = i16[l]
                q = (i & 3) * 32
                k = g * 16 + l
                res_v[c * _CHUNK + k, pl.ds(0, 16)] = (
                    rows_v[c % 2, k, pl.ds(q, 16)])
                res_v[c * _CHUNK + k, pl.ds(16, 16)] = (
                    rows_v[c % 2, k, pl.ds(q + 16, 16)])
            return ()

        lax.fori_loop(0, _CHUNK // 16, gloop, ())
    pltpu.sync_copy(res_v, out_hbm.at[pl.ds(base, _B_PER_W)])


@jax.jit
def _embed_lookup(class_ids, packed):
    mesh = plsc.VectorSubcoreMesh(core_axis_name="c", subcore_axis_name="s")
    run = functools.partial(
        pl.kernel,
        mesh=mesh,
        out_type=jax.ShapeDtypeStruct((BATCH, EMBED_DIM), jnp.float32),
        scratch_types=[
            pltpu.VMEM((_NCHUNK, _CHUNK), jnp.int32),
            pltpu.VMEM((_NCHUNK, _CHUNK), jnp.int32),
            pltpu.VMEM((2, _CHUNK, 128), jnp.float32),
            pltpu.VMEM((_B_PER_W, EMBED_DIM), jnp.float32),
            pltpu.SemaphoreType.DMA,
        ],
    )(_gather_body)
    return run(class_ids, packed)


def kernel(class_ids, table):
    packed = _tc_pack(table.T)
    return _embed_lookup(class_ids.astype(jnp.int32), packed)

# --- scband reference (transcript-rebuilt; emitter-appended) ---
"""Pipeline reference for scband-class-condition-model-77171972375186 (READ-ONLY COPY).

The authoritative reference and input builder live on the scoring server;
editing this copy changes nothing except your own understanding.
"""

import jax, jax.numpy as jnp
import numpy as np

NUM_CLASSES = 1000000
EMBED_DIM = 32
BATCH = 16384

def setup_inputs(seed: int = 0) -> dict:
    key = jax.random.key(seed)
    k_idx, k_tab = jax.random.split(key)
    class_ids = jax.random.randint(k_idx, (BATCH,), 0, NUM_CLASSES, dtype=jnp.int64 if jax.config.jax_enable_x64 else jnp.int32)
    table = jax.random.normal(k_tab, (NUM_CLASSES, EMBED_DIM), dtype=jnp.float32)
    return {"class_ids": class_ids, "table": table}

def reference(class_ids, table):
    # nn.Embedding forward: row gather from embedding table
    return jnp.take(table, class_ids, axis=0)

if __name__ == "__main__":
    import jax
    _d = setup_inputs()
    print(jax.jit(kernel)(*tuple(_d.values())))

</pallas_src>

<mosaic_0001>
#map = affine_map<(d0, d1) -> (0)>
#map1 = affine_map<(d0, d1) -> (0, 0)>
module attributes {stable_mosaic.version = 14 : i64} {
  func.func @_gather_body(%arg0: i32, %arg1: i32, %arg2: memref<16384xi32, #tpu.memory_space<hbm>>, %arg3: memref<250000x128xf32, #tpu.memory_space<hbm>>, %arg4: memref<16384x32xf32, #tpu.memory_space<hbm>>, %arg5: memref<4x128xi32, #tpu.memory_space<vmem>>, %arg6: memref<4x128xi32, #tpu.memory_space<vmem>>, %arg7: memref<2x128x128xf32, #tpu.memory_space<vmem>>, %arg8: memref<512x32xf32, #tpu.memory_space<vmem>>, %arg9: memref<!tpu.dma_semaphore, #tpu.memory_space<semaphore_mem>>) attributes {dimension_semantics = [#tpu.dimension_semantics<core_parallel>, #tpu.dimension_semantics<subcore_parallel>], iteration_bounds = array<i64: 2, 16>, scalar_prefetch = 0 : i64, scratch_operands = 5 : i64, tpu.core_type = #tpu.core_type<sc_vector_subcore>, window_params = [{transform_indices = #map}, {transform_indices = #map1}, {transform_indices = #map1}]} {
    %mul3A = arith.constant 2 : i32
    %mul3A_0 = arith.muli %arg1, %mul3A : i32
    %add3A = arith.addi %mul3A_0, %arg0 : i32
    %mul3A_1 = arith.constant 512 : i32
    %mul3A_2 = arith.muli %add3A, %mul3A_1 : i32
    %add3A_3 = arith.constant 0 : i32
    %add3A_4 = arith.addi %mul3A_2, %add3A_3 : i32
    %run_scoped3A = arith.constant 0 : i32
    "tpu.region"() ({
      %run_scoped3A_572 = tpu.sem_alloc : memref<!tpu.dma_semaphore, #tpu.memory_space<semaphore_mem>>
      %dma_start3A_573 = arith.constant 0 : i32
      %dma_start3A_574 = tpu.memref_slice %arg5[%run_scoped3A, %dma_start3A_573] : memref<4x128xi32, #tpu.memory_space<vmem>> -> memref<1x128xi32, #tpu.memory_space<vmem>>
      %dma_start3A_575 = tpu.memref_squeeze %dma_start3A_574 : memref<1x128xi32, #tpu.memory_space<vmem>> -> memref<128xi32, #tpu.memory_space<vmem>>
      %dma_start3A_576 = tpu.memref_slice %arg2[%add3A_4] : memref<16384xi32, #tpu.memory_space<hbm>> -> memref<128xi32, #tpu.memory_space<hbm>>
      %dma_start3A_577 = arith.constant 0 : i32
      %dma_start3A_578 = tpu.memref_slice %arg5[%run_scoped3A, %dma_start3A_577] : memref<4x128xi32, #tpu.memory_space<vmem>> -> memref<1x128xi32, #tpu.memory_space<vmem>>
      %dma_start3A_579 = tpu.memref_squeeze %dma_start3A_578 : memref<1x128xi32, #tpu.memory_space<vmem>> -> memref<128xi32, #tpu.memory_space<vmem>>
      %dma_start3A_580 = tpu.memref_slice %arg2[%add3A_4] : memref<16384xi32, #tpu.memory_space<hbm>> -> memref<128xi32, #tpu.memory_space<hbm>>
      tpu.enqueue_dma source(%dma_start3A_580 : memref<128xi32, #tpu.memory_space<hbm>>) target(%dma_start3A_579 : memref<128xi32, #tpu.memory_space<vmem>>) target_semaphore(%run_scoped3A_572 : memref<!tpu.dma_semaphore, #tpu.memory_space<semaphore_mem>>)
      %dma_wait3A_581 = arith.constant 0 : i32
      %dma_wait3A_582 = tpu.memref_slice %arg5[%run_scoped3A, %dma_wait3A_581] : memref<4x128xi32, #tpu.memory_space<vmem>> -> memref<1x128xi32, #tpu.memory_space<vmem>>
      %dma_wait3A_583 = tpu.memref_squeeze %dma_wait3A_582 : memref<1x128xi32, #tpu.memory_space<vmem>> -> memref<128xi32, #tpu.memory_space<vmem>>
      %dma_wait3A_584 = tpu.memref_slice %arg2[%add3A_4] : memref<16384xi32, #tpu.memory_space<hbm>> -> memref<128xi32, #tpu.memory_space<hbm>>
      %dma_wait3A_585 = arith.constant 0 : i32
      %dma_wait3A_586 = tpu.memref_slice %arg5[%run_scoped3A, %dma_wait3A_585] : memref<4x128xi32, #tpu.memory_space<vmem>> -> memref<1x128xi32, #tpu.memory_space<vmem>>
      %dma_wait3A_587 = tpu.memref_squeeze %dma_wait3A_586 : memref<1x128xi32, #tpu.memory_space<vmem>> -> memref<128xi32, #tpu.memory_space<vmem>>
      %dma_wait3A_588 = tpu.memref_slice %arg2[%add3A_4] : memref<16384xi32, #tpu.memory_space<hbm>> -> memref<128xi32, #tpu.memory_space<hbm>>
      tpu.wait_dma2 semaphore(%run_scoped3A_572 : memref<!tpu.dma_semaphore, #tpu.memory_space<semaphore_mem>>) src(%dma_wait3A_588 : memref<128xi32, #tpu.memory_space<hbm>>) dst(%dma_wait3A_587 : memref<128xi32, #tpu.memory_space<vmem>>)
      tpu.yield
    }) : () -> ()
    %add3A_5 = arith.constant 128 : i32
    %add3A_6 = arith.addi %mul3A_2, %add3A_5 : i32
    %run_scoped3A_7 = arith.constant 1 : i32
    "tpu.region"() ({
      %run_scoped3A_572 = tpu.sem_alloc : memref<!tpu.dma_semaphore, #tpu.memory_space<semaphore_mem>>
      %dma_start3A_573 = arith.constant 0 : i32
      %dma_start3A_574 = tpu.memref_slice %arg5[%run_scoped3A_7, %dma_start3A_573] : memref<4x128xi32, #tpu.memory_space<vmem>> -> memref<1x128xi32, #tpu.memory_space<vmem>>
      %dma_start3A_575 = tpu.memref_squeeze %dma_start3A_574 : memref<1x128xi32, #tpu.memory_space<vmem>> -> memref<128xi32, #tpu.memory_space<vmem>>
      %dma_start3A_576 = tpu.memref_slice %arg2[%add3A_6] : memref<16384xi32, #tpu.memory_space<hbm>> -> memref<128xi32, #tpu.memory_space<hbm>>
      %dma_start3A_577 = arith.constant 0 : i32
      %dma_start3A_578 = tpu.memref_slice %arg5[%run_scoped3A_7, %dma_start3A_577] : memref<4x128xi32, #tpu.memory_space<vmem>> -> memref<1x128xi32, #tpu.memory_space<vmem>>
      %dma_start3A_579 = tpu.memref_squeeze %dma_start3A_578 : memref<1x128xi32, #tpu.memory_space<vmem>> -> memref<128xi32, #tpu.memory_space<vmem>>
      %dma_start3A_580 = tpu.memref_slice %arg2[%add3A_6] : memref<16384xi32, #tpu.memory_space<hbm>> -> memref<128xi32, #tpu.memory_space<hbm>>
      tpu.enqueue_dma source(%dma_start3A_580 : memref<128xi32, #tpu.memory_space<hbm>>) target(%dma_start3A_579 : memref<128xi32, #tpu.memory_space<vmem>>) target_semaphore(%run_scoped3A_572 : memref<!tpu.dma_semaphore, #tpu.memory_space<semaphore_mem>>)
      %dma_wait3A_581 = arith.constant 0 : i32
      %dma_wait3A_582 = tpu.memref_slice %arg5[%run_scoped3A_7, %dma_wait3A_581] : memref<4x128xi32, #tpu.memory_space<vmem>> -> memref<1x128xi32, #tpu.memory_space<vmem>>
      %dma_wait3A_583 = tpu.memref_squeeze %dma_wait3A_582 : memref<1x128xi32, #tpu.memory_space<vmem>> -> memref<128xi32, #tpu.memory_space<vmem>>
      %dma_wait3A_584 = tpu.memref_slice %arg2[%add3A_6] : memref<16384xi32, #tpu.memory_space<hbm>> -> memref<128xi32, #tpu.memory_space<hbm>>
      %dma_wait3A_585 = arith.constant 0 : i32
      %dma_wait3A_586 = tpu.memref_slice %arg5[%run_scoped3A_7, %dma_wait3A_585] : memref<4x128xi32, #tpu.memory_space<vmem>> -> memref<1x128xi32, #tpu.memory_space<vmem>>
      %dma_wait3A_587 = tpu.memref_squeeze %dma_wait3A_586 : memref<1x128xi32, #tpu.memory_space<vmem>> -> memref<128xi32, #tpu.memory_space<vmem>>
      %dma_wait3A_588 = tpu.memref_slice %arg2[%add3A_6] : memref<16384xi32, #tpu.memory_space<hbm>> -> memref<128xi32, #tpu.memory_space<hbm>>
      tpu.wait_dma2 semaphore(%run_scoped3A_572 : memref<!tpu.dma_semaphore, #tpu.memory_space<semaphore_mem>>) src(%dma_wait3A_588 : memref<128xi32, #tpu.memory_space<hbm>>) dst(%dma_wait3A_587 : memref<128xi32, #tpu.memory_space<vmem>>)
      tpu.yield
    }) : () -> ()
    %add3A_8 = arith.constant 256 : i32
    %add3A_9 = arith.addi %mul3A_2, %add3A_8 : i32
    %run_scoped3A_10 = arith.constant 2 : i32
    "tpu.region"() ({
      %run_scoped3A_572 = tpu.sem_alloc : memref<!tpu.dma_semaphore, #tpu.memory_space<semaphore_mem>>
      %dma_start3A_573 = arith.constant 0 : i32
      %dma_start3A_574 = tpu.memref_slice %arg5[%run_scoped3A_10, %dma_start3A_573] : memref<4x128xi32, #tpu.memory_space<vmem>> -> memref<1x128xi32, #tpu.memory_space<vmem>>
      %dma_start3A_575 = tpu.memref_squeeze %dma_start3A_574 : memref<1x128xi32, #tpu.memory_space<vmem>> -> memref<128xi32, #tpu.memory_space<vmem>>
      %dma_start3A_576 = tpu.memref_slice %arg2[%add3A_9] : memref<16384xi32, #tpu.memory_space<hbm>> -> memref<128xi32, #tpu.memory_space<hbm>>
      %dma_start3A_577 = arith.constant 0 : i32
      %dma_start3A_578 = tpu.memref_slice %arg5[%run_scoped3A_10, %dma_start3A_577] : memref<4x128xi32, #tpu.memory_space<vmem>> -> memref<1x128xi32, #tpu.memory_space<vmem>>
      %dma_start3A_579 = tpu.memref_squeeze %dma_start3A_578 : memref<1x128xi32, #tpu.memory_space<vmem>> -> memref<128xi32, #tpu.memory_space<vmem>>
      %dma_start3A_580 = tpu.memref_slice %arg2[%add3A_9] : memref<16384xi32, #tpu.memory_space<hbm>> -> memref<128xi32, #tpu.memory_space<hbm>>
      tpu.enqueue_dma source(%dma_start3A_580 : memref<128xi32, #tpu.memory_space<hbm>>) target(%dma_start3A_579 : memref<128xi32, #tpu.memory_space<vmem>>) target_semaphore(%run_scoped3A_572 : memref<!tpu.dma_semaphore, #tpu.memory_space<semaphore_mem>>)
      %dma_wait3A_581 = arith.constant 0 : i32
      %dma_wait3A_582 = tpu.memref_slice %arg5[%run_scoped3A_10, %dma_wait3A_581] : memref<4x128xi32, #tpu.memory_space<vmem>> -> memref<1x128xi32, #tpu.memory_space<vmem>>
      %dma_wait3A_583 = tpu.memref_squeeze %dma_wait3A_582 : memref<1x128xi32, #tpu.memory_space<vmem>> -> memref<128xi32, #tpu.memory_space<vmem>>
      %dma_wait3A_584 = tpu.memref_slice %arg2[%add3A_9] : memref<16384xi32, #tpu.memory_space<hbm>> -> memref<128xi32, #tpu.memory_space<hbm>>
      %dma_wait3A_585 = arith.constant 0 : i32
      %dma_wait3A_586 = tpu.memref_slice %arg5[%run_scoped3A_10, %dma_wait3A_585] : memref<4x128xi32, #tpu.memory_space<vmem>> -> memref<1x128xi32, #tpu.memory_space<vmem>>
      %dma_wait3A_587 = tpu.memref_squeeze %dma_wait3A_586 : memref<1x128xi32, #tpu.memory_space<vmem>> -> memref<128xi32, #tpu.memory_space<vmem>>
      %dma_wait3A_588 = tpu.memref_slice %arg2[%add3A_9] : memref<16384xi32, #tpu.memory_space<hbm>> -> memref<128xi32, #tpu.memory_space<hbm>>
      tpu.wait_dma2 semaphore(%run_scoped3A_572 : memref<!tpu.dma_semaphore, #tpu.memory_space<semaphore_mem>>) src(%dma_wait3A_588 : memref<128xi32, #tpu.memory_space<hbm>>) dst(%dma_wait3A_587 : memref<128xi32, #tpu.memory_space<vmem>>)
      tpu.yield
    }) : () -> ()
    %add3A_11 = arith.constant 384 : i32
    %add3A_12 = arith.addi %mul3A_2, %add3A_11 : i32
    %run_scoped3A_13 = arith.constant 3 : i32
    "tpu.region"() ({
      %run_scoped3A_572 = tpu.sem_alloc : memref<!tpu.dma_semaphore, #tpu.memory_space<semaphore_mem>>
      %dma_start3A_573 = arith.constant 0 : i32
      %dma_start3A_574 = tpu.memref_slice %arg5[%run_scoped3A_13, %dma_start3A_573] : memref<4x128xi32, #tpu.memory_space<vmem>> -> memref<1x128xi32, #tpu.memory_space<vmem>>
      %dma_start3A_575 = tpu.memref_squeeze %dma_start3A_574 : memref<1x128xi32, #tpu.memory_space<vmem>> -> memref<128xi32, #tpu.memory_space<vmem>>
      %dma_start3A_576 = tpu.memref_slice %arg2[%add3A_12] : memref<16384xi32, #tpu.memory_space<hbm>> -> memref<128xi32, #tpu.memory_space<hbm>>
      %dma_start3A_577 = arith.constant 0 : i32
      %dma_start3A_578 = tpu.memref_slice %arg5[%run_scoped3A_13, %dma_start3A_577] : memref<4x128xi32, #tpu.memory_space<vmem>> -> memref<1x128xi32, #tpu.memory_space<vmem>>
      %dma_start3A_579 = tpu.memref_squeeze %dma_start3A_578 : memref<1x128xi32, #tpu.memory_space<vmem>> -> memref<128xi32, #tpu.memory_space<vmem>>
      %dma_start3A_580 = tpu.memref_slice %arg2[%add3A_12] : memref<16384xi32, #tpu.memory_space<hbm>> -> memref<128xi32, #tpu.memory_space<hbm>>
      tpu.enqueue_dma source(%dma_start3A_580 : memref<128xi32, #tpu.memory_space<hbm>>) target(%dma_start3A_579 : memref<128xi32, #tpu.memory_space<vmem>>) target_semaphore(%run_scoped3A_572 : memref<!tpu.dma_semaphore, #tpu.memory_space<semaphore_mem>>)
      %dma_wait3A_581 = arith.constant 0 : i32
      %dma_wait3A_582 = tpu.memref_slice %arg5[%run_scoped3A_13, %dma_wait3A_581] : memref<4x128xi32, #tpu.memory_space<vmem>> -> memref<1x128xi32, #tpu.memory_space<vmem>>
      %dma_wait3A_583 = tpu.memref_squeeze %dma_wait3A_582 : memref<1x128xi32, #tpu.memory_space<vmem>> -> memref<128xi32, #tpu.memory_space<vmem>>
      %dma_wait3A_584 = tpu.memref_slice %arg2[%add3A_12] : memref<16384xi32, #tpu.memory_space<hbm>> -> memref<128xi32, #tpu.memory_space<hbm>>
      %dma_wait3A_585 = arith.constant 0 : i32
      %dma_wait3A_586 = tpu.memref_slice %arg5[%run_scoped3A_13, %dma_wait3A_585] : memref<4x128xi32, #tpu.memory_space<vmem>> -> memref<1x128xi32, #tpu.memory_space<vmem>>
      %dma_wait3A_587 = tpu.memref_squeeze %dma_wait3A_586 : memref<1x128xi32, #tpu.memory_space<vmem>> -> memref<128xi32, #tpu.memory_space<vmem>>
      %dma_wait3A_588 = tpu.memref_slice %arg2[%add3A_12] : memref<16384xi32, #tpu.memory_space<hbm>> -> memref<128xi32, #tpu.memory_space<hbm>>
      tpu.wait_dma2 semaphore(%run_scoped3A_572 : memref<!tpu.dma_semaphore, #tpu.memory_space<semaphore_mem>>) src(%dma_wait3A_588 : memref<128xi32, #tpu.memory_space<hbm>>) dst(%dma_wait3A_587 : memref<128xi32, #tpu.memory_space<vmem>>)
      tpu.yield
    }) : () -> ()
    %get3A = arith.constant 0 : i32
    %get3A_14 = arith.index_cast %get3A : i32 to index
    %get3A_15 = arith.constant 0 : index
    %get3A_16 = tpu.vector_load %arg5[%get3A_14, %get3A_15] {strides = array<i32>} : memref<4x128xi32, #tpu.memory_space<vmem>>, vector<1x16xi32>,
    %get3A_17 = vector.shape_cast %get3A_16 : vector<1x16xi32> to vector<16xi32>
    %shift_right_logical3A = arith.constant 2 : i32
    %shift_right_logical3A_18 = vector.broadcast %shift_right_logical3A : i32 to vector<16xi32>
    %shift_right_logical3A_19 = arith.shrui %get3A_17, %shift_right_logical3A_18 : vector<16xi32>
    %swap3A = arith.constant 0 : i32
    %swap3A_20 = arith.index_cast %swap3A : i32 to index
    %swap3A_21 = arith.constant 0 : index
    %swap3A_22 = tpu.vector_load %arg6[%swap3A_20, %swap3A_21] {strides = array<i32>} : memref<4x128xi32, #tpu.memory_space<vmem>>, vector<1x16xi32>,
    %swap3A_23 = vector.shape_cast %swap3A_22 : vector<1x16xi32> to vector<16xi32>
    %swap3A_24 = vector.shape_cast %shift_right_logical3A_19 : vector<16xi32> to vector<1x16xi32>
    tpu.vector_store %arg6[%swap3A_20, %swap3A_21], %swap3A_24 {strides = array<i32>} : memref<4x128xi32, #tpu.memory_space<vmem>>, vector<1x16xi32>,
    %get3A_25 = arith.constant 0 : i32
    %get3A_26 = arith.index_cast %get3A_25 : i32 to index
    %get3A_27 = arith.constant 16 : index
    %get3A_28 = tpu.vector_load %arg5[%get3A_26, %get3A_27] {strides = array<i32>} : memref<4x128xi32, #tpu.memory_space<vmem>>, vector<1x16xi32>,
    %get3A_29 = vector.shape_cast %get3A_28 : vector<1x16xi32> to vector<16xi32>
    %shift_right_logical3A_30 = arith.constant 2 : i32
    %shift_right_logical3A_31 = vector.broadcast %shift_right_logical3A_30 : i32 to vector<16xi32>
    %shift_right_logical3A_32 = arith.shrui %get3A_29, %shift_right_logical3A_31 : vector<16xi32>
    %swap3A_33 = arith.constant 0 : i32
    %swap3A_34 = arith.index_cast %swap3A_33 : i32 to index
    %swap3A_35 = arith.constant 16 : index
    %swap3A_36 = tpu.vector_load %arg6[%swap3A_34, %swap3A_35] {strides = array<i32>} : memref<4x128xi32, #tpu.memory_space<vmem>>, vector<1x16xi32>,
    %swap3A_37 = vector.shape_cast %swap3A_36 : vector<1x16xi32> to vector<16xi32>
    %swap3A_38 = vector.shape_cast %shift_right_logical3A_32 : vector<16xi32> to vector<1x16xi32>
    tpu.vector_store %arg6[%swap3A_34, %swap3A_35], %swap3A_38 {strides = array<i32>} : memref<4x128xi32, #tpu.memory_space<vmem>>, vector<1x16xi32>,
    %get3A_39 = arith.constant 0 : i32
    %get3A_40 = arith.index_cast %get3A_39 : i32 to index
    %get3A_41 = arith.constant 32 : index
    %get3A_42 = tpu.vector_load %arg5[%get3A_40, %get3A_41] {strides = array<i32>} : memref<4x128xi32, #tpu.memory_space<vmem>>, vector<1x16xi32>,
    %get3A_43 = vector.shape_cast %get3A_42 : vector<1x16xi32> to vector<16xi32>
    %shift_right_logical3A_44 = arith.constant 2 : i32
    %shift_right_logical3A_45 = vector.broadcast %shift_right_logical3A_44 : i32 to vector<16xi32>
    %shift_right_logical3A_46 = arith.shrui %get3A_43, %shift_right_logical3A_45 : vector<16xi32>
    %swap3A_47 = arith.constant 0 : i32
    %swap3A_48 = arith.index_cast %swap3A_47 : i32 to index
    %swap3A_49 = arith.constant 32 : index
    %swap3A_50 = tpu.vector_load %arg6[%swap3A_48, %swap3A_49] {strides = array<i32>} : memref<4x128xi32, #tpu.memory_space<vmem>>, vector<1x16xi32>,
    %swap3A_51 = vector.shape_cast %swap3A_50 : vector<1x16xi32> to vector<16xi32>
    %swap3A_52 = vector.shape_cast %shift_right_logical3A_46 : vector<16xi32> to vector<1x16xi32>
    tpu.vector_store %arg6[%swap3A_48, %swap3A_49], %swap3A_52 {strides = array<i32>} : memref<4x128xi32, #tpu.memory_space<vmem>>, vector<1x16xi32>,
    %get3A_53 = arith.constant 0 : i32
    %get3A_54 = arith.index_cast %get3A_53 : i32 to index
    %get3A_55 = arith.constant 48 : index
    %get3A_56 = tpu.vector_load %arg5[%get3A_54, %get3A_55] {strides = array<i32>} : memref<4x128xi32, #tpu.memory_space<vmem>>, vector<1x16xi32>,
    %get3A_57 = vector.shape_cast %get3A_56 : vector<1x16xi32> to vector<16xi32>
    %shift_right_logical3A_58 = arith.constant 2 : i32
    %shift_right_logical3A_59 = vector.broadcast %shift_right_logical3A_58 : i32 to vector<16xi32>
    %shift_right_logical3A_60 = arith.shrui %get3A_57, %shift_right_logical3A_59 : vector<16xi32>
    %swap3A_61 = arith.constant 0 : i32
    %swap3A_62 = arith.index_cast %swap3A_61 : i32 to index
    %swap3A_63 = arith.constant 48 : index
    %swap3A_64 = tpu.vector_load %arg6[%swap3A_62, %swap3A_63] {strides = array<i32>} : memref<4x128xi32, #tpu.memory_space<vmem>>, vector<1x16xi32>,
    %swap3A_65 = vector.shape_cast %swap3A_64 : vector<1x16xi32> to vector<16xi32>
    %swap3A_66 = vector.shape_cast %shift_right_logical3A_60 : vector<16xi32> to vector<1x16xi32>
    tpu.vector_store %arg6[%swap3A_62, %swap3A_63], %swap3A_66 {strides = array<i32>} : memref<4x128xi32, #tpu.memory_space<vmem>>, vector<1x16xi32>,
    %get3A_67 = arith.constant 0 : i32
    %get3A_68 = arith.index_cast %get3A_67 : i32 to index
    %get3A_69 = arith.constant 64 : index
    %get3A_70 = tpu.vector_load %arg5[%get3A_68, %get3A_69] {strides = array<i32>} : memref<4x128xi32, #tpu.memory_space<vmem>>, vector<1x16xi32>,
    %get3A_71 = vector.shape_cast %get3A_70 : vector<1x16xi32> to vector<16xi32>
    %shift_right_logical3A_72 = arith.constant 2 : i32
    %shift_right_logical3A_73 = vector.broadcast %shift_right_logical3A_72 : i32 to vector<16xi32>
    %shift_right_logical3A_74 = arith.shrui %get3A_71, %shift_right_logical3A_73 : vector<16xi32>
    %swap3A_75 = arith.constant 0 : i32
    %swap3A_76 = arith.index_cast %swap3A_75 : i32 to index
    %swap3A_77 = arith.constant 64 : index
    %swap3A_78 = tpu.vector_load %arg6[%swap3A_76, %swap3A_77] {strides = array<i32>} : memref<4x128xi32, #tpu.memory_space<vmem>>, vector<1x16xi32>,
    %swap3A_79 = vector.shape_cast %swap3A_78 : vector<1x16xi32> to vector<16xi32>
    %swap3A_80 = vector.shape_cast %shift_right_logical3A_74 : vector<16xi32> to vector<1x16xi32>
    tpu.vector_store %arg6[%swap3A_76, %swap3A_77], %swap3A_80 {strides = array<i32>} : memref<4x128xi32, #tpu.memory_space<vmem>>, vector<1x16xi32>,
    %get3A_81 = arith.constant 0 : i32
    %get3A_82 = arith.index_cast %get3A_81 : i32 to index
    %get3A_83 = arith.constant 80 : index
    %get3A_84 = tpu.vector_load %arg5[%get3A_82, %get3A_83] {strides = array<i32>} : memref<4x128xi32, #tpu.memory_space<vmem>>, vector<1x16xi32>,
    %get3A_85 = vector.shape_cast %get3A_84 : vector<1x16xi32> to vector<16xi32>
    %shift_right_logical3A_86 = arith.constant 2 : i32
    %shift_right_logical3A_87 = vector.broadcast %shift_right_logical3A_86 : i32 to vector<16xi32>
    %shift_right_logical3A_88 = arith.shrui %get3A_85, %shift_right_logical3A_87 : vector<16xi32>
    %swap3A_89 = arith.constant 0 : i32
    %swap3A_90 = arith.index_cast %swap3A_89 : i32 to index
    %swap3A_91 = arith.constant 80 : index
    %swap3A_92 = tpu.vector_load %arg6[%swap3A_90, %swap3A_91] {strides = array<i32>} : memref<4x128xi32, #tpu.memory_space<vmem>>, vector<1x16xi32>,
    %swap3A_93 = vector.shape_cast %swap3A_92 : vector<1x16xi32> to vector<16xi32>
    %swap3A_94 = vector.shape_cast %shift_right_logical3A_88 : vector<16xi32> to vector<1x16xi32>
    tpu.vector_store %arg6[%swap3A_90, %swap3A_91], %swap3A_94 {strides = array<i32>} : memref<4x128xi32, #tpu.memory_space<vmem>>, vector<1x16xi32>,
    %get3A_95 = arith.constant 0 : i32
    %get3A_96 = arith.index_cast %get3A_95 : i32 to index
    %get3A_97 = arith.constant 96 : index
    %get3A_98 = tpu.vector_load %arg5[%get3A_96, %get3A_97] {strides = array<i32>} : memref<4x128xi32, #tpu.memory_space<vmem>>, vector<1x16xi32>,
    %get3A_99 = vector.shape_cast %get3A_98 : vector<1x16xi32> to vector<16xi32>
    %shift_right_logical3A_100 = arith.constant 2 : i32
    %shift_right_logical3A_101 = vector.broadcast %shift_right_logical3A_100 : i32 to vector<16xi32>
    %shift_right_logical3A_102 = arith.shrui %get3A_99, %shift_right_logical3A_101 : vector<16xi32>
    %swap3A_103 = arith.constant 0 : i32
    %swap3A_104 = arith.index_cast %swap3A_103 : i32 to index
    %swap3A_105 = arith.constant 96 : index
    %swap3A_106 = tpu.vector_load %arg6[%swap3A_104, %swap3A_105] {strides = array<i32>} : memref<4x128xi32, #tpu.memory_space<vmem>>, vector<1x16xi32>,
    %swap3A_107 = vector.shape_cast %swap3A_106 : vector<1x16xi32> to vector<16xi32>
    %swap3A_108 = vector.shape_cast %shift_right_logical3A_102 : vector<16xi32> to vector<1x16xi32>
    tpu.vector_store %arg6[%swap3A_104, %swap3A_105], %swap3A_108 {strides = array<i32>} : memref<4x128xi32, #tpu.memory_space<vmem>>, vector<1x16xi32>,
    %get3A_109 = arith.constant 0 : i32
    %get3A_110 = arith.index_cast %get3A_109 : i32 to index
    %get3A_111 = arith.constant 112 : index
    %get3A_112 = tpu.vector_load %arg5[%get3A_110, %get3A_111] {strides = array<i32>} : memref<4x128xi32, #tpu.memory_space<vmem>>, vector<1x16xi32>,
    %get3A_113 = vector.shape_cast %get3A_112 : vector<1x16xi32> to vector<16xi32>
    %shift_right_logical3A_114 = arith.constant 2 : i32
    %shift_right_logical3A_115 = vector.broadcast %shift_right_logical3A_114 : i32 to vector<16xi32>
    %shift_right_logical3A_116 = arith.shrui %get3A_113, %shift_right_logical3A_115 : vector<16xi32>
    %swap3A_117 = arith.constant 0 : i32
    %swap3A_118 = arith.index_cast %swap3A_117 : i32 to index
    %swap3A_119 = arith.constant 112 : index
    %swap3A_120 = tpu.vector_load %arg6[%swap3A_118, %swap3A_119] {strides = array<i32>} : memref<4x128xi32, #tpu.memory_space<vmem>>, vector<1x16xi32>,
    %swap3A_121 = vector.shape_cast %swap3A_120 : vector<1x16xi32> to vector<16xi32>
    %swap3A_122 = vector.shape_cast %shift_right_logical3A_116 : vector<16xi32> to vector<1x16xi32>
    tpu.vector_store %arg6[%swap3A_118, %swap3A_119], %swap3A_122 {strides = array<i32>} : memref<4x128xi32, #tpu.memory_space<vmem>>, vector<1x16xi32>,
    %get3A_123 = arith.constant 1 : i32
    %get3A_124 = arith.index_cast %get3A_123 : i32 to index
    %get3A_125 = arith.constant 0 : index
    %get3A_126 = tpu.vector_load %arg5[%get3A_124, %get3A_125] {strides = array<i32>} : memref<4x128xi32, #tpu.memory_space<vmem>>, vector<1x16xi32>,
    %get3A_127 = vector.shape_cast %get3A_126 : vector<1x16xi32> to vector<16xi32>
    %shift_right_logical3A_128 = arith.constant 2 : i32
    %shift_right_logical3A_129 = vector.broadcast %shift_right_logical3A_128 : i32 to vector<16xi32>
    %shift_right_logical3A_130 = arith.shrui %get3A_127, %shift_right_logical3A_129 : vector<16xi32>
    %swap3A_131 = arith.constant 1 : i32
    %swap3A_132 = arith.index_cast %swap3A_131 : i32 to index
    %swap3A_133 = arith.constant 0 : index
    %swap3A_134 = tpu.vector_load %arg6[%swap3A_132, %swap3A_133] {strides = array<i32>} : memref<4x128xi32, #tpu.memory_space<vmem>>, vector<1x16xi32>,
    %swap3A_135 = vector.shape_cast %swap3A_134 : vector<1x16xi32> to vector<16xi32>
    %swap3A_136 = vector.shape_cast %shift_right_logical3A_130 : vector<16xi32> to vector<1x16xi32>
    tpu.vector_store %arg6[%swap3A_132, %swap3A_133], %swap3A_136 {strides = array<i32>} : memref<4x128xi32, #tpu.memory_space<vmem>>, vector<1x16xi32>,
    %get3A_137 = arith.constant 1 : i32
    %get3A_138 = arith.index_cast %get3A_137 : i32 to index
    %get3A_139 = arith.constant 16 : index
    %get3A_140 = tpu.vector_load %arg5[%get3A_138, %get3A_139] {strides = array<i32>} : memref<4x128xi32, #tpu.memory_space<vmem>>, vector<1x16xi32>,
    %get3A_141 = vector.shape_cast %get3A_140 : vector<1x16xi32> to vector<16xi32>
    %shift_right_logical3A_142 = arith.constant 2 : i32
    %shift_right_logical3A_143 = vector.broadcast %shift_right_logical3A_142 : i32 to vector<16xi32>
    %shift_right_logical3A_144 = arith.shrui %get3A_141, %shift_right_logical3A_143 : vector<16xi32>
    %swap3A_145 = arith.constant 1 : i32
    %swap3A_146 = arith.index_cast %swap3A_145 : i32 to index
    %swap3A_147 = arith.constant 16 : index
    %swap3A_148 = tpu.vector_load %arg6[%swap3A_146, %swap3A_147] {strides = array<i32>} : memref<4x128xi32, #tpu.memory_space<vmem>>, vector<1x16xi32>,
    %swap3A_149 = vector.shape_cast %swap3A_148 : vector<1x16xi32> to vector<16xi32>
    %swap3A_150 = vector.shape_cast %shift_right_logical3A_144 : vector<16xi32> to vector<1x16xi32>
    tpu.vector_store %arg6[%swap3A_146, %swap3A_147], %swap3A_150 {strides = array<i32>} : memref<4x128xi32, #tpu.memory_space<vmem>>, vector<1x16xi32>,
    %get3A_151 = arith.constant 1 : i32
    %get3A_152 = arith.index_cast %get3A_151 : i32 to index
    %get3A_153 = arith.constant 32 : index
    %get3A_154 = tpu.vector_load %arg5[%get3A_152, %get3A_153] {strides = array<i32>} : memref<4x128xi32, #tpu.memory_space<vmem>>, vector<1x16xi32>,
    %get3A_155 = vector.shape_cast %get3A_154 : vector<1x16xi32> to vector<16xi32>
    %shift_right_logical3A_156 = arith.constant 2 : i32
    %shift_right_logical3A_157 = vector.broadcast %shift_right_logical3A_156 : i32 to vector<16xi32>
    %shift_right_logical3A_158 = arith.shrui %get3A_155, %shift_right_logical3A_157 : vector<16xi32>
    %swap3A_159 = arith.constant 1 : i32
    %swap3A_160 = arith.index_cast %swap3A_159 : i32 to index
    %swap3A_161 = arith.constant 32 : index
    %swap3A_162 = tpu.vector_load %arg6[%swap3A_160, %swap3A_161] {strides = array<i32>} : memref<4x128xi32, #tpu.memory_space<vmem>>, vector<1x16xi32>,
    %swap3A_163 = vector.shape_cast %swap3A_162 : vector<1x16xi32> to vector<16xi32>
    %swap3A_164 = vector.shape_cast %shift_right_logical3A_158 : vector<16xi32> to vector<1x16xi32>
    tpu.vector_store %arg6[%swap3A_160, %swap3A_161], %swap3A_164 {strides = array<i32>} : memref<4x128xi32, #tpu.memory_space<vmem>>, vector<1x16xi32>,
    %get3A_165 = arith.constant 1 : i32
    %get3A_166 = arith.index_cast %get3A_165 : i32 to index
    %get3A_167 = arith.constant 48 : index
    %get3A_168 = tpu.vector_load %arg5[%get3A_166, %get3A_167] {strides = array<i32>} : memref<4x128xi32, #tpu.memory_space<vmem>>, vector<1x16xi32>,
    %get3A_169 = vector.shape_cast %get3A_168 : vector<1x16xi32> to vector<16xi32>
    %shift_right_logical3A_170 = arith.constant 2 : i32
    %shift_right_logical3A_171 = vector.broadcast %shift_right_logical3A_170 : i32 to vector<16xi32>
    %shift_right_logical3A_172 = arith.shrui %get3A_169, %shift_right_logical3A_171 : vector<16xi32>
    %swap3A_173 = arith.constant 1 : i32
    %swap3A_174 = arith.index_cast %swap3A_173 : i32 to index
    %swap3A_175 = arith.constant 48 : index
    %swap3A_176 = tpu.vector_load %arg6[%swap3A_174, %swap3A_175] {strides = array<i32>} : memref<4x128xi32, #tpu.memory_space<vmem>>, vector<1x16xi32>,
    %swap3A_177 = vector.shape_cast %swap3A_176 : vector<1x16xi32> to vector<16xi32>
    %swap3A_178 = vector.shape_cast %shift_right_logical3A_172 : vector<16xi32> to vector<1x16xi32>
    tpu.vector_store %arg6[%swap3A_174, %swap3A_175], %swap3A_178 {strides = array<i32>} : memref<4x128xi32, #tpu.memory_space<vmem>>, vector<1x16xi32>,
    %get3A_179 = arith.constant 1 : i32
    %get3A_180 = arith.index_cast %get3A_179 : i32 to index
    %get3A_181 = arith.constant 64 : index
    %get3A_182 = tpu.vector_load %arg5[%get3A_180, %get3A_181] {strides = array<i32>} : memref<4x128xi32, #tpu.memory_space<vmem>>, vector<1x16xi32>,
    %get3A_183 = vector.shape_cast %get3A_182 : vector<1x16xi32> to vector<16xi32>
    %shift_right_logical3A_184 = arith.constant 2 : i32
    %shift_right_logical3A_185 = vector.broadcast %shift_right_logical3A_184 : i32 to vector<16xi32>
    %shift_right_logical3A_186 = arith.shrui %get3A_183, %shift_right_logical3A_185 : vector<16xi32>
    %swap3A_187 = arith.constant 1 : i32
    %swap3A_188 = arith.index_cast %swap3A_187 : i32 to index
    %swap3A_189 = arith.constant 64 : index
    %swap3A_190 = tpu.vector_load %arg6[%swap3A_188, %swap3A_189] {strides = array<i32>} : memref<4x128xi32, #tpu.memory_space<vmem>>, vector<1x16xi32>,
    %swap3A_191 = vector.shape_cast %swap3A_190 : vector<1x16xi32> to vector<16xi32>
    %swap3A_192 = vector.shape_cast %shift_right_logical3A_186 : vector<16xi32> to vector<1x16xi32>
    tpu.vector_store %arg6[%swap3A_188, %swap3A_189], %swap3A_192 {strides = array<i32>} : memref<4x128xi32, #tpu.memory_space<vmem>>, vector<1x16xi32>,
    %get3A_193 = arith.constant 1 : i32
    %get3A_194 = arith.index_cast %get3A_193 : i32 to index
    %get3A_195 = arith.constant 80 : index
    %get3A_196 = tpu.vector_load %arg5[%get3A_194, %get3A_195] {strides = array<i32>} : memref<4x128xi32, #tpu.memory_space<vmem>>, vector<1x16xi32>,
    %get3A_197 = vector.shape_cast %get3A_196 : vector<1x16xi32> to vector<16xi32>
    %shift_right_logical3A_198 = arith.constant 2 : i32
    %shift_right_logical3A_199 = vector.broadcast %shift_right_logical3A_198 : i32 to vector<16xi32>
    %shift_right_logical3A_200 = arith.shrui %get3A_197, %shift_right_logical3A_199 : vector<16xi32>
    %swap3A_201 = arith.constant 1 : i32
    %swap3A_202 = arith.index_cast %swap3A_201 : i32 to index
    %swap3A_203 = arith.constant 80 : index
    %swap3A_204 = tpu.vector_load %arg6[%swap3A_202, %swap3A_203] {strides = array<i32>} : memref<4x128xi32, #tpu.memory_space<vmem>>, vector<1x16xi32>,
    %swap3A_205 = vector.shape_cast %swap3A_204 : vector<1x16xi32> to vector<16xi32>
    %swap3A_206 = vector.shape_cast %shift_right_logical3A_200 : vector<16xi32> to vector<1x16xi32>
    tpu.vector_store %arg6[%swap3A_202, %swap3A_203], %swap3A_206 {strides = array<i32>} : memref<4x128xi32, #tpu.memory_space<vmem>>, vector<1x16xi32>,
    %get3A_207 = arith.constant 1 : i32
    %get3A_208 = arith.index_cast %get3A_207 : i32 to index
    %get3A_209 = arith.constant 96 : index
    %get3A_210 = tpu.vector_load %arg5[%get3A_208, %get3A_209] {strides = array<i32>} : memref<4x128xi32, #tpu.memory_space<vmem>>, vector<1x16xi32>,
    %get3A_211 = vector.shape_cast %get3A_210 : vector<1x16xi32> to vector<16xi32>
    %shift_right_logical3A_212 = arith.constant 2 : i32
    %shift_right_logical3A_213 = vector.broadcast %shift_right_logical3A_212 : i32 to vector<16xi32>
    %shift_right_logical3A_214 = arith.shrui %get3A_211, %shift_right_logical3A_213 : vector<16xi32>
    %swap3A_215 = arith.constant 1 : i32
    %swap3A_216 = arith.index_cast %swap3A_215 : i32 to index
    %swap3A_217 = arith.constant 96 : index
    %swap3A_218 = tpu.vector_load %arg6[%swap3A_216, %swap3A_217] {strides = array<i32>} : memref<4x128xi32, #tpu.memory_space<vmem>>, vector<1x16xi32>,
    %swap3A_219 = vector.shape_cast %swap3A_218 : vector<1x16xi32> to vector<16xi32>
    %swap3A_220 = vector.shape_cast %shift_right_logical3A_214 : vector<16xi32> to vector<1x16xi32>
    tpu.vector_store %arg6[%swap3A_216, %swap3A_217], %swap3A_220 {strides = array<i32>} : memref<4x128xi32, #tpu.memory_space<vmem>>, vector<1x16xi32>,
    %get3A_221 = arith.constant 1 : i32
    %get3A_222 = arith.index_cast %get3A_221 : i32 to index
    %get3A_223 = arith.constant 112 : index
    %get3A_224 = tpu.vector_load %arg5[%get3A_222, %get3A_223] {strides = array<i32>} : memref<4x128xi32, #tpu.memory_space<vmem>>, vector<1x16xi32>,
    %get3A_225 = vector.shape_cast %get3A_224 : vector<1x16xi32> to vector<16xi32>
    %shift_right_logical3A_226 = arith.constant 2 : i32
    %shift_right_logical3A_227 = vector.broadcast %shift_right_logical3A_226 : i32 to vector<16xi32>
    %shift_right_logical3A_228 = arith.shrui %get3A_225, %shift_right_logical3A_227 : vector<16xi32>
    %swap3A_229 = arith.constant 1 : i32
    %swap3A_230 = arith.index_cast %swap3A_229 : i32 to index
    %swap3A_231 = arith.constant 112 : index
    %swap3A_232 = tpu.vector_load %arg6[%swap3A_230, %swap3A_231] {strides = array<i32>} : memref<4x128xi32, #tpu.memory_space<vmem>>, vector<1x16xi32>,
    %swap3A_233 = vector.shape_cast %swap3A_232 : vector<1x16xi32> to vector<16xi32>
    %swap3A_234 = vector.shape_cast %shift_right_logical3A_228 : vector<16xi32> to vector<1x16xi32>
    tpu.vector_store %arg6[%swap3A_230, %swap3A_231], %swap3A_234 {strides = array<i32>} : memref<4x128xi32, #tpu.memory_space<vmem>>, vector<1x16xi32>,
    %get3A_235 = arith.constant 2 : i32
    %get3A_236 = arith.index_cast %get3A_235 : i32 to index
    %get3A_237 = arith.constant 0 : index
    %get3A_238 = tpu.vector_load %arg5[%get3A_236, %get3A_237] {strides = array<i32>} : memref<4x128xi32, #tpu.memory_space<vmem>>, vector<1x16xi32>,
    %get3A_239 = vector.shape_cast %get3A_238 : vector<1x16xi32> to vector<16xi32>
    %shift_right_logical3A_240 = arith.constant 2 : i32
    %shift_right_logical3A_241 = vector.broadcast %shift_right_logical3A_240 : i32 to vector<16xi32>
    %shift_right_logical3A_242 = arith.shrui %get3A_239, %shift_right_logical3A_241 : vector<16xi32>
    %swap3A_243 = arith.constant 2 : i32
    %swap3A_244 = arith.index_cast %swap3A_243 : i32 to index
    %swap3A_245 = arith.constant 0 : index
    %swap3A_246 = tpu.vector_load %arg6[%swap3A_244, %swap3A_245] {strides = array<i32>} : memref<4x128xi32, #tpu.memory_space<vmem>>, vector<1x16xi32>,
    %swap3A_247 = vector.shape_cast %swap3A_246 : vector<1x16xi32> to vector<16xi32>
    %swap3A_248 = vector.shape_cast %shift_right_logical3A_242 : vector<16xi32> to vector<1x16xi32>
    tpu.vector_store %arg6[%swap3A_244, %swap3A_245], %swap3A_248 {strides = array<i32>} : memref<4x128xi32, #tpu.memory_space<vmem>>, vector<1x16xi32>,
    %get3A_249 = arith.constant 2 : i32
    %get3A_250 = arith.index_cast %get3A_249 : i32 to index
    %get3A_251 = arith.constant 16 : index
    %get3A_252 = tpu.vector_load %arg5[%get3A_250, %get3A_251] {strides = array<i32>} : memref<4x128xi32, #tpu.memory_space<vmem>>, vector<1x16xi32>,
    %get3A_253 = vector.shape_cast %get3A_252 : vector<1x16xi32> to vector<16xi32>
    %shift_right_logical3A_254 = arith.constant 2 : i32
    %shift_right_logical3A_255 = vector.broadcast %shift_right_logical3A_254 : i32 to vector<16xi32>
    %shift_right_logical3A_256 = arith.shrui %get3A_253, %shift_right_logical3A_255 : vector<16xi32>
    %swap3A_257 = arith.constant 2 : i32
    %swap3A_258 = arith.index_cast %swap3A_257 : i32 to index
    %swap3A_259 = arith.constant 16 : index
    %swap3A_260 = tpu.vector_load %arg6[%swap3A_258, %swap3A_259] {strides = array<i32>} : memref<4x128xi32, #tpu.memory_space<vmem>>, vector<1x16xi32>,
    %swap3A_261 = vector.shape_cast %swap3A_260 : vector<1x16xi32> to vector<16xi32>
    %swap3A_262 = vector.shape_cast %shift_right_logical3A_256 : vector<16xi32> to vector<1x16xi32>
    tpu.vector_store %arg6[%swap3A_258, %swap3A_259], %swap3A_262 {strides = array<i32>} : memref<4x128xi32, #tpu.memory_space<vmem>>, vector<1x16xi32>,
    %get3A_263 = arith.constant 2 : i32
    %get3A_264 = arith.index_cast %get3A_263 : i32 to index
    %get3A_265 = arith.constant 32 : index
    %get3A_266 = tpu.vector_load %arg5[%get3A_264, %get3A_265] {strides = array<i32>} : memref<4x128xi32, #tpu.memory_space<vmem>>, vector<1x16xi32>,
    %get3A_267 = vector.shape_cast %get3A_266 : vector<1x16xi32> to vector<16xi32>
    %shift_right_logical3A_268 = arith.constant 2 : i32
    %shift_right_logical3A_269 = vector.broadcast %shift_right_logical3A_268 : i32 to vector<16xi32>
    %shift_right_logical3A_270 = arith.shrui %get3A_267, %shift_right_logical3A_269 : vector<16xi32>
    %swap3A_271 = arith.constant 2 : i32
    %swap3A_272 = arith.index_cast %swap3A_271 : i32 to index
    %swap3A_273 = arith.constant 32 : index
    %swap3A_274 = tpu.vector_load %arg6[%swap3A_272, %swap3A_273] {strides = array<i32>} : memref<4x128xi32, #tpu.memory_space<vmem>>, vector<1x16xi32>,
    %swap3A_275 = vector.shape_cast %swap3A_274 : vector<1x16xi32> to vector<16xi32>
    %swap3A_276 = vector.shape_cast %shift_right_logical3A_270 : vector<16xi32> to vector<1x16xi32>
    tpu.vector_store %arg6[%swap3A_272, %swap3A_273], %swap3A_276 {strides = array<i32>} : memref<4x128xi32, #tpu.memory_space<vmem>>, vector<1x16xi32>,
    %get3A_277 = arith.constant 2 : i32
    %get3A_278 = arith.index_cast %get3A_277 : i32 to index
    %get3A_279 = arith.constant 48 : index
    %get3A_280 = tpu.vector_load %arg5[%get3A_278, %get3A_279] {strides = array<i32>} : memref<4x128xi32, #tpu.memory_space<vmem>>, vector<1x16xi32>,
    %get3A_281 = vector.shape_cast %get3A_280 : vector<1x16xi32> to vector<16xi32>
    %shift_right_logical3A_282 = arith.constant 2 : i32
    %shift_right_logical3A_283 = vector.broadcast %shift_right_logical3A_282 : i32 to vector<16xi32>
    %shift_right_logical3A_284 = arith.shrui %get3A_281, %shift_right_logical3A_283 : vector<16xi32>
    %swap3A_285 = arith.constant 2 : i32
    %swap3A_286 = arith.index_cast %swap3A_285 : i32 to index
    %swap3A_287 = arith.constant 48 : index
    %swap3A_288 = tpu.vector_load %arg6[%swap3A_286, %swap3A_287] {strides = array<i32>} : memref<4x128xi32, #tpu.memory_space<vmem>>, vector<1x16xi32>,
    %swap3A_289 = vector.shape_cast %swap3A_288 : vector<1x16xi32> to vector<16xi32>
    %swap3A_290 = vector.shape_cast %shift_right_logical3A_284 : vector<16xi32> to vector<1x16xi32>
    tpu.vector_store %arg6[%swap3A_286, %swap3A_287], %swap3A_290 {strides = array<i32>} : memref<4x128xi32, #tpu.memory_space<vmem>>, vector<1x16xi32>,
    %get3A_291 = arith.constant 2 : i32
    %get3A_292 = arith.index_cast %get3A_291 : i32 to index
    %get3A_293 = arith.constant 64 : index
    %get3A_294 = tpu.vector_load %arg5[%get3A_292, %get3A_293] {strides = array<i32>} : memref<4x128xi32, #tpu.memory_space<vmem>>, vector<1x16xi32>,
    %get3A_295 = vector.shape_cast %get3A_294 : vector<1x16xi32> to vector<16xi32>
    %shift_right_logical3A_296 = arith.constant 2 : i32
    %shift_right_logical3A_297 = vector.broadcast %shift_right_logical3A_296 : i32 to vector<16xi32>
    %shift_right_logical3A_298 = arith.shrui %get3A_295, %shift_right_logical3A_297 : vector<16xi32>
    %swap3A_299 = arith.constant 2 : i32
    %swap3A_300 = arith.index_cast %swap3A_299 : i32 to index
    %swap3A_301 = arith.constant 64 : index
    %swap3A_302 = tpu.vector_load %arg6[%swap3A_300, %swap3A_301] {strides = array<i32>} : memref<4x128xi32, #tpu.memory_space<vmem>>, vector<1x16xi32>,
    %swap3A_303 = vector.shape_cast %swap3A_302 : vector<1x16xi32> to vector<16xi32>
    %swap3A_304 = vector.shape_cast %shift_right_logical3A_298 : vector<16xi32> to vector<1x16xi32>
    tpu.vector_store %arg6[%swap3A_300, %swap3A_301], %swap3A_304 {strides = array<i32>} : memref<4x128xi32, #tpu.memory_space<vmem>>, vector<1x16xi32>,
    %get3A_305 = arith.constant 2 : i32
    %get3A_306 = arith.index_cast %get3A_305 : i32 to index
    %get3A_307 = arith.constant 80 : index
    %get3A_308 = tpu.vector_load %arg5[%get3A_306, %get3A_307] {strides = array<i32>} : memref<4x128xi32, #tpu.memory_space<vmem>>, vector<1x16xi32>,
    %get3A_309 = vector.shape_cast %get3A_308 : vector<1x16xi32> to vector<16xi32>
    %shift_right_logical3A_310 = arith.constant 2 : i32
    %shift_right_logical3A_311 = vector.broadcast %shift_right_logical3A_310 : i32 to vector<16xi32>
    %shift_right_logical3A_312 = arith.shrui %get3A_309, %shift_right_logical3A_311 : vector<16xi32>
    %swap3A_313 = arith.constant 2 : i32
    %swap3A_314 = arith.index_cast %swap3A_313 : i32 to index
    %swap3A_315 = arith.constant 80 : index
    %swap3A_316 = tpu.vector_load %arg6[%swap3A_314, %swap3A_315] {strides = array<i32>} : memref<4x128xi32, #tpu.memory_space<vmem>>, vector<1x16xi32>,
    %swap3A_317 = vector.shape_cast %swap3A_316 : vector<1x16xi32> to vector<16xi32>
    %swap3A_318 = vector.shape_cast %shift_right_logical3A_312 : vector<16xi32> to vector<1x16xi32>
    tpu.vector_store %arg6[%swap3A_314, %swap3A_315], %swap3A_318 {strides = array<i32>} : memref<4x128xi32, #tpu.memory_space<vmem>>, vector<1x16xi32>,
    %get3A_319 = arith.constant 2 : i32
    %get3A_320 = arith.index_cast %get3A_319 : i32 to index
    %get3A_321 = arith.constant 96 : index
    %get3A_322 = tpu.vector_load %arg5[%get3A_320, %get3A_321] {strides = array<i32>} : memref<4x128xi32, #tpu.memory_space<vmem>>, vector<1x16xi32>,
    %get3A_323 = vector.shape_cast %get3A_322 : vector<1x16xi32> to vector<16xi32>
    %shift_right_logical3A_324 = arith.constant 2 : i32
    %shift_right_logical3A_325 = vector.broadcast %shift_right_logical3A_324 : i32 to vector<16xi32>
    %shift_right_logical3A_326 = arith.shrui %get3A_323, %shift_right_logical3A_325 : vector<16xi32>
    %swap3A_327 = arith.constant 2 : i32
    %swap3A_328 = arith.index_cast %swap3A_327 : i32 to index
    %swap3A_329 = arith.constant 96 : index
    %swap3A_330 = tpu.vector_load %arg6[%swap3A_328, %swap3A_329] {strides = array<i32>} : memref<4x128xi32, #tpu.memory_space<vmem>>, vector<1x16xi32>,
    %swap3A_331 = vector.shape_cast %swap3A_330 : vector<1x16xi32> to vector<16xi32>
    %swap3A_332 = vector.shape_cast %shift_right_logical3A_326 : vector<16xi32> to vector<1x16xi32>
    tpu.vector_store %arg6[%swap3A_328, %swap3A_329], %swap3A_332 {strides = array<i32>} : memref<4x128xi32, #tpu.memory_space<vmem>>, vector<1x16xi32>,
    %get3A_333 = arith.constant 2 : i32
    %get3A_334 = arith.index_cast %get3A_333 : i32 to index
    %get3A_335 = arith.constant 112 : index
    %get3A_336 = tpu.vector_load %arg5[%get3A_334, %get3A_335] {strides = array<i32>} : memref<4x128xi32, #tpu.memory_space<vmem>>, vector<1x16xi32>,
    %get3A_337 = vector.shape_cast %get3A_336 : vector<1x16xi32> to vector<16xi32>
    %shift_right_logical3A_338 = arith.constant 2 : i32
    %shift_right_logical3A_339 = vector.broadcast %shift_right_logical3A_338 : i32 to vector<16xi32>
    %shift_right_logical3A_340 = arith.shrui %get3A_337, %shift_right_logical3A_339 : vector<16xi32>
    %swap3A_341 = arith.constant 2 : i32
    %swap3A_342 = arith.index_cast %swap3A_341 : i32 to index
    %swap3A_343 = arith.constant 112 : index
    %swap3A_344 = tpu.vector_load %arg6[%swap3A_342, %swap3A_343] {strides = array<i32>} : memref<4x128xi32, #tpu.memory_space<vmem>>, vector<1x16xi32>,
    %swap3A_345 = vector.shape_cast %swap3A_344 : vector<1x16xi32> to vector<16xi32>
    %swap3A_346 = vector.shape_cast %shift_right_logical3A_340 : vector<16xi32> to vector<1x16xi32>
    tpu.vector_store %arg6[%swap3A_342, %swap3A_343], %swap3A_346 {strides = array<i32>} : memref<4x128xi32, #tpu.memory_space<vmem>>, vector<1x16xi32>,
    %get3A_347 = arith.constant 3 : i32
    %get3A_348 = arith.index_cast %get3A_347 : i32 to index
    %get3A_349 = arith.constant 0 : index
    %get3A_350 = tpu.vector_load %arg5[%get3A_348, %get3A_349] {strides = array<i32>} : memref<4x128xi32, #tpu.memory_space<vmem>>, vector<1x16xi32>,
    %get3A_351 = vector.shape_cast %get3A_350 : vector<1x16xi32> to vector<16xi32>
    %shift_right_logical3A_352 = arith.constant 2 : i32
    %shift_right_logical3A_353 = vector.broadcast %shift_right_logical3A_352 : i32 to vector<16xi32>
    %shift_right_logical3A_354 = arith.shrui %get3A_351, %shift_right_logical3A_353 : vector<16xi32>
    %swap3A_355 = arith.constant 3 : i32
    %swap3A_356 = arith.index_cast %swap3A_355 : i32 to index
    %swap3A_357 = arith.constant 0 : index
    %swap3A_358 = tpu.vector_load %arg6[%swap3A_356, %swap3A_357] {strides = array<i32>} : memref<4x128xi32, #tpu.memory_space<vmem>>, vector<1x16xi32>,
    %swap3A_359 = vector.shape_cast %swap3A_358 : vector<1x16xi32> to vector<16xi32>
    %swap3A_360 = vector.shape_cast %shift_right_logical3A_354 : vector<16xi32> to vector<1x16xi32>
    tpu.vector_store %arg6[%swap3A_356, %swap3A_357], %swap3A_360 {strides = array<i32>} : memref<4x128xi32, #tpu.memory_space<vmem>>, vector<1x16xi32>,
    %get3A_361 = arith.constant 3 : i32
    %get3A_362 = arith.index_cast %get3A_361 : i32 to index
    %get3A_363 = arith.constant 16 : index
    %get3A_364 = tpu.vector_load %arg5[%get3A_362, %get3A_363] {strides = array<i32>} : memref<4x128xi32, #tpu.memory_space<vmem>>, vector<1x16xi32>,
    %get3A_365 = vector.shape_cast %get3A_364 : vector<1x16xi32> to vector<16xi32>
    %shift_right_logical3A_366 = arith.constant 2 : i32
    %shift_right_logical3A_367 = vector.broadcast %shift_right_logical3A_366 : i32 to vector<16xi32>
    %shift_right_logical3A_368 = arith.shrui %get3A_365, %shift_right_logical3A_367 : vector<16xi32>
    %swap3A_369 = arith.constant 3 : i32
    %swap3A_370 = arith.index_cast %swap3A_369 : i32 to index
    %swap3A_371 = arith.constant 16 : index
    %swap3A_372 = tpu.vector_load %arg6[%swap3A_370, %swap3A_371] {strides = array<i32>} : memref<4x128xi32, #tpu.memory_space<vmem>>, vector<1x16xi32>,
    %swap3A_373 = vector.shape_cast %swap3A_372 : vector<1x16xi32> to vector<16xi32>
    %swap3A_374 = vector.shape_cast %shift_right_logical3A_368 : vector<16xi32> to vector<1x16xi32>
    tpu.vector_store %arg6[%swap3A_370, %swap3A_371], %swap3A_374 {strides = array<i32>} : memref<4x128xi32, #tpu.memory_space<vmem>>, vector<1x16xi32>,
    %get3A_375 = arith.constant 3 : i32
    %get3A_376 = arith.index_cast %get3A_375 : i32 to index
    %get3A_377 = arith.constant 32 : index
    %get3A_378 = tpu.vector_load %arg5[%get3A_376, %get3A_377] {strides = array<i32>} : memref<4x128xi32, #tpu.memory_space<vmem>>, vector<1x16xi32>,
    %get3A_379 = vector.shape_cast %get3A_378 : vector<1x16xi32> to vector<16xi32>
    %shift_right_logical3A_380 = arith.constant 2 : i32
    %shift_right_logical3A_381 = vector.broadcast %shift_right_logical3A_380 : i32 to vector<16xi32>
    %shift_right_logical3A_382 = arith.shrui %get3A_379, %shift_right_logical3A_381 : vector<16xi32>
    %swap3A_383 = arith.constant 3 : i32
    %swap3A_384 = arith.index_cast %swap3A_383 : i32 to index
    %swap3A_385 = arith.constant 32 : index
    %swap3A_386 = tpu.vector_load %arg6[%swap3A_384, %swap3A_385] {strides = array<i32>} : memref<4x128xi32, #tpu.memory_space<vmem>>, vector<1x16xi32>,
    %swap3A_387 = vector.shape_cast %swap3A_386 : vector<1x16xi32> to vector<16xi32>
    %swap3A_388 = vector.shape_cast %shift_right_logical3A_382 : vector<16xi32> to vector<1x16xi32>
    tpu.vector_store %arg6[%swap3A_384, %swap3A_385], %swap3A_388 {strides = array<i32>} : memref<4x128xi32, #tpu.memory_space<vmem>>, vector<1x16xi32>,
    %get3A_389 = arith.constant 3 : i32
    %get3A_390 = arith.index_cast %get3A_389 : i32 to index
    %get3A_391 = arith.constant 48 : index
    %get3A_392 = tpu.vector_load %arg5[%get3A_390, %get3A_391] {strides = array<i32>} : memref<4x128xi32, #tpu.memory_space<vmem>>, vector<1x16xi32>,
    %get3A_393 = vector.shape_cast %get3A_392 : vector<1x16xi32> to vector<16xi32>
    %shift_right_logical3A_394 = arith.constant 2 : i32
    %shift_right_logical3A_395 = vector.broadcast %shift_right_logical3A_394 : i32 to vector<16xi32>
    %shift_right_logical3A_396 = arith.shrui %get3A_393, %shift_right_logical3A_395 : vector<16xi32>
    %swap3A_397 = arith.constant 3 : i32
    %swap3A_398 = arith.index_cast %swap3A_397 : i32 to index
    %swap3A_399 = arith.constant 48 : index
    %swap3A_400 = tpu.vector_load %arg6[%swap3A_398, %swap3A_399] {strides = array<i32>} : memref<4x128xi32, #tpu.memory_space<vmem>>, vector<1x16xi32>,
    %swap3A_401 = vector.shape_cast %swap3A_400 : vector<1x16xi32> to vector<16xi32>
    %swap3A_402 = vector.shape_cast %shift_right_logical3A_396 : vector<16xi32> to vector<1x16xi32>
    tpu.vector_store %arg6[%swap3A_398, %swap3A_399], %swap3A_402 {strides = array<i32>} : memref<4x128xi32, #tpu.memory_space<vmem>>, vector<1x16xi32>,
    %get3A_403 = arith.constant 3 : i32
    %get3A_404 = arith.index_cast %get3A_403 : i32 to index
    %get3A_405 = arith.constant 64 : index
    %get3A_406 = tpu.vector_load %arg5[%get3A_404, %get3A_405] {strides = array<i32>} : memref<4x128xi32, #tpu.memory_space<vmem>>, vector<1x16xi32>,
    %get3A_407 = vector.shape_cast %get3A_406 : vector<1x16xi32> to vector<16xi32>
    %shift_right_logical3A_408 = arith.constant 2 : i32
    %shift_right_logical3A_409 = vector.broadcast %shift_right_logical3A_408 : i32 to vector<16xi32>
    %shift_right_logical3A_410 = arith.shrui %get3A_407, %shift_right_logical3A_409 : vector<16xi32>
    %swap3A_411 = arith.constant 3 : i32
    %swap3A_412 = arith.index_cast %swap3A_411 : i32 to index
    %swap3A_413 = arith.constant 64 : index
    %swap3A_414 = tpu.vector_load %arg6[%swap3A_412, %swap3A_413] {strides = array<i32>} : memref<4x128xi32, #tpu.memory_space<vmem>>, vector<1x16xi32>,
    %swap3A_415 = vector.shape_cast %swap3A_414 : vector<1x16xi32> to vector<16xi32>
    %swap3A_416 = vector.shape_cast %shift_right_logical3A_410 : vector<16xi32> to vector<1x16xi32>
    tpu.vector_store %arg6[%swap3A_412, %swap3A_413], %swap3A_416 {strides = array<i32>} : memref<4x128xi32, #tpu.memory_space<vmem>>, vector<1x16xi32>,
    %get3A_417 = arith.constant 3 : i32
    %get3A_418 = arith.index_cast %get3A_417 : i32 to index
    %get3A_419 = arith.constant 80 : index
    %get3A_420 = tpu.vector_load %arg5[%get3A_418, %get3A_419] {strides = array<i32>} : memref<4x128xi32, #tpu.memory_space<vmem>>, vector<1x16xi32>,
    %get3A_421 = vector.shape_cast %get3A_420 : vector<1x16xi32> to vector<16xi32>
    %shift_right_logical3A_422 = arith.constant 2 : i32
    %shift_right_logical3A_423 = vector.broadcast %shift_right_logical3A_422 : i32 to vector<16xi32>
    %shift_right_logical3A_424 = arith.shrui %get3A_421, %shift_right_logical3A_423 : vector<16xi32>
    %swap3A_425 = arith.constant 3 : i32
    %swap3A_426 = arith.index_cast %swap3A_425 : i32 to index
    %swap3A_427 = arith.constant 80 : index
    %swap3A_428 = tpu.vector_load %arg6[%swap3A_426, %swap3A_427] {strides = array<i32>} : memref<4x128xi32, #tpu.memory_space<vmem>>, vector<1x16xi32>,
    %swap3A_429 = vector.shape_cast %swap3A_428 : vector<1x16xi32> to vector<16xi32>
    %swap3A_430 = vector.shape_cast %shift_right_logical3A_424 : vector<16xi32> to vector<1x16xi32>
    tpu.vector_store %arg6[%swap3A_426, %swap3A_427], %swap3A_430 {strides = array<i32>} : memref<4x128xi32, #tpu.memory_space<vmem>>, vector<1x16xi32>,
    %get3A_431 = arith.constant 3 : i32
    %get3A_432 = arith.index_cast %get3A_431 : i32 to index
    %get3A_433 = arith.constant 96 : index
    %get3A_434 = tpu.vector_load %arg5[%get3A_432, %get3A_433] {strides = array<i32>} : memref<4x128xi32, #tpu.memory_space<vmem>>, vector<1x16xi32>,
    %get3A_435 = vector.shape_cast %get3A_434 : vector<1x16xi32> to vector<16xi32>
    %shift_right_logical3A_436 = arith.constant 2 : i32
    %shift_right_logical3A_437 = vector.broadcast %shift_right_logical3A_436 : i32 to vector<16xi32>
    %shift_right_logical3A_438 = arith.shrui %get3A_435, %shift_right_logical3A_437 : vector<16xi32>
    %swap3A_439 = arith.constant 3 : i32
    %swap3A_440 = arith.index_cast %swap3A_439 : i32 to index
    %swap3A_441 = arith.constant 96 : index
    %swap3A_442 = tpu.vector_load %arg6[%swap3A_440, %swap3A_441] {strides = array<i32>} : memref<4x128xi32, #tpu.memory_space<vmem>>, vector<1x16xi32>,
    %swap3A_443 = vector.shape_cast %swap3A_442 : vector<1x16xi32> to vector<16xi32>
    %swap3A_444 = vector.shape_cast %shift_right_logical3A_438 : vector<16xi32> to vector<1x16xi32>
    tpu.vector_store %arg6[%swap3A_440, %swap3A_441], %swap3A_444 {strides = array<i32>} : memref<4x128xi32, #tpu.memory_space<vmem>>, vector<1x16xi32>,
    %get3A_445 = arith.constant 3 : i32
    %get3A_446 = arith.index_cast %get3A_445 : i32 to index
    %get3A_447 = arith.constant 112 : index
    %get3A_448 = tpu.vector_load %arg5[%get3A_446, %get3A_447] {strides = array<i32>} : memref<4x128xi32, #tpu.memory_space<vmem>>, vector<1x16xi32>,
    %get3A_449 = vector.shape_cast %get3A_448 : vector<1x16xi32> to vector<16xi32>
    %shift_right_logical3A_450 = arith.constant 2 : i32
    %shift_right_logical3A_451 = vector.broadcast %shift_right_logical3A_450 : i32 to vector<16xi32>
    %shift_right_logical3A_452 = arith.shrui %get3A_449, %shift_right_logical3A_451 : vector<16xi32>
    %swap3A_453 = arith.constant 3 : i32
    %swap3A_454 = arith.index_cast %swap3A_453 : i32 to index
    %swap3A_455 = arith.constant 112 : index
    %swap3A_456 = tpu.vector_load %arg6[%swap3A_454, %swap3A_455] {strides = array<i32>} : memref<4x128xi32, #tpu.memory_space<vmem>>, vector<1x16xi32>,
    %swap3A_457 = vector.shape_cast %swap3A_456 : vector<1x16xi32> to vector<16xi32>
    %swap3A_458 = vector.shape_cast %shift_right_logical3A_452 : vector<16xi32> to vector<1x16xi32>
    tpu.vector_store %arg6[%swap3A_454, %swap3A_455], %swap3A_458 {strides = array<i32>} : memref<4x128xi32, #tpu.memory_space<vmem>>, vector<1x16xi32>,
    %dma_start3A = arith.constant 0 : i32
    %dma_start3A_459 = arith.constant 0 : i32
    %dma_start3A_460 = arith.constant 0 : i32
    %dma_start3A_461 = arith.constant 0 : i32
    %dma_start3A_462 = tpu.memref_slice %arg7[%dma_start3A_459, %dma_start3A_460, %dma_start3A_461] : memref<2x128x128xf32, #tpu.memory_space<vmem>> -> memref<1x128x128xf32, #tpu.memory_space<vmem>>
    %dma_start3A_463 = tpu.memref_squeeze %dma_start3A_462 : memref<1x128x128xf32, #tpu.memory_space<vmem>> -> memref<128x128xf32, #tpu.memory_space<vmem>>
    %dma_start3A_464 = arith.constant 0 : i32
    %dma_start3A_465 = tpu.memref_slice %arg6[%dma_start3A, %dma_start3A_464] : memref<4x128xi32, #tpu.memory_space<vmem>> -> memref<1x128xi32, #tpu.memory_space<vmem>>
    %dma_start3A_466 = tpu.memref_squeeze %dma_start3A_465 : memref<1x128xi32, #tpu.memory_space<vmem>> -> memref<128xi32, #tpu.memory_space<vmem>>
    %dma_start3A_467 = arith.constant 0 : i32
    %dma_start3A_468 = arith.constant 0 : i32
    %dma_start3A_469 = tpu.memref_slice %arg3[%dma_start3A_467, %dma_start3A_468] : memref<250000x128xf32, #tpu.memory_space<hbm>> -> memref<250000x128xf32, #tpu.memory_space<hbm>>
    tpu.enqueue_indirect_dma source(%dma_start3A_469 : memref<250000x128xf32, #tpu.memory_space<hbm>>) target(%dma_start3A_463 : memref<128x128xf32, #tpu.memory_space<vmem>>) offsets(%dma_start3A_466 : memref<128xi32, #tpu.memory_space<vmem>>) semaphore(%arg9 : memref<!tpu.dma_semaphore, #tpu.memory_space<semaphore_mem>>)
    %dma_wait3A = arith.constant 0 : i32
    %dma_wait3A_470 = arith.constant 0 : i32
    %dma_wait3A_471 = arith.constant 0 : i32
    %dma_wait3A_472 = arith.constant 0 : i32
    %dma_wait3A_473 = tpu.memref_slice %arg7[%dma_wait3A_470, %dma_wait3A_471, %dma_wait3A_472] : memref<2x128x128xf32, #tpu.memory_space<vmem>> -> memref<1x128x128xf32, #tpu.memory_space<vmem>>
    %dma_wait3A_474 = tpu.memref_squeeze %dma_wait3A_473 : memref<1x128x128xf32, #tpu.memory_space<vmem>> -> memref<128x128xf32, #tpu.memory_space<vmem>>
    %dma_wait3A_475 = arith.constant 0 : i32
    %dma_wait3A_476 = tpu.memref_slice %arg6[%dma_wait3A, %dma_wait3A_475] : memref<4x128xi32, #tpu.memory_space<vmem>> -> memref<1x128xi32, #tpu.memory_space<vmem>>
    %dma_wait3A_477 = tpu.memref_squeeze %dma_wait3A_476 : memref<1x128xi32, #tpu.memory_space<vmem>> -> memref<128xi32, #tpu.memory_space<vmem>>
    %dma_wait3A_478 = arith.constant 0 : i32
    %dma_wait3A_479 = arith.constant 0 : i32
    %dma_wait3A_480 = tpu.memref_slice %arg3[%dma_wait3A_478, %dma_wait3A_479] : memref<250000x128xf32, #tpu.memory_space<hbm>> -> memref<250000x128xf32, #tpu.memory_space<hbm>>
    tpu.wait_indirect_dma semaphore(%arg9 : memref<!tpu.dma_semaphore, #tpu.memory_space<semaphore_mem>>) src(%dma_wait3A_480 : memref<250000x128xf32, #tpu.memory_space<hbm>>) dst(%dma_wait3A_474 : memref<128x128xf32, #tpu.memory_space<vmem>>)
    %dma_start3A_481 = arith.constant 1 : i32
    %dma_start3A_482 = arith.constant 1 : i32
    %dma_start3A_483 = arith.constant 0 : i32
    %dma_start3A_484 = arith.constant 0 : i32
    %dma_start3A_485 = tpu.memref_slice %arg7[%dma_start3A_482, %dma_start3A_483, %dma_start3A_484] : memref<2x128x128xf32, #tpu.memory_space<vmem>> -> memref<1x128x128xf32, #tpu.memory_space<vmem>>
    %dma_start3A_486 = tpu.memref_squeeze %dma_start3A_485 : memref<1x128x128xf32, #tpu.memory_space<vmem>> -> memref<128x128xf32, #tpu.memory_space<vmem>>
    %dma_start3A_487 = arith.constant 0 : i32
    %dma_start3A_488 = tpu.memref_slice %arg6[%dma_start3A_481, %dma_start3A_487] : memref<4x128xi32, #tpu.memory_space<vmem>> -> memref<1x128xi32, #tpu.memory_space<vmem>>
    %dma_start3A_489 = tpu.memref_squeeze %dma_start3A_488 : memref<1x128xi32, #tpu.memory_space<vmem>> -> memref<128xi32, #tpu.memory_space<vmem>>
    %dma_start3A_490 = arith.constant 0 : i32
    %dma_start3A_491 = arith.constant 0 : i32
    %dma_start3A_492 = tpu.memref_slice %arg3[%dma_start3A_490, %dma_start3A_491] : memref<250000x128xf32, #tpu.memory_space<hbm>> -> memref<250000x128xf32, #tpu.memory_space<hbm>>
    tpu.enqueue_indirect_dma source(%dma_start3A_492 : memref<250000x128xf32, #tpu.memory_space<hbm>>) target(%dma_start3A_486 : memref<128x128xf32, #tpu.memory_space<vmem>>) offsets(%dma_start3A_489 : memref<128xi32, #tpu.memory_space<vmem>>) semaphore(%arg9 : memref<!tpu.dma_semaphore, #tpu.memory_space<semaphore_mem>>)
    %scan3A = arith.constant 0 : i32
    %scan3A_493 = arith.constant 8 : i32
    %scan3A_494 = arith.addi %scan3A, %scan3A_493 : i32
    %scan3A_495 = arith.constant 1 : i32
    scf.for %scan3A_572 = %scan3A to %scan3A_494 step %scan3A_495  : i32 {
      %mul3A_573 = arith.constant 16 : i32
      %mul3A_574 = arith.muli %scan3A_572, %mul3A_573 : i32
      %get3A_575 = arith.constant 0 : i32
      %get3A_576 = arith.index_cast %get3A_575 : i32 to index
      %get3A_577 = arith.index_cast %mul3A_574 : i32 to index
      %get3A_578 = tpu.vector_load %arg5[%get3A_576, %get3A_577] {strides = array<i32>} : memref<4x128xi32, #tpu.memory_space<vmem>>, vector<1x16xi32>,
      %get3A_579 = vector.shape_cast %get3A_578 : vector<1x16xi32> to vector<16xi32>
      %slice3A = vector.extract_strided_slice %get3A_579 {offsets = [0], sizes = [1], strides = [1]} : vector<16xi32> to vector<1xi32>
      %squeeze3A = vector.extract %slice3A[0] : i32 from vector<1xi32>
      %and3A = arith.constant 3 : i32
      %and3A_580 = arith.andi %squeeze3A, %and3A : i32
      %mul3A_581 = arith.constant 32 : i32
      %mul3A_582 = arith.muli %and3A_580, %mul3A_581 : i32
      %mul3A_583 = arith.constant 16 : i32
      %mul3A_584 = arith.muli %scan3A_572, %mul3A_583 : i32
      %add3A_585 = arith.constant 0 : i32
      %add3A_586 = arith.addi %mul3A_584, %add3A_585 : i32
      %get3A_587 = arith.constant 0 : i32
      %get3A_588 = arith.index_cast %get3A_587 : i32 to index
      %get3A_589 = arith.index_cast %add3A_586 : i32 to index
      %get3A_590 = arith.index_cast %mul3A_582 : i32 to index
      %get3A_591 = tpu.vector_load %arg7[%get3A_588, %get3A_589, %get3A_590] {strides = array<i32>} : memref<2x128x128xf32, #tpu.memory_space<vmem>>, vector<1x1x16xf32>,
      %get3A_592 = vector.shape_cast %get3A_591 : vector<1x1x16xf32> to vector<16xf32>
      %add3A_593 = arith.constant 0 : i32
      %add3A_594 = arith.addi %add3A_593, %add3A_586 : i32
      %swap3A_595 = arith.index_cast %add3A_594 : i32 to index
      %swap3A_596 = arith.constant 0 : index
      %swap3A_597 = tpu.vector_load %arg8[%swap3A_595, %swap3A_596] {strides = array<i32>} : memref<512x32xf32, #tpu.memory_space<vmem>>, vector<1x16xf32>,
      %swap3A_598 = vector.shape_cast %swap3A_597 : vector<1x16xf32> to vector<16xf32>
      %swap3A_599 = vector.shape_cast %get3A_592 : vector<16xf32> to vector<1x16xf32>
      tpu.vector_store %arg8[%swap3A_595, %swap3A_596], %swap3A_599 {strides = array<i32>} : memref<512x32xf32, #tpu.memory_space<vmem>>, vector<1x16xf32>,
      %add3A_600 = arith.constant 16 : i32
      %add3A_601 = arith.addi %mul3A_582, %add3A_600 : i32
      %get3A_602 = arith.constant 0 : i32
      %get3A_603 = arith.index_cast %get3A_602 : i32 to index
      %get3A_604 = arith.index_cast %add3A_586 : i32 to index
      %get3A_605 = arith.index_cast %add3A_601 : i32 to index
      %get3A_606 = tpu.vector_load %arg7[%get3A_603, %get3A_604, %get3A_605] {strides = array<i32>} : memref<2x128x128xf32, #tpu.memory_space<vmem>>, vector<1x1x16xf32>,
      %get3A_607 = vector.shape_cast %get3A_606 : vector<1x1x16xf32> to vector<16xf32>
      %add3A_608 = arith.constant 0 : i32
      %add3A_609 = arith.addi %add3A_608, %add3A_586 : i32
      %swap3A_610 = arith.index_cast %add3A_609 : i32 to index
      %swap3A_611 = arith.constant 16 : index
      %swap3A_612 = tpu.vector_load %arg8[%swap3A_610, %swap3A_611] {strides = array<i32>} : memref<512x32xf32, #tpu.memory_space<vmem>>, vector<1x16xf32>,
      %swap3A_613 = vector.shape_cast %swap3A_612 : vector<1x16xf32> to vector<16xf32>
      %swap3A_614 = vector.shape_cast %get3A_607 : vector<16xf32> to vector<1x16xf32>
      tpu.vector_store %arg8[%swap3A_610, %swap3A_611], %swap3A_614 {strides = array<i32>} : memref<512x32xf32, #tpu.memory_space<vmem>>, vector<1x16xf32>,
      %slice3A_615 = vector.extract_strided_slice %get3A_579 {offsets = [1], sizes = [1], strides = [1]} : vector<16xi32> to vector<1xi32>
      %squeeze3A_616 = vector.extract %slice3A_615[0] : i32 from vector<1xi32>
      %and3A_617 = arith.constant 3 : i32
      %and3A_618 = arith.andi %squeeze3A_616, %and3A_617 : i32
      %mul3A_619 = arith.constant 32 : i32
      %mul3A_620 = arith.muli %and3A_618, %mul3A_619 : i32
      %mul3A_621 = arith.constant 16 : i32
      %mul3A_622 = arith.muli %scan3A_572, %mul3A_621 : i32
      %add3A_623 = arith.constant 1 : i32
      %add3A_624 = arith.addi %mul3A_622, %add3A_623 : i32
      %get3A_625 = arith.constant 0 : i32
      %get3A_626 = arith.index_cast %get3A_625 : i32 to index
      %get3A_627 = arith.index_cast %add3A_624 : i32 to index
      %get3A_628 = arith.index_cast %mul3A_620 : i32 to index
      %get3A_629 = tpu.vector_load %arg7[%get3A_626, %get3A_627, %get3A_628] {strides = array<i32>} : memref<2x128x128xf32, #tpu.memory_space<vmem>>, vector<1x1x16xf32>,
      %get3A_630 = vector.shape_cast %get3A_629 : vector<1x1x16xf32> to vector<16xf32>
      %add3A_631 = arith.constant 0 : i32
      %add3A_632 = arith.addi %add3A_631, %add3A_624 : i32
      %swap3A_633 = arith.index_cast %add3A_632 : i32 to index
      %swap3A_634 = arith.constant 0 : index
      %swap3A_635 = tpu.vector_load %arg8[%swap3A_633, %swap3A_634] {strides = array<i32>} : memref<512x32xf32, #tpu.memory_space<vmem>>, vector<1x16xf32>,
      %swap3A_636 = vector.shape_cast %swap3A_635 : vector<1x16xf32> to vector<16xf32>
      %swap3A_637 = vector.shape_cast %get3A_630 : vector<16xf32> to vector<1x16xf32>
      tpu.vector_store %arg8[%swap3A_633, %swap3A_634], %swap3A_637 {strides = array<i32>} : memref<512x32xf32, #tpu.memory_space<vmem>>, vector<1x16xf32>,
      %add3A_638 = arith.constant 16 : i32
      %add3A_639 = arith.addi %mul3A_620, %add3A_638 : i32
      %get3A_640 = arith.constant 0 : i32
      %get3A_641 = arith.index_cast %get3A_640 : i32 to index
      %get3A_642 = arith.index_cast %add3A_624 : i32 to index
      %get3A_643 = arith.index_cast %add3A_639 : i32 to index
      %get3A_644 = tpu.vector_load %arg7[%get3A_641, %get3A_642, %get3A_643] {strides = array<i32>} : memref<2x128x128xf32, #tpu.memory_space<vmem>>, vector<1x1x16xf32>,
      %get3A_645 = vector.shape_cast %get3A_644 : vector<1x1x16xf32> to vector<16xf32>
      %add3A_646 = arith.constant 0 : i32
      %add3A_647 = arith.addi %add3A_646, %add3A_624 : i32
      %swap3A_648 = arith.index_cast %add3A_647 : i32 to index
      %swap3A_649 = arith.constant 16 : index
      %swap3A_650 = tpu.vector_load %arg8[%swap3A_648, %swap3A_649] {strides = array<i32>} : memref<512x32xf32, #tpu.memory_space<vmem>>, vector<1x16xf32>,
      %swap3A_651 = vector.shape_cast %swap3A_650 : vector<1x16xf32> to vector<16xf32>
      %swap3A_652 = vector.shape_cast %get3A_645 : vector<16xf32> to vector<1x16xf32>
      tpu.vector_store %arg8[%swap3A_648, %swap3A_649], %swap3A_652 {strides = array<i32>} : memref<512x32xf32, #tpu.memory_space<vmem>>, vector<1x16xf32>,
      %slice3A_653 = vector.extract_strided_slice %get3A_579 {offsets = [2], sizes = [1], strides = [1]} : vector<16xi32> to vector<1xi32>
      %squeeze3A_654 = vector.extract %slice3A_653[0] : i32 from vector<1xi32>
      %and3A_655 = arith.constant 3 : i32
      %and3A_656 = arith.andi %squeeze3A_654, %and3A_655 : i32
      %mul3A_657 = arith.constant 32 : i32
      %mul3A_658 = arith.muli %and3A_656, %mul3A_657 : i32
      %mul3A_659 = arith.constant 16 : i32
      %mul3A_660 = arith.muli %scan3A_572, %mul3A_659 : i32
      %add3A_661 = arith.constant 2 : i32
      %add3A_662 = arith.addi %mul3A_660, %add3A_661 : i32
      %get3A_663 = arith.constant 0 : i32
      %get3A_664 = arith.index_cast %get3A_663 : i32 to index
      %get3A_665 = arith.index_cast %add3A_662 : i32 to index
      %get3A_666 = arith.index_cast %mul3A_658 : i32 to index
      %get3A_667 = tpu.vector_load %arg7[%get3A_664, %get3A_665, %get3A_666] {strides = array<i32>} : memref<2x128x128xf32, #tpu.memory_space<vmem>>, vector<1x1x16xf32>,
      %get3A_668 = vector.shape_cast %get3A_667 : vector<1x1x16xf32> to vector<16xf32>
      %add3A_669 = arith.constant 0 : i32
      %add3A_670 = arith.addi %add3A_669, %add3A_662 : i32
      %swap3A_671 = arith.index_cast %add3A_670 : i32 to index
      %swap3A_672 = arith.constant 0 : index
      %swap3A_673 = tpu.vector_load %arg8[%swap3A_671, %swap3A_672] {strides = array<i32>} : memref<512x32xf32, #tpu.memory_space<vmem>>, vector<1x16xf32>,
      %swap3A_674 = vector.shape_cast %swap3A_673 : vector<1x16xf32> to vector<16xf32>
      %swap3A_675 = vector.shape_cast %get3A_668 : vector<16xf32> to vector<1x16xf32>
      tpu.vector_store %arg8[%swap3A_671, %swap3A_672], %swap3A_675 {strides = array<i32>} : memref<512x32xf32, #tpu.memory_space<vmem>>, vector<1x16xf32>,
      %add3A_676 = arith.constant 16 : i32
      %add3A_677 = arith.addi %mul3A_658, %add3A_676 : i32
      %get3A_678 = arith.constant 0 : i32
      %get3A_679 = arith.index_cast %get3A_678 : i32 to index
      %get3A_680 = arith.index_cast %add3A_662 : i32 to index
      %get3A_681 = arith.index_cast %add3A_677 : i32 to index
      %get3A_682 = tpu.vector_load %arg7[%get3A_679, %get3A_680, %get3A_681] {strides = array<i32>} : memref<2x128x128xf32, #tpu.memory_space<vmem>>, vector<1x1x16xf32>,
      %get3A_683 = vector.shape_cast %get3A_682 : vector<1x1x16xf32> to vector<16xf32>
      %add3A_684 = arith.constant 0 : i32
      %add3A_685 = arith.addi %add3A_684, %add3A_662 : i32
      %swap3A_686 = arith.index_cast %add3A_685 : i32 to index
      %swap3A_687 = arith.constant 16 : index
      %swap3A_688 = tpu.vector_load %arg8[%swap3A_686, %swap3A_687] {strides = array<i32>} : memref<512x32xf32, #tpu.memory_space<vmem>>, vector<1x16xf32>,
      %swap3A_689 = vector.shape_cast %swap3A_688 : vector<1x16xf32> to vector<16xf32>
      %swap3A_690 = vector.shape_cast %get3A_683 : vector<16xf32> to vector<1x16xf32>
      tpu.vector_store %arg8[%swap3A_686, %swap3A_687], %swap3A_690 {strides = array<i32>} : memref<512x32xf32, #tpu.memory_space<vmem>>, vector<1x16xf32>,
      %slice3A_691 = vector.extract_strided_slice %get3A_579 {offsets = [3], sizes = [1], strides = [1]} : vector<16xi32> to vector<1xi32>
      %squeeze3A_692 = vector.extract %slice3A_691[0] : i32 from vector<1xi32>
      %and3A_693 = arith.constant 3 : i32
      %and3A_694 = arith.andi %squeeze3A_692, %and3A_693 : i32
      %mul3A_695 = arith.constant 32 : i32
      %mul3A_696 = arith.muli %and3A_694, %mul3A_695 : i32
      %mul3A_697 = arith.constant 16 : i32
      %mul3A_698 = arith.muli %scan3A_572, %mul3A_697 : i32
      %add3A_699 = arith.constant 3 : i32
      %add3A_700 = arith.addi %mul3A_698, %add3A_699 : i32
      %get3A_701 = arith.constant 0 : i32
      %get3A_702 = arith.index_cast %get3A_701 : i32 to index
      %get3A_703 = arith.index_cast %add3A_700 : i32 to index
      %get3A_704 = arith.index_cast %mul3A_696 : i32 to index
      %get3A_705 = tpu.vector_load %arg7[%get3A_702, %get3A_703, %get3A_704] {strides = array<i32>} : memref<2x128x128xf32, #tpu.memory_space<vmem>>, vector<1x1x16xf32>,
      %get3A_706 = vector.shape_cast %get3A_705 : vector<1x1x16xf32> to vector<16xf32>
      %add3A_707 = arith.constant 0 : i32
      %add3A_708 = arith.addi %add3A_707, %add3A_700 : i32
      %swap3A_709 = arith.index_cast %add3A_708 : i32 to index
      %swap3A_710 = arith.constant 0 : index
      %swap3A_711 = tpu.vector_load %arg8[%swap3A_709, %swap3A_710] {strides = array<i32>} : memref<512x32xf32, #tpu.memory_space<vmem>>, vector<1x16xf32>,
      %swap3A_712 = vector.shape_cast %swap3A_711 : vector<1x16xf32> to vector<16xf32>
      %swap3A_713 = vector.shape_cast %get3A_706 : vector<16xf32> to vector<1x16xf32>
      tpu.vector_store %arg8[%swap3A_709, %swap3A_710], %swap3A_713 {strides = array<i32>} : memref<512x32xf32, #tpu.memory_space<vmem>>, vector<1x16xf32>,
      %add3A_714 = arith.constant 16 : i32
      %add3A_715 = arith.addi %mul3A_696, %add3A_714 : i32
      %get3A_716 = arith.constant 0 : i32
      %get3A_717 = arith.index_cast %get3A_716 : i32 to index
      %get3A_718 = arith.index_cast %add3A_700 : i32 to index
      %get3A_719 = arith.index_cast %add3A_715 : i32 to index
      %get3A_720 = tpu.vector_load %arg7[%get3A_717, %get3A_718, %get3A_719] {strides = array<i32>} : memref<2x128x128xf32, #tpu.memory_space<vmem>>, vector<1x1x16xf32>,
      %get3A_721 = vector.shape_cast %get3A_720 : vector<1x1x16xf32> to vector<16xf32>
      %add3A_722 = arith.constant 0 : i32
      %add3A_723 = arith.addi %add3A_722, %add3A_700 : i32
      %swap3A_724 = arith.index_cast %add3A_723 : i32 to index
      %swap3A_725 = arith.constant 16 : index
      %swap3A_726 = tpu.vector_load %arg8[%swap3A_724, %swap3A_725] {strides = array<i32>} : memref<512x32xf32, #tpu.memory_space<vmem>>, vector<1x16xf32>,
      %swap3A_727 = vector.shape_cast %swap3A_726 : vector<1x16xf32> to vector<16xf32>
      %swap3A_728 = vector.shape_cast %get3A_721 : vector<16xf32> to vector<1x16xf32>
      tpu.vector_store %arg8[%swap3A_724, %swap3A_725], %swap3A_728 {strides = array<i32>} : memref<512x32xf32, #tpu.memory_space<vmem>>, vector<1x16xf32>,
      %slice3A_729 = vector.extract_strided_slice %get3A_579 {offsets = [4], sizes = [1], strides = [1]} : vector<16xi32> to vector<1xi32>
      %squeeze3A_730 = vector.extract %slice3A_729[0] : i32 from vector<1xi32>
      %and3A_731 = arith.constant 3 : i32
      %and3A_732 = arith.andi %squeeze3A_730, %and3A_731 : i32
      %mul3A_733 = arith.constant 32 : i32
      %mul3A_734 = arith.muli %and3A_732, %mul3A_733 : i32
      %mul3A_735 = arith.constant 16 : i32
      %mul3A_736 = arith.muli %scan3A_572, %mul3A_735 : i32
      %add3A_737 = arith.constant 4 : i32
      %add3A_738 = arith.addi %mul3A_736, %add3A_737 : i32
      %get3A_739 = arith.constant 0 : i32
      %get3A_740 = arith.index_cast %get3A_739 : i32 to index
      %get3A_741 = arith.index_cast %add3A_738 : i32 to index
      %get3A_742 = arith.index_cast %mul3A_734 : i32 to index
      %get3A_743 = tpu.vector_load %arg7[%get3A_740, %get3A_741, %get3A_742] {strides = array<i32>} : memref<2x128x128xf32, #tpu.memory_space<vmem>>, vector<1x1x16xf32>,
      %get3A_744 = vector.shape_cast %get3A_743 : vector<1x1x16xf32> to vector<16xf32>
      %add3A_745 = arith.constant 0 : i32
      %add3A_746 = arith.addi %add3A_745, %add3A_738 : i32
      %swap3A_747 = arith.index_cast %add3A_746 : i32 to index
      %swap3A_748 = arith.constant 0 : index
      %swap3A_749 = tpu.vector_load %arg8[%swap3A_747, %swap3A_748] {strides = array<i32>} : memref<512x32xf32, #tpu.memory_space<vmem>>, vector<1x16xf32>,
      %swap3A_750 = vector.shape_cast %swap3A_749 : vector<1x16xf32> to vector<16xf32>
      %swap3A_751 = vector.shape_cast %get3A_744 : vector<16xf32> to vector<1x16xf32>
      tpu.vector_store %arg8[%swap3A_747, %swap3A_748], %swap3A_751 {strides = array<i32>} : memref<512x32xf32, #tpu.memory_space<vmem>>, vector<1x16xf32>,
      %add3A_752 = arith.constant 16 : i32
      %add3A_753 = arith.addi %mul3A_734, %add3A_752 : i32
      %get3A_754 = arith.constant 0 : i32
      %get3A_755 = arith.index_cast %get3A_754 : i32 to index
      %get3A_756 = arith.index_cast %add3A_738 : i32 to index
      %get3A_757 = arith.index_cast %add3A_753 : i32 to index
      %get3A_758 = tpu.vector_load %arg7[%get3A_755, %get3A_756, %get3A_757] {strides = array<i32>} : memref<2x128x128xf32, #tpu.memory_space<vmem>>, vector<1x1x16xf32>,
      %get3A_759 = vector.shape_cast %get3A_758 : vector<1x1x16xf32> to vector<16xf32>
      %add3A_760 = arith.constant 0 : i32
      %add3A_761 = arith.addi %add3A_760, %add3A_738 : i32
      %swap3A_762 = arith.index_cast %add3A_761 : i32 to index
      %swap3A_763 = arith.constant 16 : index
      %swap3A_764 = tpu.vector_load %arg8[%swap3A_762, %swap3A_763] {strides = array<i32>} : memref<512x32xf32, #tpu.memory_space<vmem>>, vector<1x16xf32>,
      %swap3A_765 = vector.shape_cast %swap3A_764 : vector<1x16xf32> to vector<16xf32>
      %swap3A_766 = vector.shape_cast %get3A_759 : vector<16xf32> to vector<1x16xf32>
      tpu.vector_store %arg8[%swap3A_762, %swap3A_763], %swap3A_766 {strides = array<i32>} : memref<512x32xf32, #tpu.memory_space<vmem>>, vector<1x16xf32>,
      %slice3A_767 = vector.extract_strided_slice %get3A_579 {offsets = [5], sizes = [1], strides = [1]} : vector<16xi32> to vector<1xi32>
      %squeeze3A_768 = vector.extract %slice3A_767[0] : i32 from vector<1xi32>
      %and3A_769 = arith.constant 3 : i32
      %and3A_770 = arith.andi %squeeze3A_768, %and3A_769 : i32
      %mul3A_771 = arith.constant 32 : i32
      %mul3A_772 = arith.muli %and3A_770, %mul3A_771 : i32
      %mul3A_773 = arith.constant 16 : i32
      %mul3A_774 = arith.muli %scan3A_572, %mul3A_773 : i32
      %add3A_775 = arith.constant 5 : i32
      %add3A_776 = arith.addi %mul3A_774, %add3A_775 : i32
      %get3A_777 = arith.constant 0 : i32
      %get3A_778 = arith.index_cast %get3A_777 : i32 to index
      %get3A_779 = arith.index_cast %add3A_776 : i32 to index
      %get3A_780 = arith.index_cast %mul3A_772 : i32 to index
      %get3A_781 = tpu.vector_load %arg7[%get3A_778, %get3A_779, %get3A_780] {strides = array<i32>} : memref<2x128x128xf32, #tpu.memory_space<vmem>>, vector<1x1x16xf32>,
      %get3A_782 = vector.shape_cast %get3A_781 : vector<1x1x16xf32> to vector<16xf32>
      %add3A_783 = arith.constant 0 : i32
      %add3A_784 = arith.addi %add3A_783, %add3A_776 : i32
      %swap3A_785 = arith.index_cast %add3A_784 : i32 to index
      %swap3A_786 = arith.constant 0 : index
      %swap3A_787 = tpu.vector_load %arg8[%swap3A_785, %swap3A_786] {strides = array<i32>} : memref<512x32xf32, #tpu.memory_space<vmem>>, vector<1x16xf32>,
      %swap3A_788 = vector.shape_cast %swap3A_787 : vector<1x16xf32> to vector<16xf32>
      %swap3A_789 = vector.shape_cast %get3A_782 : vector<16xf32> to vector<1x16xf32>
      tpu.vector_store %arg8[%swap3A_785, %swap3A_786], %swap3A_789 {strides = array<i32>} : memref<512x32xf32, #tpu.memory_space<vmem>>, vector<1x16xf32>,
      %add3A_790 = arith.constant 16 : i32
      %add3A_791 = arith.addi %mul3A_772, %add3A_790 : i32
      %get3A_792 = arith.constant 0 : i32
      %get3A_793 = arith.index_cast %get3A_792 : i32 to index
      %get3A_794 = arith.index_cast %add3A_776 : i32 to index
      %get3A_795 = arith.index_cast %add3A_791 : i32 to index
      %get3A_796 = tpu.vector_load %arg7[%get3A_793, %get3A_794, %get3A_795] {strides = array<i32>} : memref<2x128x128xf32, #tpu.memory_space<vmem>>, vector<1x1x16xf32>,
      %get3A_797 = vector.shape_cast %get3A_796 : vector<1x1x16xf32> to vector<16xf32>
      %add3A_798 = arith.constant 0 : i32
      %add3A_799 = arith.addi %add3A_798, %add3A_776 : i32
      %swap3A_800 = arith.index_cast %add3A_799 : i32 to index
      %swap3A_801 = arith.constant 16 : index
      %swap3A_802 = tpu.vector_load %arg8[%swap3A_800, %swap3A_801] {strides = array<i32>} : memref<512x32xf32, #tpu.memory_space<vmem>>, vector<1x16xf32>,
      %swap3A_803 = vector.shape_cast %swap3A_802 : vector<1x16xf32> to vector<16xf32>
      %swap3A_804 = vector.shape_cast %get3A_797 : vector<16xf32> to vector<1x16xf32>
      tpu.vector_store %arg8[%swap3A_800, %swap3A_801], %swap3A_804 {strides = array<i32>} : memref<512x32xf32, #tpu.memory_space<vmem>>, vector<1x16xf32>,
      %slice3A_805 = vector.extract_strided_slice %get3A_579 {offsets = [6], sizes = [1], strides = [1]} : vector<16xi32> to vector<1xi32>
      %squeeze3A_806 = vector.extract %slice3A_805[0] : i32 from vector<1xi32>
      %and3A_807 = arith.constant 3 : i32
      %and3A_808 = arith.andi %squeeze3A_806, %and3A_807 : i32
      %mul3A_809 = arith.constant 32 : i32
      %mul3A_810 = arith.muli %and3A_808, %mul3A_809 : i32
      %mul3A_811 = arith.constant 16 : i32
      %mul3A_812 = arith.muli %scan3A_572, %mul3A_811 : i32
      %add3A_813 = arith.constant 6 : i32
      %add3A_814 = arith.addi %mul3A_812, %add3A_813 : i32
      %get3A_815 = arith.constant 0 : i32
      %get3A_816 = arith.index_cast %get3A_815 : i32 to index
      %get3A_817 = arith.index_cast %add3A_814 : i32 to index
      %get3A_818 = arith.index_cast %mul3A_810 : i32 to index
      %get3A_819 = tpu.vector_load %arg7[%get3A_816, %get3A_817, %get3A_818] {strides = array<i32>} : memref<2x128x128xf32, #tpu.memory_space<vmem>>, vector<1x1x16xf32>,
      %get3A_820 = vector.shape_cast %get3A_819 : vector<1x1x16xf32> to vector<16xf32>
      %add3A_821 = arith.constant 0 : i32
      %add3A_822 = arith.addi %add3A_821, %add3A_814 : i32
      %swap3A_823 = arith.index_cast %add3A_822 : i32 to index
      %swap3A_824 = arith.constant 0 : index
      %swap3A_825 = tpu.vector_load %arg8[%swap3A_823, %swap3A_824] {strides = array<i32>} : memref<512x32xf32, #tpu.memory_space<vmem>>, vector<1x16xf32>,
      %swap3A_826 = vector.shape_cast %swap3A_825 : vector<1x16xf32> to vector<16xf32>
      %swap3A_827 = vector.shape_cast %get3A_820 : vector<16xf32> to vector<1x16xf32>
      tpu.vector_store %arg8[%swap3A_823, %swap3A_824], %swap3A_827 {strides = array<i32>} : memref<512x32xf32, #tpu.memory_space<vmem>>, vector<1x16xf32>,
      %add3A_828 = arith.constant 16 : i32
      %add3A_829 = arith.addi %mul3A_810, %add3A_828 : i32
      %get3A_830 = arith.constant 0 : i32
      %get3A_831 = arith.index_cast %get3A_830 : i32 to index
      %get3A_832 = arith.index_cast %add3A_814 : i32 to index
      %get3A_833 = arith.index_cast %add3A_829 : i32 to index
      %get3A_834 = tpu.vector_load %arg7[%get3A_831, %get3A_832, %get3A_833] {strides = array<i32>} : memref<2x128x128xf32, #tpu.memory_space<vmem>>, vector<1x1x16xf32>,
      %get3A_835 = vector.shape_cast %get3A_834 : vector<1x1x16xf32> to vector<16xf32>
      %add3A_836 = arith.constant 0 : i32
      %add3A_837 = arith.addi %add3A_836, %add3A_814 : i32
      %swap3A_838 = arith.index_cast %add3A_837 : i32 to index
      %swap3A_839 = arith.constant 16 : index
      %swap3A_840 = tpu.vector_load %arg8[%swap3A_838, %swap3A_839] {strides = array<i32>} : memref<512x32xf32, #tpu.memory_space<vmem>>, vector<1x16xf32>,
      %swap3A_841 = vector.shape_cast %swap3A_840 : vector<1x16xf32> to vector<16xf32>
      %swap3A_842 = vector.shape_cast %get3A_835 : vector<16xf32> to vector<1x16xf32>
      tpu.vector_store %arg8[%swap3A_838, %swap3A_839], %swap3A_842 {strides = array<i32>} : memref<512x32xf32, #tpu.memory_space<vmem>>, vector<1x16xf32>,
      %slice3A_843 = vector.extract_strided_slice %get3A_579 {offsets = [7], sizes = [1], strides = [1]} : vector<16xi32> to vector<1xi32>
      %squeeze3A_844 = vector.extract %slice3A_843[0] : i32 from vector<1xi32>
      %and3A_845 = arith.constant 3 : i32
      %and3A_846 = arith.andi %squeeze3A_844, %and3A_845 : i32
      %mul3A_847 = arith.constant 32 : i32
      %mul3A_848 = arith.muli %and3A_846, %mul3A_847 : i32
      %mul3A_849 = arith.constant 16 : i32
      %mul3A_850 = arith.muli %scan3A_572, %mul3A_849 : i32
      %add3A_851 = arith.constant 7 : i32
      %add3A_852 = arith.addi %mul3A_850, %add3A_851 : i32
      %get3A_853 = arith.constant 0 : i32
      %get3A_854 = arith.index_cast %get3A_853 : i32 to index
      %get3A_855 = arith.index_cast %add3A_852 : i32 to index
      %get3A_856 = arith.index_cast %mul3A_848 : i32 to index
      %get3A_857 = tpu.vector_load %arg7[%get3A_854, %get3A_855, %get3A_856] {strides = array<i32>} : memref<2x128x128xf32, #tpu.memory_space<vmem>>, vector<1x1x16xf32>,
      %get3A_858 = vector.shape_cast %get3A_857 : vector<1x1x16xf32> to vector<16xf32>
      %add3A_859 = arith.constant 0 : i32
      %add3A_860 = arith.addi %add3A_859, %add3A_852 : i32
      %swap3A_861 = arith.index_cast %add3A_860 : i32 to index
      %swap3A_862 = arith.constant 0 : index
      %swap3A_863 = tpu.vector_load %arg8[%swap3A_861, %swap3A_862] {strides = array<i32>} : memref<512x32xf32, #tpu.memory_space<vmem>>, vector<1x16xf32>,
      %swap3A_864 = vector.shape_cast %swap3A_863 : vector<1x16xf32> to vector<16xf32>
      %swap3A_865 = vector.shape_cast %get3A_858 : vector<16xf32> to vector<1x16xf32>
      tpu.vector_store %arg8[%swap3A_861, %swap3A_862], %swap3A_865 {strides = array<i32>} : memref<512x32xf32, #tpu.memory_space<vmem>>, vector<1x16xf32>,
      %add3A_866 = arith.constant 16 : i32
      %add3A_867 = arith.addi %mul3A_848, %add3A_866 : i32
      %get3A_868 = arith.constant 0 : i32
      %get3A_869 = arith.index_cast %get3A_868 : i32 to index
      %get3A_870 = arith.index_cast %add3A_852 : i32 to index
      %get3A_871 = arith.index_cast %add3A_867 : i32 to index
      %get3A_872 = tpu.vector_load %arg7[%get3A_869, %get3A_870, %get3A_871] {strides = array<i32>} : memref<2x128x128xf32, #tpu.memory_space<vmem>>, vector<1x1x16xf32>,
      %get3A_873 = vector.shape_cast %get3A_872 : vector<1x1x16xf32> to vector<16xf32>
      %add3A_874 = arith.constant 0 : i32
      %add3A_875 = arith.addi %add3A_874, %add3A_852 : i32
      %swap3A_876 = arith.index_cast %add3A_875 : i32 to index
      %swap3A_877 = arith.constant 16 : index
      %swap3A_878 = tpu.vector_load %arg8[%swap3A_876, %swap3A_877] {strides = array<i32>} : memref<512x32xf32, #tpu.memory_space<vmem>>, vector<1x16xf32>,
      %swap3A_879 = vector.shape_cast %swap3A_878 : vector<1x16xf32> to vector<16xf32>
      %swap3A_880 = vector.shape_cast %get3A_873 : vector<16xf32> to vector<1x16xf32>
      tpu.vector_store %arg8[%swap3A_876, %swap3A_877], %swap3A_880 {strides = array<i32>} : memref<512x32xf32, #tpu.memory_space<vmem>>, vector<1x16xf32>,
      %slice3A_881 = vector.extract_strided_slice %get3A_579 {offsets = [8], sizes = [1], strides = [1]} : vector<16xi32> to vector<1xi32>
      %squeeze3A_882 = vector.extract %slice3A_881[0] : i32 from vector<1xi32>
      %and3A_883 = arith.constant 3 : i32
      %and3A_884 = arith.andi %squeeze3A_882, %and3A_883 : i32
      %mul3A_885 = arith.constant 32 : i32
      %mul3A_886 = arith.muli %and3A_884, %mul3A_885 : i32
      %mul3A_887 = arith.constant 16 : i32
      %mul3A_888 = arith.muli %scan3A_572, %mul3A_887 : i32
      %add3A_889 = arith.constant 8 : i32
      %add3A_890 = arith.addi %mul3A_888, %add3A_889 : i32
      %get3A_891 = arith.constant 0 : i32
      %get3A_892 = arith.index_cast %get3A_891 : i32 to index
      %get3A_893 = arith.index_cast %add3A_890 : i32 to index
      %get3A_894 = arith.index_cast %mul3A_886 : i32 to index
      %get3A_895 = tpu.vector_load %arg7[%get3A_892, %get3A_893, %get3A_894] {strides = array<i32>} : memref<2x128x128xf32, #tpu.memory_space<vmem>>, vector<1x1x16xf32>,
      %get3A_896 = vector.shape_cast %get3A_895 : vector<1x1x16xf32> to vector<16xf32>
      %add3A_897 = arith.constant 0 : i32
      %add3A_898 = arith.addi %add3A_897, %add3A_890 : i32
      %swap3A_899 = arith.index_cast %add3A_898 : i32 to index
      %swap3A_900 = arith.constant 0 : index
      %swap3A_901 = tpu.vector_load %arg8[%swap3A_899, %swap3A_900] {strides = array<i32>} : memref<512x32xf32, #tpu.memory_space<vmem>>, vector<1x16xf32>,
      %swap3A_902 = vector.shape_cast %swap3A_901 : vector<1x16xf32> to vector<16xf32>
      %swap3A_903 = vector.shape_cast %get3A_896 : vector<16xf32> to vector<1x16xf32>
      tpu.vector_store %arg8[%swap3A_899, %swap3A_900], %swap3A_903 {strides = array<i32>} : memref<512x32xf32, #tpu.memory_space<vmem>>, vector<1x16xf32>,
      %add3A_904 = arith.constant 16 : i32
      %add3A_905 = arith.addi %mul3A_886, %add3A_904 : i32
      %get3A_906 = arith.constant 0 : i32
      %get3A_907 = arith.index_cast %get3A_906 : i32 to index
      %get3A_908 = arith.index_cast %add3A_890 : i32 to index
      %get3A_909 = arith.index_cast %add3A_905 : i32 to index
      %get3A_910 = tpu.vector_load %arg7[%get3A_907, %get3A_908, %get3A_909] {strides = array<i32>} : memref<2x128x128xf32, #tpu.memory_space<vmem>>, vector<1x1x16xf32>,
      %get3A_911 = vector.shape_cast %get3A_910 : vector<1x1x16xf32> to vector<16xf32>
      %add3A_912 = arith.constant 0 : i32
      %add3A_913 = arith.addi %add3A_912, %add3A_890 : i32
      %swap3A_914 = arith.index_cast %add3A_913 : i32 to index
      %swap3A_915 = arith.constant 16 : index
      %swap3A_916 = tpu.vector_load %arg8[%swap3A_914, %swap3A_915] {strides = array<i32>} : memref<512x32xf32, #tpu.memory_space<vmem>>, vector<1x16xf32>,
      %swap3A_917 = vector.shape_cast %swap3A_916 : vector<1x16xf32> to vector<16xf32>
      %swap3A_918 = vector.shape_cast %get3A_911 : vector<16xf32> to vector<1x16xf32>
      tpu.vector_store %arg8[%swap3A_914, %swap3A_915], %swap3A_918 {strides = array<i32>} : memref<512x32xf32, #tpu.memory_space<vmem>>, vector<1x16xf32>,
      %slice3A_919 = vector.extract_strided_slice %get3A_579 {offsets = [9], sizes = [1], strides = [1]} : vector<16xi32> to vector<1xi32>
      %squeeze3A_920 = vector.extract %slice3A_919[0] : i32 from vector<1xi32>
      %and3A_921 = arith.constant 3 : i32
      %and3A_922 = arith.andi %squeeze3A_920, %and3A_921 : i32
      %mul3A_923 = arith.constant 32 : i32
      %mul3A_924 = arith.muli %and3A_922, %mul3A_923 : i32
      %mul3A_925 = arith.constant 16 : i32
      %mul3A_926 = arith.muli %scan3A_572, %mul3A_925 : i32
      %add3A_927 = arith.constant 9 : i32
      %add3A_928 = arith.addi %mul3A_926, %add3A_927 : i32
      %get3A_929 = arith.constant 0 : i32
      %get3A_930 = arith.index_cast %get3A_929 : i32 to index
      %get3A_931 = arith.index_cast %add3A_928 : i32 to index
      %get3A_932 = arith.index_cast %mul3A_924 : i32 to index
      %get3A_933 = tpu.vector_load %arg7[%get3A_930, %get3A_931, %get3A_932] {strides = array<i32>} : memref<2x128x128xf32, #tpu.memory_space<vmem>>, vector<1x1x16xf32>,
      %get3A_934 = vector.shape_cast %get3A_933 : vector<1x1x16xf32> to vector<16xf32>
      %add3A_935 = arith.constant 0 : i32
      %add3A_936 = arith.addi %add3A_935, %add3A_928 : i32
      %swap3A_937 = arith.index_cast %add3A_936 : i32 to index
      %swap3A_938 = arith.constant 0 : index
      %swap3A_939 = tpu.vector_load %arg8[%swap3A_937, %swap3A_938] {strides = array<i32>} : memref<512x32xf32, #tpu.memory_space<vmem>>, vector<1x16xf32>,
      %swap3A_940 = vector.shape_cast %swap3A_939 : vector<1x16xf32> to vector<16xf32>
      %swap3A_941 = vector.shape_cast %get3A_934 : vector<16xf32> to vector<1x16xf32>
      tpu.vector_store %arg8[%swap3A_937, %swap3A_938], %swap3A_941 {strides = array<i32>} : memref<512x32xf32, #tpu.memory_space<vmem>>, vector<1x16xf32>,
      %add3A_942 = arith.constant 16 : i32
      %add3A_943 = arith.addi %mul3A_924, %add3A_942 : i32
      %get3A_944 = arith.constant 0 : i32
      %get3A_945 = arith.index_cast %get3A_944 : i32 to index
      %get3A_946 = arith.index_cast %add3A_928 : i32 to index
      %get3A_947 = arith.index_cast %add3A_943 : i32 to index
      %get3A_948 = tpu.vector_load %arg7[%get3A_945, %get3A_946, %get3A_947] {strides = array<i32>} : memref<2x128x128xf32, #tpu.memory_space<vmem>>, vector<1x1x16xf32>,
      %get3A_949 = vector.shape_cast %get3A_948 : vector<1x1x16xf32> to vector<16xf32>
      %add3A_950 = arith.constant 0 : i32
      %add3A_951 = arith.addi %add3A_950, %add3A_928 : i32
      %swap3A_952 = arith.index_cast %add3A_951 : i32 to index
      %swap3A_953 = arith.constant 16 : index
      %swap3A_954 = tpu.vector_load %arg8[%swap3A_952, %swap3A_953] {strides = array<i32>} : memref<512x32xf32, #tpu.memory_space<vmem>>, vector<1x16xf32>,
      %swap3A_955 = vector.shape_cast %swap3A_954 : vector<1x16xf32> to vector<16xf32>
      %swap3A_956 = vector.shape_cast %get3A_949 : vector<16xf32> to vector<1x16xf32>
      tpu.vector_store %arg8[%swap3A_952, %swap3A_953], %swap3A_956 {strides = array<i32>} : memref<512x32xf32, #tpu.memory_space<vmem>>, vector<1x16xf32>,
      %slice3A_957 = vector.extract_strided_slice %get3A_579 {offsets = [10], sizes = [1], strides = [1]} : vector<16xi32> to vector<1xi32>
      %squeeze3A_958 = vector.extract %slice3A_957[0] : i32 from vector<1xi32>
      %and3A_959 = arith.constant 3 : i32
      %and3A_960 = arith.andi %squeeze3A_958, %and3A_959 : i32
      %mul3A_961 = arith.constant 32 : i32
      %mul3A_962 = arith.muli %and3A_960, %mul3A_961 : i32
      %mul3A_963 = arith.constant 16 : i32
      %mul3A_964 = arith.muli %scan3A_572, %mul3A_963 : i32
      %add3A_965 = arith.constant 10 : i32
      %add3A_966 = arith.addi %mul3A_964, %add3A_965 : i32
      %get3A_967 = arith.constant 0 : i32
      %get3A_968 = arith.index_cast %get3A_967 : i32 to index
      %get3A_969 = arith.index_cast %add3A_966 : i32 to index
      %get3A_970 = arith.index_cast %mul3A_962 : i32 to index
      %get3A_971 = tpu.vector_load %arg7[%get3A_968, %get3A_969, %get3A_970] {strides = array<i32>} : memref<2x128x128xf32, #tpu.memory_space<vmem>>, vector<1x1x16xf32>,
      %get3A_972 = vector.shape_cast %get3A_971 : vector<1x1x16xf32> to vector<16xf32>
      %add3A_973 = arith.constant 0 : i32
      %add3A_974 = arith.addi %add3A_973, %add3A_966 : i32
      %swap3A_975 = arith.index_cast %add3A_974 : i32 to index
      %swap3A_976 = arith.constant 0 : index
      %swap3A_977 = tpu.vector_load %arg8[%swap3A_975, %swap3A_976] {strides = array<i32>} : memref<512x32xf32, #tpu.memory_space<vmem>>, vector<1x16xf32>,
      %swap3A_978 = vector.shape_cast %swap3A_977 : vector<1x16xf32> to vector<16xf32>
      %swap3A_979 = vector.shape_cast %get3A_972 : vector<16xf32> to vector<1x16xf32>
      tpu.vector_store %arg8[%swap3A_975, %swap3A_976], %swap3A_979 {strides = array<i32>} : memref<512x32xf32, #tpu.memory_space<vmem>>, vector<1x16xf32>,
      %add3A_980 = arith.constant 16 : i32
      %add3A_981 = arith.addi %mul3A_962, %add3A_980 : i32
      %get3A_982 = arith.constant 0 : i32
      %get3A_983 = arith.index_cast %get3A_982 : i32 to index
      %get3A_984 = arith.index_cast %add3A_966 : i32 to index
      %get3A_985 = arith.index_cast %add3A_981 : i32 to index
      %get3A_986 = tpu.vector_load %arg7[%get3A_983, %get3A_984, %get3A_985] {strides = array<i32>} : memref<2x128x128xf32, #tpu.memory_space<vmem>>, vector<1x1x16xf32>,
      %get3A_987 = vector.shape_cast %get3A_986 : vector<1x1x16xf32> to vector<16xf32>
      %add3A_988 = arith.constant 0 : i32
      %add3A_989 = arith.addi %add3A_988, %add3A_966 : i32
      %swap3A_990 = arith.index_cast %add3A_989 : i32 to index
      %swap3A_991 = arith.constant 16 : index
      %swap3A_992 = tpu.vector_load %arg8[%swap3A_990, %swap3A_991] {strides = array<i32>} : memref<512x32xf32, #tpu.memory_space<vmem>>, vector<1x16xf32>,
      %swap3A_993 = vector.shape_cast %swap3A_992 : vector<1x16xf32> to vector<16xf32>
      %swap3A_994 = vector.shape_cast %get3A_987 : vector<16xf32> to vector<1x16xf32>
      tpu.vector_store %arg8[%swap3A_990, %swap3A_991], %swap3A_994 {strides = array<i32>} : memref<512x32xf32, #tpu.memory_space<vmem>>, vector<1x16xf32>,
      %slice3A_995 = vector.extract_strided_slice %get3A_579 {offsets = [11], sizes = [1], strides = [1]} : vector<16xi32> to vector<1xi32>
      %squeeze3A_996 = vector.extract %slice3A_995[0] : i32 from vector<1xi32>
      %and3A_997 = arith.constant 3 : i32
      %and3A_998 = arith.andi %squeeze3A_996, %and3A_997 : i32
      %mul3A_999 = arith.constant 32 : i32
      %mul3A_1000 = arith.muli %and3A_998, %mul3A_999 : i32
      %mul3A_1001 = arith.constant 16 : i32
      %mul3A_1002 = arith.muli %scan3A_572, %mul3A_1001 : i32
      %add3A_1003 = arith.constant 11 : i32
      %add3A_1004 = arith.addi %mul3A_1002, %add3A_1003 : i32
      %get3A_1005 = arith.constant 0 : i32
      %get3A_1006 = arith.index_cast %get3A_1005 : i32 to index
      %get3A_1007 = arith.index_cast %add3A_1004 : i32 to index
      %get3A_1008 = arith.index_cast %mul3A_1000 : i32 to index
      %get3A_1009 = tpu.vector_load %arg7[%get3A_1006, %get3A_1007, %get3A_1008] {strides = array<i32>} : memref<2x128x128xf32, #tpu.memory_space<vmem>>, vector<1x1x16xf32>,
      %get3A_1010 = vector.shape_cast %get3A_1009 : vector<1x1x16xf32> to vector<16xf32>
      %add3A_1011 = arith.constant 0 : i32
      %add3A_1012 = arith.addi %add3A_1011, %add3A_1004 : i32
      %swap3A_1013 = arith.index_cast %add3A_1012 : i32 to index
      %swap3A_1014 = arith.constant 0 : index
      %swap3A_1015 = tpu.vector_load %arg8[%swap3A_1013, %swap3A_1014] {strides = array<i32>} : memref<512x32xf32, #tpu.memory_space<vmem>>, vector<1x16xf32>,
      %swap3A_1016 = vector.shape_cast %swap3A_1015 : vector<1x16xf32> to vector<16xf32>
      %swap3A_1017 = vector.shape_cast %get3A_1010 : vector<16xf32> to vector<1x16xf32>
      tpu.vector_store %arg8[%swap3A_1013, %swap3A_1014], %swap3A_1017 {strides = array<i32>} : memref<512x32xf32, #tpu.memory_space<vmem>>, vector<1x16xf32>,
      %add3A_1018 = arith.constant 16 : i32
      %add3A_1019 = arith.addi %mul3A_1000, %add3A_1018 : i32
      %get3A_1020 = arith.constant 0 : i32
      %get3A_1021 = arith.index_cast %get3A_1020 : i32 to index
      %get3A_1022 = arith.index_cast %add3A_1004 : i32 to index
      %get3A_1023 = arith.index_cast %add3A_1019 : i32 to index
      %get3A_1024 = tpu.vector_load %arg7[%get3A_1021, %get3A_1022, %get3A_1023] {strides = array<i32>} : memref<2x128x128xf32, #tpu.memory_space<vmem>>, vector<1x1x16xf32>,
      %get3A_1025 = vector.shape_cast %get3A_1024 : vector<1x1x16xf32> to vector<16xf32>
      %add3A_1026 = arith.constant 0 : i32
      %add3A_1027 = arith.addi %add3A_1026, %add3A_1004 : i32
      %swap3A_1028 = arith.index_cast %add3A_1027 : i32 to index
      %swap3A_1029 = arith.constant 16 : index
      %swap3A_1030 = tpu.vector_load %arg8[%swap3A_1028, %swap3A_1029] {strides = array<i32>} : memref<512x32xf32, #tpu.memory_space<vmem>>, vector<1x16xf32>,
      %swap3A_1031 = vector.shape_cast %swap3A_1030 : vector<1x16xf32> to vector<16xf32>
      %swap3A_1032 = vector.shape_cast %get3A_1025 : vector<16xf32> to vector<1x16xf32>
      tpu.vector_store %arg8[%swap3A_1028, %swap3A_1029], %swap3A_1032 {strides = array<i32>} : memref<512x32xf32, #tpu.memory_space<vmem>>, vector<1x16xf32>,
      %slice3A_1033 = vector.extract_strided_slice %get3A_579 {offsets = [12], sizes = [1], strides = [1]} : vector<16xi32> to vector<1xi32>
      %squeeze3A_1034 = vector.extract %slice3A_1033[0] : i32 from vector<1xi32>
      %and3A_1035 = arith.constant 3 : i32
      %and3A_1036 = arith.andi %squeeze3A_1034, %and3A_1035 : i32
      %mul3A_1037 = arith.constant 32 : i32
      %mul3A_1038 = arith.muli %and3A_1036, %mul3A_1037 : i32
      %mul3A_1039 = arith.constant 16 : i32
      %mul3A_1040 = arith.muli %scan3A_572, %mul3A_1039 : i32
      %add3A_1041 = arith.constant 12 : i32
      %add3A_1042 = arith.addi %mul3A_1040, %add3A_1041 : i32
      %get3A_1043 = arith.constant 0 : i32
      %get3A_1044 = arith.index_cast %get3A_1043 : i32 to index
      %get3A_1045 = arith.index_cast %add3A_1042 : i32 to index
      %get3A_1046 = arith.index_cast %mul3A_1038 : i32 to index
      %get3A_1047 = tpu.vector_load %arg7[%get3A_1044, %get3A_1045, %get3A_1046] {strides = array<i32>} : memref<2x128x128xf32, #tpu.memory_space<vmem>>, vector<1x1x16xf32>,
      %get3A_1048 = vector.shape_cast %get3A_1047 : vector<1x1x16xf32> to vector<16xf32>
      %add3A_1049 = arith.constant 0 : i32
      %add3A_1050 = arith.addi %add3A_1049, %add3A_1042 : i32
      %swap3A_1051 = arith.index_cast %add3A_1050 : i32 to index
      %swap3A_1052 = arith.constant 0 : index
      %swap3A_1053 = tpu.vector_load %arg8[%swap3A_1051, %swap3A_1052] {strides = array<i32>} : memref<512x32xf32, #tpu.memory_space<vmem>>, vector<1x16xf32>,
      %swap3A_1054 = vector.shape_cast %swap3A_1053 : vector<1x16xf32> to vector<16xf32>
      %swap3A_1055 = vector.shape_cast %get3A_1048 : vector<16xf32> to vector<1x16xf32>
      tpu.vector_store %arg8[%swap3A_1051, %swap3A_1052], %swap3A_1055 {strides = array<i32>} : memref<512x32xf32, #tpu.memory_space<vmem>>, vector<1x16xf32>,
      %add3A_1056 = arith.constant 16 : i32
      %add3A_1057 = arith.addi %mul3A_1038, %add3A_1056 : i32
      %get3A_1058 = arith.constant 0 : i32
      %get3A_1059 = arith.index_cast %get3A_1058 : i32 to index
      %get3A_1060 = arith.index_cast %add3A_1042 : i32 to index
      %get3A_1061 = arith.index_cast %add3A_1057 : i32 to index
      %get3A_1062 = tpu.vector_load %arg7[%get3A_1059, %get3A_1060, %get3A_1061] {strides = array<i32>} : memref<2x128x128xf32, #tpu.memory_space<vmem>>, vector<1x1x16xf32>,
      %get3A_1063 = vector.shape_cast %get3A_1062 : vector<1x1x16xf32> to vector<16xf32>
      %add3A_1064 = arith.constant 0 : i32
      %add3A_1065 = arith.addi %add3A_1064, %add3A_1042 : i32
      %swap3A_1066 = arith.index_cast %add3A_1065 : i32 to index
      %swap3A_1067 = arith.constant 16 : index
      %swap3A_1068 = tpu.vector_load %arg8[%swap3A_1066, %swap3A_1067] {strides = array<i32>} : memref<512x32xf32, #tpu.memory_space<vmem>>, vector<1x16xf32>,
      %swap3A_1069 = vector.shape_cast %swap3A_1068 : vector<1x16xf32> to vector<16xf32>
      %swap3A_1070 = vector.shape_cast %get3A_1063 : vector<16xf32> to vector<1x16xf32>
      tpu.vector_store %arg8[%swap3A_1066, %swap3A_1067], %swap3A_1070 {strides = array<i32>} : memref<512x32xf32, #tpu.memory_space<vmem>>, vector<1x16xf32>,
      %slice3A_1071 = vector.extract_strided_slice %get3A_579 {offsets = [13], sizes = [1], strides = [1]} : vector<16xi32> to vector<1xi32>
      %squeeze3A_1072 = vector.extract %slice3A_1071[0] : i32 from vector<1xi32>
      %and3A_1073 = arith.constant 3 : i32
      %and3A_1074 = arith.andi %squeeze3A_1072, %and3A_1073 : i32
      %mul3A_1075 = arith.constant 32 : i32
      %mul3A_1076 = arith.muli %and3A_1074, %mul3A_1075 : i32
      %mul3A_1077 = arith.constant 16 : i32
      %mul3A_1078 = arith.muli %scan3A_572, %mul3A_1077 : i32
      %add3A_1079 = arith.constant 13 : i32
      %add3A_1080 = arith.addi %mul3A_1078, %add3A_1079 : i32
      %get3A_1081 = arith.constant 0 : i32
      %get3A_1082 = arith.index_cast %get3A_1081 : i32 to index
      %get3A_1083 = arith.index_cast %add3A_1080 : i32 to index
      %get3A_1084 = arith.index_cast %mul3A_1076 : i32 to index
      %get3A_1085 = tpu.vector_load %arg7[%get3A_1082, %get3A_1083, %get3A_1084] {strides = array<i32>} : memref<2x128x128xf32, #tpu.memory_space<vmem>>, vector<1x1x16xf32>,
      %get3A_1086 = vector.shape_cast %get3A_1085 : vector<1x1x16xf32> to vector<16xf32>
      %add3A_1087 = arith.constant 0 : i32
      %add3A_1088 = arith.addi %add3A_1087, %add3A_1080 : i32
      %swap3A_1089 = arith.index_cast %add3A_1088 : i32 to index
      %swap3A_1090 = arith.constant 0 : index
      %swap3A_1091 = tpu.vector_load %arg8[%swap3A_1089, %swap3A_1090] {strides = array<i32>} : memref<512x32xf32, #tpu.memory_space<vmem>>, vector<1x16xf32>,
      %swap3A_1092 = vector.shape_cast %swap3A_1091 : vector<1x16xf32> to vector<16xf32>
      %swap3A_1093 = vector.shape_cast %get3A_1086 : vector<16xf32> to vector<1x16xf32>
      tpu.vector_store %arg8[%swap3A_1089, %swap3A_1090], %swap3A_1093 {strides = array<i32>} : memref<512x32xf32, #tpu.memory_space<vmem>>, vector<1x16xf32>,
      %add3A_1094 = arith.constant 16 : i32
      %add3A_1095 = arith.addi %mul3A_1076, %add3A_1094 : i32
      %get3A_1096 = arith.constant 0 : i32
      %get3A_1097 = arith.index_cast %get3A_1096 : i32 to index
      %get3A_1098 = arith.index_cast %add3A_1080 : i32 to index
      %get3A_1099 = arith.index_cast %add3A_1095 : i32 to index
      %get3A_1100 = tpu.vector_load %arg7[%get3A_1097, %get3A_1098, %get3A_1099] {strides = array<i32>} : memref<2x128x128xf32, #tpu.memory_space<vmem>>, vector<1x1x16xf32>,
      %get3A_1101 = vector.shape_cast %get3A_1100 : vector<1x1x16xf32> to vector<16xf32>
      %add3A_1102 = arith.constant 0 : i32
      %add3A_1103 = arith.addi %add3A_1102, %add3A_1080 : i32
      %swap3A_1104 = arith.index_cast %add3A_1103 : i32 to index
      %swap3A_1105 = arith.constant 16 : index
      %swap3A_1106 = tpu.vector_load %arg8[%swap3A_1104, %swap3A_1105] {strides = array<i32>} : memref<512x32xf32, #tpu.memory_space<vmem>>, vector<1x16xf32>,
      %swap3A_1107 = vector.shape_cast %swap3A_1106 : vector<1x16xf32> to vector<16xf32>
      %swap3A_1108 = vector.shape_cast %get3A_1101 : vector<16xf32> to vector<1x16xf32>
      tpu.vector_store %arg8[%swap3A_1104, %swap3A_1105], %swap3A_1108 {strides = array<i32>} : memref<512x32xf32, #tpu.memory_space<vmem>>, vector<1x16xf32>,
      %slice3A_1109 = vector.extract_strided_slice %get3A_579 {offsets = [14], sizes = [1], strides = [1]} : vector<16xi32> to vector<1xi32>
      %squeeze3A_1110 = vector.extract %slice3A_1109[0] : i32 from vector<1xi32>
      %and3A_1111 = arith.constant 3 : i32
      %and3A_1112 = arith.andi %squeeze3A_1110, %and3A_1111 : i32
      %mul3A_1113 = arith.constant 32 : i32
      %mul3A_1114 = arith.muli %and3A_1112, %mul3A_1113 : i32
      %mul3A_1115 = arith.constant 16 : i32
      %mul3A_1116 = arith.muli %scan3A_572, %mul3A_1115 : i32
      %add3A_1117 = arith.constant 14 : i32
      %add3A_1118 = arith.addi %mul3A_1116, %add3A_1117 : i32
      %get3A_1119 = arith.constant 0 : i32
      %get3A_1120 = arith.index_cast %get3A_1119 : i32 to index
      %get3A_1121 = arith.index_cast %add3A_1118 : i32 to index
      %get3A_1122 = arith.index_cast %mul3A_1114 : i32 to index
      %get3A_1123 = tpu.vector_load %arg7[%get3A_1120, %get3A_1121, %get3A_1122] {strides = array<i32>} : memref<2x128x128xf32, #tpu.memory_space<vmem>>, vector<1x1x16xf32>,
      %get3A_1124 = vector.shape_cast %get3A_1123 : vector<1x1x16xf32> to vector<16xf32>
      %add3A_1125 = arith.constant 0 : i32
      %add3A_1126 = arith.addi %add3A_1125, %add3A_1118 : i32
      %swap3A_1127 = arith.index_cast %add3A_1126 : i32 to index
      %swap3A_1128 = arith.constant 0 : index
      %swap3A_1129 = tpu.vector_load %arg8[%swap3A_1127, %swap3A_1128] {strides = array<i32>} : memref<512x32xf32, #tpu.memory_space<vmem>>, vector<1x16xf32>,
      %swap3A_1130 = vector.shape_cast %swap3A_1129 : vector<1x16xf32> to vector<16xf32>
      %swap3A_1131 = vector.shape_cast %get3A_1124 : vector<16xf32> to vector<1x16xf32>
      tpu.vector_store %arg8[%swap3A_1127, %swap3A_1128], %swap3A_1131 {strides = array<i32>} : memref<512x32xf32, #tpu.memory_space<vmem>>, vector<1x16xf32>,
      %add3A_1132 = arith.constant 16 : i32
      %add3A_1133 = arith.addi %mul3A_1114, %add3A_1132 : i32
      %get3A_1134 = arith.constant 0 : i32
      %get3A_1135 = arith.index_cast %get3A_1134 : i32 to index
      %get3A_1136 = arith.index_cast %add3A_1118 : i32 to index
      %get3A_1137 = arith.index_cast %add3A_1133 : i32 to index
      %get3A_1138 = tpu.vector_load %arg7[%get3A_1135, %get3A_1136, %get3A_1137] {strides = array<i32>} : memref<2x128x128xf32, #tpu.memory_space<vmem>>, vector<1x1x16xf32>,
      %get3A_1139 = vector.shape_cast %get3A_1138 : vector<1x1x16xf32> to vector<16xf32>
      %add3A_1140 = arith.constant 0 : i32
      %add3A_1141 = arith.addi %add3A_1140, %add3A_1118 : i32
      %swap3A_1142 = arith.index_cast %add3A_1141 : i32 to index
      %swap3A_1143 = arith.constant 16 : index
      %swap3A_1144 = tpu.vector_load %arg8[%swap3A_1142, %swap3A_1143] {strides = array<i32>} : memref<512x32xf32, #tpu.memory_space<vmem>>, vector<1x16xf32>,
      %swap3A_1145 = vector.shape_cast %swap3A_1144 : vector<1x16xf32> to vector<16xf32>
      %swap3A_1146 = vector.shape_cast %get3A_1139 : vector<16xf32> to vector<1x16xf32>
      tpu.vector_store %arg8[%swap3A_1142, %swap3A_1143], %swap3A_1146 {strides = array<i32>} : memref<512x32xf32, #tpu.memory_space<vmem>>, vector<1x16xf32>,
      %slice3A_1147 = vector.extract_strided_slice %get3A_579 {offsets = [15], sizes = [1], strides = [1]} : vector<16xi32> to vector<1xi32>
      %squeeze3A_1148 = vector.extract %slice3A_1147[0] : i32 from vector<1xi32>
      %and3A_1149 = arith.constant 3 : i32
      %and3A_1150 = arith.andi %squeeze3A_1148, %and3A_1149 : i32
      %mul3A_1151 = arith.constant 32 : i32
      %mul3A_1152 = arith.muli %and3A_1150, %mul3A_1151 : i32
      %mul3A_1153 = arith.constant 16 : i32
      %mul3A_1154 = arith.muli %scan3A_572, %mul3A_1153 : i32
      %add3A_1155 = arith.constant 15 : i32
      %add3A_1156 = arith.addi %mul3A_1154, %add3A_1155 : i32
      %get3A_1157 = arith.constant 0 : i32
      %get3A_1158 = arith.index_cast %get3A_1157 : i32 to index
      %get3A_1159 = arith.index_cast %add3A_1156 : i32 to index
      %get3A_1160 = arith.index_cast %mul3A_1152 : i32 to index
      %get3A_1161 = tpu.vector_load %arg7[%get3A_1158, %get3A_1159, %get3A_1160] {strides = array<i32>} : memref<2x128x128xf32, #tpu.memory_space<vmem>>, vector<1x1x16xf32>,
      %get3A_1162 = vector.shape_cast %get3A_1161 : vector<1x1x16xf32> to vector<16xf32>
      %add3A_1163 = arith.constant 0 : i32
      %add3A_1164 = arith.addi %add3A_1163, %add3A_1156 : i32
      %swap3A_1165 = arith.index_cast %add3A_1164 : i32 to index
      %swap3A_1166 = arith.constant 0 : index
      %swap3A_1167 = tpu.vector_load %arg8[%swap3A_1165, %swap3A_1166] {strides = array<i32>} : memref<512x32xf32, #tpu.memory_space<vmem>>, vector<1x16xf32>,
      %swap3A_1168 = vector.shape_cast %swap3A_1167 : vector<1x16xf32> to vector<16xf32>
      %swap3A_1169 = vector.shape_cast %get3A_1162 : vector<16xf32> to vector<1x16xf32>
      tpu.vector_store %arg8[%swap3A_1165, %swap3A_1166], %swap3A_1169 {strides = array<i32>} : memref<512x32xf32, #tpu.memory_space<vmem>>, vector<1x16xf32>,
      %add3A_1170 = arith.constant 16 : i32
      %add3A_1171 = arith.addi %mul3A_1152, %add3A_1170 : i32
      %get3A_1172 = arith.constant 0 : i32
      %get3A_1173 = arith.index_cast %get3A_1172 : i32 to index
      %get3A_1174 = arith.index_cast %add3A_1156 : i32 to index
      %get3A_1175 = arith.index_cast %add3A_1171 : i32 to index
      %get3A_1176 = tpu.vector_load %arg7[%get3A_1173, %get3A_1174, %get3A_1175] {strides = array<i32>} : memref<2x128x128xf32, #tpu.memory_space<vmem>>, vector<1x1x16xf32>,
      %get3A_1177 = vector.shape_cast %get3A_1176 : vector<1x1x16xf32> to vector<16xf32>
      %add3A_1178 = arith.constant 0 : i32
      %add3A_1179 = arith.addi %add3A_1178, %add3A_1156 : i32
      %swap3A_1180 = arith.index_cast %add3A_1179 : i32 to index
      %swap3A_1181 = arith.constant 16 : index
      %swap3A_1182 = tpu.vector_load %arg8[%swap3A_1180, %swap3A_1181] {strides = array<i32>} : memref<512x32xf32, #tpu.memory_space<vmem>>, vector<1x16xf32>,
      %swap3A_1183 = vector.shape_cast %swap3A_1182 : vector<1x16xf32> to vector<16xf32>
      %swap3A_1184 = vector.shape_cast %get3A_1177 : vector<16xf32> to vector<1x16xf32>
      tpu.vector_store %arg8[%swap3A_1180, %swap3A_1181], %swap3A_1184 {strides = array<i32>} : memref<512x32xf32, #tpu.memory_space<vmem>>, vector<1x16xf32>,
    }
    %scan3A_496 = arith.constant 8 : i32
    %dma_wait3A_497 = arith.constant 1 : i32
    %dma_wait3A_498 = arith.constant 1 : i32
    %dma_wait3A_499 = arith.constant 0 : i32
    %dma_wait3A_500 = arith.constant 0 : i32
    %dma_wait3A_501 = tpu.memref_slice %arg7[%dma_wait3A_498, %dma_wait3A_499, %dma_wait3A_500] : memref<2x128x128xf32, #tpu.memory_space<vmem>> -> memref<1x128x128xf32, #tpu.memory_space<vmem>>
    %dma_wait3A_502 = tpu.memref_squeeze %dma_wait3A_501 : memref<1x128x128xf32, #tpu.memory_space<vmem>> -> memref<128x128xf32, #tpu.memory_space<vmem>>
    %dma_wait3A_503 = arith.constant 0 : i32
    %dma_wait3A_504 = tpu.memref_slice %arg6[%dma_wait3A_497, %dma_wait3A_503] : memref<4x128xi32, #tpu.memory_space<vmem>> -> memref<1x128xi32, #tpu.memory_space<vmem>>
    %dma_wait3A_505 = tpu.memref_squeeze %dma_wait3A_504 : memref<1x128xi32, #tpu.memory_space<vmem>> -> memref<128xi32, #tpu.memory_space<vmem>>
    %dma_wait3A_506 = arith.constant 0 : i32
    %dma_wait3A_507 = arith.constant 0 : i32
    %dma_wait3A_508 = tpu.memref_slice %arg3[%dma_wait3A_506, %dma_wait3A_507] : memref<250000x128xf32, #tpu.memory_space<hbm>> -> memref<250000x128xf32, #tpu.memory_space<hbm>>
    tpu.wait_indirect_dma semaphore(%arg9 : memref<!tpu.dma_semaphore, #tpu.memory_space<semaphore_mem>>) src(%dma_wait3A_508 : memref<250000x128xf32, #tpu.memory_space<hbm>>) dst(%dma_wait3A_502 : memref<128x128xf32, #tpu.memory_space<vmem>>)
    %dma_start3A_509 = arith.constant 2 : i32
    %dma_start3A_510 = arith.constant 0 : i32
    %dma_start3A_511 = arith.constant 0 : i32
    %dma_start3A_512 = arith.constant 0 : i32
    %dma_start3A_513 = tpu.memref_slice %arg7[%dma_start3A_510, %dma_start3A_511, %dma_start3A_512] : memref<2x128x128xf32, #tpu.memory_space<vmem>> -> memref<1x128x128xf32, #tpu.memory_space<vmem>>
    %dma_start3A_514 = tpu.memref_squeeze %dma_start3A_513 : memref<1x128x128xf32, #tpu.memory_space<vmem>> -> memref<128x128xf32, #tpu.memory_space<vmem>>
    %dma_start3A_515 = arith.constant 0 : i32
    %dma_start3A_516 = tpu.memref_slice %arg6[%dma_start3A_509, %dma_start3A_515] : memref<4x128xi32, #tpu.memory_space<vmem>> -> memref<1x128xi32, #tpu.memory_space<vmem>>
    %dma_start3A_517 = tpu.memref_squeeze %dma_start3A_516 : memref<1x128xi32, #tpu.memory_space<vmem>> -> memref<128xi32, #tpu.memory_space<vmem>>
    %dma_start3A_518 = arith.constant 0 : i32
    %dma_start3A_519 = arith.constant 0 : i32
    %dma_start3A_520 = tpu.memref_slice %arg3[%dma_start3A_518, %dma_start3A_519] : memref<250000x128xf32, #tpu.memory_space<hbm>> -> memref<250000x128xf32, #tpu.memory_space<hbm>>
    tpu.enqueue_indirect_dma source(%dma_start3A_520 : memref<250000x128xf32, #tpu.memory_space<hbm>>) target(%dma_start3A_514 : memref<128x128xf32, #tpu.memory_space<vmem>>) offsets(%dma_start3A_517 : memref<128xi32, #tpu.memory_space<vmem>>) semaphore(%arg9 : memref<!tpu.dma_semaphore, #tpu.memory_space<semaphore_mem>>)
    %scan3A_521 = arith.constant 0 : i32
    %scan3A_522 = arith.constant 8 : i32
    %scan3A_523 = arith.addi %scan3A_521, %scan3A_522 : i32
    %scan3A_524 = arith.constant 1 : i32
    scf.for %scan3A_572 = %scan3A_521 to %scan3A_523 step %scan3A_524  : i32 {
      %mul3A_573 = arith.constant 16 : i32
      %mul3A_574 = arith.muli %scan3A_572, %mul3A_573 : i32
      %get3A_575 = arith.constant 1 : i32
      %get3A_576 = arith.index_cast %get3A_575 : i32 to index
      %get3A_577 = arith.index_cast %mul3A_574 : i32 to index
      %get3A_578 = tpu.vector_load %arg5[%get3A_576, %get3A_577] {strides = array<i32>} : memref<4x128xi32, #tpu.memory_space<vmem>>, vector<1x16xi32>,
      %get3A_579 = vector.shape_cast %get3A_578 : vector<1x16xi32> to vector<16xi32>
      %slice3A = vector.extract_strided_slice %get3A_579 {offsets = [0], sizes = [1], strides = [1]} : vector<16xi32> to vector<1xi32>
      %squeeze3A = vector.extract %slice3A[0] : i32 from vector<1xi32>
      %and3A = arith.constant 3 : i32
      %and3A_580 = arith.andi %squeeze3A, %and3A : i32
      %mul3A_581 = arith.constant 32 : i32
      %mul3A_582 = arith.muli %and3A_580, %mul3A_581 : i32
      %mul3A_583 = arith.constant 16 : i32
      %mul3A_584 = arith.muli %scan3A_572, %mul3A_583 : i32
      %add3A_585 = arith.constant 0 : i32
      %add3A_586 = arith.addi %mul3A_584, %add3A_585 : i32
      %get3A_587 = arith.constant 1 : i32
      %get3A_588 = arith.index_cast %get3A_587 : i32 to index
      %get3A_589 = arith.index_cast %add3A_586 : i32 to index
      %get3A_590 = arith.index_cast %mul3A_582 : i32 to index
      %get3A_591 = tpu.vector_load %arg7[%get3A_588, %get3A_589, %get3A_590] {strides = array<i32>} : memref<2x128x128xf32, #tpu.memory_space<vmem>>, vector<1x1x16xf32>,
      %get3A_592 = vector.shape_cast %get3A_591 : vector<1x1x16xf32> to vector<16xf32>
      %add3A_593 = arith.constant 128 : i32
      %add3A_594 = arith.addi %add3A_593, %add3A_586 : i32
      %swap3A_595 = arith.index_cast %add3A_594 : i32 to index
      %swap3A_596 = arith.constant 0 : index
      %swap3A_597 = tpu.vector_load %arg8[%swap3A_595, %swap3A_596] {strides = array<i32>} : memref<512x32xf32, #tpu.memory_space<vmem>>, vector<1x16xf32>,
      %swap3A_598 = vector.shape_cast %swap3A_597 : vector<1x16xf32> to vector<16xf32>
      %swap3A_599 = vector.shape_cast %get3A_592 : vector<16xf32> to vector<1x16xf32>
      tpu.vector_store %arg8[%swap3A_595, %swap3A_596], %swap3A_599 {strides = array<i32>} : memref<512x32xf32, #tpu.memory_space<vmem>>, vector<1x16xf32>,
      %add3A_600 = arith.constant 16 : i32
      %add3A_601 = arith.addi %mul3A_582, %add3A_600 : i32
      %get3A_602 = arith.constant 1 : i32
      %get3A_603 = arith.index_cast %get3A_602 : i32 to index
      %get3A_604 = arith.index_cast %add3A_586 : i32 to index
      %get3A_605 = arith.index_cast %add3A_601 : i32 to index
      %get3A_606 = tpu.vector_load %arg7[%get3A_603, %get3A_604, %get3A_605] {strides = array<i32>} : memref<2x128x128xf32, #tpu.memory_space<vmem>>, vector<1x1x16xf32>,
      %get3A_607 = vector.shape_cast %get3A_606 : vector<1x1x16xf32> to vector<16xf32>
      %add3A_608 = arith.constant 128 : i32
      %add3A_609 = arith.addi %add3A_608, %add3A_586 : i32
      %swap3A_610 = arith.index_cast %add3A_609 : i32 to index
      %swap3A_611 = arith.constant 16 : index
      %swap3A_612 = tpu.vector_load %arg8[%swap3A_610, %swap3A_611] {strides = array<i32>} : memref<512x32xf32, #tpu.memory_space<vmem>>, vector<1x16xf32>,
      %swap3A_613 = vector.shape_cast %swap3A_612 : vector<1x16xf32> to vector<16xf32>
      %swap3A_614 = vector.shape_cast %get3A_607 : vector<16xf32> to vector<1x16xf32>
      tpu.vector_store %arg8[%swap3A_610, %swap3A_611], %swap3A_614 {strides = array<i32>} : memref<512x32xf32, #tpu.memory_space<vmem>>, vector<1x16xf32>,
      %slice3A_615 = vector.extract_strided_slice %get3A_579 {offsets = [1], sizes = [1], strides = [1]} : vector<16xi32> to vector<1xi32>
      %squeeze3A_616 = vector.extract %slice3A_615[0] : i32 from vector<1xi32>
      %and3A_617 = arith.constant 3 : i32
      %and3A_618 = arith.andi %squeeze3A_616, %and3A_617 : i32
      %mul3A_619 = arith.constant 32 : i32
      %mul3A_620 = arith.muli %and3A_618, %mul3A_619 : i32
      %mul3A_621 = arith.constant 16 : i32
      %mul3A_622 = arith.muli %scan3A_572, %mul3A_621 : i32
      %add3A_623 = arith.constant 1 : i32
      %add3A_624 = arith.addi %mul3A_622, %add3A_623 : i32
      %get3A_625 = arith.constant 1 : i32
      %get3A_626 = arith.index_cast %get3A_625 : i32 to index
      %get3A_627 = arith.index_cast %add3A_624 : i32 to index
      %get3A_628 = arith.index_cast %mul3A_620 : i32 to index
      %get3A_629 = tpu.vector_load %arg7[%get3A_626, %get3A_627, %get3A_628] {strides = array<i32>} : memref<2x128x128xf32, #tpu.memory_space<vmem>>, vector<1x1x16xf32>,
      %get3A_630 = vector.shape_cast %get3A_629 : vector<1x1x16xf32> to vector<16xf32>
      %add3A_631 = arith.constant 128 : i32
      %add3A_632 = arith.addi %add3A_631, %add3A_624 : i32
      %swap3A_633 = arith.index_cast %add3A_632 : i32 to index
      %swap3A_634 = arith.constant 0 : index
      %swap3A_635 = tpu.vector_load %arg8[%swap3A_633, %swap3A_634] {strides = array<i32>} : memref<512x32xf32, #tpu.memory_space<vmem>>, vector<1x16xf32>,
      %swap3A_636 = vector.shape_cast %swap3A_635 : vector<1x16xf32> to vector<16xf32>
      %swap3A_637 = vector.shape_cast %get3A_630 : vector<16xf32> to vector<1x16xf32>
      tpu.vector_store %arg8[%swap3A_633, %swap3A_634], %swap3A_637 {strides = array<i32>} : memref<512x32xf32, #tpu.memory_space<vmem>>, vector<1x16xf32>,
      %add3A_638 = arith.constant 16 : i32
      %add3A_639 = arith.addi %mul3A_620, %add3A_638 : i32
      %get3A_640 = arith.constant 1 : i32
      %get3A_641 = arith.index_cast %get3A_640 : i32 to index
      %get3A_642 = arith.index_cast %add3A_624 : i32 to index
      %get3A_643 = arith.index_cast %add3A_639 : i32 to index
      %get3A_644 = tpu.vector_load %arg7[%get3A_641, %get3A_642, %get3A_643] {strides = array<i32>} : memref<2x128x128xf32, #tpu.memory_space<vmem>>, vector<1x1x16xf32>,
      %get3A_645 = vector.shape_cast %get3A_644 : vector<1x1x16xf32> to vector<16xf32>
      %add3A_646 = arith.constant 128 : i32
      %add3A_647 = arith.addi %add3A_646, %add3A_624 : i32
      %swap3A_648 = arith.index_cast %add3A_647 : i32 to index
      %swap3A_649 = arith.constant 16 : index
      %swap3A_650 = tpu.vector_load %arg8[%swap3A_648, %swap3A_649] {strides = array<i32>} : memref<512x32xf32, #tpu.memory_space<vmem>>, vector<1x16xf32>,
      %swap3A_651 = vector.shape_cast %swap3A_650 : vector<1x16xf32> to vector<16xf32>
      %swap3A_652 = vector.shape_cast %get3A_645 : vector<16xf32> to vector<1x16xf32>
      tpu.vector_store %arg8[%swap3A_648, %swap3A_649], %swap3A_652 {strides = array<i32>} : memref<512x32xf32, #tpu.memory_space<vmem>>, vector<1x16xf32>,
      %slice3A_653 = vector.extract_strided_slice %get3A_579 {offsets = [2], sizes = [1], strides = [1]} : vector<16xi32> to vector<1xi32>
      %squeeze3A_654 = vector.extract %slice3A_653[0] : i32 from vector<1xi32>
      %and3A_655 = arith.constant 3 : i32
      %and3A_656 = arith.andi %squeeze3A_654, %and3A_655 : i32
      %mul3A_657 = arith.constant 32 : i32
      %mul3A_658 = arith.muli %and3A_656, %mul3A_657 : i32
      %mul3A_659 = arith.constant 16 : i32
      %mul3A_660 = arith.muli %scan3A_572, %mul3A_659 : i32
      %add3A_661 = arith.constant 2 : i32
      %add3A_662 = arith.addi %mul3A_660, %add3A_661 : i32
      %get3A_663 = arith.constant 1 : i32
      %get3A_664 = arith.index_cast %get3A_663 : i32 to index
      %get3A_665 = arith.index_cast %add3A_662 : i32 to index
      %get3A_666 = arith.index_cast %mul3A_658 : i32 to index
      %get3A_667 = tpu.vector_load %arg7[%get3A_664, %get3A_665, %get3A_666] {strides = array<i32>} : memref<2x128x128xf32, #tpu.memory_space<vmem>>, vector<1x1x16xf32>,
      %get3A_668 = vector.shape_cast %get3A_667 : vector<1x1x16xf32> to vector<16xf32>
      %add3A_669 = arith.constant 128 : i32
      %add3A_670 = arith.addi %add3A_669, %add3A_662 : i32
      %swap3A_671 = arith.index_cast %add3A_670 : i32 to index
      %swap3A_672 = arith.constant 0 : index
      %swap3A_673 = tpu.vector_load %arg8[%swap3A_671, %swap3A_672] {strides = array<i32>} : memref<512x32xf32, #tpu.memory_space<vmem>>, vector<1x16xf32>,
      %swap3A_674 = vector.shape_cast %swap3A_673 : vector<1x16xf32> to vector<16xf32>
      %swap3A_675 = vector.shape_cast %get3A_668 : vector<16xf32> to vector<1x16xf32>
      tpu.vector_store %arg8[%swap3A_671, %swap3A_672], %swap3A_675 {strides = array<i32>} : memref<512x32xf32, #tpu.memory_space<vmem>>, vector<1x16xf32>,
      %add3A_676 = arith.constant 16 : i32
      %add3A_677 = arith.addi %mul3A_658, %add3A_676 : i32
      %get3A_678 = arith.constant 1 : i32
      %get3A_679 = arith.index_cast %get3A_678 : i32 to index
      %get3A_680 = arith.index_cast %add3A_662 : i32 to index
      %get3A_681 = arith.index_cast %add3A_677 : i32 to index
      %get3A_682 = tpu.vector_load %arg7[%get3A_679, %get3A_680, %get3A_681] {strides = array<i32>} : memref<2x128x128xf32, #tpu.memory_space<vmem>>, vector<1x1x16xf32>,
      %get3A_683 = vector.shape_cast %get3A_682 : vector<1x1x16xf32> to vector<16xf32>
      %add3A_684 = arith.constant 128 : i32
      %add3A_685 = arith.addi %add3A_684, %add3A_662 : i32
      %swap3A_686 = arith.index_cast %add3A_685 : i32 to index
      %swap3A_687 = arith.constant 16 : index
      %swap3A_688 = tpu.vector_load %arg8[%swap3A_686, %swap3A_687] {strides = array<i32>} : memref<512x32xf32, #tpu.memory_space<vmem>>, vector<1x16xf32>,
      %swap3A_689 = vector.shape_cast %swap3A_688 : vector<1x16xf32> to vector<16xf32>
      %swap3A_690 = vector.shape_cast %get3A_683 : vector<16xf32> to vector<1x16xf32>
      tpu.vector_store %arg8[%swap3A_686, %swap3A_687], %swap3A_690 {strides = array<i32>} : memref<512x32xf32, #tpu.memory_space<vmem>>, vector<1x16xf32>,
      %slice3A_691 = vector.extract_strided_slice %get3A_579 {offsets = [3], sizes = [1], strides = [1]} : vector<16xi32> to vector<1xi32>
      %squeeze3A_692 = vector.extract %slice3A_691[0] : i32 from vector<1xi32>
      %and3A_693 = arith.constant 3 : i32
      %and3A_694 = arith.andi %squeeze3A_692, %and3A_693 : i32
      %mul3A_695 = arith.constant 32 : i32
      %mul3A_696 = arith.muli %and3A_694, %mul3A_695 : i32
      %mul3A_697 = arith.constant 16 : i32
      %mul3A_698 = arith.muli %scan3A_572, %mul3A_697 : i32
      %add3A_699 = arith.constant 3 : i32
      %add3A_700 = arith.addi %mul3A_698, %add3A_699 : i32
      %get3A_701 = arith.constant 1 : i32
      %get3A_702 = arith.index_cast %get3A_701 : i32 to index
      %get3A_703 = arith.index_cast %add3A_700 : i32 to index
      %get3A_704 = arith.index_cast %mul3A_696 : i32 to index
      %get3A_705 = tpu.vector_load %arg7[%get3A_702, %get3A_703, %get3A_704] {strides = array<i32>} : memref<2x128x128xf32, #tpu.memory_space<vmem>>, vector<1x1x16xf32>,
      %get3A_706 = vector.shape_cast %get3A_705 : vector<1x1x16xf32> to vector<16xf32>
      %add3A_707 = arith.constant 128 : i32
      %add3A_708 = arith.addi %add3A_707, %add3A_700 : i32
      %swap3A_709 = arith.index_cast %add3A_708 : i32 to index
      %swap3A_710 = arith.constant 0 : index
      %swap3A_711 = tpu.vector_load %arg8[%swap3A_709, %swap3A_710] {strides = array<i32>} : memref<512x32xf32, #tpu.memory_space<vmem>>, vector<1x16xf32>,
      %swap3A_712 = vector.shape_cast %swap3A_711 : vector<1x16xf32> to vector<16xf32>
      %swap3A_713 = vector.shape_cast %get3A_706 : vector<16xf32> to vector<1x16xf32>
      tpu.vector_store %arg8[%swap3A_709, %swap3A_710], %swap3A_713 {strides = array<i32>} : memref<512x32xf32, #tpu.memory_space<vmem>>, vector<1x16xf32>,
      %add3A_714 = arith.constant 16 : i32
      %add3A_715 = arith.addi %mul3A_696, %add3A_714 : i32
      %get3A_716 = arith.constant 1 : i32
      %get3A_717 = arith.index_cast %get3A_716 : i32 to index
      %get3A_718 = arith.index_cast %add3A_700 : i32 to index
      %get3A_719 = arith.index_cast %add3A_715 : i32 to index
      %get3A_720 = tpu.vector_load %arg7[%get3A_717, %get3A_718, %get3A_719] {strides = array<i32>} : memref<2x128x128xf32, #tpu.memory_space<vmem>>, vector<1x1x16xf32>,
      %get3A_721 = vector.shape_cast %get3A_720 : vector<1x1x16xf32> to vector<16xf32>
      %add3A_722 = arith.constant 128 : i32
      %add3A_723 = arith.addi %add3A_722, %add3A_700 : i32
      %swap3A_724 = arith.index_cast %add3A_723 : i32 to index
      %swap3A_725 = arith.constant 16 : index
      %swap3A_726 = tpu.vector_load %arg8[%swap3A_724, %swap3A_725] {strides = array<i32>} : memref<512x32xf32, #tpu.memory_space<vmem>>, vector<1x16xf32>,
      %swap3A_727 = vector.shape_cast %swap3A_726 : vector<1x16xf32> to vector<16xf32>
      %swap3A_728 = vector.shape_cast %get3A_721 : vector<16xf32> to vector<1x16xf32>
      tpu.vector_store %arg8[%swap3A_724, %swap3A_725], %swap3A_728 {strides = array<i32>} : memref<512x32xf32, #tpu.memory_space<vmem>>, vector<1x16xf32>,
      %slice3A_729 = vector.extract_strided_slice %get3A_579 {offsets = [4], sizes = [1], strides = [1]} : vector<16xi32> to vector<1xi32>
      %squeeze3A_730 = vector.extract %slice3A_729[0] : i32 from vector<1xi32>
      %and3A_731 = arith.constant 3 : i32
      %and3A_732 = arith.andi %squeeze3A_730, %and3A_731 : i32
      %mul3A_733 = arith.constant 32 : i32
      %mul3A_734 = arith.muli %and3A_732, %mul3A_733 : i32
      %mul3A_735 = arith.constant 16 : i32
      %mul3A_736 = arith.muli %scan3A_572, %mul3A_735 : i32
      %add3A_737 = arith.constant 4 : i32
      %add3A_738 = arith.addi %mul3A_736, %add3A_737 : i32
      %get3A_739 = arith.constant 1 : i32
      %get3A_740 = arith.index_cast %get3A_739 : i32 to index
      %get3A_741 = arith.index_cast %add3A_738 : i32 to index
      %get3A_742 = arith.index_cast %mul3A_734 : i32 to index
      %get3A_743 = tpu.vector_load %arg7[%get3A_740, %get3A_741, %get3A_742] {strides = array<i32>} : memref<2x128x128xf32, #tpu.memory_space<vmem>>, vector<1x1x16xf32>,
      %get3A_744 = vector.shape_cast %get3A_743 : vector<1x1x16xf32> to vector<16xf32>
      %add3A_745 = arith.constant 128 : i32
      %add3A_746 = arith.addi %add3A_745, %add3A_738 : i32
      %swap3A_747 = arith.index_cast %add3A_746 : i32 to index
      %swap3A_748 = arith.constant 0 : index
      %swap3A_749 = tpu.vector_load %arg8[%swap3A_747, %swap3A_748] {strides = array<i32>} : memref<512x32xf32, #tpu.memory_space<vmem>>, vector<1x16xf32>,
      %swap3A_750 = vector.shape_cast %swap3A_749 : vector<1x16xf32> to vector<16xf32>
      %swap3A_751 = vector.shape_cast %get3A_744 : vector<16xf32> to vector<1x16xf32>
      tpu.vector_store %arg8[%swap3A_747, %swap3A_748], %swap3A_751 {strides = array<i32>} : memref<512x32xf32, #tpu.memory_space<vmem>>, vector<1x16xf32>,
      %add3A_752 = arith.constant 16 : i32
      %add3A_753 = arith.addi %mul3A_734, %add3A_752 : i32
      %get3A_754 = arith.constant 1 : i32
      %get3A_755 = arith.index_cast %get3A_754 : i32 to index
      %get3A_756 = arith.index_cast %add3A_738 : i32 to index
      %get3A_757 = arith.index_cast %add3A_753 : i32 to index
      %get3A_758 = tpu.vector_load %arg7[%get3A_755, %get3A_756, %get3A_757] {strides = array<i32>} : memref<2x128x128xf32, #tpu.memory_space<vmem>>, vector<1x1x16xf32>,
      %get3A_759 = vector.shape_cast %get3A_758 : vector<1x1x16xf32> to vector<16xf32>
      %add3A_760 = arith.constant 128 : i32
      %add3A_761 = arith.addi %add3A_760, %add3A_738 : i32
      %swap3A_762 = arith.index_cast %add3A_761 : i32 to index
      %swap3A_763 = arith.constant 16 : index
      %swap3A_764 = tpu.vector_load %arg8[%swap3A_762, %swap3A_763] {strides = array<i32>} : memref<512x32xf32, #tpu.memory_space<vmem>>, vector<1x16xf32>,
      %swap3A_765 = vector.shape_cast %swap3A_764 : vector<1x16xf32> to vector<16xf32>
      %swap3A_766 = vector.shape_cast %get3A_759 : vector<16xf32> to vector<1x16xf32>
      tpu.vector_store %arg8[%swap3A_762, %swap3A_763], %swap3A_766 {strides = array<i32>} : memref<512x32xf32, #tpu.memory_space<vmem>>, vector<1x16xf32>,
      %slice3A_767 = vector.extract_strided_slice %get3A_579 {offsets = [5], sizes = [1], strides = [1]} : vector<16xi32> to vector<1xi32>
      %squeeze3A_768 = vector.extract %slice3A_767[0] : i32 from vector<1xi32>
      %and3A_769 = arith.constant 3 : i32
      %and3A_770 = arith.andi %squeeze3A_768, %and3A_769 : i32
      %mul3A_771 = arith.constant 32 : i32
      %mul3A_772 = arith.muli %and3A_770, %mul3A_771 : i32
      %mul3A_773 = arith.constant 16 : i32
      %mul3A_774 = arith.muli %scan3A_572, %mul3A_773 : i32
      %add3A_775 = arith.constant 5 : i32
      %add3A_776 = arith.addi %mul3A_774, %add3A_775 : i32
      %get3A_777 = arith.constant 1 : i32
      %get3A_778 = arith.index_cast %get3A_777 : i32 to index
      %get3A_779 = arith.index_cast %add3A_776 : i32 to index
      %get3A_780 = arith.index_cast %mul3A_772 : i32 to index
      %get3A_781 = tpu.vector_load %arg7[%get3A_778, %get3A_779, %get3A_780] {strides = array<i32>} : memref<2x128x128xf32, #tpu.memory_space<vmem>>, vector<1x1x16xf32>,
      %get3A_782 = vector.shape_cast %get3A_781 : vector<1x1x16xf32> to vector<16xf32>
      %add3A_783 = arith.constant 128 : i32
      %add3A_784 = arith.addi %add3A_783, %add3A_776 : i32
      %swap3A_785 = arith.index_cast %add3A_784 : i32 to index
      %swap3A_786 = arith.constant 0 : index
      %swap3A_787 = tpu.vector_load %arg8[%swap3A_785, %swap3A_786] {strides = array<i32>} : memref<512x32xf32, #tpu.memory_space<vmem>>, vector<1x16xf32>,
      %swap3A_788 = vector.shape_cast %swap3A_787 : vector<1x16xf32> to vector<16xf32>
      %swap3A_789 = vector.shape_cast %get3A_782 : vector<16xf32> to vector<1x16xf32>
      tpu.vector_store %arg8[%swap3A_785, %swap3A_786], %swap3A_789 {strides = array<i32>} : memref<512x32xf32, #tpu.memory_space<vmem>>, vector<1x16xf32>,
      %add3A_790 = arith.constant 16 : i32
      %add3A_791 = arith.addi %mul3A_772, %add3A_790 : i32
      %get3A_792 = arith.constant 1 : i32
      %get3A_793 = arith.index_cast %get3A_792 : i32 to index
      %get3A_794 = arith.index_cast %add3A_776 : i32 to index
      %get3A_795 = arith.index_cast %add3A_791 : i32 to index
      %get3A_796 = tpu.vector_load %arg7[%get3A_793, %get3A_794, %get3A_795] {strides = array<i32>} : memref<2x128x128xf32, #tpu.memory_space<vmem>>, vector<1x1x16xf32>,
      %get3A_797 = vector.shape_cast %get3A_796 : vector<1x1x16xf32> to vector<16xf32>
      %add3A_798 = arith.constant 128 : i32
      %add3A_799 = arith.addi %add3A_798, %add3A_776 : i32
      %swap3A_800 = arith.index_cast %add3A_799 : i32 to index
      %swap3A_801 = arith.constant 16 : index
      %swap3A_802 = tpu.vector_load %arg8[%swap3A_800, %swap3A_801] {strides = array<i32>} : memref<512x32xf32, #tpu.memory_space<vmem>>, vector<1x16xf32>,
      %swap3A_803 = vector.shape_cast %swap3A_802 : vector<1x16xf32> to vector<16xf32>
      %swap3A_804 = vector.shape_cast %get3A_797 : vector<16xf32> to vector<1x16xf32>
      tpu.vector_store %arg8[%swap3A_800, %swap3A_801], %swap3A_804 {strides = array<i32>} : memref<512x32xf32, #tpu.memory_space<vmem>>, vector<1x16xf32>,
      %slice3A_805 = vector.extract_strided_slice %get3A_579 {offsets = [6], sizes = [1], strides = [1]} : vector<16xi32> to vector<1xi32>
      %squeeze3A_806 = vector.extract %slice3A_805[0] : i32 from vector<1xi32>
      %and3A_807 = arith.constant 3 : i32
      %and3A_808 = arith.andi %squeeze3A_806, %and3A_807 : i32
      %mul3A_809 = arith.constant 32 : i32
      %mul3A_810 = arith.muli %and3A_808, %mul3A_809 : i32
      %mul3A_811 = arith.constant 16 : i32
      %mul3A_812 = arith.muli %scan3A_572, %mul3A_811 : i32
      %add3A_813 = arith.constant 6 : i32
      %add3A_814 = arith.addi %mul3A_812, %add3A_813 : i32
      %get3A_815 = arith.constant 1 : i32
      %get3A_816 = arith.index_cast %get3A_815 : i32 to index
      %get3A_817 = arith.index_cast %add3A_814 : i32 to index
      %get3A_818 = arith.index_cast %mul3A_810 : i32 to index
      %get3A_819 = tpu.vector_load %arg7[%get3A_816, %get3A_817, %get3A_818] {strides = array<i32>} : memref<2x128x128xf32, #tpu.memory_space<vmem>>, vector<1x1x16xf32>,
      %get3A_820 = vector.shape_cast %get3A_819 : vector<1x1x16xf32> to vector<16xf32>
      %add3A_821 = arith.constant 128 : i32
      %add3A_822 = arith.addi %add3A_821, %add3A_814 : i32
      %swap3A_823 = arith.index_cast %add3A_822 : i32 to index
      %swap3A_824 = arith.constant 0 : index
      %swap3A_825 = tpu.vector_load %arg8[%swap3A_823, %swap3A_824] {strides = array<i32>} : memref<512x32xf32, #tpu.memory_space<vmem>>, vector<1x16xf32>,
      %swap3A_826 = vector.shape_cast %swap3A_825 : vector<1x16xf32> to vector<16xf32>
      %swap3A_827 = vector.shape_cast %get3A_820 : vector<16xf32> to vector<1x16xf32>
      tpu.vector_store %arg8[%swap3A_823, %swap3A_824], %swap3A_827 {strides = array<i32>} : memref<512x32xf32, #tpu.memory_space<vmem>>, vector<1x16xf32>,
      %add3A_828 = arith.constant 16 : i32
      %add3A_829 = arith.addi %mul3A_810, %add3A_828 : i32
      %get3A_830 = arith.constant 1 : i32
      %get3A_831 = arith.index_cast %get3A_830 : i32 to index
      %get3A_832 = arith.index_cast %add3A_814 : i32 to index
      %get3A_833 = arith.index_cast %add3A_829 : i32 to index
      %get3A_834 = tpu.vector_load %arg7[%get3A_831, %get3A_832, %get3A_833] {strides = array<i32>} : memref<2x128x128xf32, #tpu.memory_space<vmem>>, vector<1x1x16xf32>,
      %get3A_835 = vector.shape_cast %get3A_834 : vector<1x1x16xf32> to vector<16xf32>
      %add3A_836 = arith.constant 128 : i32
      %add3A_837 = arith.addi %add3A_836, %add3A_814 : i32
      %swap3A_838 = arith.index_cast %add3A_837 : i32 to index
      %swap3A_839 = arith.constant 16 : index
      %swap3A_840 = tpu.vector_load %arg8[%swap3A_838, %swap3A_839] {strides = array<i32>} : memref<512x32xf32, #tpu.memory_space<vmem>>, vector<1x16xf32>,
      %swap3A_841 = vector.shape_cast %swap3A_840 : vector<1x16xf32> to vector<16xf32>
      %swap3A_842 = vector.shape_cast %get3A_835 : vector<16xf32> to vector<1x16xf32>
      tpu.vector_store %arg8[%swap3A_838, %swap3A_839], %swap3A_842 {strides = array<i32>} : memref<512x32xf32, #tpu.memory_space<vmem>>, vector<1x16xf32>,
      %slice3A_843 = vector.extract_strided_slice %get3A_579 {offsets = [7], sizes = [1], strides = [1]} : vector<16xi32> to vector<1xi32>
      %squeeze3A_844 = vector.extract %slice3A_843[0] : i32 from vector<1xi32>
      %and3A_845 = arith.constant 3 : i32
      %and3A_846 = arith.andi %squeeze3A_844, %and3A_845 : i32
      %mul3A_847 = arith.constant 32 : i32
      %mul3A_848 = arith.muli %and3A_846, %mul3A_847 : i32
      %mul3A_849 = arith.constant 16 : i32
      %mul3A_850 = arith.muli %scan3A_572, %mul3A_849 : i32
      %add3A_851 = arith.constant 7 : i32
      %add3A_852 = arith.addi %mul3A_850, %add3A_851 : i32
      %get3A_853 = arith.constant 1 : i32
      %get3A_854 = arith.index_cast %get3A_853 : i32 to index
      %get3A_855 = arith.index_cast %add3A_852 : i32 to index
      %get3A_856 = arith.index_cast %mul3A_848 : i32 to index
      %get3A_857 = tpu.vector_load %arg7[%get3A_854, %get3A_855, %get3A_856] {strides = array<i32>} : memref<2x128x128xf32, #tpu.memory_space<vmem>>, vector<1x1x16xf32>,
      %get3A_858 = vector.shape_cast %get3A_857 : vector<1x1x16xf32> to vector<16xf32>
      %add3A_859 = arith.constant 128 : i32
      %add3A_860 = arith.addi %add3A_859, %add3A_852 : i32
      %swap3A_861 = arith.index_cast %add3A_860 : i32 to index
      %swap3A_862 = arith.constant 0 : index
      %swap3A_863 = tpu.vector_load %arg8[%swap3A_861, %swap3A_862] {strides = array<i32>} : memref<512x32xf32, #tpu.memory_space<vmem>>, vector<1x16xf32>,
      %swap3A_864 = vector.shape_cast %swap3A_863 : vector<1x16xf32> to vector<16xf32>
      %swap3A_865 = vector.shape_cast %get3A_858 : vector<16xf32> to vector<1x16xf32>
      tpu.vector_store %arg8[%swap3A_861, %swap3A_862], %swap3A_865 {strides = array<i32>} : memref<512x32xf32, #tpu.memory_space<vmem>>, vector<1x16xf32>,
      %add3A_866 = arith.constant 16 : i32
      %add3A_867 = arith.addi %mul3A_848, %add3A_866 : i32
      %get3A_868 = arith.constant 1 : i32
      %get3A_869 = arith.index_cast %get3A_868 : i32 to index
      %get3A_870 = arith.index_cast %add3A_852 : i32 to index
      %get3A_871 = arith.index_cast %add3A_867 : i32 to index
      %get3A_872 = tpu.vector_load %arg7[%get3A_869, %get3A_870, %get3A_871] {strides = array<i32>} : memref<2x128x128xf32, #tpu.memory_space<vmem>>, vector<1x1x16xf32>,
      %get3A_873 = vector.shape_cast %get3A_872 : vector<1x1x16xf32> to vector<16xf32>
      %add3A_874 = arith.constant 128 : i32
      %add3A_875 = arith.addi %add3A_874, %add3A_852 : i32
      %swap3A_876 = arith.index_cast %add3A_875 : i32 to index
      %swap3A_877 = arith.constant 16 : index
      %swap3A_878 = tpu.vector_load %arg8[%swap3A_876, %swap3A_877] {strides = array<i32>} : memref<512x32xf32, #tpu.memory_space<vmem>>, vector<1x16xf32>,
      %swap3A_879 = vector.shape_cast %swap3A_878 : vector<1x16xf32> to vector<16xf32>
      %swap3A_880 = vector.shape_cast %get3A_873 : vector<16xf32> to vector<1x16xf32>
      tpu.vector_store %arg8[%swap3A_876, %swap3A_877], %swap3A_880 {strides = array<i32>} : memref<512x32xf32, #tpu.memory_space<vmem>>, vector<1x16xf32>,
      %slice3A_881 = vector.extract_strided_slice %get3A_579 {offsets = [8], sizes = [1], strides = [1]} : vector<16xi32> to vector<1xi32>
      %squeeze3A_882 = vector.extract %slice3A_881[0] : i32 from vector<1xi32>
      %and3A_883 = arith.constant 3 : i32
      %and3A_884 = arith.andi %squeeze3A_882, %and3A_883 : i32
      %mul3A_885 = arith.constant 32 : i32
      %mul3A_886 = arith.muli %and3A_884, %mul3A_885 : i32
      %mul3A_887 = arith.constant 16 : i32
      %mul3A_888 = arith.muli %scan3A_572, %mul3A_887 : i32
      %add3A_889 = arith.constant 8 : i32
      %add3A_890 = arith.addi %mul3A_888, %add3A_889 : i32
      %get3A_891 = arith.constant 1 : i32
      %get3A_892 = arith.index_cast %get3A_891 : i32 to index
      %get3A_893 = arith.index_cast %add3A_890 : i32 to index
      %get3A_894 = arith.index_cast %mul3A_886 : i32 to index
      %get3A_895 = tpu.vector_load %arg7[%get3A_892, %get3A_893, %get3A_894] {strides = array<i32>} : memref<2x128x128xf32, #tpu.memory_space<vmem>>, vector<1x1x16xf32>,
      %get3A_896 = vector.shape_cast %get3A_895 : vector<1x1x16xf32> to vector<16xf32>
      %add3A_897 = arith.constant 128 : i32
      %add3A_898 = arith.addi %add3A_897, %add3A_890 : i32
      %swap3A_899 = arith.index_cast %add3A_898 : i32 to index
      %swap3A_900 = arith.constant 0 : index
      %swap3A_901 = tpu.vector_load %arg8[%swap3A_899, %swap3A_900] {strides = array<i32>} : memref<512x32xf32, #tpu.memory_space<vmem>>, vector<1x16xf32>,
      %swap3A_902 = vector.shape_cast %swap3A_901 : vector<1x16xf32> to vector<16xf32>
      %swap3A_903 = vector.shape_cast %get3A_896 : vector<16xf32> to vector<1x16xf32>
      tpu.vector_store %arg8[%swap3A_899, %swap3A_900], %swap3A_903 {strides = array<i32>} : memref<512x32xf32, #tpu.memory_space<vmem>>, vector<1x16xf32>,
      %add3A_904 = arith.constant 16 : i32
      %add3A_905 = arith.addi %mul3A_886, %add3A_904 : i32
      %get3A_906 = arith.constant 1 : i32
      %get3A_907 = arith.index_cast %get3A_906 : i32 to index
      %get3A_908 = arith.index_cast %add3A_890 : i32 to index
      %get3A_909 = arith.index_cast %add3A_905 : i32 to index
      %get3A_910 = tpu.vector_load %arg7[%get3A_907, %get3A_908, %get3A_909] {strides = array<i32>} : memref<2x128x128xf32, #tpu.memory_space<vmem>>, vector<1x1x16xf32>,
      %get3A_911 = vector.shape_cast %get3A_910 : vector<1x1x16xf32> to vector<16xf32>
      %add3A_912 = arith.constant 128 : i32
      %add3A_913 = arith.addi %add3A_912, %add3A_890 : i32
      %swap3A_914 = arith.index_cast %add3A_913 : i32 to index
      %swap3A_915 = arith.constant 16 : index
      %swap3A_916 = tpu.vector_load %arg8[%swap3A_914, %swap3A_915] {strides = array<i32>} : memref<512x32xf32, #tpu.memory_space<vmem>>, vector<1x16xf32>,
      %swap3A_917 = vector.shape_cast %swap3A_916 : vector<1x16xf32> to vector<16xf32>
      %swap3A_918 = vector.shape_cast %get3A_911 : vector<16xf32> to vector<1x16xf32>
      tpu.vector_store %arg8[%swap3A_914, %swap3A_915], %swap3A_918 {strides = array<i32>} : memref<512x32xf32, #tpu.memory_space<vmem>>, vector<1x16xf32>,
      %slice3A_919 = vector.extract_strided_slice %get3A_579 {offsets = [9], sizes = [1], strides = [1]} : vector<16xi32> to vector<1xi32>
      %squeeze3A_920 = vector.extract %slice3A_919[0] : i32 from vector<1xi32>
      %and3A_921 = arith.constant 3 : i32
      %and3A_922 = arith.andi %squeeze3A_920, %and3A_921 : i32
      %mul3A_923 = arith.constant 32 : i32
      %mul3A_924 = arith.muli %and3A_922, %mul3A_923 : i32
      %mul3A_925 = arith.constant 16 : i32
      %mul3A_926 = arith.muli %scan3A_572, %mul3A_925 : i32
      %add3A_927 = arith.constant 9 : i32
      %add3A_928 = arith.addi %mul3A_926, %add3A_927 : i32
      %get3A_929 = arith.constant 1 : i32
      %get3A_930 = arith.index_cast %get3A_929 : i32 to index
      %get3A_931 = arith.index_cast %add3A_928 : i32 to index
      %get3A_932 = arith.index_cast %mul3A_924 : i32 to index
      %get3A_933 = tpu.vector_load %arg7[%get3A_930, %get3A_931, %get3A_932] {strides = array<i32>} : memref<2x128x128xf32, #tpu.memory_space<vmem>>, vector<1x1x16xf32>,
      %get3A_934 = vector.shape_cast %get3A_933 : vector<1x1x16xf32> to vector<16xf32>
      %add3A_935 = arith.constant 128 : i32
      %add3A_936 = arith.addi %add3A_935, %add3A_928 : i32
      %swap3A_937 = arith.index_cast %add3A_936 : i32 to index
      %swap3A_938 = arith.constant 0 : index
      %swap3A_939 = tpu.vector_load %arg8[%swap3A_937, %swap3A_938] {strides = array<i32>} : memref<512x32xf32, #tpu.memory_space<vmem>>, vector<1x16xf32>,
      %swap3A_940 = vector.shape_cast %swap3A_939 : vector<1x16xf32> to vector<16xf32>
      %swap3A_941 = vector.shape_cast %get3A_934 : vector<16xf32> to vector<1x16xf32>
      tpu.vector_store %arg8[%swap3A_937, %swap3A_938], %swap3A_941 {strides = array<i32>} : memref<512x32xf32, #tpu.memory_space<vmem>>, vector<1x16xf32>,
      %add3A_942 = arith.constant 16 : i32
      %add3A_943 = arith.addi %mul3A_924, %add3A_942 : i32
      %get3A_944 = arith.constant 1 : i32
      %get3A_945 = arith.index_cast %get3A_944 : i32 to index
      %get3A_946 = arith.index_cast %add3A_928 : i32 to index
      %get3A_947 = arith.index_cast %add3A_943 : i32 to index
      %get3A_948 = tpu.vector_load %arg7[%get3A_945, %get3A_946, %get3A_947] {strides = array<i32>} : memref<2x128x128xf32, #tpu.memory_space<vmem>>, vector<1x1x16xf32>,
      %get3A_949 = vector.shape_cast %get3A_948 : vector<1x1x16xf32> to vector<16xf32>
      %add3A_950 = arith.constant 128 : i32
      %add3A_951 = arith.addi %add3A_950, %add3A_928 : i32
      %swap3A_952 = arith.index_cast %add3A_951 : i32 to index
      %swap3A_953 = arith.constant 16 : index
      %swap3A_954 = tpu.vector_load %arg8[%swap3A_952, %swap3A_953] {strides = array<i32>} : memref<512x32xf32, #tpu.memory_space<vmem>>, vector<1x16xf32>,
      %swap3A_955 = vector.shape_cast %swap3A_954 : vector<1x16xf32> to vector<16xf32>
      %swap3A_956 = vector.shape_cast %get3A_949 : vector<16xf32> to vector<1x16xf32>
      tpu.vector_store %arg8[%swap3A_952, %swap3A_953], %swap3A_956 {strides = array<i32>} : memref<512x32xf32, #tpu.memory_space<vmem>>, vector<1x16xf32>,
      %slice3A_957 = vector.extract_strided_slice %get3A_579 {offsets = [10], sizes = [1], strides = [1]} : vector<16xi32> to vector<1xi32>
      %squeeze3A_958 = vector.extract %slice3A_957[0] : i32 from vector<1xi32>
      %and3A_959 = arith.constant 3 : i32
      %and3A_960 = arith.andi %squeeze3A_958, %and3A_959 : i32
      %mul3A_961 = arith.constant 32 : i32
      %mul3A_962 = arith.muli %and3A_960, %mul3A_961 : i32
      %mul3A_963 = arith.constant 16 : i32
      %mul3A_964 = arith.muli %scan3A_572, %mul3A_963 : i32
      %add3A_965 = arith.constant 10 : i32
      %add3A_966 = arith.addi %mul3A_964, %add3A_965 : i32
      %get3A_967 = arith.constant 1 : i32
      %get3A_968 = arith.index_cast %get3A_967 : i32 to index
      %get3A_969 = arith.index_cast %add3A_966 : i32 to index
      %get3A_970 = arith.index_cast %mul3A_962 : i32 to index
      %get3A_971 = tpu.vector_load %arg7[%get3A_968, %get3A_969, %get3A_970] {strides = array<i32>} : memref<2x128x128xf32, #tpu.memory_space<vmem>>, vector<1x1x16xf32>,
      %get3A_972 = vector.shape_cast %get3A_971 : vector<1x1x16xf32> to vector<16xf32>
      %add3A_973 = arith.constant 128 : i32
      %add3A_974 = arith.addi %add3A_973, %add3A_966 : i32
      %swap3A_975 = arith.index_cast %add3A_974 : i32 to index
      %swap3A_976 = arith.constant 0 : index
      %swap3A_977 = tpu.vector_load %arg8[%swap3A_975, %swap3A_976] {strides = array<i32>} : memref<512x32xf32, #tpu.memory_space<vmem>>, vector<1x16xf32>,
      %swap3A_978 = vector.shape_cast %swap3A_977 : vector<1x16xf32> to vector<16xf32>
      %swap3A_979 = vector.shape_cast %get3A_972 : vector<16xf32> to vector<1x16xf32>
      tpu.vector_store %arg8[%swap3A_975, %swap3A_976], %swap3A_979 {strides = array<i32>} : memref<512x32xf32, #tpu.memory_space<vmem>>, vector<1x16xf32>,
      %add3A_980 = arith.constant 16 : i32
      %add3A_981 = arith.addi %mul3A_962, %add3A_980 : i32
      %get3A_982 = arith.constant 1 : i32
      %get3A_983 = arith.index_cast %get3A_982 : i32 to index
      %get3A_984 = arith.index_cast %add3A_966 : i32 to index
      %get3A_985 = arith.index_cast %add3A_981 : i32 to index
      %get3A_986 = tpu.vector_load %arg7[%get3A_983, %get3A_984, %get3A_985] {strides = array<i32>} : memref<2x128x128xf32, #tpu.memory_space<vmem>>, vector<1x1x16xf32>,
      %get3A_987 = vector.shape_cast %get3A_986 : vector<1x1x16xf32> to vector<16xf32>
      %add3A_988 = arith.constant 128 : i32
      %add3A_989 = arith.addi %add3A_988, %add3A_966 : i32
      %swap3A_990 = arith.index_cast %add3A_989 : i32 to index
      %swap3A_991 = arith.constant 16 : index
      %swap3A_992 = tpu.vector_load %arg8[%swap3A_990, %swap3A_991] {strides = array<i32>} : memref<512x32xf32, #tpu.memory_space<vmem>>, vector<1x16xf32>,
      %swap3A_993 = vector.shape_cast %swap3A_992 : vector<1x16xf32> to vector<16xf32>
      %swap3A_994 = vector.shape_cast %get3A_987 : vector<16xf32> to vector<1x16xf32>
      tpu.vector_store %arg8[%swap3A_990, %swap3A_991], %swap3A_994 {strides = array<i32>} : memref<512x32xf32, #tpu.memory_space<vmem>>, vector<1x16xf32>,
      %slice3A_995 = vector.extract_strided_slice %get3A_579 {offsets = [11], sizes = [1], strides = [1]} : vector<16xi32> to vector<1xi32>
      %squeeze3A_996 = vector.extract %slice3A_995[0] : i32 from vector<1xi32>
      %and3A_997 = arith.constant 3 : i32
      %and3A_998 = arith.andi %squeeze3A_996, %and3A_997 : i32
      %mul3A_999 = arith.constant 32 : i32
      %mul3A_1000 = arith.muli %and3A_998, %mul3A_999 : i32
      %mul3A_1001 = arith.constant 16 : i32
      %mul3A_1002 = arith.muli %scan3A_572, %mul3A_1001 : i32
      %add3A_1003 = arith.constant 11 : i32
      %add3A_1004 = arith.addi %mul3A_1002, %add3A_1003 : i32
      %get3A_1005 = arith.constant 1 : i32
      %get3A_1006 = arith.index_cast %get3A_1005 : i32 to index
      %get3A_1007 = arith.index_cast %add3A_1004 : i32 to index
      %get3A_1008 = arith.index_cast %mul3A_1000 : i32 to index
      %get3A_1009 = tpu.vector_load %arg7[%get3A_1006, %get3A_1007, %get3A_1008] {strides = array<i32>} : memref<2x128x128xf32, #tpu.memory_space<vmem>>, vector<1x1x16xf32>,
      %get3A_1010 = vector.shape_cast %get3A_1009 : vector<1x1x16xf32> to vector<16xf32>
      %add3A_1011 = arith.constant 128 : i32
      %add3A_1012 = arith.addi %add3A_1011, %add3A_1004 : i32
      %swap3A_1013 = arith.index_cast %add3A_1012 : i32 to index
      %swap3A_1014 = arith.constant 0 : index
      %swap3A_1015 = tpu.vector_load %arg8[%swap3A_1013, %swap3A_1014] {strides = array<i32>} : memref<512x32xf32, #tpu.memory_space<vmem>>, vector<1x16xf32>,
      %swap3A_1016 = vector.shape_cast %swap3A_1015 : vector<1x16xf32> to vector<16xf32>
      %swap3A_1017 = vector.shape_cast %get3A_1010 : vector<16xf32> to vector<1x16xf32>
      tpu.vector_store %arg8[%swap3A_1013, %swap3A_1014], %swap3A_1017 {strides = array<i32>} : memref<512x32xf32, #tpu.memory_space<vmem>>, vector<1x16xf32>,
      %add3A_1018 = arith.constant 16 : i32
      %add3A_1019 = arith.addi %mul3A_1000, %add3A_1018 : i32
      %get3A_1020 = arith.constant 1 : i32
      %get3A_1021 = arith.index_cast %get3A_1020 : i32 to index
      %get3A_1022 = arith.index_cast %add3A_1004 : i32 to index
      %get3A_1023 = arith.index_cast %add3A_1019 : i32 to index
      %get3A_1024 = tpu.vector_load %arg7[%get3A_1021, %get3A_1022, %get3A_1023] {strides = array<i32>} : memref<2x128x128xf32, #tpu.memory_space<vmem>>, vector<1x1x16xf32>,
      %get3A_1025 = vector.shape_cast %get3A_1024 : vector<1x1x16xf32> to vector<16xf32>
      %add3A_1026 = arith.constant 128 : i32
      %add3A_1027 = arith.addi %add3A_1026, %add3A_1004 : i32
      %swap3A_1028 = arith.index_cast %add3A_1027 : i32 to index
      %swap3A_1029 = arith.constant 16 : index
      %swap3A_1030 = tpu.vector_load %arg8[%swap3A_1028, %swap3A_1029] {strides = array<i32>} : memref<512x32xf32, #tpu.memory_space<vmem>>, vector<1x16xf32>,
      %swap3A_1031 = vector.shape_cast %swap3A_1030 : vector<1x16xf32> to vector<16xf32>
      %swap3A_1032 = vector.shape_cast %get3A_1025 : vector<16xf32> to vector<1x16xf32>
      tpu.vector_store %arg8[%swap3A_1028, %swap3A_1029], %swap3A_1032 {strides = array<i32>} : memref<512x32xf32, #tpu.memory_space<vmem>>, vector<1x16xf32>,
      %slice3A_1033 = vector.extract_strided_slice %get3A_579 {offsets = [12], sizes = [1], strides = [1]} : vector<16xi32> to vector<1xi32>
      %squeeze3A_1034 = vector.extract %slice3A_1033[0] : i32 from vector<1xi32>
      %and3A_1035 = arith.constant 3 : i32
      %and3A_1036 = arith.andi %squeeze3A_1034, %and3A_1035 : i32
      %mul3A_1037 = arith.constant 32 : i32
      %mul3A_1038 = arith.muli %and3A_1036, %mul3A_1037 : i32
      %mul3A_1039 = arith.constant 16 : i32
      %mul3A_1040 = arith.muli %scan3A_572, %mul3A_1039 : i32
      %add3A_1041 = arith.constant 12 : i32
      %add3A_1042 = arith.addi %mul3A_1040, %add3A_1041 : i32
      %get3A_1043 = arith.constant 1 : i32
      %get3A_1044 = arith.index_cast %get3A_1043 : i32 to index
      %get3A_1045 = arith.index_cast %add3A_1042 : i32 to index
      %get3A_1046 = arith.index_cast %mul3A_1038 : i32 to index
      %get3A_1047 = tpu.vector_load %arg7[%get3A_1044, %get3A_1045, %get3A_1046] {strides = array<i32>} : memref<2x128x128xf32, #tpu.memory_space<vmem>>, vector<1x1x16xf32>,
      %get3A_1048 = vector.shape_cast %get3A_1047 : vector<1x1x16xf32> to vector<16xf32>
      %add3A_1049 = arith.constant 128 : i32
      %add3A_1050 = arith.addi %add3A_1049, %add3A_1042 : i32
      %swap3A_1051 = arith.index_cast %add3A_1050 : i32 to index
      %swap3A_1052 = arith.constant 0 : index
      %swap3A_1053 = tpu.vector_load %arg8[%swap3A_1051, %swap3A_1052] {strides = array<i32>} : memref<512x32xf32, #tpu.memory_space<vmem>>, vector<1x16xf32>,
      %swap3A_1054 = vector.shape_cast %swap3A_1053 : vector<1x16xf32> to vector<16xf32>
      %swap3A_1055 = vector.shape_cast %get3A_1048 : vector<16xf32> to vector<1x16xf32>
      tpu.vector_store %arg8[%swap3A_1051, %swap3A_1052], %swap3A_1055 {strides = array<i32>} : memref<512x32xf32, #tpu.memory_space<vmem>>, vector<1x16xf32>,
      %add3A_1056 = arith.constant 16 : i32
      %add3A_1057 = arith.addi %mul3A_1038, %add3A_1056 : i32
      %get3A_1058 = arith.constant 1 : i32
      %get3A_1059 = arith.index_cast %get3A_1058 : i32 to index
      %get3A_1060 = arith.index_cast %add3A_1042 : i32 to index
      %get3A_1061 = arith.index_cast %add3A_1057 : i32 to index
      %get3A_1062 = tpu.vector_load %arg7[%get3A_1059, %get3A_1060, %get3A_1061] {strides = array<i32>} : memref<2x128x128xf32, #tpu.memory_space<vmem>>, vector<1x1x16xf32>,
      %get3A_1063 = vector.shape_cast %get3A_1062 : vector<1x1x16xf32> to vector<16xf32>
      %add3A_1064 = arith.constant 128 : i32
      %add3A_1065 = arith.addi %add3A_1064, %add3A_1042 : i32
      %swap3A_1066 = arith.index_cast %add3A_1065 : i32 to index
      %swap3A_1067 = arith.constant 16 : index
      %swap3A_1068 = tpu.vector_load %arg8[%swap3A_1066, %swap3A_1067] {strides = array<i32>} : memref<512x32xf32, #tpu.memory_space<vmem>>, vector<1x16xf32>,
      %swap3A_1069 = vector.shape_cast %swap3A_1068 : vector<1x16xf32> to vector<16xf32>
      %swap3A_1070 = vector.shape_cast %get3A_1063 : vector<16xf32> to vector<1x16xf32>
      tpu.vector_store %arg8[%swap3A_1066, %swap3A_1067], %swap3A_1070 {strides = array<i32>} : memref<512x32xf32, #tpu.memory_space<vmem>>, vector<1x16xf32>,
      %slice3A_1071 = vector.extract_strided_slice %get3A_579 {offsets = [13], sizes = [1], strides = [1]} : vector<16xi32> to vector<1xi32>
      %squeeze3A_1072 = vector.extract %slice3A_1071[0] : i32 from vector<1xi32>
      %and3A_1073 = arith.constant 3 : i32
      %and3A_1074 = arith.andi %squeeze3A_1072, %and3A_1073 : i32
      %mul3A_1075 = arith.constant 32 : i32
      %mul3A_1076 = arith.muli %and3A_1074, %mul3A_1075 : i32
      %mul3A_1077 = arith.constant 16 : i32
      %mul3A_1078 = arith.muli %scan3A_572, %mul3A_1077 : i32
      %add3A_1079 = arith.constant 13 : i32
      %add3A_1080 = arith.addi %mul3A_1078, %add3A_1079 : i32
      %get3A_1081 = arith.constant 1 : i32
      %get3A_1082 = arith.index_cast %get3A_1081 : i32 to index
      %get3A_1083 = arith.index_cast %add3A_1080 : i32 to index
      %get3A_1084 = arith.index_cast %mul3A_1076 : i32 to index
      %get3A_1085 = tpu.vector_load %arg7[%get3A_1082, %get3A_1083, %get3A_1084] {strides = array<i32>} : memref<2x128x128xf32, #tpu.memory_space<vmem>>, vector<1x1x16xf32>,
      %get3A_1086 = vector.shape_cast %get3A_1085 : vector<1x1x16xf32> to vector<16xf32>
      %add3A_1087 = arith.constant 128 : i32
      %add3A_1088 = arith.addi %add3A_1087, %add3A_1080 : i32
      %swap3A_1089 = arith.index_cast %add3A_1088 : i32 to index
      %swap3A_1090 = arith.constant 0 : index
      %swap3A_1091 = tpu.vector_load %arg8[%swap3A_1089, %swap3A_1090] {strides = array<i32>} : memref<512x32xf32, #tpu.memory_space<vmem>>, vector<1x16xf32>,
      %swap3A_1092 = vector.shape_cast %swap3A_1091 : vector<1x16xf32> to vector<16xf32>
      %swap3A_1093 = vector.shape_cast %get3A_1086 : vector<16xf32> to vector<1x16xf32>
      tpu.vector_store %arg8[%swap3A_1089, %swap3A_1090], %swap3A_1093 {strides = array<i32>} : memref<512x32xf32, #tpu.memory_space<vmem>>, vector<1x16xf32>,
      %add3A_1094 = arith.constant 16 : i32
      %add3A_1095 = arith.addi %mul3A_1076, %add3A_1094 : i32
      %get3A_1096 = arith.constant 1 : i32
      %get3A_1097 = arith.index_cast %get3A_1096 : i32 to index
      %get3A_1098 = arith.index_cast %add3A_1080 : i32 to index
      %get3A_1099 = arith.index_cast %add3A_1095 : i32 to index
      %get3A_1100 = tpu.vector_load %arg7[%get3A_1097, %get3A_1098, %get3A_1099] {strides = array<i32>} : memref<2x128x128xf32, #tpu.memory_space<vmem>>, vector<1x1x16xf32>,
      %get3A_1101 = vector.shape_cast %get3A_1100 : vector<1x1x16xf32> to vector<16xf32>
      %add3A_1102 = arith.constant 128 : i32
      %add3A_1103 = arith.addi %add3A_1102, %add3A_1080 : i32
      %swap3A_1104 = arith.index_cast %add3A_1103 : i32 to index
      %swap3A_1105 = arith.constant 16 : index
      %swap3A_1106 = tpu.vector_load %arg8[%swap3A_1104, %swap3A_1105] {strides = array<i32>} : memref<512x32xf32, #tpu.memory_space<vmem>>, vector<1x16xf32>,
      %swap3A_1107 = vector.shape_cast %swap3A_1106 : vector<1x16xf32> to vector<16xf32>
      %swap3A_1108 = vector.shape_cast %get3A_1101 : vector<16xf32> to vector<1x16xf32>
      tpu.vector_store %arg8[%swap3A_1104, %swap3A_1105], %swap3A_1108 {strides = array<i32>} : memref<512x32xf32, #tpu.memory_space<vmem>>, vector<1x16xf32>,
      %slice3A_1109 = vector.extract_strided_slice %get3A_579 {offsets = [14], sizes = [1], strides = [1]} : vector<16xi32> to vector<1xi32>
      %squeeze3A_1110 = vector.extract %slice3A_1109[0] : i32 from vector<1xi32>
      %and3A_1111 = arith.constant 3 : i32
      %and3A_1112 = arith.andi %squeeze3A_1110, %and3A_1111 : i32
      %mul3A_1113 = arith.constant 32 : i32
      %mul3A_1114 = arith.muli %and3A_1112, %mul3A_1113 : i32
      %mul3A_1115 = arith.constant 16 : i32
      %mul3A_1116 = arith.muli %scan3A_572, %mul3A_1115 : i32
      %add3A_1117 = arith.constant 14 : i32
      %add3A_1118 = arith.addi %mul3A_1116, %add3A_1117 : i32
      %get3A_1119 = arith.constant 1 : i32
      %get3A_1120 = arith.index_cast %get3A_1119 : i32 to index
      %get3A_1121 = arith.index_cast %add3A_1118 : i32 to index
      %get3A_1122 = arith.index_cast %mul3A_1114 : i32 to index
      %get3A_1123 = tpu.vector_load %arg7[%get3A_1120, %get3A_1121, %get3A_1122] {strides = array<i32>} : memref<2x128x128xf32, #tpu.memory_space<vmem>>, vector<1x1x16xf32>,
      %get3A_1124 = vector.shape_cast %get3A_1123 : vector<1x1x16xf32> to vector<16xf32>
      %add3A_1125 = arith.constant 128 : i32
      %add3A_1126 = arith.addi %add3A_1125, %add3A_1118 : i32
      %swap3A_1127 = arith.index_cast %add3A_1126 : i32 to index
      %swap3A_1128 = arith.constant 0 : index
      %swap3A_1129 = tpu.vector_load %arg8[%swap3A_1127, %swap3A_1128] {strides = array<i32>} : memref<512x32xf32, #tpu.memory_space<vmem>>, vector<1x16xf32>,
      %swap3A_1130 = vector.shape_cast %swap3A_1129 : vector<1x16xf32> to vector<16xf32>
      %swap3A_1131 = vector.shape_cast %get3A_1124 : vector<16xf32> to vector<1x16xf32>
      tpu.vector_store %arg8[%swap3A_1127, %swap3A_1128], %swap3A_1131 {strides = array<i32>} : memref<512x32xf32, #tpu.memory_space<vmem>>, vector<1x16xf32>,
      %add3A_1132 = arith.constant 16 : i32
      %add3A_1133 = arith.addi %mul3A_1114, %add3A_1132 : i32
      %get3A_1134 = arith.constant 1 : i32
      %get3A_1135 = arith.index_cast %get3A_1134 : i32 to index
      %get3A_1136 = arith.index_cast %add3A_1118 : i32 to index
      %get3A_1137 = arith.index_cast %add3A_1133 : i32 to index
      %get3A_1138 = tpu.vector_load %arg7[%get3A_1135, %get3A_1136, %get3A_1137] {strides = array<i32>} : memref<2x128x128xf32, #tpu.memory_space<vmem>>, vector<1x1x16xf32>,
      %get3A_1139 = vector.shape_cast %get3A_1138 : vector<1x1x16xf32> to vector<16xf32>
      %add3A_1140 = arith.constant 128 : i32
      %add3A_1141 = arith.addi %add3A_1140, %add3A_1118 : i32
      %swap3A_1142 = arith.index_cast %add3A_1141 : i32 to index
      %swap3A_1143 = arith.constant 16 : index
      %swap3A_1144 = tpu.vector_load %arg8[%swap3A_1142, %swap3A_1143] {strides = array<i32>} : memref<512x32xf32, #tpu.memory_space<vmem>>, vector<1x16xf32>,
      %swap3A_1145 = vector.shape_cast %swap3A_1144 : vector<1x16xf32> to vector<16xf32>
      %swap3A_1146 = vector.shape_cast %get3A_1139 : vector<16xf32> to vector<1x16xf32>
      tpu.vector_store %arg8[%swap3A_1142, %swap3A_1143], %swap3A_1146 {strides = array<i32>} : memref<512x32xf32, #tpu.memory_space<vmem>>, vector<1x16xf32>,
      %slice3A_1147 = vector.extract_strided_slice %get3A_579 {offsets = [15], sizes = [1], strides = [1]} : vector<16xi32> to vector<1xi32>
      %squeeze3A_1148 = vector.extract %slice3A_1147[0] : i32 from vector<1xi32>
      %and3A_1149 = arith.constant 3 : i32
      %and3A_1150 = arith.andi %squeeze3A_1148, %and3A_1149 : i32
      %mul3A_1151 = arith.constant 32 : i32
      %mul3A_1152 = arith.muli %and3A_1150, %mul3A_1151 : i32
      %mul3A_1153 = arith.constant 16 : i32
      %mul3A_1154 = arith.muli %scan3A_572, %mul3A_1153 : i32
      %add3A_1155 = arith.constant 15 : i32
      %add3A_1156 = arith.addi %mul3A_1154, %add3A_1155 : i32
      %get3A_1157 = arith.constant 1 : i32
      %get3A_1158 = arith.index_cast %get3A_1157 : i32 to index
      %get3A_1159 = arith.index_cast %add3A_1156 : i32 to index
      %get3A_1160 = arith.index_cast %mul3A_1152 : i32 to index
      %get3A_1161 = tpu.vector_load %arg7[%get3A_1158, %get3A_1159, %get3A_1160] {strides = array<i32>} : memref<2x128x128xf32, #tpu.memory_space<vmem>>, vector<1x1x16xf32>,
      %get3A_1162 = vector.shape_cast %get3A_1161 : vector<1x1x16xf32> to vector<16xf32>
      %add3A_1163 = arith.constant 128 : i32
      %add3A_1164 = arith.addi %add3A_1163, %add3A_1156 : i32
      %swap3A_1165 = arith.index_cast %add3A_1164 : i32 to index
      %swap3A_1166 = arith.constant 0 : index
      %swap3A_1167 = tpu.vector_load %arg8[%swap3A_1165, %swap3A_1166] {strides = array<i32>} : memref<512x32xf32, #tpu.memory_space<vmem>>, vector<1x16xf32>,
      %swap3A_1168 = vector.shape_cast %swap3A_1167 : vector<1x16xf32> to vector<16xf32>
      %swap3A_1169 = vector.shape_cast %get3A_1162 : vector<16xf32> to vector<1x16xf32>
      tpu.vector_store %arg8[%swap3A_1165, %swap3A_1166], %swap3A_1169 {strides = array<i32>} : memref<512x32xf32, #tpu.memory_space<vmem>>, vector<1x16xf32>,
      %add3A_1170 = arith.constant 16 : i32
      %add3A_1171 = arith.addi %mul3A_1152, %add3A_1170 : i32
      %get3A_1172 = arith.constant 1 : i32
      %get3A_1173 = arith.index_cast %get3A_1172 : i32 to index
      %get3A_1174 = arith.index_cast %add3A_1156 : i32 to index
      %get3A_1175 = arith.index_cast %add3A_1171 : i32 to index
      %get3A_1176 = tpu.vector_load %arg7[%get3A_1173, %get3A_1174, %get3A_1175] {strides = array<i32>} : memref<2x128x128xf32, #tpu.memory_space<vmem>>, vector<1x1x16xf32>,
      %get3A_1177 = vector.shape_cast %get3A_1176 : vector<1x1x16xf32> to vector<16xf32>
      %add3A_1178 = arith.constant 128 : i32
      %add3A_1179 = arith.addi %add3A_1178, %add3A_1156 : i32
      %swap3A_1180 = arith.index_cast %add3A_1179 : i32 to index
      %swap3A_1181 = arith.constant 16 : index
      %swap3A_1182 = tpu.vector_load %arg8[%swap3A_1180, %swap3A_1181] {strides = array<i32>} : memref<512x32xf32, #tpu.memory_space<vmem>>, vector<1x16xf32>,
      %swap3A_1183 = vector.shape_cast %swap3A_1182 : vector<1x16xf32> to vector<16xf32>
      %swap3A_1184 = vector.shape_cast %get3A_1177 : vector<16xf32> to vector<1x16xf32>
      tpu.vector_store %arg8[%swap3A_1180, %swap3A_1181], %swap3A_1184 {strides = array<i32>} : memref<512x32xf32, #tpu.memory_space<vmem>>, vector<1x16xf32>,
    }
    %scan3A_525 = arith.constant 8 : i32
    %dma_wait3A_526 = arith.constant 2 : i32
    %dma_wait3A_527 = arith.constant 0 : i32
    %dma_wait3A_528 = arith.constant 0 : i32
    %dma_wait3A_529 = arith.constant 0 : i32
    %dma_wait3A_530 = tpu.memref_slice %arg7[%dma_wait3A_527, %dma_wait3A_528, %dma_wait3A_529] : memref<2x128x128xf32, #tpu.memory_space<vmem>> -> memref<1x128x128xf32, #tpu.memory_space<vmem>>
    %dma_wait3A_531 = tpu.memref_squeeze %dma_wait3A_530 : memref<1x128x128xf32, #tpu.memory_space<vmem>> -> memref<128x128xf32, #tpu.memory_space<vmem>>
    %dma_wait3A_532 = arith.constant 0 : i32
    %dma_wait3A_533 = tpu.memref_slice %arg6[%dma_wait3A_526, %dma_wait3A_532] : memref<4x128xi32, #tpu.memory_space<vmem>> -> memref<1x128xi32, #tpu.memory_space<vmem>>
    %dma_wait3A_534 = tpu.memref_squeeze %dma_wait3A_533 : memref<1x128xi32, #tpu.memory_space<vmem>> -> memref<128xi32, #tpu.memory_space<vmem>>
    %dma_wait3A_535 = arith.constant 0 : i32
    %dma_wait3A_536 = arith.constant 0 : i32
    %dma_wait3A_537 = tpu.memref_slice %arg3[%dma_wait3A_535, %dma_wait3A_536] : memref<250000x128xf32, #tpu.memory_space<hbm>> -> memref<250000x128xf32, #tpu.memory_space<hbm>>
    tpu.wait_indirect_dma semaphore(%arg9 : memref<!tpu.dma_semaphore, #tpu.memory_space<semaphore_mem>>) src(%dma_wait3A_537 : memref<250000x128xf32, #tpu.memory_space<hbm>>) dst(%dma_wait3A_531 : memref<128x128xf32, #tpu.memory_space<vmem>>)
    %dma_start3A_538 = arith.constant 3 : i32
    %dma_start3A_539 = arith.constant 1 : i32
    %dma_start3A_540 = arith.constant 0 : i32
    %dma_start3A_541 = arith.constant 0 : i32
    %dma_start3A_542 = tpu.memref_slice %arg7[%dma_start3A_539, %dma_start3A_540, %dma_start3A_541] : memref<2x128x128xf32, #tpu.memory_space<vmem>> -> memref<1x128x128xf32, #tpu.memory_space<vmem>>
    %dma_start3A_543 = tpu.memref_squeeze %dma_start3A_542 : memref<1x128x128xf32, #tpu.memory_space<vmem>> -> memref<128x128xf32, #tpu.memory_space<vmem>>
    %dma_start3A_544 = arith.constant 0 : i32
    %dma_start3A_545 = tpu.memref_slice %arg6[%dma_start3A_538, %dma_start3A_544] : memref<4x128xi32, #tpu.memory_space<vmem>> -> memref<1x128xi32, #tpu.memory_space<vmem>>
    %dma_start3A_546 = tpu.memref_squeeze %dma_start3A_545 : memref<1x128xi32, #tpu.memory_space<vmem>> -> memref<128xi32, #tpu.memory_space<vmem>>
    %dma_start3A_547 = arith.constant 0 : i32
    %dma_start3A_548 = arith.constant 0 : i32
    %dma_start3A_549 = tpu.memref_slice %arg3[%dma_start3A_547, %dma_start3A_548] : memref<250000x128xf32, #tpu.memory_space<hbm>> -> memref<250000x128xf32, #tpu.memory_space<hbm>>
    tpu.enqueue_indirect_dma source(%dma_start3A_549 : memref<250000x128xf32, #tpu.memory_space<hbm>>) target(%dma_start3A_543 : memref<128x128xf32, #tpu.memory_space<vmem>>) offsets(%dma_start3A_546 : memref<128xi32, #tpu.memory_space<vmem>>) semaphore(%arg9 : memref<!tpu.dma_semaphore, #tpu.memory_space<semaphore_mem>>)
    %scan3A_550 = arith.constant 0 : i32
    %scan3A_551 = arith.constant 8 : i32
    %scan3A_552 = arith.addi %scan3A_550, %scan3A_551 : i32
    %scan3A_553 = arith.constant 1 : i32
    scf.for %scan3A_572 = %scan3A_550 to %scan3A_552 step %scan3A_553  : i32 {
      %mul3A_573 = arith.constant 16 : i32
      %mul3A_574 = arith.muli %scan3A_572, %mul3A_573 : i32
      %get3A_575 = arith.constant 2 : i32
      %get3A_576 = arith.index_cast %get3A_575 : i32 to index
      %get3A_577 = arith.index_cast %mul3A_574 : i32 to index
      %get3A_578 = tpu.vector_load %arg5[%get3A_576, %get3A_577] {strides = array<i32>} : memref<4x128xi32, #tpu.memory_space<vmem>>, vector<1x16xi32>,
      %get3A_579 = vector.shape_cast %get3A_578 : vector<1x16xi32> to vector<16xi32>
      %slice3A = vector.extract_strided_slice %get3A_579 {offsets = [0], sizes = [1], strides = [1]} : vector<16xi32> to vector<1xi32>
      %squeeze3A = vector.extract %slice3A[0] : i32 from vector<1xi32>
      %and3A = arith.constant 3 : i32
      %and3A_580 = arith.andi %squeeze3A, %and3A : i32
      %mul3A_581 = arith.constant 32 : i32
      %mul3A_582 = arith.muli %and3A_580, %mul3A_581 : i32
      %mul3A_583 = arith.constant 16 : i32
      %mul3A_584 = arith.muli %scan3A_572, %mul3A_583 : i32
      %add3A_585 = arith.constant 0 : i32
      %add3A_586 = arith.addi %mul3A_584, %add3A_585 : i32
      %get3A_587 = arith.constant 0 : i32
      %get3A_588 = arith.index_cast %get3A_587 : i32 to index
      %get3A_589 = arith.index_cast %add3A_586 : i32 to index
      %get3A_590 = arith.index_cast %mul3A_582 : i32 to index
      %get3A_591 = tpu.vector_load %arg7[%get3A_588, %get3A_589, %get3A_590] {strides = array<i32>} : memref<2x128x128xf32, #tpu.memory_space<vmem>>, vector<1x1x16xf32>,
      %get3A_592 = vector.shape_cast %get3A_591 : vector<1x1x16xf32> to vector<16xf32>
      %add3A_593 = arith.constant 256 : i32
      %add3A_594 = arith.addi %add3A_593, %add3A_586 : i32
      %swap3A_595 = arith.index_cast %add3A_594 : i32 to index
      %swap3A_596 = arith.constant 0 : index
      %swap3A_597 = tpu.vector_load %arg8[%swap3A_595, %swap3A_596] {strides = array<i32>} : memref<512x32xf32, #tpu.memory_space<vmem>>, vector<1x16xf32>,
      %swap3A_598 = vector.shape_cast %swap3A_597 : vector<1x16xf32> to vector<16xf32>
      %swap3A_599 = vector.shape_cast %get3A_592 : vector<16xf32> to vector<1x16xf32>
      tpu.vector_store %arg8[%swap3A_595, %swap3A_596], %swap3A_599 {strides = array<i32>} : memref<512x32xf32, #tpu.memory_space<vmem>>, vector<1x16xf32>,
      %add3A_600 = arith.constant 16 : i32
      %add3A_601 = arith.addi %mul3A_582, %add3A_600 : i32
      %get3A_602 = arith.constant 0 : i32
      %get3A_603 = arith.index_cast %get3A_602 : i32 to index
      %get3A_604 = arith.index_cast %add3A_586 : i32 to index
      %get3A_605 = arith.index_cast %add3A_601 : i32 to index
      %get3A_606 = tpu.vector_load %arg7[%get3A_603, %get3A_604, %get3A_605] {strides = array<i32>} : memref<2x128x128xf32, #tpu.memory_space<vmem>>, vector<1x1x16xf32>,
      %get3A_607 = vector.shape_cast %get3A_606 : vector<1x1x16xf32> to vector<16xf32>
      %add3A_608 = arith.constant 256 : i32
      %add3A_609 = arith.addi %add3A_608, %add3A_586 : i32
      %swap3A_610 = arith.index_cast %add3A_609 : i32 to index
      %swap3A_611 = arith.constant 16 : index
      %swap3A_612 = tpu.vector_load %arg8[%swap3A_610, %swap3A_611] {strides = array<i32>} : memref<512x32xf32, #tpu.memory_space<vmem>>, vector<1x16xf32>,
      %swap3A_613 = vector.shape_cast %swap3A_612 : vector<1x16xf32> to vector<16xf32>
      %swap3A_614 = vector.shape_cast %get3A_607 : vector<16xf32> to vector<1x16xf32>
      tpu.vector_store %arg8[%swap3A_610, %swap3A_611], %swap3A_614 {strides = array<i32>} : memref<512x32xf32, #tpu.memory_space<vmem>>, vector<1x16xf32>,
      %slice3A_615 = vector.extract_strided_slice %get3A_579 {offsets = [1], sizes = [1], strides = [1]} : vector<16xi32> to vector<1xi32>
      %squeeze3A_616 = vector.extract %slice3A_615[0] : i32 from vector<1xi32>
      %and3A_617 = arith.constant 3 : i32
      %and3A_618 = arith.andi %squeeze3A_616, %and3A_617 : i32
      %mul3A_619 = arith.constant 32 : i32
      %mul3A_620 = arith.muli %and3A_618, %mul3A_619 : i32
      %mul3A_621 = arith.constant 16 : i32
      %mul3A_622 = arith.muli %scan3A_572, %mul3A_621 : i32
      %add3A_623 = arith.constant 1 : i32
      %add3A_624 = arith.addi %mul3A_622, %add3A_623 : i32
      %get3A_625 = arith.constant 0 : i32
      %get3A_626 = arith.index_cast %get3A_625 : i32 to index
      %get3A_627 = arith.index_cast %add3A_624 : i32 to index
      %get3A_628 = arith.index_cast %mul3A_620 : i32 to index
      %get3A_629 = tpu.vector_load %arg7[%get3A_626, %get3A_627, %get3A_628] {strides = array<i32>} : memref<2x128x128xf32, #tpu.memory_space<vmem>>, vector<1x1x16xf32>,
      %get3A_630 = vector.shape_cast %get3A_629 : vector<1x1x16xf32> to vector<16xf32>
      %add3A_631 = arith.constant 256 : i32
      %add3A_632 = arith.addi %add3A_631, %add3A_624 : i32
      %swap3A_633 = arith.index_cast %add3A_632 : i32 to index
      %swap3A_634 = arith.constant 0 : index
      %swap3A_635 = tpu.vector_load %arg8[%swap3A_633, %swap3A_634] {strides = array<i32>} : memref<512x32xf32, #tpu.memory_space<vmem>>, vector<1x16xf32>,
      %swap3A_636 = vector.shape_cast %swap3A_635 : vector<1x16xf32> to vector<16xf32>
      %swap3A_637 = vector.shape_cast %get3A_630 : vector<16xf32> to vector<1x16xf32>
      tpu.vector_store %arg8[%swap3A_633, %swap3A_634], %swap3A_637 {strides = array<i32>} : memref<512x32xf32, #tpu.memory_space<vmem>>, vector<1x16xf32>,
      %add3A_638 = arith.constant 16 : i32
      %add3A_639 = arith.addi %mul3A_620, %add3A_638 : i32
      %get3A_640 = arith.constant 0 : i32
      %get3A_641 = arith.index_cast %get3A_640 : i32 to index
      %get3A_642 = arith.index_cast %add3A_624 : i32 to index
      %get3A_643 = arith.index_cast %add3A_639 : i32 to index
      %get3A_644 = tpu.vector_load %arg7[%get3A_641, %get3A_642, %get3A_643] {strides = array<i32>} : memref<2x128x128xf32, #tpu.memory_space<vmem>>, vector<1x1x16xf32>,
      %get3A_645 = vector.shape_cast %get3A_644 : vector<1x1x16xf32> to vector<16xf32>
      %add3A_646 = arith.constant 256 : i32
      %add3A_647 = arith.addi %add3A_646, %add3A_624 : i32
      %swap3A_648 = arith.index_cast %add3A_647 : i32 to index
      %swap3A_649 = arith.constant 16 : index
      %swap3A_650 = tpu.vector_load %arg8[%swap3A_648, %swap3A_649] {strides = array<i32>} : memref<512x32xf32, #tpu.memory_space<vmem>>, vector<1x16xf32>,
      %swap3A_651 = vector.shape_cast %swap3A_650 : vector<1x16xf32> to vector<16xf32>
      %swap3A_652 = vector.shape_cast %get3A_645 : vector<16xf32> to vector<1x16xf32>
      tpu.vector_store %arg8[%swap3A_648, %swap3A_649], %swap3A_652 {strides = array<i32>} : memref<512x32xf32, #tpu.memory_space<vmem>>, vector<1x16xf32>,
      %slice3A_653 = vector.extract_strided_slice %get3A_579 {offsets = [2], sizes = [1], strides = [1]} : vector<16xi32> to vector<1xi32>
      %squeeze3A_654 = vector.extract %slice3A_653[0] : i32 from vector<1xi32>
      %and3A_655 = arith.constant 3 : i32
      %and3A_656 = arith.andi %squeeze3A_654, %and3A_655 : i32
      %mul3A_657 = arith.constant 32 : i32
      %mul3A_658 = arith.muli %and3A_656, %mul3A_657 : i32
      %mul3A_659 = arith.constant 16 : i32
      %mul3A_660 = arith.muli %scan3A_572, %mul3A_659 : i32
      %add3A_661 = arith.constant 2 : i32
      %add3A_662 = arith.addi %mul3A_660, %add3A_661 : i32
      %get3A_663 = arith.constant 0 : i32
      %get3A_664 = arith.index_cast %get3A_663 : i32 to index
      %get3A_665 = arith.index_cast %add3A_662 : i32 to index
      %get3A_666 = arith.index_cast %mul3A_658 : i32 to index
      %get3A_667 = tpu.vector_load %arg7[%get3A_664, %get3A_665, %get3A_666] {strides = array<i32>} : memref<2x128x128xf32, #tpu.memory_space<vmem>>, vector<1x1x16xf32>,
      %get3A_668 = vector.shape_cast %get3A_667 : vector<1x1x16xf32> to vector<16xf32>
      %add3A_669 = arith.constant 256 : i32
      %add3A_670 = arith.addi %add3A_669, %add3A_662 : i32
      %swap3A_671 = arith.index_cast %add3A_670 : i32 to index
      %swap3A_672 = arith.constant 0 : index
      %swap3A_673 = tpu.vector_load %arg8[%swap3A_671, %swap3A_672] {strides = array<i32>} : memref<512x32xf32, #tpu.memory_space<vmem>>, vector<1x16xf32>,
      %swap3A_674 = vector.shape_cast %swap3A_673 : vector<1x16xf32> to vector<16xf32>
      %swap3A_675 = vector.shape_cast %get3A_668 : vector<16xf32> to vector<1x16xf32>
      tpu.vector_store %arg8[%swap3A_671, %swap3A_672], %swap3A_675 {strides = array<i32>} : memref<512x32xf32, #tpu.memory_space<vmem>>, vector<1x16xf32>,
      %add3A_676 = arith.constant 16 : i32
      %add3A_677 = arith.addi %mul3A_658, %add3A_676 : i32
      %get3A_678 = arith.constant 0 : i32
      %get3A_679 = arith.index_cast %get3A_678 : i32 to index
      %get3A_680 = arith.index_cast %add3A_662 : i32 to index
      %get3A_681 = arith.index_cast %add3A_677 : i32 to index
      %get3A_682 = tpu.vector_load %arg7[%get3A_679, %get3A_680, %get3A_681] {strides = array<i32>} : memref<2x128x128xf32, #tpu.memory_space<vmem>>, vector<1x1x16xf32>,
      %get3A_683 = vector.shape_cast %get3A_682 : vector<1x1x16xf32> to vector<16xf32>
      %add3A_684 = arith.constant 256 : i32
      %add3A_685 = arith.addi %add3A_684, %add3A_662 : i32
      %swap3A_686 = arith.index_cast %add3A_685 : i32 to index
      %swap3A_687 = arith.constant 16 : index
      %swap3A_688 = tpu.vector_load %arg8[%swap3A_686, %swap3A_687] {strides = array<i32>} : memref<512x32xf32, #tpu.memory_space<vmem>>, vector<1x16xf32>,
      %swap3A_689 = vector.shape_cast %swap3A_688 : vector<1x16xf32> to vector<16xf32>
      %swap3A_690 = vector.shape_cast %get3A_683 : vector<16xf32> to vector<1x16xf32>
      tpu.vector_store %arg8[%swap3A_686, %swap3A_687], %swap3A_690 {strides = array<i32>} : memref<512x32xf32, #tpu.memory_space<vmem>>, vector<1x16xf32>,
      %slice3A_691 = vector.extract_strided_slice %get3A_579 {offsets = [3], sizes = [1], strides = [1]} : vector<16xi32> to vector<1xi32>
      %squeeze3A_692 = vector.extract %slice3A_691[0] : i32 from vector<1xi32>
      %and3A_693 = arith.constant 3 : i32
      %and3A_694 = arith.andi %squeeze3A_692, %and3A_693 : i32
      %mul3A_695 = arith.constant 32 : i32
      %mul3A_696 = arith.muli %and3A_694, %mul3A_695 : i32
      %mul3A_697 = arith.constant 16 : i32
      %mul3A_698 = arith.muli %scan3A_572, %mul3A_697 : i32
      %add3A_699 = arith.constant 3 : i32
      %add3A_700 = arith.addi %mul3A_698, %add3A_699 : i32
      %get3A_701 = arith.constant 0 : i32
      %get3A_702 = arith.index_cast %get3A_701 : i32 to index
      %get3A_703 = arith.index_cast %add3A_700 : i32 to index
      %get3A_704 = arith.index_cast %mul3A_696 : i32 to index
      %get3A_705 = tpu.vector_load %arg7[%get3A_702, %get3A_703, %get3A_704] {strides = array<i32>} : memref<2x128x128xf32, #tpu.memory_space<vmem>>, vector<1x1x16xf32>,
      %get3A_706 = vector.shape_cast %get3A_705 : vector<1x1x16xf32> to vector<16xf32>
      %add3A_707 = arith.constant 256 : i32
      %add3A_708 = arith.addi %add3A_707, %add3A_700 : i32
      %swap3A_709 = arith.index_cast %add3A_708 : i32 to index
      %swap3A_710 = arith.constant 0 : index
      %swap3A_711 = tpu.vector_load %arg8[%swap3A_709, %swap3A_710] {strides = array<i32>} : memref<512x32xf32, #tpu.memory_space<vmem>>, vector<1x16xf32>,
      %swap3A_712 = vector.shape_cast %swap3A_711 : vector<1x16xf32> to vector<16xf32>
      %swap3A_713 = vector.shape_cast %get3A_706 : vector<16xf32> to vector<1x16xf32>
      tpu.vector_store %arg8[%swap3A_709, %swap3A_710], %swap3A_713 {strides = array<i32>} : memref<512x32xf32, #tpu.memory_space<vmem>>, vector<1x16xf32>,
      %add3A_714 = arith.constant 16 : i32
      %add3A_715 = arith.addi %mul3A_696, %add3A_714 : i32
      %get3A_716 = arith.constant 0 : i32
      %get3A_717 = arith.index_cast %get3A_716 : i32 to index
      %get3A_718 = arith.index_cast %add3A_700 : i32 to index
      %get3A_719 = arith.index_cast %add3A_715 : i32 to index
      %get3A_720 = tpu.vector_load %arg7[%get3A_717, %get3A_718, %get3A_719] {strides = array<i32>} : memref<2x128x128xf32, #tpu.memory_space<vmem>>, vector<1x1x16xf32>,
      %get3A_721 = vector.shape_cast %get3A_720 : vector<1x1x16xf32> to vector<16xf32>
      %add3A_722 = arith.constant 256 : i32
      %add3A_723 = arith.addi %add3A_722, %add3A_700 : i32
      %swap3A_724 = arith.index_cast %add3A_723 : i32 to index
      %swap3A_725 = arith.constant 16 : index
      %swap3A_726 = tpu.vector_load %arg8[%swap3A_724, %swap3A_725] {strides = array<i32>} : memref<512x32xf32, #tpu.memory_space<vmem>>, vector<1x16xf32>,
      %swap3A_727 = vector.shape_cast %swap3A_726 : vector<1x16xf32> to vector<16xf32>
      %swap3A_728 = vector.shape_cast %get3A_721 : vector<16xf32> to vector<1x16xf32>
      tpu.vector_store %arg8[%swap3A_724, %swap3A_725], %swap3A_728 {strides = array<i32>} : memref<512x32xf32, #tpu.memory_space<vmem>>, vector<1x16xf32>,
      %slice3A_729 = vector.extract_strided_slice %get3A_579 {offsets = [4], sizes = [1], strides = [1]} : vector<16xi32> to vector<1xi32>
      %squeeze3A_730 = vector.extract %slice3A_729[0] : i32 from vector<1xi32>
      %and3A_731 = arith.constant 3 : i32
      %and3A_732 = arith.andi %squeeze3A_730, %and3A_731 : i32
      %mul3A_733 = arith.constant 32 : i32
      %mul3A_734 = arith.muli %and3A_732, %mul3A_733 : i32
      %mul3A_735 = arith.constant 16 : i32
      %mul3A_736 = arith.muli %scan3A_572, %mul3A_735 : i32
      %add3A_737 = arith.constant 4 : i32
      %add3A_738 = arith.addi %mul3A_736, %add3A_737 : i32
      %get3A_739 = arith.constant 0 : i32
      %get3A_740 = arith.index_cast %get3A_739 : i32 to index
      %get3A_741 = arith.index_cast %add3A_738 : i32 to index
      %get3A_742 = arith.index_cast %mul3A_734 : i32 to index
      %get3A_743 = tpu.vector_load %arg7[%get3A_740, %get3A_741, %get3A_742] {strides = array<i32>} : memref<2x128x128xf32, #tpu.memory_space<vmem>>, vector<1x1x16xf32>,
      %get3A_744 = vector.shape_cast %get3A_743 : vector<1x1x16xf32> to vector<16xf32>
      %add3A_745 = arith.constant 256 : i32
      %add3A_746 = arith.addi %add3A_745, %add3A_738 : i32
      %swap3A_747 = arith.index_cast %add3A_746 : i32 to index
      %swap3A_748 = arith.constant 0 : index
      %swap3A_749 = tpu.vector_load %arg8[%swap3A_747, %swap3A_748] {strides = array<i32>} : memref<512x32xf32, #tpu.memory_space<vmem>>, vector<1x16xf32>,
      %swap3A_750 = vector.shape_cast %swap3A_749 : vector<1x16xf32> to vector<16xf32>
      %swap3A_751 = vector.shape_cast %get3A_744 : vector<16xf32> to vector<1x16xf32>
      tpu.vector_store %arg8[%swap3A_747, %swap3A_748], %swap3A_751 {strides = array<i32>} : memref<512x32xf32, #tpu.memory_space<vmem>>, vector<1x16xf32>,
      %add3A_752 = arith.constant 16 : i32
      %add3A_753 = arith.addi %mul3A_734, %add3A_752 : i32
      %get3A_754 = arith.constant 0 : i32
      %get3A_755 = arith.index_cast %get3A_754 : i32 to index
      %get3A_756 = arith.index_cast %add3A_738 : i32 to index
      %get3A_757 = arith.index_cast %add3A_753 : i32 to index
      %get3A_758 = tpu.vector_load %arg7[%get3A_755, %get3A_756, %get3A_757] {strides = array<i32>} : memref<2x128x128xf32, #tpu.memory_space<vmem>>, vector<1x1x16xf32>,
      %get3A_759 = vector.shape_cast %get3A_758 : vector<1x1x16xf32> to vector<16xf32>
      %add3A_760 = arith.constant 256 : i32
      %add3A_761 = arith.addi %add3A_760, %add3A_738 : i32
      %swap3A_762 = arith.index_cast %add3A_761 : i32 to index
      %swap3A_763 = arith.constant 16 : index
      %swap3A_764 = tpu.vector_load %arg8[%swap3A_762, %swap3A_763] {strides = array<i32>} : memref<512x32xf32, #tpu.memory_space<vmem>>, vector<1x16xf32>,
      %swap3A_765 = vector.shape_cast %swap3A_764 : vector<1x16xf32> to vector<16xf32>
      %swap3A_766 = vector.shape_cast %get3A_759 : vector<16xf32> to vector<1x16xf32>
      tpu.vector_store %arg8[%swap3A_762, %swap3A_763], %swap3A_766 {strides = array<i32>} : memref<512x32xf32, #tpu.memory_space<vmem>>, vector<1x16xf32>,
      %slice3A_767 = vector.extract_strided_slice %get3A_579 {offsets = [5], sizes = [1], strides = [1]} : vector<16xi32> to vector<1xi32>
      %squeeze3A_768 = vector.extract %slice3A_767[0] : i32 from vector<1xi32>
      %and3A_769 = arith.constant 3 : i32
      %and3A_770 = arith.andi %squeeze3A_768, %and3A_769 : i32
      %mul3A_771 = arith.constant 32 : i32
      %mul3A_772 = arith.muli %and3A_770, %mul3A_771 : i32
      %mul3A_773 = arith.constant 16 : i32
      %mul3A_774 = arith.muli %scan3A_572, %mul3A_773 : i32
      %add3A_775 = arith.constant 5 : i32
      %add3A_776 = arith.addi %mul3A_774, %add3A_775 : i32
      %get3A_777 = arith.constant 0 : i32
      %get3A_778 = arith.index_cast %get3A_777 : i32 to index
      %get3A_779 = arith.index_cast %add3A_776 : i32 to index
      %get3A_780 = arith.index_cast %mul3A_772 : i32 to index
      %get3A_781 = tpu.vector_load %arg7[%get3A_778, %get3A_779, %get3A_780] {strides = array<i32>} : memref<2x128x128xf32, #tpu.memory_space<vmem>>, vector<1x1x16xf32>,
      %get3A_782 = vector.shape_cast %get3A_781 : vector<1x1x16xf32> to vector<16xf32>
      %add3A_783 = arith.constant 256 : i32
      %add3A_784 = arith.addi %add3A_783, %add3A_776 : i32
      %swap3A_785 = arith.index_cast %add3A_784 : i32 to index
      %swap3A_786 = arith.constant 0 : index
      %swap3A_787 = tpu.vector_load %arg8[%swap3A_785, %swap3A_786] {strides = array<i32>} : memref<512x32xf32, #tpu.memory_space<vmem>>, vector<1x16xf32>,
      %swap3A_788 = vector.shape_cast %swap3A_787 : vector<1x16xf32> to vector<16xf32>
      %swap3A_789 = vector.shape_cast %get3A_782 : vector<16xf32> to vector<1x16xf32>
      tpu.vector_store %arg8[%swap3A_785, %swap3A_786], %swap3A_789 {strides = array<i32>} : memref<512x32xf32, #tpu.memory_space<vmem>>, vector<1x16xf32>,
      %add3A_790 = arith.constant 16 : i32
      %add3A_791 = arith.addi %mul3A_772, %add3A_790 : i32
      %get3A_792 = arith.constant 0 : i32
      %get3A_793 = arith.index_cast %get3A_792 : i32 to index
      %get3A_794 = arith.index_cast %add3A_776 : i32 to index
      %get3A_795 = arith.index_cast %add3A_791 : i32 to index
      %get3A_796 = tpu.vector_load %arg7[%get3A_793, %get3A_794, %get3A_795] {strides = array<i32>} : memref<2x128x128xf32, #tpu.memory_space<vmem>>, vector<1x1x16xf32>,
      %get3A_797 = vector.shape_cast %get3A_796 : vector<1x1x16xf32> to vector<16xf32>
      %add3A_798 = arith.constant 256 : i32
      %add3A_799 = arith.addi %add3A_798, %add3A_776 : i32
      %swap3A_800 = arith.index_cast %add3A_799 : i32 to index
      %swap3A_801 = arith.constant 16 : index
      %swap3A_802 = tpu.vector_load %arg8[%swap3A_800, %swap3A_801] {strides = array<i32>} : memref<512x32xf32, #tpu.memory_space<vmem>>, vector<1x16xf32>,
      %swap3A_803 = vector.shape_cast %swap3A_802 : vector<1x16xf32> to vector<16xf32>
      %swap3A_804 = vector.shape_cast %get3A_797 : vector<16xf32> to vector<1x16xf32>
      tpu.vector_store %arg8[%swap3A_800, %swap3A_801], %swap3A_804 {strides = array<i32>} : memref<512x32xf32, #tpu.memory_space<vmem>>, vector<1x16xf32>,
      %slice3A_805 = vector.extract_strided_slice %get3A_579 {offsets = [6], sizes = [1], strides = [1]} : vector<16xi32> to vector<1xi32>
      %squeeze3A_806 = vector.extract %slice3A_805[0] : i32 from vector<1xi32>
      %and3A_807 = arith.constant 3 : i32
      %and3A_808 = arith.andi %squeeze3A_806, %and3A_807 : i32
      %mul3A_809 = arith.constant 32 : i32
      %mul3A_810 = arith.muli %and3A_808, %mul3A_809 : i32
      %mul3A_811 = arith.constant 16 : i32
      %mul3A_812 = arith.muli %scan3A_572, %mul3A_811 : i32
      %add3A_813 = arith.constant 6 : i32
      %add3A_814 = arith.addi %mul3A_812, %add3A_813 : i32
      %get3A_815 = arith.constant 0 : i32
      %get3A_816 = arith.index_cast %get3A_815 : i32 to index
      %get3A_817 = arith.index_cast %add3A_814 : i32 to index
      %get3A_818 = arith.index_cast %mul3A_810 : i32 to index
      %get3A_819 = tpu.vector_load %arg7[%get3A_816, %get3A_817, %get3A_818] {strides = array<i32>} : memref<2x128x128xf32, #tpu.memory_space<vmem>>, vector<1x1x16xf32>,
      %get3A_820 = vector.shape_cast %get3A_819 : vector<1x1x16xf32> to vector<16xf32>
      %add3A_821 = arith.constant 256 : i32
      %add3A_822 = arith.addi %add3A_821, %add3A_814 : i32
      %swap3A_823 = arith.index_cast %add3A_822 : i32 to index
      %swap3A_824 = arith.constant 0 : index
      %swap3A_825 = tpu.vector_load %arg8[%swap3A_823, %swap3A_824] {strides = array<i32>} : memref<512x32xf32, #tpu.memory_space<vmem>>, vector<1x16xf32>,
      %swap3A_826 = vector.shape_cast %swap3A_825 : vector<1x16xf32> to vector<16xf32>
      %swap3A_827 = vector.shape_cast %get3A_820 : vector<16xf32> to vector<1x16xf32>
      tpu.vector_store %arg8[%swap3A_823, %swap3A_824], %swap3A_827 {strides = array<i32>} : memref<512x32xf32, #tpu.memory_space<vmem>>, vector<1x16xf32>,
      %add3A_828 = arith.constant 16 : i32
      %add3A_829 = arith.addi %mul3A_810, %add3A_828 : i32
      %get3A_830 = arith.constant 0 : i32
      %get3A_831 = arith.index_cast %get3A_830 : i32 to index
      %get3A_832 = arith.index_cast %add3A_814 : i32 to index
      %get3A_833 = arith.index_cast %add3A_829 : i32 to index
      %get3A_834 = tpu.vector_load %arg7[%get3A_831, %get3A_832, %get3A_833] {strides = array<i32>} : memref<2x128x128xf32, #tpu.memory_space<vmem>>, vector<1x1x16xf32>,
      %get3A_835 = vector.shape_cast %get3A_834 : vector<1x1x16xf32> to vector<16xf32>
      %add3A_836 = arith.constant 256 : i32
      %add3A_837 = arith.addi %add3A_836, %add3A_814 : i32
      %swap3A_838 = arith.index_cast %add3A_837 : i32 to index
      %swap3A_839 = arith.constant 16 : index
      %swap3A_840 = tpu.vector_load %arg8[%swap3A_838, %swap3A_839] {strides = array<i32>} : memref<512x32xf32, #tpu.memory_space<vmem>>, vector<1x16xf32>,
      %swap3A_841 = vector.shape_cast %swap3A_840 : vector<1x16xf32> to vector<16xf32>
      %swap3A_842 = vector.shape_cast %get3A_835 : vector<16xf32> to vector<1x16xf32>
      tpu.vector_store %arg8[%swap3A_838, %swap3A_839], %swap3A_842 {strides = array<i32>} : memref<512x32xf32, #tpu.memory_space<vmem>>, vector<1x16xf32>,
      %slice3A_843 = vector.extract_strided_slice %get3A_579 {offsets = [7], sizes = [1], strides = [1]} : vector<16xi32> to vector<1xi32>
      %squeeze3A_844 = vector.extract %slice3A_843[0] : i32 from vector<1xi32>
      %and3A_845 = arith.constant 3 : i32
      %and3A_846 = arith.andi %squeeze3A_844, %and3A_845 : i32
      %mul3A_847 = arith.constant 32 : i32
      %mul3A_848 = arith.muli %and3A_846, %mul3A_847 : i32
      %mul3A_849 = arith.constant 16 : i32
      %mul3A_850 = arith.muli %scan3A_572, %mul3A_849 : i32
      %add3A_851 = arith.constant 7 : i32
      %add3A_852 = arith.addi %mul3A_850, %add3A_851 : i32
      %get3A_853 = arith.constant 0 : i32
      %get3A_854 = arith.index_cast %get3A_853 : i32 to index
      %get3A_855 = arith.index_cast %add3A_852 : i32 to index
      %get3A_856 = arith.index_cast %mul3A_848 : i32 to index
      %get3A_857 = tpu.vector_load %arg7[%get3A_854, %get3A_855, %get3A_856] {strides = array<i32>} : memref<2x128x128xf32, #tpu.memory_space<vmem>>, vector<1x1x16xf32>,
      %get3A_858 = vector.shape_cast %get3A_857 : vector<1x1x16xf32> to vector<16xf32>
      %add3A_859 = arith.constant 256 : i32
      %add3A_860 = arith.addi %add3A_859, %add3A_852 : i32
      %swap3A_861 = arith.index_cast %add3A_860 : i32 to index
      %swap3A_862 = arith.constant 0 : index
      %swap3A_863 = tpu.vector_load %arg8[%swap3A_861, %swap3A_862] {strides = array<i32>} : memref<512x32xf32, #tpu.memory_space<vmem>>, vector<1x16xf32>,
      %swap3A_864 = vector.shape_cast %swap3A_863 : vector<1x16xf32> to vector<16xf32>
      %swap3A_865 = vector.shape_cast %get3A_858 : vector<16xf32> to vector<1x16xf32>
      tpu.vector_store %arg8[%swap3A_861, %swap3A_862], %swap3A_865 {strides = array<i32>} : memref<512x32xf32, #tpu.memory_space<vmem>>, vector<1x16xf32>,
      %add3A_866 = arith.constant 16 : i32
      %add3A_867 = arith.addi %mul3A_848, %add3A_866 : i32
      %get3A_868 = arith.constant 0 : i32
      %get3A_869 = arith.index_cast %get3A_868 : i32 to index
      %get3A_870 = arith.index_cast %add3A_852 : i32 to index
      %get3A_871 = arith.index_cast %add3A_867 : i32 to index
      %get3A_872 = tpu.vector_load %arg7[%get3A_869, %get3A_870, %get3A_871] {strides = array<i32>} : memref<2x128x128xf32, #tpu.memory_space<vmem>>, vector<1x1x16xf32>,
      %get3A_873 = vector.shape_cast %get3A_872 : vector<1x1x16xf32> to vector<16xf32>
      %add3A_874 = arith.constant 256 : i32
      %add3A_875 = arith.addi %add3A_874, %add3A_852 : i32
      %swap3A_876 = arith.index_cast %add3A_875 : i32 to index
      %swap3A_877 = arith.constant 16 : index
      %swap3A_878 = tpu.vector_load %arg8[%swap3A_876, %swap3A_877] {strides = array<i32>} : memref<512x32xf32, #tpu.memory_space<vmem>>, vector<1x16xf32>,
      %swap3A_879 = vector.shape_cast %swap3A_878 : vector<1x16xf32> to vector<16xf32>
      %swap3A_880 = vector.shape_cast %get3A_873 : vector<16xf32> to vector<1x16xf32>
      tpu.vector_store %arg8[%swap3A_876, %swap3A_877], %swap3A_880 {strides = array<i32>} : memref<512x32xf32, #tpu.memory_space<vmem>>, vector<1x16xf32>,
      %slice3A_881 = vector.extract_strided_slice %get3A_579 {offsets = [8], sizes = [1], strides = [1]} : vector<16xi32> to vector<1xi32>
      %squeeze3A_882 = vector.extract %slice3A_881[0] : i32 from vector<1xi32>
      %and3A_883 = arith.constant 3 : i32
      %and3A_884 = arith.andi %squeeze3A_882, %and3A_883 : i32
      %mul3A_885 = arith.constant 32 : i32
      %mul3A_886 = arith.muli %and3A_884, %mul3A_885 : i32
      %mul3A_887 = arith.constant 16 : i32
      %mul3A_888 = arith.muli %scan3A_572, %mul3A_887 : i32
      %add3A_889 = arith.constant 8 : i32
      %add3A_890 = arith.addi %mul3A_888, %add3A_889 : i32
      %get3A_891 = arith.constant 0 : i32
      %get3A_892 = arith.index_cast %get3A_891 : i32 to index
      %get3A_893 = arith.index_cast %add3A_890 : i32 to index
      %get3A_894 = arith.index_cast %mul3A_886 : i32 to index
      %get3A_895 = tpu.vector_load %arg7[%get3A_892, %get3A_893, %get3A_894] {strides = array<i32>} : memref<2x128x128xf32, #tpu.memory_space<vmem>>, vector<1x1x16xf32>,
      %get3A_896 = vector.shape_cast %get3A_895 : vector<1x1x16xf32> to vector<16xf32>
      %add3A_897 = arith.constant 256 : i32
      %add3A_898 = arith.addi %add3A_897, %add3A_890 : i32
      %swap3A_899 = arith.index_cast %add3A_898 : i32 to index
      %swap3A_900 = arith.constant 0 : index
      %swap3A_901 = tpu.vector_load %arg8[%swap3A_899, %swap3A_900] {strides = array<i32>} : memref<512x32xf32, #tpu.memory_space<vmem>>, vector<1x16xf32>,
      %swap3A_902 = vector.shape_cast %swap3A_901 : vector<1x16xf32> to vector<16xf32>
      %swap3A_903 = vector.shape_cast %get3A_896 : vector<16xf32> to vector<1x16xf32>
      tpu.vector_store %arg8[%swap3A_899, %swap3A_900], %swap3A_903 {strides = array<i32>} : memref<512x32xf32, #tpu.memory_space<vmem>>, vector<1x16xf32>,
      %add3A_904 = arith.constant 16 : i32
      %add3A_905 = arith.addi %mul3A_886, %add3A_904 : i32
      %get3A_906 = arith.constant 0 : i32
      %get3A_907 = arith.index_cast %get3A_906 : i32 to index
      %get3A_908 = arith.index_cast %add3A_890 : i32 to index
      %get3A_909 = arith.index_cast %add3A_905 : i32 to index
      %get3A_910 = tpu.vector_load %arg7[%get3A_907, %get3A_908, %get3A_909] {strides = array<i32>} : memref<2x128x128xf32, #tpu.memory_space<vmem>>, vector<1x1x16xf32>,
      %get3A_911 = vector.shape_cast %get3A_910 : vector<1x1x16xf32> to vector<16xf32>
      %add3A_912 = arith.constant 256 : i32
      %add3A_913 = arith.addi %add3A_912, %add3A_890 : i32
      %swap3A_914 = arith.index_cast %add3A_913 : i32 to index
      %swap3A_915 = arith.constant 16 : index
      %swap3A_916 = tpu.vector_load %arg8[%swap3A_914, %swap3A_915] {strides = array<i32>} : memref<512x32xf32, #tpu.memory_space<vmem>>, vector<1x16xf32>,
      %swap3A_917 = vector.shape_cast %swap3A_916 : vector<1x16xf32> to vector<16xf32>
      %swap3A_918 = vector.shape_cast %get3A_911 : vector<16xf32> to vector<1x16xf32>
      tpu.vector_store %arg8[%swap3A_914, %swap3A_915], %swap3A_918 {strides = array<i32>} : memref<512x32xf32, #tpu.memory_space<vmem>>, vector<1x16xf32>,
      %slice3A_919 = vector.extract_strided_slice %get3A_579 {offsets = [9], sizes = [1], strides = [1]} : vector<16xi32> to vector<1xi32>
      %squeeze3A_920 = vector.extract %slice3A_919[0] : i32 from vector<1xi32>
      %and3A_921 = arith.constant 3 : i32
      %and3A_922 = arith.andi %squeeze3A_920, %and3A_921 : i32
      %mul3A_923 = arith.constant 32 : i32
      %mul3A_924 = arith.muli %and3A_922, %mul3A_923 : i32
      %mul3A_925 = arith.constant 16 : i32
      %mul3A_926 = arith.muli %scan3A_572, %mul3A_925 : i32
      %add3A_927 = arith.constant 9 : i32
      %add3A_928 = arith.addi %mul3A_926, %add3A_927 : i32
      %get3A_929 = arith.constant 0 : i32
      %get3A_930 = arith.index_cast %get3A_929 : i32 to index
      %get3A_931 = arith.index_cast %add3A_928 : i32 to index
      %get3A_932 = arith.index_cast %mul3A_924 : i32 to index
      %get3A_933 = tpu.vector_load %arg7[%get3A_930, %get3A_931, %get3A_932] {strides = array<i32>} : memref<2x128x128xf32, #tpu.memory_space<vmem>>, vector<1x1x16xf32>,
      %get3A_934 = vector.shape_cast %get3A_933 : vector<1x1x16xf32> to vector<16xf32>
      %add3A_935 = arith.constant 256 : i32
      %add3A_936 = arith.addi %add3A_935, %add3A_928 : i32
      %swap3A_937 = arith.index_cast %add3A_936 : i32 to index
      %swap3A_938 = arith.constant 0 : index
      %swap3A_939 = tpu.vector_load %arg8[%swap3A_937, %swap3A_938] {strides = array<i32>} : memref<512x32xf32, #tpu.memory_space<vmem>>, vector<1x16xf32>,
      %swap3A_940 = vector.shape_cast %swap3A_939 : vector<1x16xf32> to vector<16xf32>
      %swap3A_941 = vector.shape_cast %get3A_934 : vector<16xf32> to vector<1x16xf32>
      tpu.vector_store %arg8[%swap3A_937, %swap3A_938], %swap3A_941 {strides = array<i32>} : memref<512x32xf32, #tpu.memory_space<vmem>>, vector<1x16xf32>,
      %add3A_942 = arith.constant 16 : i32
      %add3A_943 = arith.addi %mul3A_924, %add3A_942 : i32
      %get3A_944 = arith.constant 0 : i32
      %get3A_945 = arith.index_cast %get3A_944 : i32 to index
      %get3A_946 = arith.index_cast %add3A_928 : i32 to index
      %get3A_947 = arith.index_cast %add3A_943 : i32 to index
      %get3A_948 = tpu.vector_load %arg7[%get3A_945, %get3A_946, %get3A_947] {strides = array<i32>} : memref<2x128x128xf32, #tpu.memory_space<vmem>>, vector<1x1x16xf32>,
      %get3A_949 = vector.shape_cast %get3A_948 : vector<1x1x16xf32> to vector<16xf32>
      %add3A_950 = arith.constant 256 : i32
      %add3A_951 = arith.addi %add3A_950, %add3A_928 : i32
      %swap3A_952 = arith.index_cast %add3A_951 : i32 to index
      %swap3A_953 = arith.constant 16 : index
      %swap3A_954 = tpu.vector_load %arg8[%swap3A_952, %swap3A_953] {strides = array<i32>} : memref<512x32xf32, #tpu.memory_space<vmem>>, vector<1x16xf32>,
      %swap3A_955 = vector.shape_cast %swap3A_954 : vector<1x16xf32> to vector<16xf32>
      %swap3A_956 = vector.shape_cast %get3A_949 : vector<16xf32> to vector<1x16xf32>
      tpu.vector_store %arg8[%swap3A_952, %swap3A_953], %swap3A_956 {strides = array<i32>} : memref<512x32xf32, #tpu.memory_space<vmem>>, vector<1x16xf32>,
      %slice3A_957 = vector.extract_strided_slice %get3A_579 {offsets = [10], sizes = [1], strides = [1]} : vector<16xi32> to vector<1xi32>
      %squeeze3A_958 = vector.extract %slice3A_957[0] : i32 from vector<1xi32>
      %and3A_959 = arith.constant 3 : i32
      %and3A_960 = arith.andi %squeeze3A_958, %and3A_959 : i32
      %mul3A_961 = arith.constant 32 : i32
      %mul3A_962 = arith.muli %and3A_960, %mul3A_961 : i32
      %mul3A_963 = arith.constant 16 : i32
      %mul3A_964 = arith.muli %scan3A_572, %mul3A_963 : i32
      %add3A_965 = arith.constant 10 : i32
      %add3A_966 = arith.addi %mul3A_964, %add3A_965 : i32
      %get3A_967 = arith.constant 0 : i32
      %get3A_968 = arith.index_cast %get3A_967 : i32 to index
      %get3A_969 = arith.index_cast %add3A_966 : i32 to index
      %get3A_970 = arith.index_cast %mul3A_962 : i32 to index
      %get3A_971 = tpu.vector_load %arg7[%get3A_968, %get3A_969, %get3A_970] {strides = array<i32>} : memref<2x128x128xf32, #tpu.memory_space<vmem>>, vector<1x1x16xf32>,
      %get3A_972 = vector.shape_cast %get3A_971 : vector<1x1x16xf32> to vector<16xf32>
      %add3A_973 = arith.constant 256 : i32
      %add3A_974 = arith.addi %add3A_973, %add3A_966 : i32
      %swap3A_975 = arith.index_cast %add3A_974 : i32 to index
      %swap3A_976 = arith.constant 0 : index
      %swap3A_977 = tpu.vector_load %arg8[%swap3A_975, %swap3A_976] {strides = array<i32>} : memref<512x32xf32, #tpu.memory_space<vmem>>, vector<1x16xf32>,
      %swap3A_978 = vector.shape_cast %swap3A_977 : vector<1x16xf32> to vector<16xf32>
      %swap3A_979 = vector.shape_cast %get3A_972 : vector<16xf32> to vector<1x16xf32>
      tpu.vector_store %arg8[%swap3A_975, %swap3A_976], %swap3A_979 {strides = array<i32>} : memref<512x32xf32, #tpu.memory_space<vmem>>, vector<1x16xf32>,
      %add3A_980 = arith.constant 16 : i32
      %add3A_981 = arith.addi %mul3A_962, %add3A_980 : i32
      %get3A_982 = arith.constant 0 : i32
      %get3A_983 = arith.index_cast %get3A_982 : i32 to index
      %get3A_984 = arith.index_cast %add3A_966 : i32 to index
      %get3A_985 = arith.index_cast %add3A_981 : i32 to index
      %get3A_986 = tpu.vector_load %arg7[%get3A_983, %get3A_984, %get3A_985] {strides = array<i32>} : memref<2x128x128xf32, #tpu.memory_space<vmem>>, vector<1x1x16xf32>,
      %get3A_987 = vector.shape_cast %get3A_986 : vector<1x1x16xf32> to vector<16xf32>
      %add3A_988 = arith.constant 256 : i32
      %add3A_989 = arith.addi %add3A_988, %add3A_966 : i32
      %swap3A_990 = arith.index_cast %add3A_989 : i32 to index
      %swap3A_991 = arith.constant 16 : index
      %swap3A_992 = tpu.vector_load %arg8[%swap3A_990, %swap3A_991] {strides = array<i32>} : memref<512x32xf32, #tpu.memory_space<vmem>>, vector<1x16xf32>,
      %swap3A_993 = vector.shape_cast %swap3A_992 : vector<1x16xf32> to vector<16xf32>
      %swap3A_994 = vector.shape_cast %get3A_987 : vector<16xf32> to vector<1x16xf32>
      tpu.vector_store %arg8[%swap3A_990, %swap3A_991], %swap3A_994 {strides = array<i32>} : memref<512x32xf32, #tpu.memory_space<vmem>>, vector<1x16xf32>,
      %slice3A_995 = vector.extract_strided_slice %get3A_579 {offsets = [11], sizes = [1], strides = [1]} : vector<16xi32> to vector<1xi32>
      %squeeze3A_996 = vector.extract %slice3A_995[0] : i32 from vector<1xi32>
      %and3A_997 = arith.constant 3 : i32
      %and3A_998 = arith.andi %squeeze3A_996, %and3A_997 : i32
      %mul3A_999 = arith.constant 32 : i32
      %mul3A_1000 = arith.muli %and3A_998, %mul3A_999 : i32
      %mul3A_1001 = arith.constant 16 : i32
      %mul3A_1002 = arith.muli %scan3A_572, %mul3A_1001 : i32
      %add3A_1003 = arith.constant 11 : i32
      %add3A_1004 = arith.addi %mul3A_1002, %add3A_1003 : i32
      %get3A_1005 = arith.constant 0 : i32
      %get3A_1006 = arith.index_cast %get3A_1005 : i32 to index
      %get3A_1007 = arith.index_cast %add3A_1004 : i32 to index
      %get3A_1008 = arith.index_cast %mul3A_1000 : i32 to index
      %get3A_1009 = tpu.vector_load %arg7[%get3A_1006, %get3A_1007, %get3A_1008] {strides = array<i32>} : memref<2x128x128xf32, #tpu.memory_space<vmem>>, vector<1x1x16xf32>,
      %get3A_1010 = vector.shape_cast %get3A_1009 : vector<1x1x16xf32> to vector<16xf32>
      %add3A_1011 = arith.constant 256 : i32
      %add3A_1012 = arith.addi %add3A_1011, %add3A_1004 : i32
      %swap3A_1013 = arith.index_cast %add3A_1012 : i32 to index
      %swap3A_1014 = arith.constant 0 : index
      %swap3A_1015 = tpu.vector_load %arg8[%swap3A_1013, %swap3A_1014] {strides = array<i32>} : memref<512x32xf32, #tpu.memory_space<vmem>>, vector<1x16xf32>,
      %swap3A_1016 = vector.shape_cast %swap3A_1015 : vector<1x16xf32> to vector<16xf32>
      %swap3A_1017 = vector.shape_cast %get3A_1010 : vector<16xf32> to vector<1x16xf32>
      tpu.vector_store %arg8[%swap3A_1013, %swap3A_1014], %swap3A_1017 {strides = array<i32>} : memref<512x32xf32, #tpu.memory_space<vmem>>, vector<1x16xf32>,
      %add3A_1018 = arith.constant 16 : i32
      %add3A_1019 = arith.addi %mul3A_1000, %add3A_1018 : i32
      %get3A_1020 = arith.constant 0 : i32
      %get3A_1021 = arith.index_cast %get3A_1020 : i32 to index
      %get3A_1022 = arith.index_cast %add3A_1004 : i32 to index
      %get3A_1023 = arith.index_cast %add3A_1019 : i32 to index
      %get3A_1024 = tpu.vector_load %arg7[%get3A_1021, %get3A_1022, %get3A_1023] {strides = array<i32>} : memref<2x128x128xf32, #tpu.memory_space<vmem>>, vector<1x1x16xf32>,
      %get3A_1025 = vector.shape_cast %get3A_1024 : vector<1x1x16xf32> to vector<16xf32>
      %add3A_1026 = arith.constant 256 : i32
      %add3A_1027 = arith.addi %add3A_1026, %add3A_1004 : i32
      %swap3A_1028 = arith.index_cast %add3A_1027 : i32 to index
      %swap3A_1029 = arith.constant 16 : index
      %swap3A_1030 = tpu.vector_load %arg8[%swap3A_1028, %swap3A_1029] {strides = array<i32>} : memref<512x32xf32, #tpu.memory_space<vmem>>, vector<1x16xf32>,
      %swap3A_1031 = vector.shape_cast %swap3A_1030 : vector<1x16xf32> to vector<16xf32>
      %swap3A_1032 = vector.shape_cast %get3A_1025 : vector<16xf32> to vector<1x16xf32>
      tpu.vector_store %arg8[%swap3A_1028, %swap3A_1029], %swap3A_1032 {strides = array<i32>} : memref<512x32xf32, #tpu.memory_space<vmem>>, vector<1x16xf32>,
      %slice3A_1033 = vector.extract_strided_slice %get3A_579 {offsets = [12], sizes = [1], strides = [1]} : vector<16xi32> to vector<1xi32>
      %squeeze3A_1034 = vector.extract %slice3A_1033[0] : i32 from vector<1xi32>
      %and3A_1035 = arith.constant 3 : i32
      %and3A_1036 = arith.andi %squeeze3A_1034, %and3A_1035 : i32
      %mul3A_1037 = arith.constant 32 : i32
      %mul3A_1038 = arith.muli %and3A_1036, %mul3A_1037 : i32
      %mul3A_1039 = arith.constant 16 : i32
      %mul3A_1040 = arith.muli %scan3A_572, %mul3A_1039 : i32
      %add3A_1041 = arith.constant 12 : i32
      %add3A_1042 = arith.addi %mul3A_1040, %add3A_1041 : i32
      %get3A_1043 = arith.constant 0 : i32
      %get3A_1044 = arith.index_cast %get3A_1043 : i32 to index
      %get3A_1045 = arith.index_cast %add3A_1042 : i32 to index
      %get3A_1046 = arith.index_cast %mul3A_1038 : i32 to index
      %get3A_1047 = tpu.vector_load %arg7[%get3A_1044, %get3A_1045, %get3A_1046] {strides = array<i32>} : memref<2x128x128xf32, #tpu.memory_space<vmem>>, vector<1x1x16xf32>,
      %get3A_1048 = vector.shape_cast %get3A_1047 : vector<1x1x16xf32> to vector<16xf32>
      %add3A_1049 = arith.constant 256 : i32
      %add3A_1050 = arith.addi %add3A_1049, %add3A_1042 : i32
      %swap3A_1051 = arith.index_cast %add3A_1050 : i32 to index
      %swap3A_1052 = arith.constant 0 : index
      %swap3A_1053 = tpu.vector_load %arg8[%swap3A_1051, %swap3A_1052] {strides = array<i32>} : memref<512x32xf32, #tpu.memory_space<vmem>>, vector<1x16xf32>,
      %swap3A_1054 = vector.shape_cast %swap3A_1053 : vector<1x16xf32> to vector<16xf32>
      %swap3A_1055 = vector.shape_cast %get3A_1048 : vector<16xf32> to vector<1x16xf32>
      tpu.vector_store %arg8[%swap3A_1051, %swap3A_1052], %swap3A_1055 {strides = array<i32>} : memref<512x32xf32, #tpu.memory_space<vmem>>, vector<1x16xf32>,
      %add3A_1056 = arith.constant 16 : i32
      %add3A_1057 = arith.addi %mul3A_1038, %add3A_1056 : i32
      %get3A_1058 = arith.constant 0 : i32
      %get3A_1059 = arith.index_cast %get3A_1058 : i32 to index
      %get3A_1060 = arith.index_cast %add3A_1042 : i32 to index
      %get3A_1061 = arith.index_cast %add3A_1057 : i32 to index
      %get3A_1062 = tpu.vector_load %arg7[%get3A_1059, %get3A_1060, %get3A_1061] {strides = array<i32>} : memref<2x128x128xf32, #tpu.memory_space<vmem>>, vector<1x1x16xf32>,
      %get3A_1063 = vector.shape_cast %get3A_1062 : vector<1x1x16xf32> to vector<16xf32>
      %add3A_1064 = arith.constant 256 : i32
      %add3A_1065 = arith.addi %add3A_1064, %add3A_1042 : i32
      %swap3A_1066 = arith.index_cast %add3A_1065 : i32 to index
      %swap3A_1067 = arith.constant 16 : index
      %swap3A_1068 = tpu.vector_load %arg8[%swap3A_1066, %swap3A_1067] {strides = array<i32>} : memref<512x32xf32, #tpu.memory_space<vmem>>, vector<1x16xf32>,
      %swap3A_1069 = vector.shape_cast %swap3A_1068 : vector<1x16xf32> to vector<16xf32>
      %swap3A_1070 = vector.shape_cast %get3A_1063 : vector<16xf32> to vector<1x16xf32>
      tpu.vector_store %arg8[%swap3A_1066, %swap3A_1067], %swap3A_1070 {strides = array<i32>} : memref<512x32xf32, #tpu.memory_space<vmem>>, vector<1x16xf32>,
      %slice3A_1071 = vector.extract_strided_slice %get3A_579 {offsets = [13], sizes = [1], strides = [1]} : vector<16xi32> to vector<1xi32>
      %squeeze3A_1072 = vector.extract %slice3A_1071[0] : i32 from vector<1xi32>
      %and3A_1073 = arith.constant 3 : i32
      %and3A_1074 = arith.andi %squeeze3A_1072, %and3A_1073 : i32
      %mul3A_1075 = arith.constant 32 : i32
      %mul3A_1076 = arith.muli %and3A_1074, %mul3A_1075 : i32
      %mul3A_1077 = arith.constant 16 : i32
      %mul3A_1078 = arith.muli %scan3A_572, %mul3A_1077 : i32
      %add3A_1079 = arith.constant 13 : i32
      %add3A_1080 = arith.addi %mul3A_1078, %add3A_1079 : i32
      %get3A_1081 = arith.constant 0 : i32
      %get3A_1082 = arith.index_cast %get3A_1081 : i32 to index
      %get3A_1083 = arith.index_cast %add3A_1080 : i32 to index
      %get3A_1084 = arith.index_cast %mul3A_1076 : i32 to index
      %get3A_1085 = tpu.vector_load %arg7[%get3A_1082, %get3A_1083, %get3A_1084] {strides = array<i32>} : memref<2x128x128xf32, #tpu.memory_space<vmem>>, vector<1x1x16xf32>,
      %get3A_1086 = vector.shape_cast %get3A_1085 : vector<1x1x16xf32> to vector<16xf32>
      %add3A_1087 = arith.constant 256 : i32
      %add3A_1088 = arith.addi %add3A_1087, %add3A_1080 : i32
      %swap3A_1089 = arith.index_cast %add3A_1088 : i32 to index
      %swap3A_1090 = arith.constant 0 : index
      %swap3A_1091 = tpu.vector_load %arg8[%swap3A_1089, %swap3A_1090] {strides = array<i32>} : memref<512x32xf32, #tpu.memory_space<vmem>>, vector<1x16xf32>,
      %swap3A_1092 = vector.shape_cast %swap3A_1091 : vector<1x16xf32> to vector<16xf32>
      %swap3A_1093 = vector.shape_cast %get3A_1086 : vector<16xf32> to vector<1x16xf32>
      tpu.vector_store %arg8[%swap3A_1089, %swap3A_1090], %swap3A_1093 {strides = array<i32>} : memref<512x32xf32, #tpu.memory_space<vmem>>, vector<1x16xf32>,
      %add3A_1094 = arith.constant 16 : i32
      %add3A_1095 = arith.addi %mul3A_1076, %add3A_1094 : i32
      %get3A_1096 = arith.constant 0 : i32
      %get3A_1097 = arith.index_cast %get3A_1096 : i32 to index
      %get3A_1098 = arith.index_cast %add3A_1080 : i32 to index
      %get3A_1099 = arith.index_cast %add3A_1095 : i32 to index
      %get3A_1100 = tpu.vector_load %arg7[%get3A_1097, %get3A_1098, %get3A_1099] {strides = array<i32>} : memref<2x128x128xf32, #tpu.memory_space<vmem>>, vector<1x1x16xf32>,
      %get3A_1101 = vector.shape_cast %get3A_1100 : vector<1x1x16xf32> to vector<16xf32>
      %add3A_1102 = arith.constant 256 : i32
      %add3A_1103 = arith.addi %add3A_1102, %add3A_1080 : i32
      %swap3A_1104 = arith.index_cast %add3A_1103 : i32 to index
      %swap3A_1105 = arith.constant 16 : index
      %swap3A_1106 = tpu.vector_load %arg8[%swap3A_1104, %swap3A_1105] {strides = array<i32>} : memref<512x32xf32, #tpu.memory_space<vmem>>, vector<1x16xf32>,
      %swap3A_1107 = vector.shape_cast %swap3A_1106 : vector<1x16xf32> to vector<16xf32>
      %swap3A_1108 = vector.shape_cast %get3A_1101 : vector<16xf32> to vector<1x16xf32>
      tpu.vector_store %arg8[%swap3A_1104, %swap3A_1105], %swap3A_1108 {strides = array<i32>} : memref<512x32xf32, #tpu.memory_space<vmem>>, vector<1x16xf32>,
      %slice3A_1109 = vector.extract_strided_slice %get3A_579 {offsets = [14], sizes = [1], strides = [1]} : vector<16xi32> to vector<1xi32>
      %squeeze3A_1110 = vector.extract %slice3A_1109[0] : i32 from vector<1xi32>
      %and3A_1111 = arith.constant 3 : i32
      %and3A_1112 = arith.andi %squeeze3A_1110, %and3A_1111 : i32
      %mul3A_1113 = arith.constant 32 : i32
      %mul3A_1114 = arith.muli %and3A_1112, %mul3A_1113 : i32
      %mul3A_1115 = arith.constant 16 : i32
      %mul3A_1116 = arith.muli %scan3A_572, %mul3A_1115 : i32
      %add3A_1117 = arith.constant 14 : i32
      %add3A_1118 = arith.addi %mul3A_1116, %add3A_1117 : i32
      %get3A_1119 = arith.constant 0 : i32
      %get3A_1120 = arith.index_cast %get3A_1119 : i32 to index
      %get3A_1121 = arith.index_cast %add3A_1118 : i32 to index
      %get3A_1122 = arith.index_cast %mul3A_1114 : i32 to index
      %get3A_1123 = tpu.vector_load %arg7[%get3A_1120, %get3A_1121, %get3A_1122] {strides = array<i32>} : memref<2x128x128xf32, #tpu.memory_space<vmem>>, vector<1x1x16xf32>,
      %get3A_1124 = vector.shape_cast %get3A_1123 : vector<1x1x16xf32> to vector<16xf32>
      %add3A_1125 = arith.constant 256 : i32
      %add3A_1126 = arith.addi %add3A_1125, %add3A_1118 : i32
      %swap3A_1127 = arith.index_cast %add3A_1126 : i32 to index
      %swap3A_1128 = arith.constant 0 : index
      %swap3A_1129 = tpu.vector_load %arg8[%swap3A_1127, %swap3A_1128] {strides = array<i32>} : memref<512x32xf32, #tpu.memory_space<vmem>>, vector<1x16xf32>,
      %swap3A_1130 = vector.shape_cast %swap3A_1129 : vector<1x16xf32> to vector<16xf32>
      %swap3A_1131 = vector.shape_cast %get3A_1124 : vector<16xf32> to vector<1x16xf32>
      tpu.vector_store %arg8[%swap3A_1127, %swap3A_1128], %swap3A_1131 {strides = array<i32>} : memref<512x32xf32, #tpu.memory_space<vmem>>, vector<1x16xf32>,
      %add3A_1132 = arith.constant 16 : i32
      %add3A_1133 = arith.addi %mul3A_1114, %add3A_1132 : i32
      %get3A_1134 = arith.constant 0 : i32
      %get3A_1135 = arith.index_cast %get3A_1134 : i32 to index
      %get3A_1136 = arith.index_cast %add3A_1118 : i32 to index
      %get3A_1137 = arith.index_cast %add3A_1133 : i32 to index
      %get3A_1138 = tpu.vector_load %arg7[%get3A_1135, %get3A_1136, %get3A_1137] {strides = array<i32>} : memref<2x128x128xf32, #tpu.memory_space<vmem>>, vector<1x1x16xf32>,
      %get3A_1139 = vector.shape_cast %get3A_1138 : vector<1x1x16xf32> to vector<16xf32>
      %add3A_1140 = arith.constant 256 : i32
      %add3A_1141 = arith.addi %add3A_1140, %add3A_1118 : i32
      %swap3A_1142 = arith.index_cast %add3A_1141 : i32 to index
      %swap3A_1143 = arith.constant 16 : index
      %swap3A_1144 = tpu.vector_load %arg8[%swap3A_1142, %swap3A_1143] {strides = array<i32>} : memref<512x32xf32, #tpu.memory_space<vmem>>, vector<1x16xf32>,
      %swap3A_1145 = vector.shape_cast %swap3A_1144 : vector<1x16xf32> to vector<16xf32>
      %swap3A_1146 = vector.shape_cast %get3A_1139 : vector<16xf32> to vector<1x16xf32>
      tpu.vector_store %arg8[%swap3A_1142, %swap3A_1143], %swap3A_1146 {strides = array<i32>} : memref<512x32xf32, #tpu.memory_space<vmem>>, vector<1x16xf32>,
      %slice3A_1147 = vector.extract_strided_slice %get3A_579 {offsets = [15], sizes = [1], strides = [1]} : vector<16xi32> to vector<1xi32>
      %squeeze3A_1148 = vector.extract %slice3A_1147[0] : i32 from vector<1xi32>
      %and3A_1149 = arith.constant 3 : i32
      %and3A_1150 = arith.andi %squeeze3A_1148, %and3A_1149 : i32
      %mul3A_1151 = arith.constant 32 : i32
      %mul3A_1152 = arith.muli %and3A_1150, %mul3A_1151 : i32
      %mul3A_1153 = arith.constant 16 : i32
      %mul3A_1154 = arith.muli %scan3A_572, %mul3A_1153 : i32
      %add3A_1155 = arith.constant 15 : i32
      %add3A_1156 = arith.addi %mul3A_1154, %add3A_1155 : i32
      %get3A_1157 = arith.constant 0 : i32
      %get3A_1158 = arith.index_cast %get3A_1157 : i32 to index
      %get3A_1159 = arith.index_cast %add3A_1156 : i32 to index
      %get3A_1160 = arith.index_cast %mul3A_1152 : i32 to index
      %get3A_1161 = tpu.vector_load %arg7[%get3A_1158, %get3A_1159, %get3A_1160] {strides = array<i32>} : memref<2x128x128xf32, #tpu.memory_space<vmem>>, vector<1x1x16xf32>,
      %get3A_1162 = vector.shape_cast %get3A_1161 : vector<1x1x16xf32> to vector<16xf32>
      %add3A_1163 = arith.constant 256 : i32
      %add3A_1164 = arith.addi %add3A_1163, %add3A_1156 : i32
      %swap3A_1165 = arith.index_cast %add3A_1164 : i32 to index
      %swap3A_1166 = arith.constant 0 : index
      %swap3A_1167 = tpu.vector_load %arg8[%swap3A_1165, %swap3A_1166] {strides = array<i32>} : memref<512x32xf32, #tpu.memory_space<vmem>>, vector<1x16xf32>,
      %swap3A_1168 = vector.shape_cast %swap3A_1167 : vector<1x16xf32> to vector<16xf32>
      %swap3A_1169 = vector.shape_cast %get3A_1162 : vector<16xf32> to vector<1x16xf32>
      tpu.vector_store %arg8[%swap3A_1165, %swap3A_1166], %swap3A_1169 {strides = array<i32>} : memref<512x32xf32, #tpu.memory_space<vmem>>, vector<1x16xf32>,
      %add3A_1170 = arith.constant 16 : i32
      %add3A_1171 = arith.addi %mul3A_1152, %add3A_1170 : i32
      %get3A_1172 = arith.constant 0 : i32
      %get3A_1173 = arith.index_cast %get3A_1172 : i32 to index
      %get3A_1174 = arith.index_cast %add3A_1156 : i32 to index
      %get3A_1175 = arith.index_cast %add3A_1171 : i32 to index
      %get3A_1176 = tpu.vector_load %arg7[%get3A_1173, %get3A_1174, %get3A_1175] {strides = array<i32>} : memref<2x128x128xf32, #tpu.memory_space<vmem>>, vector<1x1x16xf32>,
      %get3A_1177 = vector.shape_cast %get3A_1176 : vector<1x1x16xf32> to vector<16xf32>
      %add3A_1178 = arith.constant 256 : i32
      %add3A_1179 = arith.addi %add3A_1178, %add3A_1156 : i32
      %swap3A_1180 = arith.index_cast %add3A_1179 : i32 to index
      %swap3A_1181 = arith.constant 16 : index
      %swap3A_1182 = tpu.vector_load %arg8[%swap3A_1180, %swap3A_1181] {strides = array<i32>} : memref<512x32xf32, #tpu.memory_space<vmem>>, vector<1x16xf32>,
      %swap3A_1183 = vector.shape_cast %swap3A_1182 : vector<1x16xf32> to vector<16xf32>
      %swap3A_1184 = vector.shape_cast %get3A_1177 : vector<16xf32> to vector<1x16xf32>
      tpu.vector_store %arg8[%swap3A_1180, %swap3A_1181], %swap3A_1184 {strides = array<i32>} : memref<512x32xf32, #tpu.memory_space<vmem>>, vector<1x16xf32>,
    }
    %scan3A_554 = arith.constant 8 : i32
    %dma_wait3A_555 = arith.constant 3 : i32
    %dma_wait3A_556 = arith.constant 1 : i32
    %dma_wait3A_557 = arith.constant 0 : i32
    %dma_wait3A_558 = arith.constant 0 : i32
    %dma_wait3A_559 = tpu.memref_slice %arg7[%dma_wait3A_556, %dma_wait3A_557, %dma_wait3A_558] : memref<2x128x128xf32, #tpu.memory_space<vmem>> -> memref<1x128x128xf32, #tpu.memory_space<vmem>>
    %dma_wait3A_560 = tpu.memref_squeeze %dma_wait3A_559 : memref<1x128x128xf32, #tpu.memory_space<vmem>> -> memref<128x128xf32, #tpu.memory_space<vmem>>
    %dma_wait3A_561 = arith.constant 0 : i32
    %dma_wait3A_562 = tpu.memref_slice %arg6[%dma_wait3A_555, %dma_wait3A_561] : memref<4x128xi32, #tpu.memory_space<vmem>> -> memref<1x128xi32, #tpu.memory_space<vmem>>
    %dma_wait3A_563 = tpu.memref_squeeze %dma_wait3A_562 : memref<1x128xi32, #tpu.memory_space<vmem>> -> memref<128xi32, #tpu.memory_space<vmem>>
    %dma_wait3A_564 = arith.constant 0 : i32
    %dma_wait3A_565 = arith.constant 0 : i32
    %dma_wait3A_566 = tpu.memref_slice %arg3[%dma_wait3A_564, %dma_wait3A_565] : memref<250000x128xf32, #tpu.memory_space<hbm>> -> memref<250000x128xf32, #tpu.memory_space<hbm>>
    tpu.wait_indirect_dma semaphore(%arg9 : memref<!tpu.dma_semaphore, #tpu.memory_space<semaphore_mem>>) src(%dma_wait3A_566 : memref<250000x128xf32, #tpu.memory_space<hbm>>) dst(%dma_wait3A_560 : memref<128x128xf32, #tpu.memory_space<vmem>>)
    %scan3A_567 = arith.constant 0 : i32
    %scan3A_568 = arith.constant 8 : i32
    %scan3A_569 = arith.addi %scan3A_567, %scan3A_568 : i32
    %scan3A_570 = arith.constant 1 : i32
    scf.for %scan3A_572 = %scan3A_567 to %scan3A_569 step %scan3A_570  : i32 {
      %mul3A_573 = arith.constant 16 : i32
      %mul3A_574 = arith.muli %scan3A_572, %mul3A_573 : i32
      %get3A_575 = arith.constant 3 : i32
      %get3A_576 = arith.index_cast %get3A_575 : i32 to index
      %get3A_577 = arith.index_cast %mul3A_574 : i32 to index
      %get3A_578 = tpu.vector_load %arg5[%get3A_576, %get3A_577] {strides = array<i32>} : memref<4x128xi32, #tpu.memory_space<vmem>>, vector<1x16xi32>,
      %get3A_579 = vector.shape_cast %get3A_578 : vector<1x16xi32> to vector<16xi32>
      %slice3A = vector.extract_strided_slice %get3A_579 {offsets = [0], sizes = [1], strides = [1]} : vector<16xi32> to vector<1xi32>
      %squeeze3A = vector.extract %slice3A[0] : i32 from vector<1xi32>
      %and3A = arith.constant 3 : i32
      %and3A_580 = arith.andi %squeeze3A, %and3A : i32
      %mul3A_581 = arith.constant 32 : i32
      %mul3A_582 = arith.muli %and3A_580, %mul3A_581 : i32
      %mul3A_583 = arith.constant 16 : i32
      %mul3A_584 = arith.muli %scan3A_572, %mul3A_583 : i32
      %add3A_585 = arith.constant 0 : i32
      %add3A_586 = arith.addi %mul3A_584, %add3A_585 : i32
      %get3A_587 = arith.constant 1 : i32
      %get3A_588 = arith.index_cast %get3A_587 : i32 to index
      %get3A_589 = arith.index_cast %add3A_586 : i32 to index
      %get3A_590 = arith.index_cast %mul3A_582 : i32 to index
      %get3A_591 = tpu.vector_load %arg7[%get3A_588, %get3A_589, %get3A_590] {strides = array<i32>} : memref<2x128x128xf32, #tpu.memory_space<vmem>>, vector<1x1x16xf32>,
      %get3A_592 = vector.shape_cast %get3A_591 : vector<1x1x16xf32> to vector<16xf32>
      %add3A_593 = arith.constant 384 : i32
      %add3A_594 = arith.addi %add3A_593, %add3A_586 : i32
      %swap3A_595 = arith.index_cast %add3A_594 : i32 to index
      %swap3A_596 = arith.constant 0 : index
      %swap3A_597 = tpu.vector_load %arg8[%swap3A_595, %swap3A_596] {strides = array<i32>} : memref<512x32xf32, #tpu.memory_space<vmem>>, vector<1x16xf32>,
      %swap3A_598 = vector.shape_cast %swap3A_597 : vector<1x16xf32> to vector<16xf32>
      %swap3A_599 = vector.shape_cast %get3A_592 : vector<16xf32> to vector<1x16xf32>
      tpu.vector_store %arg8[%swap3A_595, %swap3A_596], %swap3A_599 {strides = array<i32>} : memref<512x32xf32, #tpu.memory_space<vmem>>, vector<1x16xf32>,
      %add3A_600 = arith.constant 16 : i32
      %add3A_601 = arith.addi %mul3A_582, %add3A_600 : i32
      %get3A_602 = arith.constant 1 : i32
      %get3A_603 = arith.index_cast %get3A_602 : i32 to index
      %get3A_604 = arith.index_cast %add3A_586 : i32 to index
      %get3A_605 = arith.index_cast %add3A_601 : i32 to index
      %get3A_606 = tpu.vector_load %arg7[%get3A_603, %get3A_604, %get3A_605] {strides = array<i32>} : memref<2x128x128xf32, #tpu.memory_space<vmem>>, vector<1x1x16xf32>,
      %get3A_607 = vector.shape_cast %get3A_606 : vector<1x1x16xf32> to vector<16xf32>
      %add3A_608 = arith.constant 384 : i32
      %add3A_609 = arith.addi %add3A_608, %add3A_586 : i32
      %swap3A_610 = arith.index_cast %add3A_609 : i32 to index
      %swap3A_611 = arith.constant 16 : index
      %swap3A_612 = tpu.vector_load %arg8[%swap3A_610, %swap3A_611] {strides = array<i32>} : memref<512x32xf32, #tpu.memory_space<vmem>>, vector<1x16xf32>,
      %swap3A_613 = vector.shape_cast %swap3A_612 : vector<1x16xf32> to vector<16xf32>
      %swap3A_614 = vector.shape_cast %get3A_607 : vector<16xf32> to vector<1x16xf32>
      tpu.vector_store %arg8[%swap3A_610, %swap3A_611], %swap3A_614 {strides = array<i32>} : memref<512x32xf32, #tpu.memory_space<vmem>>, vector<1x16xf32>,
      %slice3A_615 = vector.extract_strided_slice %get3A_579 {offsets = [1], sizes = [1], strides = [1]} : vector<16xi32> to vector<1xi32>
      %squeeze3A_616 = vector.extract %slice3A_615[0] : i32 from vector<1xi32>
      %and3A_617 = arith.constant 3 : i32
      %and3A_618 = arith.andi %squeeze3A_616, %and3A_617 : i32
      %mul3A_619 = arith.constant 32 : i32
      %mul3A_620 = arith.muli %and3A_618, %mul3A_619 : i32
      %mul3A_621 = arith.constant 16 : i32
      %mul3A_622 = arith.muli %scan3A_572, %mul3A_621 : i32
      %add3A_623 = arith.constant 1 : i32
      %add3A_624 = arith.addi %mul3A_622, %add3A_623 : i32
      %get3A_625 = arith.constant 1 : i32
      %get3A_626 = arith.index_cast %get3A_625 : i32 to index
      %get3A_627 = arith.index_cast %add3A_624 : i32 to index
      %get3A_628 = arith.index_cast %mul3A_620 : i32 to index
      %get3A_629 = tpu.vector_load %arg7[%get3A_626, %get3A_627, %get3A_628] {strides = array<i32>} : memref<2x128x128xf32, #tpu.memory_space<vmem>>, vector<1x1x16xf32>,
      %get3A_630 = vector.shape_cast %get3A_629 : vector<1x1x16xf32> to vector<16xf32>
      %add3A_631 = arith.constant 384 : i32
      %add3A_632 = arith.addi %add3A_631, %add3A_624 : i32
      %swap3A_633 = arith.index_cast %add3A_632 : i32 to index
      %swap3A_634 = arith.constant 0 : index
      %swap3A_635 = tpu.vector_load %arg8[%swap3A_633, %swap3A_634] {strides = array<i32>} : memref<512x32xf32, #tpu.memory_space<vmem>>, vector<1x16xf32>,
      %swap3A_636 = vector.shape_cast %swap3A_635 : vector<1x16xf32> to vector<16xf32>
      %swap3A_637 = vector.shape_cast %get3A_630 : vector<16xf32> to vector<1x16xf32>
      tpu.vector_store %arg8[%swap3A_633, %swap3A_634], %swap3A_637 {strides = array<i32>} : memref<512x32xf32, #tpu.memory_space<vmem>>, vector<1x16xf32>,
      %add3A_638 = arith.constant 16 : i32
      %add3A_639 = arith.addi %mul3A_620, %add3A_638 : i32
      %get3A_640 = arith.constant 1 : i32
      %get3A_641 = arith.index_cast %get3A_640 : i32 to index
      %get3A_642 = arith.index_cast %add3A_624 : i32 to index
      %get3A_643 = arith.index_cast %add3A_639 : i32 to index
      %get3A_644 = tpu.vector_load %arg7[%get3A_641, %get3A_642, %get3A_643] {strides = array<i32>} : memref<2x128x128xf32, #tpu.memory_space<vmem>>, vector<1x1x16xf32>,
      %get3A_645 = vector.shape_cast %get3A_644 : vector<1x1x16xf32> to vector<16xf32>
      %add3A_646 = arith.constant 384 : i32
      %add3A_647 = arith.addi %add3A_646, %add3A_624 : i32
      %swap3A_648 = arith.index_cast %add3A_647 : i32 to index
      %swap3A_649 = arith.constant 16 : index
      %swap3A_650 = tpu.vector_load %arg8[%swap3A_648, %swap3A_649] {strides = array<i32>} : memref<512x32xf32, #tpu.memory_space<vmem>>, vector<1x16xf32>,
      %swap3A_651 = vector.shape_cast %swap3A_650 : vector<1x16xf32> to vector<16xf32>
      %swap3A_652 = vector.shape_cast %get3A_645 : vector<16xf32> to vector<1x16xf32>
      tpu.vector_store %arg8[%swap3A_648, %swap3A_649], %swap3A_652 {strides = array<i32>} : memref<512x32xf32, #tpu.memory_space<vmem>>, vector<1x16xf32>,
      %slice3A_653 = vector.extract_strided_slice %get3A_579 {offsets = [2], sizes = [1], strides = [1]} : vector<16xi32> to vector<1xi32>
      %squeeze3A_654 = vector.extract %slice3A_653[0] : i32 from vector<1xi32>
      %and3A_655 = arith.constant 3 : i32
      %and3A_656 = arith.andi %squeeze3A_654, %and3A_655 : i32
      %mul3A_657 = arith.constant 32 : i32
      %mul3A_658 = arith.muli %and3A_656, %mul3A_657 : i32
      %mul3A_659 = arith.constant 16 : i32
      %mul3A_660 = arith.muli %scan3A_572, %mul3A_659 : i32
      %add3A_661 = arith.constant 2 : i32
      %add3A_662 = arith.addi %mul3A_660, %add3A_661 : i32
      %get3A_663 = arith.constant 1 : i32
      %get3A_664 = arith.index_cast %get3A_663 : i32 to index
      %get3A_665 = arith.index_cast %add3A_662 : i32 to index
      %get3A_666 = arith.index_cast %mul3A_658 : i32 to index
      %get3A_667 = tpu.vector_load %arg7[%get3A_664, %get3A_665, %get3A_666] {strides = array<i32>} : memref<2x128x128xf32, #tpu.memory_space<vmem>>, vector<1x1x16xf32>,
      %get3A_668 = vector.shape_cast %get3A_667 : vector<1x1x16xf32> to vector<16xf32>
      %add3A_669 = arith.constant 384 : i32
      %add3A_670 = arith.addi %add3A_669, %add3A_662 : i32
      %swap3A_671 = arith.index_cast %add3A_670 : i32 to index
      %swap3A_672 = arith.constant 0 : index
      %swap3A_673 = tpu.vector_load %arg8[%swap3A_671, %swap3A_672] {strides = array<i32>} : memref<512x32xf32, #tpu.memory_space<vmem>>, vector<1x16xf32>,
      %swap3A_674 = vector.shape_cast %swap3A_673 : vector<1x16xf32> to vector<16xf32>
      %swap3A_675 = vector.shape_cast %get3A_668 : vector<16xf32> to vector<1x16xf32>
      tpu.vector_store %arg8[%swap3A_671, %swap3A_672], %swap3A_675 {strides = array<i32>} : memref<512x32xf32, #tpu.memory_space<vmem>>, vector<1x16xf32>,
      %add3A_676 = arith.constant 16 : i32
      %add3A_677 = arith.addi %mul3A_658, %add3A_676 : i32
      %get3A_678 = arith.constant 1 : i32
      %get3A_679 = arith.index_cast %get3A_678 : i32 to index
      %get3A_680 = arith.index_cast %add3A_662 : i32 to index
      %get3A_681 = arith.index_cast %add3A_677 : i32 to index
      %get3A_682 = tpu.vector_load %arg7[%get3A_679, %get3A_680, %get3A_681] {strides = array<i32>} : memref<2x128x128xf32, #tpu.memory_space<vmem>>, vector<1x1x16xf32>,
      %get3A_683 = vector.shape_cast %get3A_682 : vector<1x1x16xf32> to vector<16xf32>
      %add3A_684 = arith.constant 384 : i32
      %add3A_685 = arith.addi %add3A_684, %add3A_662 : i32
      %swap3A_686 = arith.index_cast %add3A_685 : i32 to index
      %swap3A_687 = arith.constant 16 : index
      %swap3A_688 = tpu.vector_load %arg8[%swap3A_686, %swap3A_687] {strides = array<i32>} : memref<512x32xf32, #tpu.memory_space<vmem>>, vector<1x16xf32>,
      %swap3A_689 = vector.shape_cast %swap3A_688 : vector<1x16xf32> to vector<16xf32>
      %swap3A_690 = vector.shape_cast %get3A_683 : vector<16xf32> to vector<1x16xf32>
      tpu.vector_store %arg8[%swap3A_686, %swap3A_687], %swap3A_690 {strides = array<i32>} : memref<512x32xf32, #tpu.memory_space<vmem>>, vector<1x16xf32>,
      %slice3A_691 = vector.extract_strided_slice %get3A_579 {offsets = [3], sizes = [1], strides = [1]} : vector<16xi32> to vector<1xi32>
      %squeeze3A_692 = vector.extract %slice3A_691[0] : i32 from vector<1xi32>
      %and3A_693 = arith.constant 3 : i32
      %and3A_694 = arith.andi %squeeze3A_692, %and3A_693 : i32
      %mul3A_695 = arith.constant 32 : i32
      %mul3A_696 = arith.muli %and3A_694, %mul3A_695 : i32
      %mul3A_697 = arith.constant 16 : i32
      %mul3A_698 = arith.muli %scan3A_572, %mul3A_697 : i32
      %add3A_699 = arith.constant 3 : i32
      %add3A_700 = arith.addi %mul3A_698, %add3A_699 : i32
      %get3A_701 = arith.constant 1 : i32
      %get3A_702 = arith.index_cast %get3A_701 : i32 to index
      %get3A_703 = arith.index_cast %add3A_700 : i32 to index
      %get3A_704 = arith.index_cast %mul3A_696 : i32 to index
      %get3A_705 = tpu.vector_load %arg7[%get3A_702, %get3A_703, %get3A_704] {strides = array<i32>} : memref<2x128x128xf32, #tpu.memory_space<vmem>>, vector<1x1x16xf32>,
      %get3A_706 = vector.shape_cast %get3A_705 : vector<1x1x16xf32> to vector<16xf32>
      %add3A_707 = arith.constant 384 : i32
      %add3A_708 = arith.addi %add3A_707, %add3A_700 : i32
      %swap3A_709 = arith.index_cast %add3A_708 : i32 to index
      %swap3A_710 = arith.constant 0 : index
      %swap3A_711 = tpu.vector_load %arg8[%swap3A_709, %swap3A_710] {strides = array<i32>} : memref<512x32xf32, #tpu.memory_space<vmem>>, vector<1x16xf32>,
      %swap3A_712 = vector.shape_cast %swap3A_711 : vector<1x16xf32> to vector<16xf32>
      %swap3A_713 = vector.shape_cast %get3A_706 : vector<16xf32> to vector<1x16xf32>
      tpu.vector_store %arg8[%swap3A_709, %swap3A_710], %swap3A_713 {strides = array<i32>} : memref<512x32xf32, #tpu.memory_space<vmem>>, vector<1x16xf32>,
      %add3A_714 = arith.constant 16 : i32
      %add3A_715 = arith.addi %mul3A_696, %add3A_714 : i32
      %get3A_716 = arith.constant 1 : i32
      %get3A_717 = arith.index_cast %get3A_716 : i32 to index
      %get3A_718 = arith.index_cast %add3A_700 : i32 to index
      %get3A_719 = arith.index_cast %add3A_715 : i32 to index
      %get3A_720 = tpu.vector_load %arg7[%get3A_717, %get3A_718, %get3A_719] {strides = array<i32>} : memref<2x128x128xf32, #tpu.memory_space<vmem>>, vector<1x1x16xf32>,
      %get3A_721 = vector.shape_cast %get3A_720 : vector<1x1x16xf32> to vector<16xf32>
      %add3A_722 = arith.constant 384 : i32
      %add3A_723 = arith.addi %add3A_722, %add3A_700 : i32
      %swap3A_724 = arith.index_cast %add3A_723 : i32 to index
      %swap3A_725 = arith.constant 16 : index
      %swap3A_726 = tpu.vector_load %arg8[%swap3A_724, %swap3A_725] {strides = array<i32>} : memref<512x32xf32, #tpu.memory_space<vmem>>, vector<1x16xf32>,
      %swap3A_727 = vector.shape_cast %swap3A_726 : vector<1x16xf32> to vector<16xf32>
      %swap3A_728 = vector.shape_cast %get3A_721 : vector<16xf32> to vector<1x16xf32>
      tpu.vector_store %arg8[%swap3A_724, %swap3A_725], %swap3A_728 {strides = array<i32>} : memref<512x32xf32, #tpu.memory_space<vmem>>, vector<1x16xf32>,
      %slice3A_729 = vector.extract_strided_slice %get3A_579 {offsets = [4], sizes = [1], strides = [1]} : vector<16xi32> to vector<1xi32>
      %squeeze3A_730 = vector.extract %slice3A_729[0] : i32 from vector<1xi32>
      %and3A_731 = arith.constant 3 : i32
      %and3A_732 = arith.andi %squeeze3A_730, %and3A_731 : i32
      %mul3A_733 = arith.constant 32 : i32
      %mul3A_734 = arith.muli %and3A_732, %mul3A_733 : i32
      %mul3A_735 = arith.constant 16 : i32
      %mul3A_736 = arith.muli %scan3A_572, %mul3A_735 : i32
      %add3A_737 = arith.constant 4 : i32
      %add3A_738 = arith.addi %mul3A_736, %add3A_737 : i32
      %get3A_739 = arith.constant 1 : i32
      %get3A_740 = arith.index_cast %get3A_739 : i32 to index
      %get3A_741 = arith.index_cast %add3A_738 : i32 to index
      %get3A_742 = arith.index_cast %mul3A_734 : i32 to index
      %get3A_743 = tpu.vector_load %arg7[%get3A_740, %get3A_741, %get3A_742] {strides = array<i32>} : memref<2x128x128xf32, #tpu.memory_space<vmem>>, vector<1x1x16xf32>,
      %get3A_744 = vector.shape_cast %get3A_743 : vector<1x1x16xf32> to vector<16xf32>
      %add3A_745 = arith.constant 384 : i32
      %add3A_746 = arith.addi %add3A_745, %add3A_738 : i32
      %swap3A_747 = arith.index_cast %add3A_746 : i32 to index
      %swap3A_748 = arith.constant 0 : index
      %swap3A_749 = tpu.vector_load %arg8[%swap3A_747, %swap3A_748] {strides = array<i32>} : memref<512x32xf32, #tpu.memory_space<vmem>>, vector<1x16xf32>,
      %swap3A_750 = vector.shape_cast %swap3A_749 : vector<1x16xf32> to vector<16xf32>
      %swap3A_751 = vector.shape_cast %get3A_744 : vector<16xf32> to vector<1x16xf32>
      tpu.vector_store %arg8[%swap3A_747, %swap3A_748], %swap3A_751 {strides = array<i32>} : memref<512x32xf32, #tpu.memory_space<vmem>>, vector<1x16xf32>,
      %add3A_752 = arith.constant 16 : i32
      %add3A_753 = arith.addi %mul3A_734, %add3A_752 : i32
      %get3A_754 = arith.constant 1 : i32
      %get3A_755 = arith.index_cast %get3A_754 : i32 to index
      %get3A_756 = arith.index_cast %add3A_738 : i32 to index
      %get3A_757 = arith.index_cast %add3A_753 : i32 to index
      %get3A_758 = tpu.vector_load %arg7[%get3A_755, %get3A_756, %get3A_757] {strides = array<i32>} : memref<2x128x128xf32, #tpu.memory_space<vmem>>, vector<1x1x16xf32>,
      %get3A_759 = vector.shape_cast %get3A_758 : vector<1x1x16xf32> to vector<16xf32>
      %add3A_760 = arith.constant 384 : i32
      %add3A_761 = arith.addi %add3A_760, %add3A_738 : i32
      %swap3A_762 = arith.index_cast %add3A_761 : i32 to index
      %swap3A_763 = arith.constant 16 : index
      %swap3A_764 = tpu.vector_load %arg8[%swap3A_762, %swap3A_763] {strides = array<i32>} : memref<512x32xf32, #tpu.memory_space<vmem>>, vector<1x16xf32>,
      %swap3A_765 = vector.shape_cast %swap3A_764 : vector<1x16xf32> to vector<16xf32>
      %swap3A_766 = vector.shape_cast %get3A_759 : vector<16xf32> to vector<1x16xf32>
      tpu.vector_store %arg8[%swap3A_762, %swap3A_763], %swap3A_766 {strides = array<i32>} : memref<512x32xf32, #tpu.memory_space<vmem>>, vector<1x16xf32>,
      %slice3A_767 = vector.extract_strided_slice %get3A_579 {offsets = [5], sizes = [1], strides = [1]} : vector<16xi32> to vector<1xi32>
      %squeeze3A_768 = vector.extract %slice3A_767[0] : i32 from vector<1xi32>
      %and3A_769 = arith.constant 3 : i32
      %and3A_770 = arith.andi %squeeze3A_768, %and3A_769 : i32
      %mul3A_771 = arith.constant 32 : i32
      %mul3A_772 = arith.muli %and3A_770, %mul3A_771 : i32
      %mul3A_773 = arith.constant 16 : i32
      %mul3A_774 = arith.muli %scan3A_572, %mul3A_773 : i32
      %add3A_775 = arith.constant 5 : i32
      %add3A_776 = arith.addi %mul3A_774, %add3A_775 : i32
      %get3A_777 = arith.constant 1 : i32
      %get3A_778 = arith.index_cast %get3A_777 : i32 to index
      %get3A_779 = arith.index_cast %add3A_776 : i32 to index
      %get3A_780 = arith.index_cast %mul3A_772 : i32 to index
      %get3A_781 = tpu.vector_load %arg7[%get3A_778, %get3A_779, %get3A_780] {strides = array<i32>} : memref<2x128x128xf32, #tpu.memory_space<vmem>>, vector<1x1x16xf32>,
      %get3A_782 = vector.shape_cast %get3A_781 : vector<1x1x16xf32> to vector<16xf32>
      %add3A_783 = arith.constant 384 : i32
      %add3A_784 = arith.addi %add3A_783, %add3A_776 : i32
      %swap3A_785 = arith.index_cast %add3A_784 : i32 to index
      %swap3A_786 = arith.constant 0 : index
      %swap3A_787 = tpu.vector_load %arg8[%swap3A_785, %swap3A_786] {strides = array<i32>} : memref<512x32xf32, #tpu.memory_space<vmem>>, vector<1x16xf32>,
      %swap3A_788 = vector.shape_cast %swap3A_787 : vector<1x16xf32> to vector<16xf32>
      %swap3A_789 = vector.shape_cast %get3A_782 : vector<16xf32> to vector<1x16xf32>
      tpu.vector_store %arg8[%swap3A_785, %swap3A_786], %swap3A_789 {strides = array<i32>} : memref<512x32xf32, #tpu.memory_space<vmem>>, vector<1x16xf32>,
      %add3A_790 = arith.constant 16 : i32
      %add3A_791 = arith.addi %mul3A_772, %add3A_790 : i32
      %get3A_792 = arith.constant 1 : i32
      %get3A_793 = arith.index_cast %get3A_792 : i32 to index
      %get3A_794 = arith.index_cast %add3A_776 : i32 to index
      %get3A_795 = arith.index_cast %add3A_791 : i32 to index
      %get3A_796 = tpu.vector_load %arg7[%get3A_793, %get3A_794, %get3A_795] {strides = array<i32>} : memref<2x128x128xf32, #tpu.memory_space<vmem>>, vector<1x1x16xf32>,
      %get3A_797 = vector.shape_cast %get3A_796 : vector<1x1x16xf32> to vector<16xf32>
      %add3A_798 = arith.constant 384 : i32
      %add3A_799 = arith.addi %add3A_798, %add3A_776 : i32
      %swap3A_800 = arith.index_cast %add3A_799 : i32 to index
      %swap3A_801 = arith.constant 16 : index
      %swap3A_802 = tpu.vector_load %arg8[%swap3A_800, %swap3A_801] {strides = array<i32>} : memref<512x32xf32, #tpu.memory_space<vmem>>, vector<1x16xf32>,
      %swap3A_803 = vector.shape_cast %swap3A_802 : vector<1x16xf32> to vector<16xf32>
      %swap3A_804 = vector.shape_cast %get3A_797 : vector<16xf32> to vector<1x16xf32>
      tpu.vector_store %arg8[%swap3A_800, %swap3A_801], %swap3A_804 {strides = array<i32>} : memref<512x32xf32, #tpu.memory_space<vmem>>, vector<1x16xf32>,
      %slice3A_805 = vector.extract_strided_slice %get3A_579 {offsets = [6], sizes = [1], strides = [1]} : vector<16xi32> to vector<1xi32>
      %squeeze3A_806 = vector.extract %slice3A_805[0] : i32 from vector<1xi32>
      %and3A_807 = arith.constant 3 : i32
      %and3A_808 = arith.andi %squeeze3A_806, %and3A_807 : i32
      %mul3A_809 = arith.constant 32 : i32
      %mul3A_810 = arith.muli %and3A_808, %mul3A_809 : i32
      %mul3A_811 = arith.constant 16 : i32
      %mul3A_812 = arith.muli %scan3A_572, %mul3A_811 : i32
      %add3A_813 = arith.constant 6 : i32
      %add3A_814 = arith.addi %mul3A_812, %add3A_813 : i32
      %get3A_815 = arith.constant 1 : i32
      %get3A_816 = arith.index_cast %get3A_815 : i32 to index
      %get3A_817 = arith.index_cast %add3A_814 : i32 to index
      %get3A_818 = arith.index_cast %mul3A_810 : i32 to index
      %get3A_819 = tpu.vector_load %arg7[%get3A_816, %get3A_817, %get3A_818] {strides = array<i32>} : memref<2x128x128xf32, #tpu.memory_space<vmem>>, vector<1x1x16xf32>,
      %get3A_820 = vector.shape_cast %get3A_819 : vector<1x1x16xf32> to vector<16xf32>
      %add3A_821 = arith.constant 384 : i32
      %add3A_822 = arith.addi %add3A_821, %add3A_814 : i32
      %swap3A_823 = arith.index_cast %add3A_822 : i32 to index
      %swap3A_824 = arith.constant 0 : index
      %swap3A_825 = tpu.vector_load %arg8[%swap3A_823, %swap3A_824] {strides = array<i32>} : memref<512x32xf32, #tpu.memory_space<vmem>>, vector<1x16xf32>,
      %swap3A_826 = vector.shape_cast %swap3A_825 : vector<1x16xf32> to vector<16xf32>
      %swap3A_827 = vector.shape_cast %get3A_820 : vector<16xf32> to vector<1x16xf32>
      tpu.vector_store %arg8[%swap3A_823, %swap3A_824], %swap3A_827 {strides = array<i32>} : memref<512x32xf32, #tpu.memory_space<vmem>>, vector<1x16xf32>,
      %add3A_828 = arith.constant 16 : i32
      %add3A_829 = arith.addi %mul3A_810, %add3A_828 : i32
      %get3A_830 = arith.constant 1 : i32
      %get3A_831 = arith.index_cast %get3A_830 : i32 to index
      %get3A_832 = arith.index_cast %add3A_814 : i32 to index
      %get3A_833 = arith.index_cast %add3A_829 : i32 to index
      %get3A_834 = tpu.vector_load %arg7[%get3A_831, %get3A_832, %get3A_833] {strides = array<i32>} : memref<2x128x128xf32, #tpu.memory_space<vmem>>, vector<1x1x16xf32>,
      %get3A_835 = vector.shape_cast %get3A_834 : vector<1x1x16xf32> to vector<16xf32>
      %add3A_836 = arith.constant 384 : i32
      %add3A_837 = arith.addi %add3A_836, %add3A_814 : i32
      %swap3A_838 = arith.index_cast %add3A_837 : i32 to index
      %swap3A_839 = arith.constant 16 : index
      %swap3A_840 = tpu.vector_load %arg8[%swap3A_838, %swap3A_839] {strides = array<i32>} : memref<512x32xf32, #tpu.memory_space<vmem>>, vector<1x16xf32>,
      %swap3A_841 = vector.shape_cast %swap3A_840 : vector<1x16xf32> to vector<16xf32>
      %swap3A_842 = vector.shape_cast %get3A_835 : vector<16xf32> to vector<1x16xf32>
      tpu.vector_store %arg8[%swap3A_838, %swap3A_839], %swap3A_842 {strides = array<i32>} : memref<512x32xf32, #tpu.memory_space<vmem>>, vector<1x16xf32>,
      %slice3A_843 = vector.extract_strided_slice %get3A_579 {offsets = [7], sizes = [1], strides = [1]} : vector<16xi32> to vector<1xi32>
      %squeeze3A_844 = vector.extract %slice3A_843[0] : i32 from vector<1xi32>
      %and3A_845 = arith.constant 3 : i32
      %and3A_846 = arith.andi %squeeze3A_844, %and3A_845 : i32
      %mul3A_847 = arith.constant 32 : i32
      %mul3A_848 = arith.muli %and3A_846, %mul3A_847 : i32
      %mul3A_849 = arith.constant 16 : i32
      %mul3A_850 = arith.muli %scan3A_572, %mul3A_849 : i32
      %add3A_851 = arith.constant 7 : i32
      %add3A_852 = arith.addi %mul3A_850, %add3A_851 : i32
      %get3A_853 = arith.constant 1 : i32
      %get3A_854 = arith.index_cast %get3A_853 : i32 to index
      %get3A_855 = arith.index_cast %add3A_852 : i32 to index
      %get3A_856 = arith.index_cast %mul3A_848 : i32 to index
      %get3A_857 = tpu.vector_load %arg7[%get3A_854, %get3A_855, %get3A_856] {strides = array<i32>} : memref<2x128x128xf32, #tpu.memory_space<vmem>>, vector<1x1x16xf32>,
      %get3A_858 = vector.shape_cast %get3A_857 : vector<1x1x16xf32> to vector<16xf32>
      %add3A_859 = arith.constant 384 : i32
      %add3A_860 = arith.addi %add3A_859, %add3A_852 : i32
      %swap3A_861 = arith.index_cast %add3A_860 : i32 to index
      %swap3A_862 = arith.constant 0 : index
      %swap3A_863 = tpu.vector_load %arg8[%swap3A_861, %swap3A_862] {strides = array<i32>} : memref<512x32xf32, #tpu.memory_space<vmem>>, vector<1x16xf32>,
      %swap3A_864 = vector.shape_cast %swap3A_863 : vector<1x16xf32> to vector<16xf32>
      %swap3A_865 = vector.shape_cast %get3A_858 : vector<16xf32> to vector<1x16xf32>
      tpu.vector_store %arg8[%swap3A_861, %swap3A_862], %swap3A_865 {strides = array<i32>} : memref<512x32xf32, #tpu.memory_space<vmem>>, vector<1x16xf32>,
      %add3A_866 = arith.constant 16 : i32
      %add3A_867 = arith.addi %mul3A_848, %add3A_866 : i32
      %get3A_868 = arith.constant 1 : i32
      %get3A_869 = arith.index_cast %get3A_868 : i32 to index
      %get3A_870 = arith.index_cast %add3A_852 : i32 to index
      %get3A_871 = arith.index_cast %add3A_867 : i32 to index
      %get3A_872 = tpu.vector_load %arg7[%get3A_869, %get3A_870, %get3A_871] {strides = array<i32>} : memref<2x128x128xf32, #tpu.memory_space<vmem>>, vector<1x1x16xf32>,
      %get3A_873 = vector.shape_cast %get3A_872 : vector<1x1x16xf32> to vector<16xf32>
      %add3A_874 = arith.constant 384 : i32
      %add3A_875 = arith.addi %add3A_874, %add3A_852 : i32
      %swap3A_876 = arith.index_cast %add3A_875 : i32 to index
      %swap3A_877 = arith.constant 16 : index
      %swap3A_878 = tpu.vector_load %arg8[%swap3A_876, %swap3A_877] {strides = array<i32>} : memref<512x32xf32, #tpu.memory_space<vmem>>, vector<1x16xf32>,
      %swap3A_879 = vector.shape_cast %swap3A_878 : vector<1x16xf32> to vector<16xf32>
      %swap3A_880 = vector.shape_cast %get3A_873 : vector<16xf32> to vector<1x16xf32>
      tpu.vector_store %arg8[%swap3A_876, %swap3A_877], %swap3A_880 {strides = array<i32>} : memref<512x32xf32, #tpu.memory_space<vmem>>, vector<1x16xf32>,
      %slice3A_881 = vector.extract_strided_slice %get3A_579 {offsets = [8], sizes = [1], strides = [1]} : vector<16xi32> to vector<1xi32>
      %squeeze3A_882 = vector.extract %slice3A_881[0] : i32 from vector<1xi32>
      %and3A_883 = arith.constant 3 : i32
      %and3A_884 = arith.andi %squeeze3A_882, %and3A_883 : i32
      %mul3A_885 = arith.constant 32 : i32
      %mul3A_886 = arith.muli %and3A_884, %mul3A_885 : i32
      %mul3A_887 = arith.constant 16 : i32
      %mul3A_888 = arith.muli %scan3A_572, %mul3A_887 : i32
      %add3A_889 = arith.constant 8 : i32
      %add3A_890 = arith.addi %mul3A_888, %add3A_889 : i32
      %get3A_891 = arith.constant 1 : i32
      %get3A_892 = arith.index_cast %get3A_891 : i32 to index
      %get3A_893 = arith.index_cast %add3A_890 : i32 to index
      %get3A_894 = arith.index_cast %mul3A_886 : i32 to index
      %get3A_895 = tpu.vector_load %arg7[%get3A_892, %get3A_893, %get3A_894] {strides = array<i32>} : memref<2x128x128xf32, #tpu.memory_space<vmem>>, vector<1x1x16xf32>,
      %get3A_896 = vector.shape_cast %get3A_895 : vector<1x1x16xf32> to vector<16xf32>
      %add3A_897 = arith.constant 384 : i32
      %add3A_898 = arith.addi %add3A_897, %add3A_890 : i32
      %swap3A_899 = arith.index_cast %add3A_898 : i32 to index
      %swap3A_900 = arith.constant 0 : index
      %swap3A_901 = tpu.vector_load %arg8[%swap3A_899, %swap3A_900] {strides = array<i32>} : memref<512x32xf32, #tpu.memory_space<vmem>>, vector<1x16xf32>,
      %swap3A_902 = vector.shape_cast %swap3A_901 : vector<1x16xf32> to vector<16xf32>
      %swap3A_903 = vector.shape_cast %get3A_896 : vector<16xf32> to vector<1x16xf32>
      tpu.vector_store %arg8[%swap3A_899, %swap3A_900], %swap3A_903 {strides = array<i32>} : memref<512x32xf32, #tpu.memory_space<vmem>>, vector<1x16xf32>,
      %add3A_904 = arith.constant 16 : i32
      %add3A_905 = arith.addi %mul3A_886, %add3A_904 : i32
      %get3A_906 = arith.constant 1 : i32
      %get3A_907 = arith.index_cast %get3A_906 : i32 to index
      %get3A_908 = arith.index_cast %add3A_890 : i32 to index
      %get3A_909 = arith.index_cast %add3A_905 : i32 to index
      %get3A_910 = tpu.vector_load %arg7[%get3A_907, %get3A_908, %get3A_909] {strides = array<i32>} : memref<2x128x128xf32, #tpu.memory_space<vmem>>, vector<1x1x16xf32>,
      %get3A_911 = vector.shape_cast %get3A_910 : vector<1x1x16xf32> to vector<16xf32>
      %add3A_912 = arith.constant 384 : i32
      %add3A_913 = arith.addi %add3A_912, %add3A_890 : i32
      %swap3A_914 = arith.index_cast %add3A_913 : i32 to index
      %swap3A_915 = arith.constant 16 : index
      %swap3A_916 = tpu.vector_load %arg8[%swap3A_914, %swap3A_915] {strides = array<i32>} : memref<512x32xf32, #tpu.memory_space<vmem>>, vector<1x16xf32>,
      %swap3A_917 = vector.shape_cast %swap3A_916 : vector<1x16xf32> to vector<16xf32>
      %swap3A_918 = vector.shape_cast %get3A_911 : vector<16xf32> to vector<1x16xf32>
      tpu.vector_store %arg8[%swap3A_914, %swap3A_915], %swap3A_918 {strides = array<i32>} : memref<512x32xf32, #tpu.memory_space<vmem>>, vector<1x16xf32>,
      %slice3A_919 = vector.extract_strided_slice %get3A_579 {offsets = [9], sizes = [1], strides = [1]} : vector<16xi32> to vector<1xi32>
      %squeeze3A_920 = vector.extract %slice3A_919[0] : i32 from vector<1xi32>
      %and3A_921 = arith.constant 3 : i32
      %and3A_922 = arith.andi %squeeze3A_920, %and3A_921 : i32
      %mul3A_923 = arith.constant 32 : i32
      %mul3A_924 = arith.muli %and3A_922, %mul3A_923 : i32
      %mul3A_925 = arith.constant 16 : i32
      %mul3A_926 = arith.muli %scan3A_572, %mul3A_925 : i32
      %add3A_927 = arith.constant 9 : i32
      %add3A_928 = arith.addi %mul3A_926, %add3A_927 : i32
      %get3A_929 = arith.constant 1 : i32
      %get3A_930 = arith.index_cast %get3A_929 : i32 to index
      %get3A_931 = arith.index_cast %add3A_928 : i32 to index
      %get3A_932 = arith.index_cast %mul3A_924 : i32 to index
      %get3A_933 = tpu.vector_load %arg7[%get3A_930, %get3A_931, %get3A_932] {strides = array<i32>} : memref<2x128x128xf32, #tpu.memory_space<vmem>>, vector<1x1x16xf32>,
      %get3A_934 = vector.shape_cast %get3A_933 : vector<1x1x16xf32> to vector<16xf32>
      %add3A_935 = arith.constant 384 : i32
      %add3A_936 = arith.addi %add3A_935, %add3A_928 : i32
      %swap3A_937 = arith.index_cast %add3A_936 : i32 to index
      %swap3A_938 = arith.constant 0 : index
      %swap3A_939 = tpu.vector_load %arg8[%swap3A_937, %swap3A_938] {strides = array<i32>} : memref<512x32xf32, #tpu.memory_space<vmem>>, vector<1x16xf32>,
      %swap3A_940 = vector.shape_cast %swap3A_939 : vector<1x16xf32> to vector<16xf32>
      %swap3A_941 = vector.shape_cast %get3A_934 : vector<16xf32> to vector<1x16xf32>
      tpu.vector_store %arg8[%swap3A_937, %swap3A_938], %swap3A_941 {strides = array<i32>} : memref<512x32xf32, #tpu.memory_space<vmem>>, vector<1x16xf32>,
      %add3A_942 = arith.constant 16 : i32
      %add3A_943 = arith.addi %mul3A_924, %add3A_942 : i32
      %get3A_944 = arith.constant 1 : i32
      %get3A_945 = arith.index_cast %get3A_944 : i32 to index
      %get3A_946 = arith.index_cast %add3A_928 : i32 to index
      %get3A_947 = arith.index_cast %add3A_943 : i32 to index
      %get3A_948 = tpu.vector_load %arg7[%get3A_945, %get3A_946, %get3A_947] {strides = array<i32>} : memref<2x128x128xf32, #tpu.memory_space<vmem>>, vector<1x1x16xf32>,
      %get3A_949 = vector.shape_cast %get3A_948 : vector<1x1x16xf32> to vector<16xf32>
      %add3A_950 = arith.constant 384 : i32
      %add3A_951 = arith.addi %add3A_950, %add3A_928 : i32
      %swap3A_952 = arith.index_cast %add3A_951 : i32 to index
      %swap3A_953 = arith.constant 16 : index
      %swap3A_954 = tpu.vector_load %arg8[%swap3A_952, %swap3A_953] {strides = array<i32>} : memref<512x32xf32, #tpu.memory_space<vmem>>, vector<1x16xf32>,
      %swap3A_955 = vector.shape_cast %swap3A_954 : vector<1x16xf32> to vector<16xf32>
      %swap3A_956 = vector.shape_cast %get3A_949 : vector<16xf32> to vector<1x16xf32>
      tpu.vector_store %arg8[%swap3A_952, %swap3A_953], %swap3A_956 {strides = array<i32>} : memref<512x32xf32, #tpu.memory_space<vmem>>, vector<1x16xf32>,
      %slice3A_957 = vector.extract_strided_slice %get3A_579 {offsets = [10], sizes = [1], strides = [1]} : vector<16xi32> to vector<1xi32>
      %squeeze3A_958 = vector.extract %slice3A_957[0] : i32 from vector<1xi32>
      %and3A_959 = arith.constant 3 : i32
      %and3A_960 = arith.andi %squeeze3A_958, %and3A_959 : i32
      %mul3A_961 = arith.constant 32 : i32
      %mul3A_962 = arith.muli %and3A_960, %mul3A_961 : i32
      %mul3A_963 = arith.constant 16 : i32
      %mul3A_964 = arith.muli %scan3A_572, %mul3A_963 : i32
      %add3A_965 = arith.constant 10 : i32
      %add3A_966 = arith.addi %mul3A_964, %add3A_965 : i32
      %get3A_967 = arith.constant 1 : i32
      %get3A_968 = arith.index_cast %get3A_967 : i32 to index
      %get3A_969 = arith.index_cast %add3A_966 : i32 to index
      %get3A_970 = arith.index_cast %mul3A_962 : i32 to index
      %get3A_971 = tpu.vector_load %arg7[%get3A_968, %get3A_969, %get3A_970] {strides = array<i32>} : memref<2x128x128xf32, #tpu.memory_space<vmem>>, vector<1x1x16xf32>,
      %get3A_972 = vector.shape_cast %get3A_971 : vector<1x1x16xf32> to vector<16xf32>
      %add3A_973 = arith.constant 384 : i32
      %add3A_974 = arith.addi %add3A_973, %add3A_966 : i32
      %swap3A_975 = arith.index_cast %add3A_974 : i32 to index
      %swap3A_976 = arith.constant 0 : index
      %swap3A_977 = tpu.vector_load %arg8[%swap3A_975, %swap3A_976] {strides = array<i32>} : memref<512x32xf32, #tpu.memory_space<vmem>>, vector<1x16xf32>,
      %swap3A_978 = vector.shape_cast %swap3A_977 : vector<1x16xf32> to vector<16xf32>
      %swap3A_979 = vector.shape_cast %get3A_972 : vector<16xf32> to vector<1x16xf32>
      tpu.vector_store %arg8[%swap3A_975, %swap3A_976], %swap3A_979 {strides = array<i32>} : memref<512x32xf32, #tpu.memory_space<vmem>>, vector<1x16xf32>,
      %add3A_980 = arith.constant 16 : i32
      %add3A_981 = arith.addi %mul3A_962, %add3A_980 : i32
      %get3A_982 = arith.constant 1 : i32
      %get3A_983 = arith.index_cast %get3A_982 : i32 to index
      %get3A_984 = arith.index_cast %add3A_966 : i32 to index
      %get3A_985 = arith.index_cast %add3A_981 : i32 to index
      %get3A_986 = tpu.vector_load %arg7[%get3A_983, %get3A_984, %get3A_985] {strides = array<i32>} : memref<2x128x128xf32, #tpu.memory_space<vmem>>, vector<1x1x16xf32>,
      %get3A_987 = vector.shape_cast %get3A_986 : vector<1x1x16xf32> to vector<16xf32>
      %add3A_988 = arith.constant 384 : i32
      %add3A_989 = arith.addi %add3A_988, %add3A_966 : i32
      %swap3A_990 = arith.index_cast %add3A_989 : i32 to index
      %swap3A_991 = arith.constant 16 : index
      %swap3A_992 = tpu.vector_load %arg8[%swap3A_990, %swap3A_991] {strides = array<i32>} : memref<512x32xf32, #tpu.memory_space<vmem>>, vector<1x16xf32>,
      %swap3A_993 = vector.shape_cast %swap3A_992 : vector<1x16xf32> to vector<16xf32>
      %swap3A_994 = vector.shape_cast %get3A_987 : vector<16xf32> to vector<1x16xf32>
      tpu.vector_store %arg8[%swap3A_990, %swap3A_991], %swap3A_994 {strides = array<i32>} : memref<512x32xf32, #tpu.memory_space<vmem>>, vector<1x16xf32>,
      %slice3A_995 = vector.extract_strided_slice %get3A_579 {offsets = [11], sizes = [1], strides = [1]} : vector<16xi32> to vector<1xi32>
      %squeeze3A_996 = vector.extract %slice3A_995[0] : i32 from vector<1xi32>
      %and3A_997 = arith.constant 3 : i32
      %and3A_998 = arith.andi %squeeze3A_996, %and3A_997 : i32
      %mul3A_999 = arith.constant 32 : i32
      %mul3A_1000 = arith.muli %and3A_998, %mul3A_999 : i32
      %mul3A_1001 = arith.constant 16 : i32
      %mul3A_1002 = arith.muli %scan3A_572, %mul3A_1001 : i32
      %add3A_1003 = arith.constant 11 : i32
      %add3A_1004 = arith.addi %mul3A_1002, %add3A_1003 : i32
      %get3A_1005 = arith.constant 1 : i32
      %get3A_1006 = arith.index_cast %get3A_1005 : i32 to index
      %get3A_1007 = arith.index_cast %add3A_1004 : i32 to index
      %get3A_1008 = arith.index_cast %mul3A_1000 : i32 to index
      %get3A_1009 = tpu.vector_load %arg7[%get3A_1006, %get3A_1007, %get3A_1008] {strides = array<i32>} : memref<2x128x128xf32, #tpu.memory_space<vmem>>, vector<1x1x16xf32>,
      %get3A_1010 = vector.shape_cast %get3A_1009 : vector<1x1x16xf32> to vector<16xf32>
      %add3A_1011 = arith.constant 384 : i32
      %add3A_1012 = arith.addi %add3A_1011, %add3A_1004 : i32
      %swap3A_1013 = arith.index_cast %add3A_1012 : i32 to index
      %swap3A_1014 = arith.constant 0 : index
      %swap3A_1015 = tpu.vector_load %arg8[%swap3A_1013, %swap3A_1014] {strides = array<i32>} : memref<512x32xf32, #tpu.memory_space<vmem>>, vector<1x16xf32>,
      %swap3A_1016 = vector.shape_cast %swap3A_1015 : vector<1x16xf32> to vector<16xf32>
      %swap3A_1017 = vector.shape_cast %get3A_1010 : vector<16xf32> to vector<1x16xf32>
      tpu.vector_store %arg8[%swap3A_1013, %swap3A_1014], %swap3A_1017 {strides = array<i32>} : memref<512x32xf32, #tpu.memory_space<vmem>>, vector<1x16xf32>,
      %add3A_1018 = arith.constant 16 : i32
      %add3A_1019 = arith.addi %mul3A_1000, %add3A_1018 : i32
      %get3A_1020 = arith.constant 1 : i32
      %get3A_1021 = arith.index_cast %get3A_1020 : i32 to index
      %get3A_1022 = arith.index_cast %add3A_1004 : i32 to index
      %get3A_1023 = arith.index_cast %add3A_1019 : i32 to index
      %get3A_1024 = tpu.vector_load %arg7[%get3A_1021, %get3A_1022, %get3A_1023] {strides = array<i32>} : memref<2x128x128xf32, #tpu.memory_space<vmem>>, vector<1x1x16xf32>,
      %get3A_1025 = vector.shape_cast %get3A_1024 : vector<1x1x16xf32> to vector<16xf32>
      %add3A_1026 = arith.constant 384 : i32
      %add3A_1027 = arith.addi %add3A_1026, %add3A_1004 : i32
      %swap3A_1028 = arith.index_cast %add3A_1027 : i32 to index
      %swap3A_1029 = arith.constant 16 : index
      %swap3A_1030 = tpu.vector_load %arg8[%swap3A_1028, %swap3A_1029] {strides = array<i32>} : memref<512x32xf32, #tpu.memory_space<vmem>>, vector<1x16xf32>,
      %swap3A_1031 = vector.shape_cast %swap3A_1030 : vector<1x16xf32> to vector<16xf32>
      %swap3A_1032 = vector.shape_cast %get3A_1025 : vector<16xf32> to vector<1x16xf32>
      tpu.vector_store %arg8[%swap3A_1028, %swap3A_1029], %swap3A_1032 {strides = array<i32>} : memref<512x32xf32, #tpu.memory_space<vmem>>, vector<1x16xf32>,
      %slice3A_1033 = vector.extract_strided_slice %get3A_579 {offsets = [12], sizes = [1], strides = [1]} : vector<16xi32> to vector<1xi32>
      %squeeze3A_1034 = vector.extract %slice3A_1033[0] : i32 from vector<1xi32>
      %and3A_1035 = arith.constant 3 : i32
      %and3A_1036 = arith.andi %squeeze3A_1034, %and3A_1035 : i32
      %mul3A_1037 = arith.constant 32 : i32
      %mul3A_1038 = arith.muli %and3A_1036, %mul3A_1037 : i32
      %mul3A_1039 = arith.constant 16 : i32
      %mul3A_1040 = arith.muli %scan3A_572, %mul3A_1039 : i32
      %add3A_1041 = arith.constant 12 : i32
      %add3A_1042 = arith.addi %mul3A_1040, %add3A_1041 : i32
      %get3A_1043 = arith.constant 1 : i32
      %get3A_1044 = arith.index_cast %get3A_1043 : i32 to index
      %get3A_1045 = arith.index_cast %add3A_1042 : i32 to index
      %get3A_1046 = arith.index_cast %mul3A_1038 : i32 to index
      %get3A_1047 = tpu.vector_load %arg7[%get3A_1044, %get3A_1045, %get3A_1046] {strides = array<i32>} : memref<2x128x128xf32, #tpu.memory_space<vmem>>, vector<1x1x16xf32>,
      %get3A_1048 = vector.shape_cast %get3A_1047 : vector<1x1x16xf32> to vector<16xf32>
      %add3A_1049 = arith.constant 384 : i32
      %add3A_1050 = arith.addi %add3A_1049, %add3A_1042 : i32
      %swap3A_1051 = arith.index_cast %add3A_1050 : i32 to index
      %swap3A_1052 = arith.constant 0 : index
      %swap3A_1053 = tpu.vector_load %arg8[%swap3A_1051, %swap3A_1052] {strides = array<i32>} : memref<512x32xf32, #tpu.memory_space<vmem>>, vector<1x16xf32>,
      %swap3A_1054 = vector.shape_cast %swap3A_1053 : vector<1x16xf32> to vector<16xf32>
      %swap3A_1055 = vector.shape_cast %get3A_1048 : vector<16xf32> to vector<1x16xf32>
      tpu.vector_store %arg8[%swap3A_1051, %swap3A_1052], %swap3A_1055 {strides = array<i32>} : memref<512x32xf32, #tpu.memory_space<vmem>>, vector<1x16xf32>,
      %add3A_1056 = arith.constant 16 : i32
      %add3A_1057 = arith.addi %mul3A_1038, %add3A_1056 : i32
      %get3A_1058 = arith.constant 1 : i32
      %get3A_1059 = arith.index_cast %get3A_1058 : i32 to index
      %get3A_1060 = arith.index_cast %add3A_1042 : i32 to index
      %get3A_1061 = arith.index_cast %add3A_1057 : i32 to index
      %get3A_1062 = tpu.vector_load %arg7[%get3A_1059, %get3A_1060, %get3A_1061] {strides = array<i32>} : memref<2x128x128xf32, #tpu.memory_space<vmem>>, vector<1x1x16xf32>,
      %get3A_1063 = vector.shape_cast %get3A_1062 : vector<1x1x16xf32> to vector<16xf32>
      %add3A_1064 = arith.constant 384 : i32
      %add3A_1065 = arith.addi %add3A_1064, %add3A_1042 : i32
      %swap3A_1066 = arith.index_cast %add3A_1065 : i32 to index
      %swap3A_1067 = arith.constant 16 : index
      %swap3A_1068 = tpu.vector_load %arg8[%swap3A_1066, %swap3A_1067] {strides = array<i32>} : memref<512x32xf32, #tpu.memory_space<vmem>>, vector<1x16xf32>,
      %swap3A_1069 = vector.shape_cast %swap3A_1068 : vector<1x16xf32> to vector<16xf32>
      %swap3A_1070 = vector.shape_cast %get3A_1063 : vector<16xf32> to vector<1x16xf32>
      tpu.vector_store %arg8[%swap3A_1066, %swap3A_1067], %swap3A_1070 {strides = array<i32>} : memref<512x32xf32, #tpu.memory_space<vmem>>, vector<1x16xf32>,
      %slice3A_1071 = vector.extract_strided_slice %get3A_579 {offsets = [13], sizes = [1], strides = [1]} : vector<16xi32> to vector<1xi32>
      %squeeze3A_1072 = vector.extract %slice3A_1071[0] : i32 from vector<1xi32>
      %and3A_1073 = arith.constant 3 : i32
      %and3A_1074 = arith.andi %squeeze3A_1072, %and3A_1073 : i32
      %mul3A_1075 = arith.constant 32 : i32
      %mul3A_1076 = arith.muli %and3A_1074, %mul3A_1075 : i32
      %mul3A_1077 = arith.constant 16 : i32
      %mul3A_1078 = arith.muli %scan3A_572, %mul3A_1077 : i32
      %add3A_1079 = arith.constant 13 : i32
      %add3A_1080 = arith.addi %mul3A_1078, %add3A_1079 : i32
      %get3A_1081 = arith.constant 1 : i32
      %get3A_1082 = arith.index_cast %get3A_1081 : i32 to index
      %get3A_1083 = arith.index_cast %add3A_1080 : i32 to index
      %get3A_1084 = arith.index_cast %mul3A_1076 : i32 to index
      %get3A_1085 = tpu.vector_load %arg7[%get3A_1082, %get3A_1083, %get3A_1084] {strides = array<i32>} : memref<2x128x128xf32, #tpu.memory_space<vmem>>, vector<1x1x16xf32>,
      %get3A_1086 = vector.shape_cast %get3A_1085 : vector<1x1x16xf32> to vector<16xf32>
      %add3A_1087 = arith.constant 384 : i32
      %add3A_1088 = arith.addi %add3A_1087, %add3A_1080 : i32
      %swap3A_1089 = arith.index_cast %add3A_1088 : i32 to index
      %swap3A_1090 = arith.constant 0 : index
      %swap3A_1091 = tpu.vector_load %arg8[%swap3A_1089, %swap3A_1090] {strides = array<i32>} : memref<512x32xf32, #tpu.memory_space<vmem>>, vector<1x16xf32>,
      %swap3A_1092 = vector.shape_cast %swap3A_1091 : vector<1x16xf32> to vector<16xf32>
      %swap3A_1093 = vector.shape_cast %get3A_1086 : vector<16xf32> to vector<1x16xf32>
      tpu.vector_store %arg8[%swap3A_1089, %swap3A_1090], %swap3A_1093 {strides = array<i32>} : memref<512x32xf32, #tpu.memory_space<vmem>>, vector<1x16xf32>,
      %add3A_1094 = arith.constant 16 : i32
      %add3A_1095 = arith.addi %mul3A_1076, %add3A_1094 : i32
      %get3A_1096 = arith.constant 1 : i32
      %get3A_1097 = arith.index_cast %get3A_1096 : i32 to index
      %get3A_1098 = arith.index_cast %add3A_1080 : i32 to index
      %get3A_1099 = arith.index_cast %add3A_1095 : i32 to index
      %get3A_1100 = tpu.vector_load %arg7[%get3A_1097, %get3A_1098, %get3A_1099] {strides = array<i32>} : memref<2x128x128xf32, #tpu.memory_space<vmem>>, vector<1x1x16xf32>,
      %get3A_1101 = vector.shape_cast %get3A_1100 : vector<1x1x16xf32> to vector<16xf32>
      %add3A_1102 = arith.constant 384 : i32
      %add3A_1103 = arith.addi %add3A_1102, %add3A_1080 : i32
      %swap3A_1104 = arith.index_cast %add3A_1103 : i32 to index
      %swap3A_1105 = arith.constant 16 : index
      %swap3A_1106 = tpu.vector_load %arg8[%swap3A_1104, %swap3A_1105] {strides = array<i32>} : memref<512x32xf32, #tpu.memory_space<vmem>>, vector<1x16xf32>,
      %swap3A_1107 = vector.shape_cast %swap3A_1106 : vector<1x16xf32> to vector<16xf32>
      %swap3A_1108 = vector.shape_cast %get3A_1101 : vector<16xf32> to vector<1x16xf32>
      tpu.vector_store %arg8[%swap3A_1104, %swap3A_1105], %swap3A_1108 {strides = array<i32>} : memref<512x32xf32, #tpu.memory_space<vmem>>, vector<1x16xf32>,
      %slice3A_1109 = vector.extract_strided_slice %get3A_579 {offsets = [14], sizes = [1], strides = [1]} : vector<16xi32> to vector<1xi32>
      %squeeze3A_1110 = vector.extract %slice3A_1109[0] : i32 from vector<1xi32>
      %and3A_1111 = arith.constant 3 : i32
      %and3A_1112 = arith.andi %squeeze3A_1110, %and3A_1111 : i32
      %mul3A_1113 = arith.constant 32 : i32
      %mul3A_1114 = arith.muli %and3A_1112, %mul3A_1113 : i32
      %mul3A_1115 = arith.constant 16 : i32
      %mul3A_1116 = arith.muli %scan3A_572, %mul3A_1115 : i32
      %add3A_1117 = arith.constant 14 : i32
      %add3A_1118 = arith.addi %mul3A_1116, %add3A_1117 : i32
      %get3A_1119 = arith.constant 1 : i32
      %get3A_1120 = arith.index_cast %get3A_1119 : i32 to index
      %get3A_1121 = arith.index_cast %add3A_1118 : i32 to index
      %get3A_1122 = arith.index_cast %mul3A_1114 : i32 to index
      %get3A_1123 = tpu.vector_load %arg7[%get3A_1120, %get3A_1121, %get3A_1122] {strides = array<i32>} : memref<2x128x128xf32, #tpu.memory_space<vmem>>, vector<1x1x16xf32>,
      %get3A_1124 = vector.shape_cast %get3A_1123 : vector<1x1x16xf32> to vector<16xf32>
      %add3A_1125 = arith.constant 384 : i32
      %add3A_1126 = arith.addi %add3A_1125, %add3A_1118 : i32
      %swap3A_1127 = arith.index_cast %add3A_1126 : i32 to index
      %swap3A_1128 = arith.constant 0 : index
      %swap3A_1129 = tpu.vector_load %arg8[%swap3A_1127, %swap3A_1128] {strides = array<i32>} : memref<512x32xf32, #tpu.memory_space<vmem>>, vector<1x16xf32>,
      %swap3A_1130 = vector.shape_cast %swap3A_1129 : vector<1x16xf32> to vector<16xf32>
      %swap3A_1131 = vector.shape_cast %get3A_1124 : vector<16xf32> to vector<1x16xf32>
      tpu.vector_store %arg8[%swap3A_1127, %swap3A_1128], %swap3A_1131 {strides = array<i32>} : memref<512x32xf32, #tpu.memory_space<vmem>>, vector<1x16xf32>,
      %add3A_1132 = arith.constant 16 : i32
      %add3A_1133 = arith.addi %mul3A_1114, %add3A_1132 : i32
      %get3A_1134 = arith.constant 1 : i32
      %get3A_1135 = arith.index_cast %get3A_1134 : i32 to index
      %get3A_1136 = arith.index_cast %add3A_1118 : i32 to index
      %get3A_1137 = arith.index_cast %add3A_1133 : i32 to index
      %get3A_1138 = tpu.vector_load %arg7[%get3A_1135, %get3A_1136, %get3A_1137] {strides = array<i32>} : memref<2x128x128xf32, #tpu.memory_space<vmem>>, vector<1x1x16xf32>,
      %get3A_1139 = vector.shape_cast %get3A_1138 : vector<1x1x16xf32> to vector<16xf32>
      %add3A_1140 = arith.constant 384 : i32
      %add3A_1141 = arith.addi %add3A_1140, %add3A_1118 : i32
      %swap3A_1142 = arith.index_cast %add3A_1141 : i32 to index
      %swap3A_1143 = arith.constant 16 : index
      %swap3A_1144 = tpu.vector_load %arg8[%swap3A_1142, %swap3A_1143] {strides = array<i32>} : memref<512x32xf32, #tpu.memory_space<vmem>>, vector<1x16xf32>,
      %swap3A_1145 = vector.shape_cast %swap3A_1144 : vector<1x16xf32> to vector<16xf32>
      %swap3A_1146 = vector.shape_cast %get3A_1139 : vector<16xf32> to vector<1x16xf32>
      tpu.vector_store %arg8[%swap3A_1142, %swap3A_1143], %swap3A_1146 {strides = array<i32>} : memref<512x32xf32, #tpu.memory_space<vmem>>, vector<1x16xf32>,
      %slice3A_1147 = vector.extract_strided_slice %get3A_579 {offsets = [15], sizes = [1], strides = [1]} : vector<16xi32> to vector<1xi32>
      %squeeze3A_1148 = vector.extract %slice3A_1147[0] : i32 from vector<1xi32>
      %and3A_1149 = arith.constant 3 : i32
      %and3A_1150 = arith.andi %squeeze3A_1148, %and3A_1149 : i32
      %mul3A_1151 = arith.constant 32 : i32
      %mul3A_1152 = arith.muli %and3A_1150, %mul3A_1151 : i32
      %mul3A_1153 = arith.constant 16 : i32
      %mul3A_1154 = arith.muli %scan3A_572, %mul3A_1153 : i32
      %add3A_1155 = arith.constant 15 : i32
      %add3A_1156 = arith.addi %mul3A_1154, %add3A_1155 : i32
      %get3A_1157 = arith.constant 1 : i32
      %get3A_1158 = arith.index_cast %get3A_1157 : i32 to index
      %get3A_1159 = arith.index_cast %add3A_1156 : i32 to index
      %get3A_1160 = arith.index_cast %mul3A_1152 : i32 to index
      %get3A_1161 = tpu.vector_load %arg7[%get3A_1158, %get3A_1159, %get3A_1160] {strides = array<i32>} : memref<2x128x128xf32, #tpu.memory_space<vmem>>, vector<1x1x16xf32>,
      %get3A_1162 = vector.shape_cast %get3A_1161 : vector<1x1x16xf32> to vector<16xf32>
      %add3A_1163 = arith.constant 384 : i32
      %add3A_1164 = arith.addi %add3A_1163, %add3A_1156 : i32
      %swap3A_1165 = arith.index_cast %add3A_1164 : i32 to index
      %swap3A_1166 = arith.constant 0 : index
      %swap3A_1167 = tpu.vector_load %arg8[%swap3A_1165, %swap3A_1166] {strides = array<i32>} : memref<512x32xf32, #tpu.memory_space<vmem>>, vector<1x16xf32>,
      %swap3A_1168 = vector.shape_cast %swap3A_1167 : vector<1x16xf32> to vector<16xf32>
      %swap3A_1169 = vector.shape_cast %get3A_1162 : vector<16xf32> to vector<1x16xf32>
      tpu.vector_store %arg8[%swap3A_1165, %swap3A_1166], %swap3A_1169 {strides = array<i32>} : memref<512x32xf32, #tpu.memory_space<vmem>>, vector<1x16xf32>,
      %add3A_1170 = arith.constant 16 : i32
      %add3A_1171 = arith.addi %mul3A_1152, %add3A_1170 : i32
      %get3A_1172 = arith.constant 1 : i32
      %get3A_1173 = arith.index_cast %get3A_1172 : i32 to index
      %get3A_1174 = arith.index_cast %add3A_1156 : i32 to index
      %get3A_1175 = arith.index_cast %add3A_1171 : i32 to index
      %get3A_1176 = tpu.vector_load %arg7[%get3A_1173, %get3A_1174, %get3A_1175] {strides = array<i32>} : memref<2x128x128xf32, #tpu.memory_space<vmem>>, vector<1x1x16xf32>,
      %get3A_1177 = vector.shape_cast %get3A_1176 : vector<1x1x16xf32> to vector<16xf32>
      %add3A_1178 = arith.constant 384 : i32
      %add3A_1179 = arith.addi %add3A_1178, %add3A_1156 : i32
      %swap3A_1180 = arith.index_cast %add3A_1179 : i32 to index
      %swap3A_1181 = arith.constant 16 : index
      %swap3A_1182 = tpu.vector_load %arg8[%swap3A_1180, %swap3A_1181] {strides = array<i32>} : memref<512x32xf32, #tpu.memory_space<vmem>>, vector<1x16xf32>,
      %swap3A_1183 = vector.shape_cast %swap3A_1182 : vector<1x16xf32> to vector<16xf32>
      %swap3A_1184 = vector.shape_cast %get3A_1177 : vector<16xf32> to vector<1x16xf32>
      tpu.vector_store %arg8[%swap3A_1180, %swap3A_1181], %swap3A_1184 {strides = array<i32>} : memref<512x32xf32, #tpu.memory_space<vmem>>, vector<1x16xf32>,
    }
    %scan3A_571 = arith.constant 8 : i32
    "tpu.region"() ({
      %run_scoped3A_572 = tpu.sem_alloc : memref<!tpu.dma_semaphore, #tpu.memory_space<semaphore_mem>>
      %dma_start3A_573 = arith.constant 0 : i32
      %dma_start3A_574 = tpu.memref_slice %arg4[%mul3A_2, %dma_start3A_573] : memref<16384x32xf32, #tpu.memory_space<hbm>> -> memref<512x32xf32, #tpu.memory_space<hbm>>
      %dma_start3A_575 = arith.constant 0 : i32
      %dma_start3A_576 = tpu.memref_slice %arg4[%mul3A_2, %dma_start3A_575] : memref<16384x32xf32, #tpu.memory_space<hbm>> -> memref<512x32xf32, #tpu.memory_space<hbm>>
      tpu.enqueue_dma source(%arg8 : memref<512x32xf32, #tpu.memory_space<vmem>>) target(%dma_start3A_576 : memref<512x32xf32, #tpu.memory_space<hbm>>) target_semaphore(%run_scoped3A_572 : memref<!tpu.dma_semaphore, #tpu.memory_space<semaphore_mem>>)
      %dma_wait3A_577 = arith.constant 0 : i32
      %dma_wait3A_578 = tpu.memref_slice %arg4[%mul3A_2, %dma_wait3A_577] : memref<16384x32xf32, #tpu.memory_space<hbm>> -> memref<512x32xf32, #tpu.memory_space<hbm>>
      %dma_wait3A_579 = arith.constant 0 : i32
      %dma_wait3A_580 = tpu.memref_slice %arg4[%mul3A_2, %dma_wait3A_579] : memref<16384x32xf32, #tpu.memory_space<hbm>> -> memref<512x32xf32, #tpu.memory_space<hbm>>
      tpu.wait_dma2 semaphore(%run_scoped3A_572 : memref<!tpu.dma_semaphore, #tpu.memory_space<semaphore_mem>>) src(%arg8 : memref<512x32xf32, #tpu.memory_space<vmem>>) dst(%dma_wait3A_580 : memref<512x32xf32, #tpu.memory_space<hbm>>)
      tpu.yield
    }) : () -> ()
    return
  }
}

</mosaic_0001>

<sc_bundles>
// kernel: _embed_lookup.3.cloned.1.call-start
scs
__scs_entry_jumppad:
0x0: {  	(pc) =	sbr.rel $0x88, $3  }
0x1: {  	(tag) =	ssettag $0x0;
	lr =	simm.s32 $0x1  }
0x2: {  	[smem:$0x3F9F] =	sst lr;
	_ =	strace $0xD0000000  }
0x3: {  	_ = 	snop  }
0x4: {  	_ = 	snop  }
0x5: {  	_ = 	snop  }
0x6: {  	_ = 	snop  }
0x7: {  	_ = 	snop  }
__scs_overlays_trampoline_lowered:
0x8: {  	[smem:$0x3FAE] =	sst s0  }
0x9: {  	[smem:$0x3FAF] =	sst s1  }
0xa: {  	[smem:$0x3FB0] =	sst s2  }
0xb: {  	[smem:$0x3FB1] =	sst s3  }
0xc: {  	[smem:$0x3FB2] =	sst s4  }
0xd: {  	[smem:$0x3FB3] =	sst s5  }
0xe: {  	[smem:$0x3FB4] =	sst s6  }
0xf: {  	[smem:$0x3FB5] =	sst s7  }
0x10: {  	[smem:$0x3FB6] =	sst s8  }
0x11: {  	[smem:$0x3FB7] =	sst s9;
	s0 =	simm.s32 @!p0 $0x0  }
0x12: {  	s1 =	sld [smem:$0x3F9D];
	s0 =	simm.s32 @p0 $0x1  }
0x13: {  	[smem:$0x3FB8] =	sst s0;
	s0 =	simm.s32 @!p1 $0x0  }
0x14: {  	s2 =	sld [smem:$0x3F9C];
	s0 =	simm.s32 @p1 $0x1  }
0x15: {  	[smem:$0x3FB9] =	sst s0;
	s0 =	simm.s32 @!p2 $0x0  }
0x16: {  	s3 =	sld [smem:$0x3FDB];
	s0 =	simm.s32 @p2 $0x1  }
0x17: {  	s4 =	simm.s32 $0x1BF5;
	[smem:$0x3FBB] =	sst s0  }
0x18: {  	s0 =	sld [smem:$0x3F9E];
	_ =	swait.ge [sflag:s4], $0x0  }
0x19: {  	s7 =	sld [smem:$0x3F9F]  }
0x1a: {  	s8 =	sadd.s32 $0xFFFFE003, lr  }
0x1b: {  	s9 =	sadd.s32 $0xFFFFFEF7, lr;
	s5 =	simm.s32 $0xFFFFFFFF;
	p2 =	slt.u32 s8, $0xFFFFF086  }
0x1c: {  	p1 =	slt.u32 s9, $0xF7A;
	s5 =	simm.s32 @!p2 $0x0  }
0x1d: {  	s5 =	simm.s32 @p1 $0x1;
	p0 =	seq.s32 s7, s2  }
0x1e: {  	s7 =	smul.u32 @!p0 $0xF7A, s2;
	p2 =	seq.s32 @!p0 s5, $0x0  }
0x1f: {  	s9 =	smul.u32 $0xF7A, s1;
	s8 =	simm.s32 @!p0 $0x1BF5;
	p2 =	por !p2, p0  }
0x20: {  	[sflag:s8] =	ssyncset.s32 @!p0 $0xFFFFF086;
	s6 =	sadd.s32 @!p0 s3, s7;
	s7 =	simm.s32 @!p0 $0x108  }
0x21: {  	s3 =	sadd.s32 s3, s9;
	s6 =	sadd.s32 @!p0 $0x88, s6;
	s7 =	simm.s32 @p2 $0x1082  }
0x22: {  	[simem:s7], [sflag:s8] =	dma.local @!p0 [hbm:s6], $0xF7A  }
0x23: {  	s9 =	sor.u32 $0xD0000000, s2;
	s6 =	simm.s32 $0x108;
	_ =	swait.ge @!p0 [sflag:s8], $0x0  }
0x24: {  	s3 =	sadd.s32 $0x88, s3;
	s6 =	simm.s32 @!p1 $0x1082;
	[sflag:s4] =	ssyncset.s32 $0xFFFFF086  }
0x25: {  	[simem:s6], [sflag:s4] =	dma.local [hbm:s3], $0xF7A  }
0x26: {  	[smem:$0x3F9F] =	sst s1;
	(tag) =	ssettag s2;
	_ =	strace s9  }
0x27: {  	s1 =	sld [smem:$0x3FAF]  }
0x28: {  	s2 =	sld [smem:$0x3FB0]  }
0x29: {  	s4 =	sld [smem:$0x3FB2]  }
0x2a: {  	p0 =	seq.s32 s5, $0x0;
	s5 =	sld [smem:$0x3FB3]  }
0x2b: {  	s6 =	sld [smem:$0x3FB4]  }
0x2c: {  	s7 =	sld [smem:$0x3FB5]  }
0x2d: {  	s3 =	simm.s32 $0x108;
	s8 =	sld [smem:$0x3FB6]  }
0x2e: {  	s3 =	simm.s32 @!p0 $0x1082;
	s9 =	sld [smem:$0x3FB7]  }
0x2f: {  	lr =	sadd.s32 s0, s3;
	s0 =	sld [smem:$0x3FAE]  }
0x30: {  	s3 =	sld [smem:$0x3FB1]  }
0x31: {  	[smem:$0x3FBA] =	sst s10  }
0x32: {  	s10 =	sld [smem:$0x3FB8];
	_ =	sdelay $0x3  }
0x33: {  	p0 =	seq.s32 s10, $0x1;
	s10 =	sld [smem:$0x3FBA];
	_ =	sdelay $0x3  }
0x34: {  	[smem:$0x3FBA] =	sst s10  }
0x35: {  	s10 =	sld [smem:$0x3FB9];
	_ =	sdelay $0x3  }
0x36: {  	p1 =	seq.s32 s10, $0x1;
	s10 =	sld [smem:$0x3FBA];
	_ =	sdelay $0x3  }
0x37: {  	[smem:$0x3FBA] =	sst s10  }
0x38: {  	s10 =	sld [smem:$0x3FBB]  }
0x39: {  	_ = 	snop;
	(pc) =	sbr.ind lr, $3  }
0x3a: {  	_ = 	snop  }
0x3b: {  	_ = 	snop  }
0x3c: {  	p2 =	seq.s32 s10, $0x1;
	s10 =	sld [smem:$0x3FBA]  }
0x3d: {  	_ =	shalt  }
0x3e: {  	_ =	shalt  }
0x3f: {  	_ =	shalt  }
0x40: {  	_ =	shalt  }
0x41: {  	_ =	shalt  }
0x42: {  	_ =	shalt  }
0x43: {  	_ =	shalt  }
0x44: {  	_ =	shalt  }
0x45: {  	_ =	shalt  }
0x46: {  	_ =	shalt  }
0x47: {  	_ =	shalt  }
0x48: {  	_ =	shalt  }
0x49: {  	_ =	shalt  }
0x4a: {  	_ =	shalt  }
0x4b: {  	_ =	shalt  }
0x4c: {  	_ =	shalt  }
0x4d: {  	_ =	shalt  }
0x4e: {  	_ =	shalt  }
0x4f: {  	_ =	shalt  }
0x50: {  	_ =	shalt  }
0x51: {  	_ =	shalt  }
0x52: {  	_ =	shalt  }
0x53: {  	_ =	shalt  }
0x54: {  	_ =	shalt  }
0x55: {  	_ =	shalt  }
0x56: {  	_ =	shalt  }
0x57: {  	_ =	shalt  }
0x58: {  	_ =	shalt  }
0x59: {  	_ =	shalt  }
0x5a: {  	_ =	shalt  }
0x5b: {  	_ =	shalt  }
0x5c: {  	_ =	shalt  }
0x5d: {  	_ =	shalt  }
0x5e: {  	_ =	shalt  }
0x5f: {  	_ =	shalt  }
0x60: {  	_ =	shalt  }
0x61: {  	_ =	shalt  }
0x62: {  	_ =	shalt  }
0x63: {  	_ =	shalt  }
0x64: {  	_ =	shalt  }
0x65: {  	_ =	shalt  }
0x66: {  	_ =	shalt  }
0x67: {  	_ =	shalt  }
0x68: {  	_ =	shalt  }
0x69: {  	_ =	shalt  }
0x6a: {  	_ =	shalt  }
0x6b: {  	_ =	shalt  }
0x6c: {  	_ =	shalt  }
0x6d: {  	_ =	shalt  }
0x6e: {  	_ =	shalt  }
0x6f: {  	_ =	shalt  }
0x70: {  	_ =	shalt  }
0x71: {  	_ =	shalt  }
0x72: {  	_ =	shalt  }
0x73: {  	_ =	shalt  }
0x74: {  	_ =	shalt  }
0x75: {  	_ =	shalt  }
0x76: {  	_ =	shalt  }
0x77: {  	_ =	shalt  }
0x78: {  	_ =	shalt  }
0x79: {  	_ =	shalt  }
0x7a: {  	_ =	shalt  }
0x7b: {  	_ =	shalt  }
0x7c: {  	_ =	shalt  }
0x7d: {  	_ =	shalt  }
0x7e: {  	_ =	shalt  }
0x7f: {  	_ =	shalt  }
0x80: {  	_ =	shalt  }
0x81: {  	_ =	shalt  }
0x82: {  	_ =	shalt  }
0x83: {  	_ =	shalt  }
0x84: {  	_ =	shalt  }
0x85: {  	_ =	shalt  }
0x86: {  	_ =	shalt  }
0x87: {  	_ =	shalt  }
.Lfunc_end0:
.L_simem_size_0:
called_computation_lowered:
.L_overlay_start_0:
0x88: {  	s2 =	sld [smem:$0x3FD9]  }
0x89: {  	s3 =	sld [smem:$0x3FFE];
	_ =	sdelay $0x1  }
0x8a: {  	s1 =	srdreg.scid  }
0x8b: {  	s0 =	sand.u32 $0x1, s1  }
0x8c: {  	s17 =	sshll.u32 s0, $0xA;
	s2 =	sadd.s32 s3, s2  }
0x8d: {  	s2 =	sadd.s32 s2, s17  }
0x8e: {  	[smem:$0x3FC6] =	sst s2  }
0x8f: {  	_ = 	snop  }
0x90: {  	s2 =	sld [smem:$0x3FC9]  }
0x91: {  	s18 =	sld [smem:$0x3FC8];
	(tm) =	ssettm $0x1  }
0x92: {  	s4 =	sld [smem:$0x3FFB];
	_ =	sdelay $0x3  }
0x93: {  	_ =	strace s4  }
0x94: {  	s4 =	sld [smem:$0x3FFC];
	_ =	sdelay $0x3  }
0x95: {  	_ =	strace s4  }
0x96: {  	s4 =	sld [smem:$0x3FFD];
	_ =	sdelay $0x3  }
0x97: {  	_ =	strace s4  }
0x98: {  	_ =	strace $0x8FFFFFFF  }
0x99: {  	s19 =	sld [smem:$0x3FDB];
	_ =	sdelay $0x1  }
0x9a: {  	s5 =	simm.s32 $_scs_section_size  }
0x9b: {  	s6 =	simm.s32 $_size__tile_overlayer_lowered;
	s7 =	simm.s32 $_tile_overlayer_lowered  }
0x9c: {  	s22 =	simm.s32 $0x1BFF;
	s21 =	sshll.u32 s7, $0x1;
	s4 =	sadd.s32 s5, s19  }
0x9d: {  	s8 =	simm.s32 $0x0;
	s20 =	sshll.u32 s6, $0x1;
	s6 =	sadd.s32 s21, s4  }
0x9e: {  	[timem:s8], [sflag:s22] =	dma.local [hbm:s6], s20  }
0x9f: {  	_ =	swait.ge [sflag:s22], s20  }
0xa0: {  	s5 =	ssub.s32 $0x0, s20;
	[sflag:s22] =	ssyncset.done $0x0  }
0xa1: {  	[sflag:s22] =	ssyncadd.s32 s5;
	_ =	sdelay $0x1  }
0xa2: {  	s23 =	simm.s32 $0x1B8B  }
0xa3: {  	_ =	swait.ge [sflag:s23], $0x1  }
0xa4: {  	[sflag:s23] =	ssyncset.done $0x0  }
0xa5: {  	s25 =	simm.s32 $0x1B8E;
	s24 =	sld [smem:$0x3FFE];
	[sflag:s23] =	ssyncadd.s32 $0xFFFFFFFF  }
0xa6: {  	s26 =	simm.s32 $execute0_lowered;
	[smem:$0x3FD2] =	sst s25  }
0xa7: {  	s6 =	sshll.u32 s26, $0x1;
	_ =	strace $0x80000046;
	[dreg:$0x1] =	wrdreg $0xFFFFFFFF  }
0xa8: {  	s28 =	simm.s32 $_size_execute0_lowered;
	s4 =	sadd.s32 s4, s6;
	[dreg:$0x0] =	wrdreg $0x0  }
0xa9: {  	s6 =	sshll.u32 s28, $0x1;
	[dreg:$0x2] =	wrdreg s4  }
0xaa: {  	[dreg:$0x3] =	wrdreg s6  }
0xab: {  	[dreg:$0x4] =	wrdreg $0xC0  }
0xac: {  	_ =	task [dreg:s8], $0x5FFFF  }
0xad: {  	[dreg:$0x1] =	wrdreg $0xFFFFFFFF  }
0xae: {  	[dreg:$0x0] =	wrdreg $0x60  }
0xaf: {  	[dreg:$0x2] =	wrdreg s2  }
0xb0: {  	[dreg:$0x3] =	wrdreg s18  }
0xb1: {  	[dreg:$0x4] =	wrdreg s24  }
0xb2: {  	[dreg:$0x5] =	wrdreg $0x9  }
0xb3: {  	_ =	task.clear_ibuf [dreg:s8], $0x6FFFF;
	_ =	strace $0x90000046  }
0xb4: {  	s29 =	simm.s32 $0x9;
	_ =	strace $0x80000048  }
0xb5: {  	_ =	swait.ge [sflag:s29], $0x1  }
0xb6: {  	[sflag:s29] =	ssyncadd.s32 $0xFFFFFFFF  }
0xb7: {  	_ =	strace $0x90000048  }
0xb8: {  	_ =	sfence  }
0xb9: {  	s30 =	sld [smem:$0x0];
	_ =	sdelay $0x2  }
0xba: {  	s31 =	sshll.u32 s1, $0xD;
	s1 =	sshrl.u32 s1, $0x2  }
0xbb: {  	s3 =	sand.u32 $0x4000, s31;
	s1 =	sadd.s32 s1, s30  }
0xbc: {  	s0 =	sor.u32 s3, s0;
	s1 =	sshll.u32 s1, $0x11  }
0xbd: {  	s0 =	sor.u32 s1, s0  }
0xbe: {  	s0 =	sadd.s32 $0x8F2B, s0  }
0xbf: {  	[sflag:s0] =	ssyncadd.remote.s32 $0x1  }
0xc0: {  	_ =	sfence.sel $0xFFFF  }
0xc1: {  	[dreg:$0x0] =	wrdreg $0xFFFFFFFF;
	(pc) =	sbr.abs _section_cstart, $3  }
0xc2: {  	[dreg:$0x1] =	wrdreg $0xFFFFFFFF  }
0xc3: {  	_ =	task.clear_ibuf [dreg:s8], $0x2FFFF;
	_ =	strace $0x9FFFFFFF  }
0xc4: {  	(tm) =	ssettm $0x7FFFFFFF  }
0xc5: {  	_ =	shalt  }
tec
execute0_lowered:
.L_overlay_start_1:
0x0: {  	(tag) =	ssettag $0x1  }
0x1: {  	s0 =	rddreg [dreg:$0x0]  }
0x2: {  	s1 =	rddreg [dreg:$0x1]  }
0x3: {  	s2 =	rddreg [dreg:$0x2];
	s4 =	srdreg.scid  }
0x4: {  	s3 =	simm.s32 $0x0;
	s5 =	stileid.u32;
	s10 =	simm.s32 $0x2  }
0x5: {  	s11 =	simm.s32 $0x80;
	s16 =	simm.s32 $0x1;
	s4 =	sand.u32 $0x1, s4  }
0x6: {  	s22 =	simm.s32 $0x0;
	s5 =	sshll.u32 s5, $0xA;
	s6 =	sshll.u32 s4, $0x9  }
0x7: {  	[smem:$0x7FF] =	sst s3;
	s4 =	ssub.s32 $0x2, s4;
	s5 =	sor.u32 s6, s5  }
0x8: {  	s7 =	sshrl.u32 s4, $0x1;
	s6 =	sshll.u32 s5, $0x4;
	s5 =	sshrl.u32 s5, $0x3  }
0x9: {  	_ =	strace $0x80000047;
	s9 =	ssub.s32 s4, s7;
	s4 =	sadd.s32 s0, s5  }
0xa: {  	s2 =	sadd.s32 s6, s2;
	s9 =	smax.u32 s9, $0x1;
	s5 =	sadd.s32 $0x10, s4  }
0xb: {  	s6 =	sadd.s32 $0x20, s4;
	s7 =	sadd.s32 $0x30, s4;
	s8 =	sadd.s32 $0x400, s2  }
.LBB2_1:
0xc: {  	[tilespmem:s3], [sflag:$0x2] =	stream.linear.gather [hbm4b:s4+s3], $0x80, $0x38;
	[tilespmem:$0x18400] =	vst v63  }
0xd: {  	_ =	swait.ge [sflag:s10], $0x80  }
0xe: {  	[sflag:s10] =	ssyncset.done $0x0  }
0xf: {  	[sflag:s10] =	ssyncadd.s32 $0xFFFFFF80  }
0x10: {  	[tilespmem:s11], [sflag:$0x2] =	stream.linear.gather [hbm4b:s5+s3], $0x80, $0x38;
	[tilespmem:$0x18400] =	vst v63  }
0x11: {  	_ =	swait.ge [sflag:s10], $0x80  }
0x12: {  	[sflag:s10] =	ssyncset.done $0x0  }
0x13: {  	s0 =	simm.s32 $0x100;
	[sflag:s10] =	ssyncadd.s32 $0xFFFFFF80  }
0x14: {  	[tilespmem:s0], [sflag:$0x2] =	stream.linear.gather [hbm4b:s6+s3], $0x80, $0x38;
	[tilespmem:$0x18400] =	vst v63  }
0x15: {  	_ =	swait.ge [sflag:s10], $0x80  }
0x16: {  	[sflag:s10] =	ssyncset.done $0x0  }
0x17: {  	s28 =	simm.s32 $0x180;
	[sflag:s10] =	ssyncadd.s32 $0xFFFFFF80  }
0x18: {  	[tilespmem:s28], [sflag:$0x2] =	stream.linear.gather [hbm4b:s7+s3], $0x80, $0x38;
	[tilespmem:$0x18400] =	vst v63  }
0x19: {  	_ =	swait.ge [sflag:s10], $0x80  }
0x1a: {  	[sflag:s10] =	ssyncset.done $0x0  }
0x1b: {  	[sflag:s10] =	ssyncadd.s32 $0xFFFFFF80  }
0x1c: {  	v0 =	vld [tilespmem:$0x0]  }
0x1d: {  	v1 =	vld [tilespmem:$0x10]  }
0x1e: {  	v2 =	vld [tilespmem:$0x20]  }
0x1f: {  	v3 =	vld [tilespmem:$0x30]  }
0x20: {  	v4 =	vld [tilespmem:$0x40]  }
0x21: {  	v5 =	vld [tilespmem:$0x50];
	v0 =	vshrl.u32 v0, $0x2  }
0x22: {  	[tilespmem:$0x200] =	vst v0;
	v0 =	vshrl.u32 v1, $0x2;
	v1 =	vld [tilespmem:$0x60]  }
0x23: {  	[tilespmem:$0x210] =	vst v0;
	v0 =	vshrl.u32 v2, $0x2;
	v2 =	vld [tilespmem:$0x70]  }
0x24: {  	[tilespmem:$0x220] =	vst v0;
	v0 =	vshrl.u32 v3, $0x2;
	v3 =	vld [tilespmem:$0x80]  }
0x25: {  	v54 =	vld [tilespmem:$0x90];
	[tilespmem:$0x230] =	vst v0;
	v0 =	vshrl.u32 v4, $0x2  }
0x26: {  	v55 =	vld [tilespmem:$0xA0];
	[tilespmem:$0x240] =	vst v0;
	v0 =	vshrl.u32 v5, $0x2  }
0x27: {  	[tilespmem:$0x250] =	vst v0;
	v0 =	vshrl.u32 v1, $0x2;
	v1 =	vld [tilespmem:$0xB0]  }
0x28: {  	[tilespmem:$0x260] =	vst v0;
	v0 =	vshrl.u32 v2, $0x2;
	v2 =	vld [tilespmem:$0xC0]  }
0x29: {  	[tilespmem:$0x270] =	vst v0;
	v0 =	vshrl.u32 v3, $0x2;
	v3 =	vld [tilespmem:$0xD0]  }
0x2a: {  	v56 =	vld [tilespmem:$0xE0];
	[tilespmem:$0x280] =	vst v0;
	v0 =	vshrl.u32 v54, $0x2  }
0x2b: {  	v57 =	vld [tilespmem:$0xF0];
	[tilespmem:$0x290] =	vst v0;
	v0 =	vshrl.u32 v55, $0x2  }
0x2c: {  	[tilespmem:$0x2A0] =	vst v0;
	v0 =	vshrl.u32 v1, $0x2;
	v1 =	vld [tilespmem:$0x100]  }
0x2d: {  	[tilespmem:$0x2B0] =	vst v0;
	v0 =	vshrl.u32 v2, $0x2;
	v2 =	vld [tilespmem:$0x110]  }
0x2e: {  	[tilespmem:$0x2C0] =	vst v0;
	v0 =	vshrl.u32 v3, $0x2;
	v3 =	vld [tilespmem:$0x120]  }
0x2f: {  	v58 =	vld [tilespmem:$0x130];
	[tilespmem:$0x2D0] =	vst v0;
	v0 =	vshrl.u32 v56, $0x2  }
0x30: {  	v59 =	vld [tilespmem:$0x140];
	[tilespmem:$0x2E0] =	vst v0;
	v0 =	vshrl.u32 v57, $0x2  }
0x31: {  	[tilespmem:$0x2F0] =	vst v0;
	v0 =	vshrl.u32 v1, $0x2;
	v1 =	vld [tilespmem:$0x150]  }
0x32: {  	[tilespmem:$0x300] =	vst v0;
	v0 =	vshrl.u32 v2, $0x2;
	v2 =	vld [tilespmem:$0x160]  }
0x33: {  	[tilespmem:$0x310] =	vst v0;
	v0 =	vshrl.u32 v3, $0x2;
	v3 =	vld [tilespmem:$0x170]  }
0x34: {  	v60 =	vld [tilespmem:$0x180];
	[tilespmem:$0x320] =	vst v0;
	v0 =	vshrl.u32 v58, $0x2  }
0x35: {  	v61 =	vld [tilespmem:$0x190];
	[tilespmem:$0x330] =	vst v0;
	v0 =	vshrl.u32 v59, $0x2  }
0x36: {  	[tilespmem:$0x340] =	vst v0;
	v0 =	vshrl.u32 v1, $0x2;
	v1 =	vld [tilespmem:$0x1A0]  }
0x37: {  	[tilespmem:$0x350] =	vst v0;
	v0 =	vshrl.u32 v2, $0x2;
	v2 =	vld [tilespmem:$0x1B0]  }
0x38: {  	[tilespmem:$0x360] =	vst v0;
	v0 =	vshrl.u32 v3, $0x2;
	v3 =	vld [tilespmem:$0x1C0]  }
0x39: {  	v62 =	vld [tilespmem:$0x1D0];
	[tilespmem:$0x370] =	vst v0;
	v0 =	vshrl.u32 v60, $0x2  }
0x3a: {  	v63 =	vld [tilespmem:$0x1E0];
	[tilespmem:$0x380] =	vst v0;
	v0 =	vshrl.u32 v61, $0x2  }
0x3b: {  	[tilespmem:$0x390] =	vst v0;
	v0 =	vshrl.u32 v1, $0x2;
	v1 =	vld [tilespmem:$0x1F0]  }
0x3c: {  	[tilespmem:$0x3A0] =	vst v0;
	v0 =	vshrl.u32 v2, $0x2  }
0x3d: {  	[tilespmem:$0x3B0] =	vst v0;
	v0 =	vshrl.u32 v3, $0x2  }
0x3e: {  	[tilespmem:$0x3C0] =	vst v0;
	v0 =	vshrl.u32 v62, $0x2  }
0x3f: {  	[tilespmem:$0x3D0] =	vst v0;
	v0 =	vshrl.u32 v63, $0x2  }
0x40: {  	[tilespmem:$0x3E0] =	vst v0;
	v0 =	vshrl.u32 v1, $0x2  }
0x41: {  	s29 =	simm.s32 $0x200;
	s2 =	simm.s32 $0x400;
	[tilespmem:$0x3F0] =	vst v0  }
0x42: {  	[tilespmem:s2], [sflag:$0x1] =	stream.indirect.gather [hbm4b:s1+s11], $0x80, s29, s11, $0xb8;
	[tilespmem:$0x18400] =	vst v63  }
0x43: {  	_ =	swait.ge [sflag:s16], $0x4000  }
0x44: {  	[sflag:s16] =	ssyncset.done $0x0  }
0x45: {  	s30 =	simm.s32 $0x280;
	s31 =	simm.s32 $0x4400;
	[sflag:s16] =	ssyncadd.s32 $0xFFFFC000  }
0x46: {  	[tilespmem:s31], [sflag:$0x1] =	stream.indirect.gather [hbm4b:s1+s11], $0x80, s30, s11, $0xb8;
	[tilespmem:$0x18400] =	vst v63  }
0x47: {  	v0 =	vld [tilespmem:s3+$0x0];
	_ =	sdelay $0x4  }
0x48: {  	(v2sf) =	vpush v0, $0x0;
	_ =	sdelay $0xb  }
0x49: {  	(v2sf) =	vpush v0, $0x1;
	_ =	sdelay $0x2  }
0x4a: {  	s12 =	spop (v2sf)  }
0x4b: {  	s0 =	sand.u32 $0x3, s12  }
0x4c: {  	s0 =	sshll.u32 s0, $0x5  }
0x4d: {  	s0 =	sadd.s32 $0x0, s0  }
0x4e: {  	v1 =	vld [tilespmem:s0+$0x400];
	_ =	sdelay $0x3  }
0x4f: {  	s23 =	simm.s32 $0x0  }
0x50: {  	(v2sf) =	vpush v0, $0x2;
	[tilespmem:s23+$0x8400] =	vst v1  }
0x51: {  	v1 =	vld [tilespmem:s0+$0x410];
	_ =	sdelay $0x1  }
0x52: {  	s13 =	spop (v2sf)  }
0x53: {  	s0 =	sand.u32 $0x3, s13  }
0x54: {  	s0 =	sshll.u32 s0, $0x5  }
0x55: {  	s0 =	sadd.s32 $0x0, s0;
	[tilespmem:s23+$0x8410] =	vst v1  }
0x56: {  	v1 =	vld [tilespmem:s0+$0x480];
	_ =	sdelay $0x4  }
0x57: {  	(v2sf) =	vpush v0, $0x3;
	[tilespmem:s23+$0x8480] =	vst v1  }
0x58: {  	v1 =	vld [tilespmem:s0+$0x490];
	_ =	sdelay $0x1  }
0x59: {  	s14 =	spop (v2sf)  }
0x5a: {  	s0 =	sand.u32 $0x3, s14  }
0x5b: {  	s0 =	sshll.u32 s0, $0x5  }
0x5c: {  	s0 =	sadd.s32 $0x0, s0;
	[tilespmem:s23+$0x8490] =	vst v1  }
0x5d: {  	v1 =	vld [tilespmem:s0+$0x500];
	_ =	sdelay $0x4  }
0x5e: {  	(v2sf) =	vpush v0, $0x4;
	[tilespmem:s23+$0x8500] =	vst v1  }
0x5f: {  	v1 =	vld [tilespmem:s0+$0x510];
	_ =	sdelay $0x1  }
0x60: {  	s15 =	spop (v2sf)  }
0x61: {  	s0 =	sand.u32 $0x3, s15  }
0x62: {  	s0 =	sshll.u32 s0, $0x5  }
0x63: {  	s0 =	sadd.s32 $0x0, s0;
	[tilespmem:s23+$0x8510] =	vst v1  }
0x64: {  	v1 =	vld [tilespmem:s0+$0x580];
	_ =	sdelay $0x4  }
0x65: {  	(v2sf) =	vpush v0, $0x5;
	[tilespmem:s23+$0x8580] =	vst v1  }
0x66: {  	v1 =	vld [tilespmem:s0+$0x590];
	_ =	sdelay $0x1  }
0x67: {  	s17 =	spop (v2sf)  }
0x68: {  	s0 =	sand.u32 $0x3, s17  }
0x69: {  	s0 =	sshll.u32 s0, $0x5  }
0x6a: {  	s0 =	sadd.s32 $0x0, s0;
	[tilespmem:s23+$0x8590] =	vst v1  }
0x6b: {  	v1 =	vld [tilespmem:s0+$0x600];
	_ =	sdelay $0x4  }
0x6c: {  	(v2sf) =	vpush v0, $0x6;
	[tilespmem:s23+$0x8600] =	vst v1  }
0x6d: {  	v1 =	vld [tilespmem:s0+$0x610];
	_ =	sdelay $0x1  }
0x6e: {  	s18 =	spop (v2sf)  }
0x6f: {  	s0 =	sand.u32 $0x3, s18  }
0x70: {  	s0 =	sshll.u32 s0, $0x5  }
0x71: {  	s0 =	sadd.s32 $0x0, s0;
	[tilespmem:s23+$0x8610] =	vst v1  }
0x72: {  	v1 =	vld [tilespmem:s0+$0x680];
	_ =	sdelay $0x4  }
0x73: {  	(v2sf) =	vpush v0, $0x7;
	[tilespmem:s23+$0x8680] =	vst v1  }
0x74: {  	v1 =	vld [tilespmem:s0+$0x690];
	_ =	sdelay $0x1  }
0x75: {  	s19 =	spop (v2sf)  }
0x76: {  	s0 =	sand.u32 $0x3, s19  }
0x77: {  	s0 =	sshll.u32 s0, $0x5  }
0x78: {  	s0 =	sadd.s32 $0x0, s0;
	[tilespmem:s23+$0x8690] =	vst v1  }
0x79: {  	v1 =	vld [tilespmem:s0+$0x700];
	_ =	sdelay $0x4  }
0x7a: {  	(v2sf) =	vpush v0, $0x8;
	[tilespmem:s23+$0x8700] =	vst v1  }
0x7b: {  	v1 =	vld [tilespmem:s0+$0x710];
	_ =	sdelay $0x1  }
0x7c: {  	s20 =	spop (v2sf)  }
0x7d: {  	s0 =	sand.u32 $0x3, s20  }
0x7e: {  	s0 =	sshll.u32 s0, $0x5  }
0x7f: {  	s0 =	sadd.s32 $0x0, s0;
	[tilespmem:s23+$0x8710] =	vst v1  }
0x80: {  	v1 =	vld [tilespmem:s0+$0x780];
	_ =	sdelay $0x4  }
0x81: {  	(v2sf) =	vpush v0, $0x9;
	[tilespmem:s23+$0x8780] =	vst v1  }
0x82: {  	v1 =	vld [tilespmem:s0+$0x790];
	_ =	sdelay $0x1  }
0x83: {  	s21 =	spop (v2sf)  }
0x84: {  	s0 =	sand.u32 $0x3, s21  }
0x85: {  	s0 =	sshll.u32 s0, $0x5  }
0x86: {  	s0 =	sadd.s32 $0x0, s0;
	[tilespmem:s23+$0x8790] =	vst v1  }
0x87: {  	v1 =	vld [tilespmem:s0+$0x800];
	_ =	sdelay $0x4  }
0x88: {  	(v2sf) =	vpush v0, $0xA;
	[tilespmem:s23+$0x8800] =	vst v1  }
0x89: {  	v1 =	vld [tilespmem:s0+$0x810];
	_ =	sdelay $0x1  }
0x8a: {  	s24 =	spop (v2sf)  }
0x8b: {  	s0 =	sand.u32 $0x3, s24  }
0x8c: {  	s0 =	sshll.u32 s0, $0x5  }
0x8d: {  	s0 =	sadd.s32 $0x0, s0;
	[tilespmem:s23+$0x8810] =	vst v1  }
0x8e: {  	v1 =	vld [tilespmem:s0+$0x880];
	_ =	sdelay $0x4  }
0x8f: {  	(v2sf) =	vpush v0, $0xB;
	[tilespmem:s23+$0x8880] =	vst v1  }
0x90: {  	v1 =	vld [tilespmem:s0+$0x890];
	_ =	sdelay $0x1  }
0x91: {  	s25 =	spop (v2sf)  }
0x92: {  	s0 =	sand.u32 $0x3, s25  }
0x93: {  	s0 =	sshll.u32 s0, $0x5  }
0x94: {  	s0 =	sadd.s32 $0x0, s0;
	[tilespmem:s23+$0x8890] =	vst v1  }
0x95: {  	v1 =	vld [tilespmem:s0+$0x900];
	_ =	sdelay $0x4  }
0x96: {  	(v2sf) =	vpush v0, $0xC;
	[tilespmem:s23+$0x8900] =	vst v1  }
0x97: {  	v1 =	vld [tilespmem:s0+$0x910];
	_ =	sdelay $0x1  }
0x98: {  	s26 =	spop (v2sf)  }
0x99: {  	s0 =	sand.u32 $0x3, s26  }
0x9a: {  	s0 =	sshll.u32 s0, $0x5  }
0x9b: {  	s0 =	sadd.s32 $0x0, s0;
	[tilespmem:s23+$0x8910] =	vst v1  }
0x9c: {  	v1 =	vld [tilespmem:s0+$0x980];
	_ =	sdelay $0x4  }
0x9d: {  	(v2sf) =	vpush v0, $0xD;
	[tilespmem:s23+$0x8980] =	vst v1  }
0x9e: {  	v1 =	vld [tilespmem:s0+$0x990];
	_ =	sdelay $0x1  }
0x9f: {  	s28 =	spop (v2sf)  }
0xa0: {  	s0 =	sand.u32 $0x3, s28  }
0xa1: {  	s0 =	sshll.u32 s0, $0x5  }
0xa2: {  	s0 =	sadd.s32 $0x0, s0;
	[tilespmem:s23+$0x8990] =	vst v1  }
0xa3: {  	v1 =	vld [tilespmem:s0+$0xA00];
	_ =	sdelay $0x4  }
0xa4: {  	(v2sf) =	vpush v0, $0xE;
	[tilespmem:s23+$0x8A00] =	vst v1  }
0xa5: {  	v1 =	vld [tilespmem:s0+$0xA10];
	_ =	sdelay $0x1  }
0xa6: {  	s29 =	spop (v2sf)  }
0xa7: {  	s0 =	sand.u32 $0x3, s29  }
0xa8: {  	s0 =	sshll.u32 s0, $0x5  }
0xa9: {  	s0 =	sadd.s32 $0x0, s0;
	[tilespmem:s23+$0x8A10] =	vst v1  }
0xaa: {  	v1 =	vld [tilespmem:s0+$0xA80];
	_ =	sdelay $0x4  }
0xab: {  	(v2sf) =	vpush v0, $0xF;
	[tilespmem:s23+$0x8A80] =	vst v1  }
0xac: {  	v0 =	vld [tilespmem:s0+$0xA90];
	_ =	sdelay $0x1  }
0xad: {  	s30 =	spop (v2sf)  }
0xae: {  	s0 =	sand.u32 $0x3, s30  }
0xaf: {  	s0 =	sshll.u32 s0, $0x5  }
0xb0: {  	s0 =	sadd.s32 $0x0, s0;
	[tilespmem:s23+$0x8A90] =	vst v0  }
0xb1: {  	v0 =	vld [tilespmem:s0+$0xB00];
	_ =	sdelay $0x4  }
0xb2: {  	[tilespmem:s23+$0x8B00] =	vst v0  }
0xb3: {  	v0 =	vld [tilespmem:s0+$0xB10];
	_ =	sdelay $0x1  }
0xb4: {  	s31 =	spop (v2sf)  }
0xb5: {  	s0 =	sand.u32 $0x3, s31  }
0xb6: {  	s0 =	sshll.u32 s0, $0x5  }
0xb7: {  	s0 =	sadd.s32 $0x0, s0;
	[tilespmem:s23+$0x8B10] =	vst v0  }
0xb8: {  	v0 =	vld [tilespmem:s0+$0xB80];
	_ =	sdelay $0x4  }
0xb9: {  	[tilespmem:s23+$0x8B80] =	vst v0  }
0xba: {  	s24 =	simm.s32 $0x2000;
	s25 =	simm.s32 $0x0;
	v0 =	vld [tilespmem:s0+$0xB90]  }
.LBB2_2:
0xbb: {  	_ =	sdelay $0x2  }
0xbc: {  	p0 =	sne.s32 s24, $0xE000  }
0xbd: {  	s25 =	sadd.s32 $0x10, s25;
	s0 =	smov.u32 s24;
	s24 =	sadd.s32 $0x2000, s24;
	[tilespmem:s23+$0x8B90] =	vst v0  }
0xbe: {  	v0 =	vld [tilespmem:s25+$0x0];
	_ =	sdelay $0x4  }
0xbf: {  	(v2sf) =	vpush v0, $0x0  }
0xc0: {  	(v2sf) =	vpush v0, $0x1;
	_ =	sdelay $0x1  }
0xc1: {  	(v2sf) =	vpush v0, $0x2  }
0xc2: {  	(v2sf) =	vpush v0, $0x3  }
0xc3: {  	(v2sf) =	vpush v0, $0x4  }
0xc4: {  	(v2sf) =	vpush v0, $0x5  }
0xc5: {  	(v2sf) =	vpush v0, $0x6  }
0xc6: {  	(v2sf) =	vpush v0, $0x7  }
0xc7: {  	(v2sf) =	vpush v0, $0x8  }
0xc8: {  	(v2sf) =	vpush v0, $0x9  }
0xc9: {  	(v2sf) =	vpush v0, $0xA  }
0xca: {  	(v2sf) =	vpush v0, $0xB  }
0xcb: {  	(v2sf) =	vpush v0, $0xC  }
0xcc: {  	(v2sf) =	vpush v0, $0xD  }
0xcd: {  	s2 =	spop (v2sf)  }
0xce: {  	s2 =	sand.u32 $0x3, s2;
	s12 =	spop (v2sf);
	(v2sf) =	vpush v0, $0xE  }
0xcf: {  	s23 =	sshra.s32 s0, $0x2;
	s2 =	sshll.u32 s2, $0x5;
	s0 =	sand.u32 $0x3, s12;
	(v2sf) =	vpush v0, $0xF  }
0xd0: {  	s2 =	sadd.s32 s23, s2;
	s26 =	sshll.u32 s0, $0x5;
	s0 =	spop (v2sf)  }
0xd1: {  	v0 =	vld [tilespmem:s2+$0x400];
	s0 =	sand.u32 $0x3, s0;
	s12 =	spop (v2sf)  }
0xd2: {  	s21 =	sshll.u32 s0, $0x5;
	s0 =	sand.u32 $0x3, s12;
	s12 =	spop (v2sf)  }
0xd3: {  	s20 =	sshll.u32 s0, $0x5;
	s0 =	sand.u32 $0x3, s12;
	s12 =	spop (v2sf)  }
0xd4: {  	s19 =	sshll.u32 s0, $0x5;
	s0 =	sand.u32 $0x3, s12;
	s12 =	spop (v2sf)  }
0xd5: {  	s17 =	sshll.u32 s0, $0x5;
	s0 =	sand.u32 $0x3, s12;
	s12 =	spop (v2sf)  }
0xd6: {  	[tilespmem:s23+$0x8400] =	vst v0;
	s14 =	sshll.u32 s0, $0x5;
	s0 =	sand.u32 $0x3, s12;
	s12 =	spop (v2sf)  }
0xd7: {  	v0 =	vld [tilespmem:s2+$0x410];
	s13 =	sshll.u32 s0, $0x5;
	s0 =	sand.u32 $0x3, s12;
	s2 =	spop (v2sf)  }
0xd8: {  	s12 =	sshll.u32 s0, $0x5;
	s0 =	sand.u32 $0x3, s2;
	s28 =	spop (v2sf)  }
0xd9: {  	s2 =	sshll.u32 s0, $0x5;
	s0 =	sand.u32 $0x3, s28;
	s28 =	spop (v2sf)  }
0xda: {  	s0 =	sshll.u32 s0, $0x5;
	s28 =	sand.u32 $0x3, s28;
	s29 =	spop (v2sf)  }
0xdb: {  	s31 =	sshll.u32 s28, $0x5;
	s28 =	sand.u32 $0x3, s29;
	s29 =	spop (v2sf)  }
0xdc: {  	s15 =	sadd.s32 s23, s26;
	[tilespmem:s23+$0x8410] =	vst v0;
	s30 =	sshll.u32 s28, $0x5;
	s26 =	sand.u32 $0x3, s29  }
0xdd: {  	v0 =	vld [tilespmem:s15+$0x480];
	s29 =	sshll.u32 s26, $0x5;
	s26 =	spop (v2sf)  }
0xde: {  	s26 =	sand.u32 $0x3, s26;
	s18 =	spop (v2sf)  }
0xdf: {  	s28 =	sshll.u32 s26, $0x5;
	s18 =	sand.u32 $0x3, s18  }
0xe0: {  	s26 =	sshll.u32 s18, $0x5;
	_ =	sdelay $0x1  }
0xe1: {  	[tilespmem:s23+$0x8480] =	vst v0  }
0xe2: {  	v0 =	vld [tilespmem:s15+$0x490];
	_ =	sdelay $0x4  }
0xe3: {  	s15 =	sadd.s32 s23, s21;
	[tilespmem:s23+$0x8490] =	vst v0  }
0xe4: {  	v0 =	vld [tilespmem:s15+$0x500];
	_ =	sdelay $0x4  }
0xe5: {  	[tilespmem:s23+$0x8500] =	vst v0  }
0xe6: {  	v0 =	vld [tilespmem:s15+$0x510];
	_ =	sdelay $0x4  }
0xe7: {  	s15 =	sadd.s32 s23, s20;
	[tilespmem:s23+$0x8510] =	vst v0  }
0xe8: {  	v0 =	vld [tilespmem:s15+$0x580];
	_ =	sdelay $0x4  }
0xe9: {  	[tilespmem:s23+$0x8580] =	vst v0  }
0xea: {  	v0 =	vld [tilespmem:s15+$0x590];
	_ =	sdelay $0x4  }
0xeb: {  	s15 =	sadd.s32 s23, s19;
	[tilespmem:s23+$0x8590] =	vst v0  }
0xec: {  	v0 =	vld [tilespmem:s15+$0x600];
	_ =	sdelay $0x4  }
0xed: {  	[tilespmem:s23+$0x8600] =	vst v0  }
0xee: {  	v0 =	vld [tilespmem:s15+$0x610];
	_ =	sdelay $0x4  }
0xef: {  	s15 =	sadd.s32 s23, s17;
	[tilespmem:s23+$0x8610] =	vst v0  }
0xf0: {  	v0 =	vld [tilespmem:s15+$0x680];
	_ =	sdelay $0x4  }
0xf1: {  	[tilespmem:s23+$0x8680] =	vst v0  }
0xf2: {  	v0 =	vld [tilespmem:s15+$0x690];
	_ =	sdelay $0x4  }
0xf3: {  	s14 =	sadd.s32 s23, s14;
	[tilespmem:s23+$0x8690] =	vst v0  }
0xf4: {  	v0 =	vld [tilespmem:s14+$0x700];
	_ =	sdelay $0x4  }
0xf5: {  	[tilespmem:s23+$0x8700] =	vst v0  }
0xf6: {  	v0 =	vld [tilespmem:s14+$0x710];
	_ =	sdelay $0x4  }
0xf7: {  	s13 =	sadd.s32 s23, s13;
	[tilespmem:s23+$0x8710] =	vst v0  }
0xf8: {  	v0 =	vld [tilespmem:s13+$0x780];
	_ =	sdelay $0x4  }
0xf9: {  	[tilespmem:s23+$0x8780] =	vst v0  }
0xfa: {  	v0 =	vld [tilespmem:s13+$0x790];
	_ =	sdelay $0x4  }
0xfb: {  	s12 =	sadd.s32 s23, s12;
	[tilespmem:s23+$0x8790] =	vst v0  }
0xfc: {  	v0 =	vld [tilespmem:s12+$0x800];
	_ =	sdelay $0x4  }
0xfd: {  	[tilespmem:s23+$0x8800] =	vst v0  }
0xfe: {  	v0 =	vld [tilespmem:s12+$0x810];
	_ =	sdelay $0x4  }
0xff: {  	s2 =	sadd.s32 s23, s2;
	[tilespmem:s23+$0x8810] =	vst v0  }
0x100: {  	v0 =	vld [tilespmem:s2+$0x880];
	_ =	sdelay $0x4  }
0x101: {  	[tilespmem:s23+$0x8880] =	vst v0  }
0x102: {  	v0 =	vld [tilespmem:s2+$0x890];
	_ =	sdelay $0x4  }
0x103: {  	s0 =	sadd.s32 s23, s0;
	[tilespmem:s23+$0x8890] =	vst v0  }
0x104: {  	v0 =	vld [tilespmem:s0+$0x900];
	_ =	sdelay $0x4  }
0x105: {  	[tilespmem:s23+$0x8900] =	vst v0  }
0x106: {  	v0 =	vld [tilespmem:s0+$0x910];
	_ =	sdelay $0x4  }
0x107: {  	s0 =	sadd.s32 s23, s31;
	[tilespmem:s23+$0x8910] =	vst v0  }
0x108: {  	v0 =	vld [tilespmem:s0+$0x980];
	_ =	sdelay $0x4  }
0x109: {  	[tilespmem:s23+$0x8980] =	vst v0  }
0x10a: {  	v0 =	vld [tilespmem:s0+$0x990];
	_ =	sdelay $0x4  }
0x10b: {  	s0 =	sadd.s32 s23, s30;
	[tilespmem:s23+$0x8990] =	vst v0  }
0x10c: {  	v0 =	vld [tilespmem:s0+$0xA00];
	_ =	sdelay $0x4  }
0x10d: {  	[tilespmem:s23+$0x8A00] =	vst v0  }
0x10e: {  	v0 =	vld [tilespmem:s0+$0xA10];
	_ =	sdelay $0x4  }
0x10f: {  	s0 =	sadd.s32 s23, s29;
	[tilespmem:s23+$0x8A10] =	vst v0  }
0x110: {  	v0 =	vld [tilespmem:s0+$0xA80];
	_ =	sdelay $0x4  }
0x111: {  	[tilespmem:s23+$0x8A80] =	vst v0  }
0x112: {  	v0 =	vld [tilespmem:s0+$0xA90];
	_ =	sdelay $0x4  }
0x113: {  	s0 =	sadd.s32 s23, s28;
	[tilespmem:s23+$0x8A90] =	vst v0  }
0x114: {  	v0 =	vld [tilespmem:s0+$0xB00];
	_ =	sdelay $0x4  }
0x115: {  	[tilespmem:s23+$0x8B00] =	vst v0  }
0x116: {  	v0 =	vld [tilespmem:s0+$0xB10];
	_ =	sdelay $0x4  }
0x117: {  	s0 =	sadd.s32 s23, s26;
	[tilespmem:s23+$0x8B10] =	vst v0  }
0x118: {  	v0 =	vld [tilespmem:s0+$0xB80];
	_ =	sdelay $0x1  }
.Ltmp0:
0x119: {  	(pc) =	sbr.rel @p0 .LBB2_2-.Ltmp0, $3  }
0x11a: {  	_ =	sdelay $0x1  }
0x11b: {  	[tilespmem:s23+$0x8B80] =	vst v0  }
0x11c: {  	v0 =	vld [tilespmem:s0+$0xB90]  }
0x11d: {  	_ =	sdelay $0x3  }
0x11e: {  	[tilespmem:s23+$0x8B90] =	vst v0  }
0x11f: {  	_ =	swait.ge [sflag:s16], $0x4000  }
0x120: {  	s0 =	simm.s32 $0x400;
	[sflag:s16] =	ssyncset.done $0x0  }
0x121: {  	s2 =	simm.s32 $0x300;
	s23 =	simm.s32 $0x80;
	[sflag:s16] =	ssyncadd.s32 $0xFFFFC000  }
0x122: {  	[tilespmem:s0], [sflag:$0x1] =	stream.indirect.gather [hbm4b:s1+s23], $0x80, s2, s23, $0xb8;
	[tilespmem:$0x18400] =	vst v63  }
0x123: {  	v0 =	vld [tilespmem:s23+$0x0];
	_ =	sdelay $0x4  }
0x124: {  	(v2sf) =	vpush v0, $0x0;
	_ =	sdelay $0xb  }
0x125: {  	(v2sf) =	vpush v0, $0x1;
	_ =	sdelay $0x2  }
0x126: {  	s2 =	spop (v2sf)  }
0x127: {  	s0 =	sand.u32 $0x3, s2  }
0x128: {  	s0 =	sshll.u32 s0, $0x5  }
0x129: {  	s0 =	sadd.s32 $0x0, s0  }
0x12a: {  	v1 =	vld [tilespmem:s0+$0x4400];
	_ =	sdelay $0x3  }
0x12b: {  	s24 =	simm.s32 $0x0  }
0x12c: {  	(v2sf) =	vpush v0, $0x2;
	[tilespmem:s24+$0xC400] =	vst v1  }
0x12d: {  	v1 =	vld [tilespmem:s0+$0x4410];
	_ =	sdelay $0x1  }
0x12e: {  	s12 =	spop (v2sf)  }
0x12f: {  	s0 =	sand.u32 $0x3, s12  }
0x130: {  	s0 =	sshll.u32 s0, $0x5  }
0x131: {  	s0 =	sadd.s32 $0x0, s0;
	[tilespmem:s24+$0xC410] =	vst v1  }
0x132: {  	v1 =	vld [tilespmem:s0+$0x4480];
	_ =	sdelay $0x4  }
0x133: {  	(v2sf) =	vpush v0, $0x3;
	[tilespmem:s24+$0xC480] =	vst v1  }
0x134: {  	v1 =	vld [tilespmem:s0+$0x4490];
	_ =	sdelay $0x1  }
0x135: {  	s13 =	spop (v2sf)  }
0x136: {  	s0 =	sand.u32 $0x3, s13  }
0x137: {  	s0 =	sshll.u32 s0, $0x5  }
0x138: {  	s0 =	sadd.s32 $0x0, s0;
	[tilespmem:s24+$0xC490] =	vst v1  }
0x139: {  	v1 =	vld [tilespmem:s0+$0x4500];
	_ =	sdelay $0x4  }
0x13a: {  	(v2sf) =	vpush v0, $0x4;
	[tilespmem:s24+$0xC500] =	vst v1  }
0x13b: {  	v1 =	vld [tilespmem:s0+$0x4510];
	_ =	sdelay $0x1  }
0x13c: {  	s14 =	spop (v2sf)  }
0x13d: {  	s0 =	sand.u32 $0x3, s14  }
0x13e: {  	s0 =	sshll.u32 s0, $0x5  }
0x13f: {  	s0 =	sadd.s32 $0x0, s0;
	[tilespmem:s24+$0xC510] =	vst v1  }
0x140: {  	v1 =	vld [tilespmem:s0+$0x4580];
	_ =	sdelay $0x4  }
0x141: {  	(v2sf) =	vpush v0, $0x5;
	[tilespmem:s24+$0xC580] =	vst v1  }
0x142: {  	v1 =	vld [tilespmem:s0+$0x4590];
	_ =	sdelay $0x1  }
0x143: {  	s15 =	spop (v2sf)  }
0x144: {  	s0 =	sand.u32 $0x3, s15  }
0x145: {  	s0 =	sshll.u32 s0, $0x5  }
0x146: {  	s0 =	sadd.s32 $0x0, s0;
	[tilespmem:s24+$0xC590] =	vst v1  }
0x147: {  	v1 =	vld [tilespmem:s0+$0x4600];
	_ =	sdelay $0x4  }
0x148: {  	(v2sf) =	vpush v0, $0x6;
	[tilespmem:s24+$0xC600] =	vst v1  }
0x149: {  	v1 =	vld [tilespmem:s0+$0x4610];
	_ =	sdelay $0x1  }
0x14a: {  	s17 =	spop (v2sf)  }
0x14b: {  	s0 =	sand.u32 $0x3, s17  }
0x14c: {  	s0 =	sshll.u32 s0, $0x5  }
0x14d: {  	s0 =	sadd.s32 $0x0, s0;
	[tilespmem:s24+$0xC610] =	vst v1  }
0x14e: {  	v1 =	vld [tilespmem:s0+$0x4680];
	_ =	sdelay $0x4  }
0x14f: {  	(v2sf) =	vpush v0, $0x7;
	[tilespmem:s24+$0xC680] =	vst v1  }
0x150: {  	v1 =	vld [tilespmem:s0+$0x4690];
	_ =	sdelay $0x1  }
0x151: {  	s18 =	spop (v2sf)  }
0x152: {  	s0 =	sand.u32 $0x3, s18  }
0x153: {  	s0 =	sshll.u32 s0, $0x5  }
0x154: {  	s0 =	sadd.s32 $0x0, s0;
	[tilespmem:s24+$0xC690] =	vst v1  }
0x155: {  	v1 =	vld [tilespmem:s0+$0x4700];
	_ =	sdelay $0x4  }
0x156: {  	(v2sf) =	vpush v0, $0x8;
	[tilespmem:s24+$0xC700] =	vst v1  }
0x157: {  	v1 =	vld [tilespmem:s0+$0x4710];
	_ =	sdelay $0x1  }
0x158: {  	s19 =	spop (v2sf)  }
0x159: {  	s0 =	sand.u32 $0x3, s19  }
0x15a: {  	s0 =	sshll.u32 s0, $0x5  }
0x15b: {  	s0 =	sadd.s32 $0x0, s0;
	[tilespmem:s24+$0xC710] =	vst v1  }
0x15c: {  	v1 =	vld [tilespmem:s0+$0x4780];
	_ =	sdelay $0x4  }
0x15d: {  	(v2sf) =	vpush v0, $0x9;
	[tilespmem:s24+$0xC780] =	vst v1  }
0x15e: {  	v1 =	vld [tilespmem:s0+$0x4790];
	_ =	sdelay $0x1  }
0x15f: {  	s20 =	spop (v2sf)  }
0x160: {  	s0 =	sand.u32 $0x3, s20  }
0x161: {  	s0 =	sshll.u32 s0, $0x5  }
0x162: {  	s0 =	sadd.s32 $0x0, s0;
	[tilespmem:s24+$0xC790] =	vst v1  }
0x163: {  	v1 =	vld [tilespmem:s0+$0x4800];
	_ =	sdelay $0x4  }
0x164: {  	(v2sf) =	vpush v0, $0xA;
	[tilespmem:s24+$0xC800] =	vst v1  }
0x165: {  	v1 =	vld [tilespmem:s0+$0x4810];
	_ =	sdelay $0x1  }
0x166: {  	s21 =	spop (v2sf)  }
0x167: {  	s0 =	sand.u32 $0x3, s21  }
0x168: {  	s0 =	sshll.u32 s0, $0x5  }
0x169: {  	s0 =	sadd.s32 $0x0, s0;
	[tilespmem:s24+$0xC810] =	vst v1  }
0x16a: {  	v1 =	vld [tilespmem:s0+$0x4880];
	_ =	sdelay $0x4  }
0x16b: {  	(v2sf) =	vpush v0, $0xB;
	[tilespmem:s24+$0xC880] =	vst v1  }
0x16c: {  	v1 =	vld [tilespmem:s0+$0x4890];
	_ =	sdelay $0x1  }
0x16d: {  	s25 =	spop (v2sf)  }
0x16e: {  	s0 =	sand.u32 $0x3, s25  }
0x16f: {  	s0 =	sshll.u32 s0, $0x5  }
0x170: {  	s0 =	sadd.s32 $0x0, s0;
	[tilespmem:s24+$0xC890] =	vst v1  }
0x171: {  	v1 =	vld [tilespmem:s0+$0x4900];
	_ =	sdelay $0x4  }
0x172: {  	(v2sf) =	vpush v0, $0xC;
	[tilespmem:s24+$0xC900] =	vst v1  }
0x173: {  	v1 =	vld [tilespmem:s0+$0x4910];
	_ =	sdelay $0x1  }
0x174: {  	s26 =	spop (v2sf)  }
0x175: {  	s0 =	sand.u32 $0x3, s26  }
0x176: {  	s0 =	sshll.u32 s0, $0x5  }
0x177: {  	s0 =	sadd.s32 $0x0, s0;
	[tilespmem:s24+$0xC910] =	vst v1  }
0x178: {  	v1 =	vld [tilespmem:s0+$0x4980];
	_ =	sdelay $0x4  }
0x179: {  	(v2sf) =	vpush v0, $0xD;
	[tilespmem:s24+$0xC980] =	vst v1  }
0x17a: {  	v1 =	vld [tilespmem:s0+$0x4990];
	_ =	sdelay $0x1  }
0x17b: {  	s28 =	spop (v2sf)  }
0x17c: {  	s0 =	sand.u32 $0x3, s28  }
0x17d: {  	s0 =	sshll.u32 s0, $0x5  }
0x17e: {  	s0 =	sadd.s32 $0x0, s0;
	[tilespmem:s24+$0xC990] =	vst v1  }
0x17f: {  	v1 =	vld [tilespmem:s0+$0x4A00];
	_ =	sdelay $0x4  }
0x180: {  	(v2sf) =	vpush v0, $0xE;
	[tilespmem:s24+$0xCA00] =	vst v1  }
0x181: {  	v1 =	vld [tilespmem:s0+$0x4A10];
	_ =	sdelay $0x1  }
0x182: {  	s29 =	spop (v2sf)  }
0x183: {  	s0 =	sand.u32 $0x3, s29  }
0x184: {  	s0 =	sshll.u32 s0, $0x5  }
0x185: {  	s0 =	sadd.s32 $0x0, s0;
	[tilespmem:s24+$0xCA10] =	vst v1  }
0x186: {  	v1 =	vld [tilespmem:s0+$0x4A80];
	_ =	sdelay $0x4  }
0x187: {  	(v2sf) =	vpush v0, $0xF;
	[tilespmem:s24+$0xCA80] =	vst v1  }
0x188: {  	v0 =	vld [tilespmem:s0+$0x4A90];
	_ =	sdelay $0x1  }
0x189: {  	s30 =	spop (v2sf)  }
0x18a: {  	s0 =	sand.u32 $0x3, s30  }
0x18b: {  	s0 =	sshll.u32 s0, $0x5  }
0x18c: {  	s0 =	sadd.s32 $0x0, s0;
	[tilespmem:s24+$0xCA90] =	vst v0  }
0x18d: {  	v0 =	vld [tilespmem:s0+$0x4B00];
	_ =	sdelay $0x4  }
0x18e: {  	[tilespmem:s24+$0xCB00] =	vst v0  }
0x18f: {  	v0 =	vld [tilespmem:s0+$0x4B10];
	_ =	sdelay $0x1  }
0x190: {  	s31 =	spop (v2sf)  }
0x191: {  	s0 =	sand.u32 $0x3, s31  }
0x192: {  	s0 =	sshll.u32 s0, $0x5  }
0x193: {  	s0 =	sadd.s32 $0x0, s0;
	[tilespmem:s24+$0xCB10] =	vst v0  }
0x194: {  	v0 =	vld [tilespmem:s0+$0x4B80];
	_ =	sdelay $0x4  }
0x195: {  	[tilespmem:s24+$0xCB80] =	vst v0  }
0x196: {  	s25 =	simm.s32 $0x2000;
	v0 =	vld [tilespmem:s0+$0x4B90]  }
.LBB2_4:
0x197: {  	_ =	sdelay $0x2  }
0x198: {  	p0 =	sne.s32 s25, $0xE000  }
0x199: {  	s23 =	sadd.s32 $0x10, s23;
	s0 =	smov.u32 s25;
	s25 =	sadd.s32 $0x2000, s25;
	[tilespmem:s24+$0xCB90] =	vst v0  }
0x19a: {  	v0 =	vld [tilespmem:s23+$0x0];
	_ =	sdelay $0x4  }
0x19b: {  	(v2sf) =	vpush v0, $0x0  }
0x19c: {  	(v2sf) =	vpush v0, $0x1;
	_ =	sdelay $0x1  }
0x19d: {  	(v2sf) =	vpush v0, $0x2  }
0x19e: {  	(v2sf) =	vpush v0, $0x3  }
0x19f: {  	(v2sf) =	vpush v0, $0x4  }
0x1a0: {  	(v2sf) =	vpush v0, $0x5  }
0x1a1: {  	(v2sf) =	vpush v0, $0x6  }
0x1a2: {  	(v2sf) =	vpush v0, $0x7  }
0x1a3: {  	(v2sf) =	vpush v0, $0x8  }
0x1a4: {  	(v2sf) =	vpush v0, $0x9  }
0x1a5: {  	(v2sf) =	vpush v0, $0xA  }
0x1a6: {  	(v2sf) =	vpush v0, $0xB  }
0x1a7: {  	(v2sf) =	vpush v0, $0xC  }
0x1a8: {  	(v2sf) =	vpush v0, $0xD  }
0x1a9: {  	s2 =	spop (v2sf)  }
0x1aa: {  	s2 =	sand.u32 $0x3, s2;
	s12 =	spop (v2sf);
	(v2sf) =	vpush v0, $0xE  }
0x1ab: {  	s24 =	sshra.s32 s0, $0x2;
	s2 =	sshll.u32 s2, $0x5;
	s0 =	sand.u32 $0x3, s12;
	(v2sf) =	vpush v0, $0xF  }
0x1ac: {  	s2 =	sadd.s32 s24, s2;
	s15 =	sshll.u32 s0, $0x5;
	s0 =	spop (v2sf)  }
0x1ad: {  	v0 =	vld [tilespmem:s2+$0x4400];
	s0 =	sand.u32 $0x3, s0;
	s12 =	spop (v2sf)  }
0x1ae: {  	s21 =	sshll.u32 s0, $0x5;
	s0 =	sand.u32 $0x3, s12;
	s12 =	spop (v2sf)  }
0x1af: {  	s20 =	sshll.u32 s0, $0x5;
	s0 =	sand.u32 $0x3, s12;
	s12 =	spop (v2sf)  }
0x1b0: {  	s19 =	sshll.u32 s0, $0x5;
	s0 =	sand.u32 $0x3, s12;
	s12 =	spop (v2sf)  }
0x1b1: {  	s17 =	sshll.u32 s0, $0x5;
	s0 =	sand.u32 $0x3, s12;
	s12 =	spop (v2sf)  }
0x1b2: {  	[tilespmem:s24+$0xC400] =	vst v0;
	s14 =	sshll.u32 s0, $0x5;
	s0 =	sand.u32 $0x3, s12;
	s12 =	spop (v2sf)  }
0x1b3: {  	v0 =	vld [tilespmem:s2+$0x4410];
	s13 =	sshll.u32 s0, $0x5;
	s0 =	sand.u32 $0x3, s12;
	s2 =	spop (v2sf)  }
0x1b4: {  	s12 =	sshll.u32 s0, $0x5;
	s0 =	sand.u32 $0x3, s2;
	s18 =	spop (v2sf)  }
0x1b5: {  	s2 =	sshll.u32 s0, $0x5;
	s0 =	sand.u32 $0x3, s18;
	s18 =	spop (v2sf)  }
0x1b6: {  	s0 =	sshll.u32 s0, $0x5;
	s18 =	sand.u32 $0x3, s18;
	s26 =	spop (v2sf)  }
0x1b7: {  	s31 =	sshll.u32 s18, $0x5;
	s18 =	sand.u32 $0x3, s26;
	s26 =	spop (v2sf)  }
0x1b8: {  	s15 =	sadd.s32 s24, s15;
	[tilespmem:s24+$0xC410] =	vst v0;
	s30 =	sshll.u32 s18, $0x5;
	s18 =	sand.u32 $0x3, s26  }
0x1b9: {  	v0 =	vld [tilespmem:s15+$0x4480];
	s29 =	sshll.u32 s18, $0x5;
	s18 =	spop (v2sf)  }
0x1ba: {  	s18 =	sand.u32 $0x3, s18;
	s26 =	spop (v2sf)  }
0x1bb: {  	s28 =	sshll.u32 s18, $0x5;
	s18 =	sand.u32 $0x3, s26  }
0x1bc: {  	s26 =	sshll.u32 s18, $0x5;
	_ =	sdelay $0x1  }
0x1bd: {  	[tilespmem:s24+$0xC480] =	vst v0  }
0x1be: {  	v0 =	vld [tilespmem:s15+$0x4490];
	_ =	sdelay $0x4  }
0x1bf: {  	s15 =	sadd.s32 s24, s21;
	[tilespmem:s24+$0xC490] =	vst v0  }
0x1c0: {  	v0 =	vld [tilespmem:s15+$0x4500];
	_ =	sdelay $0x4  }
0x1c1: {  	[tilespmem:s24+$0xC500] =	vst v0  }
0x1c2: {  	v0 =	vld [tilespmem:s15+$0x4510];
	_ =	sdelay $0x4  }
0x1c3: {  	s15 =	sadd.s32 s24, s20;
	[tilespmem:s24+$0xC510] =	vst v0  }
0x1c4: {  	v0 =	vld [tilespmem:s15+$0x4580];
	_ =	sdelay $0x4  }
0x1c5: {  	[tilespmem:s24+$0xC580] =	vst v0  }
0x1c6: {  	v0 =	vld [tilespmem:s15+$0x4590];
	_ =	sdelay $0x4  }
0x1c7: {  	s15 =	sadd.s32 s24, s19;
	[tilespmem:s24+$0xC590] =	vst v0  }
0x1c8: {  	v0 =	vld [tilespmem:s15+$0x4600];
	_ =	sdelay $0x4  }
0x1c9: {  	[tilespmem:s24+$0xC600] =	vst v0  }
0x1ca: {  	v0 =	vld [tilespmem:s15+$0x4610];
	_ =	sdelay $0x4  }
0x1cb: {  	s15 =	sadd.s32 s24, s17;
	[tilespmem:s24+$0xC610] =	vst v0  }
0x1cc: {  	v0 =	vld [tilespmem:s15+$0x4680];
	_ =	sdelay $0x4  }
0x1cd: {  	[tilespmem:s24+$0xC680] =	vst v0  }
0x1ce: {  	v0 =	vld [tilespmem:s15+$0x4690];
	_ =	sdelay $0x4  }
0x1cf: {  	s14 =	sadd.s32 s24, s14;
	[tilespmem:s24+$0xC690] =	vst v0  }
0x1d0: {  	v0 =	vld [tilespmem:s14+$0x4700];
	_ =	sdelay $0x4  }
0x1d1: {  	[tilespmem:s24+$0xC700] =	vst v0  }
0x1d2: {  	v0 =	vld [tilespmem:s14+$0x4710];
	_ =	sdelay $0x4  }
0x1d3: {  	s13 =	sadd.s32 s24, s13;
	[tilespmem:s24+$0xC710] =	vst v0  }
0x1d4: {  	v0 =	vld [tilespmem:s13+$0x4780];
	_ =	sdelay $0x4  }
0x1d5: {  	[tilespmem:s24+$0xC780] =	vst v0  }
0x1d6: {  	v0 =	vld [tilespmem:s13+$0x4790];
	_ =	sdelay $0x4  }
0x1d7: {  	s12 =	sadd.s32 s24, s12;
	[tilespmem:s24+$0xC790] =	vst v0  }
0x1d8: {  	v0 =	vld [tilespmem:s12+$0x4800];
	_ =	sdelay $0x4  }
0x1d9: {  	[tilespmem:s24+$0xC800] =	vst v0  }
0x1da: {  	v0 =	vld [tilespmem:s12+$0x4810];
	_ =	sdelay $0x4  }
0x1db: {  	s2 =	sadd.s32 s24, s2;
	[tilespmem:s24+$0xC810] =	vst v0  }
0x1dc: {  	v0 =	vld [tilespmem:s2+$0x4880];
	_ =	sdelay $0x4  }
0x1dd: {  	[tilespmem:s24+$0xC880] =	vst v0  }
0x1de: {  	v0 =	vld [tilespmem:s2+$0x4890];
	_ =	sdelay $0x4  }
0x1df: {  	s0 =	sadd.s32 s24, s0;
	[tilespmem:s24+$0xC890] =	vst v0  }
0x1e0: {  	v0 =	vld [tilespmem:s0+$0x4900];
	_ =	sdelay $0x4  }
0x1e1: {  	[tilespmem:s24+$0xC900] =	vst v0  }
0x1e2: {  	v0 =	vld [tilespmem:s0+$0x4910];
	_ =	sdelay $0x4  }
0x1e3: {  	s0 =	sadd.s32 s24, s31;
	[tilespmem:s24+$0xC910] =	vst v0  }
0x1e4: {  	v0 =	vld [tilespmem:s0+$0x4980];
	_ =	sdelay $0x4  }
0x1e5: {  	[tilespmem:s24+$0xC980] =	vst v0  }
0x1e6: {  	v0 =	vld [tilespmem:s0+$0x4990];
	_ =	sdelay $0x4  }
0x1e7: {  	s0 =	sadd.s32 s24, s30;
	[tilespmem:s24+$0xC990] =	vst v0  }
0x1e8: {  	v0 =	vld [tilespmem:s0+$0x4A00];
	_ =	sdelay $0x4  }
0x1e9: {  	[tilespmem:s24+$0xCA00] =	vst v0  }
0x1ea: {  	v0 =	vld [tilespmem:s0+$0x4A10];
	_ =	sdelay $0x4  }
0x1eb: {  	s0 =	sadd.s32 s24, s29;
	[tilespmem:s24+$0xCA10] =	vst v0  }
0x1ec: {  	v0 =	vld [tilespmem:s0+$0x4A80];
	_ =	sdelay $0x4  }
0x1ed: {  	[tilespmem:s24+$0xCA80] =	vst v0  }
0x1ee: {  	v0 =	vld [tilespmem:s0+$0x4A90];
	_ =	sdelay $0x4  }
0x1ef: {  	s0 =	sadd.s32 s24, s28;
	[tilespmem:s24+$0xCA90] =	vst v0  }
0x1f0: {  	v0 =	vld [tilespmem:s0+$0x4B00];
	_ =	sdelay $0x4  }
0x1f1: {  	[tilespmem:s24+$0xCB00] =	vst v0  }
0x1f2: {  	v0 =	vld [tilespmem:s0+$0x4B10];
	_ =	sdelay $0x4  }
0x1f3: {  	s0 =	sadd.s32 s24, s26;
	[tilespmem:s24+$0xCB10] =	vst v0  }
0x1f4: {  	v0 =	vld [tilespmem:s0+$0x4B80];
	_ =	sdelay $0x1  }
.Ltmp1:
0x1f5: {  	(pc) =	sbr.rel @p0 .LBB2_4-.Ltmp1, $3  }
0x1f6: {  	_ =	sdelay $0x1  }
0x1f7: {  	[tilespmem:s24+$0xCB80] =	vst v0  }
0x1f8: {  	v0 =	vld [tilespmem:s0+$0x4B90]  }
0x1f9: {  	_ =	sdelay $0x3  }
0x1fa: {  	[tilespmem:s24+$0xCB90] =	vst v0  }
0x1fb: {  	_ =	swait.ge [sflag:s16], $0x4000  }
0x1fc: {  	s0 =	simm.s32 $0x4400;
	[sflag:s16] =	ssyncset.done $0x0  }
0x1fd: {  	s2 =	simm.s32 $0x380;
	s23 =	simm.s32 $0x100;
	[sflag:s16] =	ssyncadd.s32 $0xFFFFC000  }
0x1fe: {  	[tilespmem:s0], [sflag:$0x1] =	stream.indirect.gather [hbm4b:s1+s11], $0x80, s2, s11, $0xb8;
	[tilespmem:$0x18400] =	vst v63  }
0x1ff: {  	v0 =	vld [tilespmem:s23+$0x0];
	_ =	sdelay $0x4  }
0x200: {  	(v2sf) =	vpush v0, $0x0;
	_ =	sdelay $0xb  }
0x201: {  	(v2sf) =	vpush v0, $0x1;
	_ =	sdelay $0x2  }
0x202: {  	s2 =	spop (v2sf)  }
0x203: {  	s0 =	sand.u32 $0x3, s2  }
0x204: {  	s0 =	sshll.u32 s0, $0x5  }
0x205: {  	s0 =	sadd.s32 $0x0, s0  }
0x206: {  	v1 =	vld [tilespmem:s0+$0x400];
	_ =	sdelay $0x3  }
0x207: {  	s24 =	simm.s32 $0x0  }
0x208: {  	(v2sf) =	vpush v0, $0x2;
	[tilespmem:s24+$0x10400] =	vst v1  }
0x209: {  	v1 =	vld [tilespmem:s0+$0x410];
	_ =	sdelay $0x1  }
0x20a: {  	s12 =	spop (v2sf)  }
0x20b: {  	s0 =	sand.u32 $0x3, s12  }
0x20c: {  	s0 =	sshll.u32 s0, $0x5  }
0x20d: {  	s0 =	sadd.s32 $0x0, s0;
	[tilespmem:s24+$0x10410] =	vst v1  }
0x20e: {  	v1 =	vld [tilespmem:s0+$0x480];
	_ =	sdelay $0x4  }
0x20f: {  	(v2sf) =	vpush v0, $0x3;
	[tilespmem:s24+$0x10480] =	vst v1  }
0x210: {  	v1 =	vld [tilespmem:s0+$0x490];
	_ =	sdelay $0x1  }
0x211: {  	s13 =	spop (v2sf)  }
0x212: {  	s0 =	sand.u32 $0x3, s13  }
0x213: {  	s0 =	sshll.u32 s0, $0x5  }
0x214: {  	s0 =	sadd.s32 $0x0, s0;
	[tilespmem:s24+$0x10490] =	vst v1  }
0x215: {  	v1 =	vld [tilespmem:s0+$0x500];
	_ =	sdelay $0x4  }
0x216: {  	(v2sf) =	vpush v0, $0x4;
	[tilespmem:s24+$0x10500] =	vst v1  }
0x217: {  	v1 =	vld [tilespmem:s0+$0x510];
	_ =	sdelay $0x1  }
0x218: {  	s14 =	spop (v2sf)  }
0x219: {  	s0 =	sand.u32 $0x3, s14  }
0x21a: {  	s0 =	sshll.u32 s0, $0x5  }
0x21b: {  	s0 =	sadd.s32 $0x0, s0;
	[tilespmem:s24+$0x10510] =	vst v1  }
0x21c: {  	v1 =	vld [tilespmem:s0+$0x580];
	_ =	sdelay $0x4  }
0x21d: {  	(v2sf) =	vpush v0, $0x5;
	[tilespmem:s24+$0x10580] =	vst v1  }
0x21e: {  	v1 =	vld [tilespmem:s0+$0x590];
	_ =	sdelay $0x1  }
0x21f: {  	s15 =	spop (v2sf)  }
0x220: {  	s0 =	sand.u32 $0x3, s15  }
0x221: {  	s0 =	sshll.u32 s0, $0x5  }
0x222: {  	s0 =	sadd.s32 $0x0, s0;
	[tilespmem:s24+$0x10590] =	vst v1  }
0x223: {  	v1 =	vld [tilespmem:s0+$0x600];
	_ =	sdelay $0x4  }
0x224: {  	(v2sf) =	vpush v0, $0x6;
	[tilespmem:s24+$0x10600] =	vst v1  }
0x225: {  	v1 =	vld [tilespmem:s0+$0x610];
	_ =	sdelay $0x1  }
0x226: {  	s17 =	spop (v2sf)  }
0x227: {  	s0 =	sand.u32 $0x3, s17  }
0x228: {  	s0 =	sshll.u32 s0, $0x5  }
0x229: {  	s0 =	sadd.s32 $0x0, s0;
	[tilespmem:s24+$0x10610] =	vst v1  }
0x22a: {  	v1 =	vld [tilespmem:s0+$0x680];
	_ =	sdelay $0x4  }
0x22b: {  	(v2sf) =	vpush v0, $0x7;
	[tilespmem:s24+$0x10680] =	vst v1  }
0x22c: {  	v1 =	vld [tilespmem:s0+$0x690];
	_ =	sdelay $0x1  }
0x22d: {  	s18 =	spop (v2sf)  }
0x22e: {  	s0 =	sand.u32 $0x3, s18  }
0x22f: {  	s0 =	sshll.u32 s0, $0x5  }
0x230: {  	s0 =	sadd.s32 $0x0, s0;
	[tilespmem:s24+$0x10690] =	vst v1  }
0x231: {  	v1 =	vld [tilespmem:s0+$0x700];
	_ =	sdelay $0x4  }
0x232: {  	(v2sf) =	vpush v0, $0x8;
	[tilespmem:s24+$0x10700] =	vst v1  }
0x233: {  	v1 =	vld [tilespmem:s0+$0x710];
	_ =	sdelay $0x1  }
0x234: {  	s19 =	spop (v2sf)  }
0x235: {  	s0 =	sand.u32 $0x3, s19  }
0x236: {  	s0 =	sshll.u32 s0, $0x5  }
0x237: {  	s0 =	sadd.s32 $0x0, s0;
	[tilespmem:s24+$0x10710] =	vst v1  }
0x238: {  	v1 =	vld [tilespmem:s0+$0x780];
	_ =	sdelay $0x4  }
0x239: {  	(v2sf) =	vpush v0, $0x9;
	[tilespmem:s24+$0x10780] =	vst v1  }
0x23a: {  	v1 =	vld [tilespmem:s0+$0x790];
	_ =	sdelay $0x1  }
0x23b: {  	s20 =	spop (v2sf)  }
0x23c: {  	s0 =	sand.u32 $0x3, s20  }
0x23d: {  	s0 =	sshll.u32 s0, $0x5  }
0x23e: {  	s0 =	sadd.s32 $0x0, s0;
	[tilespmem:s24+$0x10790] =	vst v1  }
0x23f: {  	v1 =	vld [tilespmem:s0+$0x800];
	_ =	sdelay $0x4  }
0x240: {  	(v2sf) =	vpush v0, $0xA;
	[tilespmem:s24+$0x10800] =	vst v1  }
0x241: {  	v1 =	vld [tilespmem:s0+$0x810];
	_ =	sdelay $0x1  }
0x242: {  	s21 =	spop (v2sf)  }
0x243: {  	s0 =	sand.u32 $0x3, s21  }
0x244: {  	s0 =	sshll.u32 s0, $0x5  }
0x245: {  	s0 =	sadd.s32 $0x0, s0;
	[tilespmem:s24+$0x10810] =	vst v1  }
0x246: {  	v1 =	vld [tilespmem:s0+$0x880];
	_ =	sdelay $0x4  }
0x247: {  	(v2sf) =	vpush v0, $0xB;
	[tilespmem:s24+$0x10880] =	vst v1  }
0x248: {  	v1 =	vld [tilespmem:s0+$0x890];
	_ =	sdelay $0x1  }
0x249: {  	s25 =	spop (v2sf)  }
0x24a: {  	s0 =	sand.u32 $0x3, s25  }
0x24b: {  	s0 =	sshll.u32 s0, $0x5  }
0x24c: {  	s0 =	sadd.s32 $0x0, s0;
	[tilespmem:s24+$0x10890] =	vst v1  }
0x24d: {  	v1 =	vld [tilespmem:s0+$0x900];
	_ =	sdelay $0x4  }
0x24e: {  	(v2sf) =	vpush v0, $0xC;
	[tilespmem:s24+$0x10900] =	vst v1  }
0x24f: {  	v1 =	vld [tilespmem:s0+$0x910];
	_ =	sdelay $0x1  }
0x250: {  	s26 =	spop (v2sf)  }
0x251: {  	s0 =	sand.u32 $0x3, s26  }
0x252: {  	s0 =	sshll.u32 s0, $0x5  }
0x253: {  	s0 =	sadd.s32 $0x0, s0;
	[tilespmem:s24+$0x10910] =	vst v1  }
0x254: {  	v1 =	vld [tilespmem:s0+$0x980];
	_ =	sdelay $0x4  }
0x255: {  	(v2sf) =	vpush v0, $0xD;
	[tilespmem:s24+$0x10980] =	vst v1  }
0x256: {  	v1 =	vld [tilespmem:s0+$0x990];
	_ =	sdelay $0x1  }
0x257: {  	s28 =	spop (v2sf)  }
0x258: {  	s0 =	sand.u32 $0x3, s28  }
0x259: {  	s0 =	sshll.u32 s0, $0x5  }
0x25a: {  	s0 =	sadd.s32 $0x0, s0;
	[tilespmem:s24+$0x10990] =	vst v1  }
0x25b: {  	v1 =	vld [tilespmem:s0+$0xA00];
	_ =	sdelay $0x4  }
0x25c: {  	(v2sf) =	vpush v0, $0xE;
	[tilespmem:s24+$0x10A00] =	vst v1  }
0x25d: {  	v1 =	vld [tilespmem:s0+$0xA10];
	_ =	sdelay $0x1  }
0x25e: {  	s29 =	spop (v2sf)  }
0x25f: {  	s0 =	sand.u32 $0x3, s29  }
0x260: {  	s0 =	sshll.u32 s0, $0x5  }
0x261: {  	s0 =	sadd.s32 $0x0, s0;
	[tilespmem:s24+$0x10A10] =	vst v1  }
0x262: {  	v1 =	vld [tilespmem:s0+$0xA80];
	_ =	sdelay $0x4  }
0x263: {  	(v2sf) =	vpush v0, $0xF;
	[tilespmem:s24+$0x10A80] =	vst v1  }
0x264: {  	v0 =	vld [tilespmem:s0+$0xA90];
	_ =	sdelay $0x1  }
0x265: {  	s30 =	spop (v2sf)  }
0x266: {  	s0 =	sand.u32 $0x3, s30  }
0x267: {  	s0 =	sshll.u32 s0, $0x5  }
0x268: {  	s0 =	sadd.s32 $0x0, s0;
	[tilespmem:s24+$0x10A90] =	vst v0  }
0x269: {  	v0 =	vld [tilespmem:s0+$0xB00];
	_ =	sdelay $0x4  }
0x26a: {  	[tilespmem:s24+$0x10B00] =	vst v0  }
0x26b: {  	v0 =	vld [tilespmem:s0+$0xB10];
	_ =	sdelay $0x1  }
0x26c: {  	s31 =	spop (v2sf)  }
0x26d: {  	s0 =	sand.u32 $0x3, s31  }
0x26e: {  	s0 =	sshll.u32 s0, $0x5  }
0x26f: {  	s0 =	sadd.s32 $0x0, s0;
	[tilespmem:s24+$0x10B10] =	vst v0  }
0x270: {  	v0 =	vld [tilespmem:s0+$0xB80];
	_ =	sdelay $0x4  }
0x271: {  	[tilespmem:s24+$0x10B80] =	vst v0  }
0x272: {  	s25 =	simm.s32 $0x2000;
	v0 =	vld [tilespmem:s0+$0xB90]  }
.LBB2_6:
0x273: {  	_ =	sdelay $0x2  }
0x274: {  	p0 =	sne.s32 s25, $0xE000  }
0x275: {  	s23 =	sadd.s32 $0x10, s23;
	s0 =	smov.u32 s25;
	s25 =	sadd.s32 $0x2000, s25;
	[tilespmem:s24+$0x10B90] =	vst v0  }
0x276: {  	v0 =	vld [tilespmem:s23+$0x0];
	_ =	sdelay $0x4  }
0x277: {  	(v2sf) =	vpush v0, $0x0  }
0x278: {  	(v2sf) =	vpush v0, $0x1;
	_ =	sdelay $0x1  }
0x279: {  	(v2sf) =	vpush v0, $0x2  }
0x27a: {  	(v2sf) =	vpush v0, $0x3  }
0x27b: {  	(v2sf) =	vpush v0, $0x4  }
0x27c: {  	(v2sf) =	vpush v0, $0x5  }
0x27d: {  	(v2sf) =	vpush v0, $0x6  }
0x27e: {  	(v2sf) =	vpush v0, $0x7  }
0x27f: {  	(v2sf) =	vpush v0, $0x8  }
0x280: {  	(v2sf) =	vpush v0, $0x9  }
0x281: {  	(v2sf) =	vpush v0, $0xA  }
0x282: {  	(v2sf) =	vpush v0, $0xB  }
0x283: {  	(v2sf) =	vpush v0, $0xC  }
0x284: {  	(v2sf) =	vpush v0, $0xD  }
0x285: {  	s2 =	spop (v2sf)  }
0x286: {  	s2 =	sand.u32 $0x3, s2;
	s12 =	spop (v2sf);
	(v2sf) =	vpush v0, $0xE  }
0x287: {  	s24 =	sshra.s32 s0, $0x2;
	s2 =	sshll.u32 s2, $0x5;
	s0 =	sand.u32 $0x3, s12;
	(v2sf) =	vpush v0, $0xF  }
0x288: {  	s2 =	sadd.s32 s24, s2;
	s15 =	sshll.u32 s0, $0x5;
	s0 =	spop (v2sf)  }
0x289: {  	v0 =	vld [tilespmem:s2+$0x400];
	s0 =	sand.u32 $0x3, s0;
	s12 =	spop (v2sf)  }
0x28a: {  	s21 =	sshll.u32 s0, $0x5;
	s0 =	sand.u32 $0x3, s12;
	s12 =	spop (v2sf)  }
0x28b: {  	s20 =	sshll.u32 s0, $0x5;
	s0 =	sand.u32 $0x3, s12;
	s12 =	spop (v2sf)  }
0x28c: {  	s19 =	sshll.u32 s0, $0x5;
	s0 =	sand.u32 $0x3, s12;
	s12 =	spop (v2sf)  }
0x28d: {  	s17 =	sshll.u32 s0, $0x5;
	s0 =	sand.u32 $0x3, s12;
	s12 =	spop (v2sf)  }
0x28e: {  	[tilespmem:s24+$0x10400] =	vst v0;
	s14 =	sshll.u32 s0, $0x5;
	s0 =	sand.u32 $0x3, s12;
	s12 =	spop (v2sf)  }
0x28f: {  	v0 =	vld [tilespmem:s2+$0x410];
	s13 =	sshll.u32 s0, $0x5;
	s0 =	sand.u32 $0x3, s12;
	s2 =	spop (v2sf)  }
0x290: {  	s12 =	sshll.u32 s0, $0x5;
	s0 =	sand.u32 $0x3, s2;
	s18 =	spop (v2sf)  }
0x291: {  	s2 =	sshll.u32 s0, $0x5;
	s0 =	sand.u32 $0x3, s18;
	s18 =	spop (v2sf)  }
0x292: {  	s0 =	sshll.u32 s0, $0x5;
	s18 =	sand.u32 $0x3, s18;
	s26 =	spop (v2sf)  }
0x293: {  	s31 =	sshll.u32 s18, $0x5;
	s18 =	sand.u32 $0x3, s26;
	s26 =	spop (v2sf)  }
0x294: {  	s15 =	sadd.s32 s24, s15;
	[tilespmem:s24+$0x10410] =	vst v0;
	s30 =	sshll.u32 s18, $0x5;
	s18 =	sand.u32 $0x3, s26  }
0x295: {  	v0 =	vld [tilespmem:s15+$0x480];
	s29 =	sshll.u32 s18, $0x5;
	s18 =	spop (v2sf)  }
0x296: {  	s18 =	sand.u32 $0x3, s18;
	s26 =	spop (v2sf)  }
0x297: {  	s28 =	sshll.u32 s18, $0x5;
	s18 =	sand.u32 $0x3, s26  }
0x298: {  	s26 =	sshll.u32 s18, $0x5;
	_ =	sdelay $0x1  }
0x299: {  	[tilespmem:s24+$0x10480] =	vst v0  }
0x29a: {  	v0 =	vld [tilespmem:s15+$0x490];
	_ =	sdelay $0x4  }
0x29b: {  	s15 =	sadd.s32 s24, s21;
	[tilespmem:s24+$0x10490] =	vst v0  }
0x29c: {  	v0 =	vld [tilespmem:s15+$0x500];
	_ =	sdelay $0x4  }
0x29d: {  	[tilespmem:s24+$0x10500] =	vst v0  }
0x29e: {  	v0 =	vld [tilespmem:s15+$0x510];
	_ =	sdelay $0x4  }
0x29f: {  	s15 =	sadd.s32 s24, s20;
	[tilespmem:s24+$0x10510] =	vst v0  }
0x2a0: {  	v0 =	vld [tilespmem:s15+$0x580];
	_ =	sdelay $0x4  }
0x2a1: {  	[tilespmem:s24+$0x10580] =	vst v0  }
0x2a2: {  	v0 =	vld [tilespmem:s15+$0x590];
	_ =	sdelay $0x4  }
0x2a3: {  	s15 =	sadd.s32 s24, s19;
	[tilespmem:s24+$0x10590] =	vst v0  }
0x2a4: {  	v0 =	vld [tilespmem:s15+$0x600];
	_ =	sdelay $0x4  }
0x2a5: {  	[tilespmem:s24+$0x10600] =	vst v0  }
0x2a6: {  	v0 =	vld [tilespmem:s15+$0x610];
	_ =	sdelay $0x4  }
0x2a7: {  	s15 =	sadd.s32 s24, s17;
	[tilespmem:s24+$0x10610] =	vst v0  }
0x2a8: {  	v0 =	vld [tilespmem:s15+$0x680];
	_ =	sdelay $0x4  }
0x2a9: {  	[tilespmem:s24+$0x10680] =	vst v0  }
0x2aa: {  	v0 =	vld [tilespmem:s15+$0x690];
	_ =	sdelay $0x4  }
0x2ab: {  	s14 =	sadd.s32 s24, s14;
	[tilespmem:s24+$0x10690] =	vst v0  }
0x2ac: {  	v0 =	vld [tilespmem:s14+$0x700];
	_ =	sdelay $0x4  }
0x2ad: {  	[tilespmem:s24+$0x10700] =	vst v0  }
0x2ae: {  	v0 =	vld [tilespmem:s14+$0x710];
	_ =	sdelay $0x4  }
0x2af: {  	s13 =	sadd.s32 s24, s13;
	[tilespmem:s24+$0x10710] =	vst v0  }
0x2b0: {  	v0 =	vld [tilespmem:s13+$0x780];
	_ =	sdelay $0x4  }
0x2b1: {  	[tilespmem:s24+$0x10780] =	vst v0  }
0x2b2: {  	v0 =	vld [tilespmem:s13+$0x790];
	_ =	sdelay $0x4  }
0x2b3: {  	s12 =	sadd.s32 s24, s12;
	[tilespmem:s24+$0x10790] =	vst v0  }
0x2b4: {  	v0 =	vld [tilespmem:s12+$0x800];
	_ =	sdelay $0x4  }
0x2b5: {  	[tilespmem:s24+$0x10800] =	vst v0  }
0x2b6: {  	v0 =	vld [tilespmem:s12+$0x810];
	_ =	sdelay $0x4  }
0x2b7: {  	s2 =	sadd.s32 s24, s2;
	[tilespmem:s24+$0x10810] =	vst v0  }
0x2b8: {  	v0 =	vld [tilespmem:s2+$0x880];
	_ =	sdelay $0x4  }
0x2b9: {  	[tilespmem:s24+$0x10880] =	vst v0  }
0x2ba: {  	v0 =	vld [tilespmem:s2+$0x890];
	_ =	sdelay $0x4  }
0x2bb: {  	s0 =	sadd.s32 s24, s0;
	[tilespmem:s24+$0x10890] =	vst v0  }
0x2bc: {  	v0 =	vld [tilespmem:s0+$0x900];
	_ =	sdelay $0x4  }
0x2bd: {  	[tilespmem:s24+$0x10900] =	vst v0  }
0x2be: {  	v0 =	vld [tilespmem:s0+$0x910];
	_ =	sdelay $0x4  }
0x2bf: {  	s0 =	sadd.s32 s24, s31;
	[tilespmem:s24+$0x10910] =	vst v0  }
0x2c0: {  	v0 =	vld [tilespmem:s0+$0x980];
	_ =	sdelay $0x4  }
0x2c1: {  	[tilespmem:s24+$0x10980] =	vst v0  }
0x2c2: {  	v0 =	vld [tilespmem:s0+$0x990];
	_ =	sdelay $0x4  }
0x2c3: {  	s0 =	sadd.s32 s24, s30;
	[tilespmem:s24+$0x10990] =	vst v0  }
0x2c4: {  	v0 =	vld [tilespmem:s0+$0xA00];
	_ =	sdelay $0x4  }
0x2c5: {  	[tilespmem:s24+$0x10A00] =	vst v0  }
0x2c6: {  	v0 =	vld [tilespmem:s0+$0xA10];
	_ =	sdelay $0x4  }
0x2c7: {  	s0 =	sadd.s32 s24, s29;
	[tilespmem:s24+$0x10A10] =	vst v0  }
0x2c8: {  	v0 =	vld [tilespmem:s0+$0xA80];
	_ =	sdelay $0x4  }
0x2c9: {  	[tilespmem:s24+$0x10A80] =	vst v0  }
0x2ca: {  	v0 =	vld [tilespmem:s0+$0xA90];
	_ =	sdelay $0x4  }
0x2cb: {  	s0 =	sadd.s32 s24, s28;
	[tilespmem:s24+$0x10A90] =	vst v0  }
0x2cc: {  	v0 =	vld [tilespmem:s0+$0xB00];
	_ =	sdelay $0x4  }
0x2cd: {  	[tilespmem:s24+$0x10B00] =	vst v0  }
0x2ce: {  	v0 =	vld [tilespmem:s0+$0xB10];
	_ =	sdelay $0x4  }
0x2cf: {  	s0 =	sadd.s32 s24, s26;
	[tilespmem:s24+$0x10B10] =	vst v0  }
0x2d0: {  	v0 =	vld [tilespmem:s0+$0xB80];
	_ =	sdelay $0x1  }
.Ltmp2:
0x2d1: {  	(pc) =	sbr.rel @p0 .LBB2_6-.Ltmp2, $3  }
0x2d2: {  	_ =	sdelay $0x1  }
0x2d3: {  	[tilespmem:s24+$0x10B80] =	vst v0  }
0x2d4: {  	v0 =	vld [tilespmem:s0+$0xB90]  }
0x2d5: {  	_ =	sdelay $0x3  }
0x2d6: {  	[tilespmem:s24+$0x10B90] =	vst v0  }
0x2d7: {  	_ =	swait.ge [sflag:s16], $0x4000  }
0x2d8: {  	[sflag:s16] =	ssyncset.done $0x0  }
0x2d9: {  	s23 =	simm.s32 $0x180;
	[sflag:s16] =	ssyncadd.s32 $0xFFFFC000  }
0x2da: {  	v0 =	vld [tilespmem:s23+$0x0];
	_ =	sdelay $0x4  }
0x2db: {  	(v2sf) =	vpush v0, $0x0;
	_ =	sdelay $0xb  }
0x2dc: {  	(v2sf) =	vpush v0, $0x1;
	_ =	sdelay $0x2  }
0x2dd: {  	s0 =	spop (v2sf)  }
0x2de: {  	s0 =	sand.u32 $0x3, s0  }
0x2df: {  	s0 =	sshll.u32 s0, $0x5  }
0x2e0: {  	s0 =	sadd.s32 $0x0, s0  }
0x2e1: {  	v1 =	vld [tilespmem:s0+$0x4400];
	_ =	sdelay $0x3  }
0x2e2: {  	s24 =	simm.s32 $0x0  }
0x2e3: {  	(v2sf) =	vpush v0, $0x2;
	[tilespmem:s24+$0x14400] =	vst v1  }
0x2e4: {  	v1 =	vld [tilespmem:s0+$0x4410];
	_ =	sdelay $0x1  }
0x2e5: {  	s12 =	spop (v2sf)  }
0x2e6: {  	s0 =	sand.u32 $0x3, s12  }
0x2e7: {  	s0 =	sshll.u32 s0, $0x5  }
0x2e8: {  	s0 =	sadd.s32 $0x0, s0;
	[tilespmem:s24+$0x14410] =	vst v1  }
0x2e9: {  	v1 =	vld [tilespmem:s0+$0x4480];
	_ =	sdelay $0x4  }
0x2ea: {  	(v2sf) =	vpush v0, $0x3;
	[tilespmem:s24+$0x14480] =	vst v1  }
0x2eb: {  	v1 =	vld [tilespmem:s0+$0x4490];
	_ =	sdelay $0x1  }
0x2ec: {  	s13 =	spop (v2sf)  }
0x2ed: {  	s0 =	sand.u32 $0x3, s13  }
0x2ee: {  	s0 =	sshll.u32 s0, $0x5  }
0x2ef: {  	s0 =	sadd.s32 $0x0, s0;
	[tilespmem:s24+$0x14490] =	vst v1  }
0x2f0: {  	v1 =	vld [tilespmem:s0+$0x4500];
	_ =	sdelay $0x4  }
0x2f1: {  	(v2sf) =	vpush v0, $0x4;
	[tilespmem:s24+$0x14500] =	vst v1  }
0x2f2: {  	v1 =	vld [tilespmem:s0+$0x4510];
	_ =	sdelay $0x1  }
0x2f3: {  	s14 =	spop (v2sf)  }
0x2f4: {  	s0 =	sand.u32 $0x3, s14  }
0x2f5: {  	s0 =	sshll.u32 s0, $0x5  }
0x2f6: {  	s0 =	sadd.s32 $0x0, s0;
	[tilespmem:s24+$0x14510] =	vst v1  }
0x2f7: {  	v1 =	vld [tilespmem:s0+$0x4580];
	_ =	sdelay $0x4  }
0x2f8: {  	(v2sf) =	vpush v0, $0x5;
	[tilespmem:s24+$0x14580] =	vst v1  }
0x2f9: {  	v1 =	vld [tilespmem:s0+$0x4590];
	_ =	sdelay $0x1  }
0x2fa: {  	s15 =	spop (v2sf)  }
0x2fb: {  	s0 =	sand.u32 $0x3, s15  }
0x2fc: {  	s0 =	sshll.u32 s0, $0x5  }
0x2fd: {  	s0 =	sadd.s32 $0x0, s0;
	[tilespmem:s24+$0x14590] =	vst v1  }
0x2fe: {  	v1 =	vld [tilespmem:s0+$0x4600];
	_ =	sdelay $0x4  }
0x2ff: {  	(v2sf) =	vpush v0, $0x6;
	[tilespmem:s24+$0x14600] =	vst v1  }
0x300: {  	v1 =	vld [tilespmem:s0+$0x4610];
	_ =	sdelay $0x1  }
0x301: {  	s17 =	spop (v2sf)  }
0x302: {  	s0 =	sand.u32 $0x3, s17  }
0x303: {  	s0 =	sshll.u32 s0, $0x5  }
0x304: {  	s0 =	sadd.s32 $0x0, s0;
	[tilespmem:s24+$0x14610] =	vst v1  }
0x305: {  	v1 =	vld [tilespmem:s0+$0x4680];
	_ =	sdelay $0x4  }
0x306: {  	(v2sf) =	vpush v0, $0x7;
	[tilespmem:s24+$0x14680] =	vst v1  }
0x307: {  	v1 =	vld [tilespmem:s0+$0x4690];
	_ =	sdelay $0x1  }
0x308: {  	s18 =	spop (v2sf)  }
0x309: {  	s0 =	sand.u32 $0x3, s18  }
0x30a: {  	s0 =	sshll.u32 s0, $0x5  }
0x30b: {  	s0 =	sadd.s32 $0x0, s0;
	[tilespmem:s24+$0x14690] =	vst v1  }
0x30c: {  	v1 =	vld [tilespmem:s0+$0x4700];
	_ =	sdelay $0x4  }
0x30d: {  	(v2sf) =	vpush v0, $0x8;
	[tilespmem:s24+$0x14700] =	vst v1  }
0x30e: {  	v1 =	vld [tilespmem:s0+$0x4710];
	_ =	sdelay $0x1  }
0x30f: {  	s19 =	spop (v2sf)  }
0x310: {  	s0 =	sand.u32 $0x3, s19  }
0x311: {  	s0 =	sshll.u32 s0, $0x5  }
0x312: {  	s0 =	sadd.s32 $0x0, s0;
	[tilespmem:s24+$0x14710] =	vst v1  }
0x313: {  	v1 =	vld [tilespmem:s0+$0x4780];
	_ =	sdelay $0x4  }
0x314: {  	(v2sf) =	vpush v0, $0x9;
	[tilespmem:s24+$0x14780] =	vst v1  }
0x315: {  	v1 =	vld [tilespmem:s0+$0x4790];
	_ =	sdelay $0x1  }
0x316: {  	s20 =	spop (v2sf)  }
0x317: {  	s0 =	sand.u32 $0x3, s20  }
0x318: {  	s0 =	sshll.u32 s0, $0x5  }
0x319: {  	s0 =	sadd.s32 $0x0, s0;
	[tilespmem:s24+$0x14790] =	vst v1  }
0x31a: {  	v1 =	vld [tilespmem:s0+$0x4800];
	_ =	sdelay $0x4  }
0x31b: {  	(v2sf) =	vpush v0, $0xA;
	[tilespmem:s24+$0x14800] =	vst v1  }
0x31c: {  	v1 =	vld [tilespmem:s0+$0x4810];
	_ =	sdelay $0x1  }
0x31d: {  	s21 =	spop (v2sf)  }
0x31e: {  	s0 =	sand.u32 $0x3, s21  }
0x31f: {  	s0 =	sshll.u32 s0, $0x5  }
0x320: {  	s0 =	sadd.s32 $0x0, s0;
	[tilespmem:s24+$0x14810] =	vst v1  }
0x321: {  	v1 =	vld [tilespmem:s0+$0x4880];
	_ =	sdelay $0x4  }
0x322: {  	(v2sf) =	vpush v0, $0xB;
	[tilespmem:s24+$0x14880] =	vst v1  }
0x323: {  	v1 =	vld [tilespmem:s0+$0x4890];
	_ =	sdelay $0x1  }
0x324: {  	s25 =	spop (v2sf)  }
0x325: {  	s0 =	sand.u32 $0x3, s25  }
0x326: {  	s0 =	sshll.u32 s0, $0x5  }
0x327: {  	s0 =	sadd.s32 $0x0, s0;
	[tilespmem:s24+$0x14890] =	vst v1  }
0x328: {  	v1 =	vld [tilespmem:s0+$0x4900];
	_ =	sdelay $0x4  }
0x329: {  	(v2sf) =	vpush v0, $0xC;
	[tilespmem:s24+$0x14900] =	vst v1  }
0x32a: {  	v1 =	vld [tilespmem:s0+$0x4910];
	_ =	sdelay $0x1  }
0x32b: {  	s26 =	spop (v2sf)  }
0x32c: {  	s0 =	sand.u32 $0x3, s26  }
0x32d: {  	s0 =	sshll.u32 s0, $0x5  }
0x32e: {  	s0 =	sadd.s32 $0x0, s0;
	[tilespmem:s24+$0x14910] =	vst v1  }
0x32f: {  	v1 =	vld [tilespmem:s0+$0x4980];
	_ =	sdelay $0x4  }
0x330: {  	(v2sf) =	vpush v0, $0xD;
	[tilespmem:s24+$0x14980] =	vst v1  }
0x331: {  	v1 =	vld [tilespmem:s0+$0x4990];
	_ =	sdelay $0x1  }
0x332: {  	s28 =	spop (v2sf)  }
0x333: {  	s0 =	sand.u32 $0x3, s28  }
0x334: {  	s0 =	sshll.u32 s0, $0x5  }
0x335: {  	s0 =	sadd.s32 $0x0, s0;
	[tilespmem:s24+$0x14990] =	vst v1  }
0x336: {  	v1 =	vld [tilespmem:s0+$0x4A00];
	_ =	sdelay $0x4  }
0x337: {  	(v2sf) =	vpush v0, $0xE;
	[tilespmem:s24+$0x14A00] =	vst v1  }
0x338: {  	v1 =	vld [tilespmem:s0+$0x4A10];
	_ =	sdelay $0x1  }
0x339: {  	s29 =	spop (v2sf)  }
0x33a: {  	s0 =	sand.u32 $0x3, s29  }
0x33b: {  	s0 =	sshll.u32 s0, $0x5  }
0x33c: {  	s0 =	sadd.s32 $0x0, s0;
	[tilespmem:s24+$0x14A10] =	vst v1  }
0x33d: {  	v1 =	vld [tilespmem:s0+$0x4A80];
	_ =	sdelay $0x4  }
0x33e: {  	(v2sf) =	vpush v0, $0xF;
	[tilespmem:s24+$0x14A80] =	vst v1  }
0x33f: {  	v0 =	vld [tilespmem:s0+$0x4A90];
	_ =	sdelay $0x1  }
0x340: {  	s30 =	spop (v2sf)  }
0x341: {  	s0 =	sand.u32 $0x3, s30  }
0x342: {  	s0 =	sshll.u32 s0, $0x5  }
0x343: {  	s0 =	sadd.s32 $0x0, s0;
	[tilespmem:s24+$0x14A90] =	vst v0  }
0x344: {  	v0 =	vld [tilespmem:s0+$0x4B00];
	_ =	sdelay $0x4  }
0x345: {  	[tilespmem:s24+$0x14B00] =	vst v0  }
0x346: {  	v0 =	vld [tilespmem:s0+$0x4B10];
	_ =	sdelay $0x1  }
0x347: {  	s31 =	spop (v2sf)  }
0x348: {  	s0 =	sand.u32 $0x3, s31  }
0x349: {  	s0 =	sshll.u32 s0, $0x5  }
0x34a: {  	s0 =	sadd.s32 $0x0, s0;
	[tilespmem:s24+$0x14B10] =	vst v0  }
0x34b: {  	v0 =	vld [tilespmem:s0+$0x4B80];
	_ =	sdelay $0x4  }
0x34c: {  	[tilespmem:s24+$0x14B80] =	vst v0  }
0x34d: {  	s25 =	simm.s32 $0x2000;
	v0 =	vld [tilespmem:s0+$0x4B90]  }
.LBB2_8:
0x34e: {  	_ =	sdelay $0x2  }
0x34f: {  	p0 =	sne.s32 s25, $0xE000  }
0x350: {  	s23 =	sadd.s32 $0x10, s23;
	s0 =	smov.u32 s25;
	s25 =	sadd.s32 $0x2000, s25;
	[tilespmem:s24+$0x14B90] =	vst v0  }
0x351: {  	v0 =	vld [tilespmem:s23+$0x0];
	_ =	sdelay $0x4  }
0x352: {  	(v2sf) =	vpush v0, $0x0  }
0x353: {  	(v2sf) =	vpush v0, $0x1;
	_ =	sdelay $0x1  }
0x354: {  	(v2sf) =	vpush v0, $0x2  }
0x355: {  	(v2sf) =	vpush v0, $0x3  }
0x356: {  	(v2sf) =	vpush v0, $0x4  }
0x357: {  	(v2sf) =	vpush v0, $0x5  }
0x358: {  	(v2sf) =	vpush v0, $0x6  }
0x359: {  	(v2sf) =	vpush v0, $0x7  }
0x35a: {  	(v2sf) =	vpush v0, $0x8  }
0x35b: {  	(v2sf) =	vpush v0, $0x9  }
0x35c: {  	(v2sf) =	vpush v0, $0xA  }
0x35d: {  	(v2sf) =	vpush v0, $0xB  }
0x35e: {  	(v2sf) =	vpush v0, $0xC  }
0x35f: {  	(v2sf) =	vpush v0, $0xD  }
0x360: {  	s2 =	spop (v2sf)  }
0x361: {  	s2 =	sand.u32 $0x3, s2;
	s12 =	spop (v2sf);
	(v2sf) =	vpush v0, $0xE  }
0x362: {  	s24 =	sshra.s32 s0, $0x2;
	s2 =	sshll.u32 s2, $0x5;
	s0 =	sand.u32 $0x3, s12;
	(v2sf) =	vpush v0, $0xF  }
0x363: {  	s2 =	sadd.s32 s24, s2;
	s15 =	sshll.u32 s0, $0x5;
	s0 =	spop (v2sf)  }
0x364: {  	v0 =	vld [tilespmem:s2+$0x4400];
	s0 =	sand.u32 $0x3, s0;
	s12 =	spop (v2sf)  }
0x365: {  	s21 =	sshll.u32 s0, $0x5;
	s0 =	sand.u32 $0x3, s12;
	s12 =	spop (v2sf)  }
0x366: {  	s20 =	sshll.u32 s0, $0x5;
	s0 =	sand.u32 $0x3, s12;
	s12 =	spop (v2sf)  }
0x367: {  	s19 =	sshll.u32 s0, $0x5;
	s0 =	sand.u32 $0x3, s12;
	s12 =	spop (v2sf)  }
0x368: {  	s17 =	sshll.u32 s0, $0x5;
	s0 =	sand.u32 $0x3, s12;
	s12 =	spop (v2sf)  }
0x369: {  	[tilespmem:s24+$0x14400] =	vst v0;
	s14 =	sshll.u32 s0, $0x5;
	s0 =	sand.u32 $0x3, s12;
	s12 =	spop (v2sf)  }
0x36a: {  	v0 =	vld [tilespmem:s2+$0x4410];
	s13 =	sshll.u32 s0, $0x5;
	s0 =	sand.u32 $0x3, s12;
	s2 =	spop (v2sf)  }
0x36b: {  	s12 =	sshll.u32 s0, $0x5;
	s0 =	sand.u32 $0x3, s2;
	s18 =	spop (v2sf)  }
0x36c: {  	s2 =	sshll.u32 s0, $0x5;
	s0 =	sand.u32 $0x3, s18;
	s18 =	spop (v2sf)  }
0x36d: {  	s0 =	sshll.u32 s0, $0x5;
	s18 =	sand.u32 $0x3, s18;
	s26 =	spop (v2sf)  }
0x36e: {  	s31 =	sshll.u32 s18, $0x5;
	s18 =	sand.u32 $0x3, s26;
	s26 =	spop (v2sf)  }
0x36f: {  	s15 =	sadd.s32 s24, s15;
	[tilespmem:s24+$0x14410] =	vst v0;
	s30 =	sshll.u32 s18, $0x5;
	s18 =	sand.u32 $0x3, s26  }
0x370: {  	v0 =	vld [tilespmem:s15+$0x4480];
	s29 =	sshll.u32 s18, $0x5;
	s18 =	spop (v2sf)  }
0x371: {  	s18 =	sand.u32 $0x3, s18;
	s26 =	spop (v2sf)  }
0x372: {  	s28 =	sshll.u32 s18, $0x5;
	s18 =	sand.u32 $0x3, s26  }
0x373: {  	s26 =	sshll.u32 s18, $0x5;
	_ =	sdelay $0x1  }
0x374: {  	[tilespmem:s24+$0x14480] =	vst v0  }
0x375: {  	v0 =	vld [tilespmem:s15+$0x4490];
	_ =	sdelay $0x4  }
0x376: {  	s15 =	sadd.s32 s24, s21;
	[tilespmem:s24+$0x14490] =	vst v0  }
0x377: {  	v0 =	vld [tilespmem:s15+$0x4500];
	_ =	sdelay $0x4  }
0x378: {  	[tilespmem:s24+$0x14500] =	vst v0  }
0x379: {  	v0 =	vld [tilespmem:s15+$0x4510];
	_ =	sdelay $0x4  }
0x37a: {  	s15 =	sadd.s32 s24, s20;
	[tilespmem:s24+$0x14510] =	vst v0  }
0x37b: {  	v0 =	vld [tilespmem:s15+$0x4580];
	_ =	sdelay $0x4  }
0x37c: {  	[tilespmem:s24+$0x14580] =	vst v0  }
0x37d: {  	v0 =	vld [tilespmem:s15+$0x4590];
	_ =	sdelay $0x4  }
0x37e: {  	s15 =	sadd.s32 s24, s19;
	[tilespmem:s24+$0x14590] =	vst v0  }
0x37f: {  	v0 =	vld [tilespmem:s15+$0x4600];
	_ =	sdelay $0x4  }
0x380: {  	[tilespmem:s24+$0x14600] =	vst v0  }
0x381: {  	v0 =	vld [tilespmem:s15+$0x4610];
	_ =	sdelay $0x4  }
0x382: {  	s15 =	sadd.s32 s24, s17;
	[tilespmem:s24+$0x14610] =	vst v0  }
0x383: {  	v0 =	vld [tilespmem:s15+$0x4680];
	_ =	sdelay $0x4  }
0x384: {  	[tilespmem:s24+$0x14680] =	vst v0  }
0x385: {  	v0 =	vld [tilespmem:s15+$0x4690];
	_ =	sdelay $0x4  }
0x386: {  	s14 =	sadd.s32 s24, s14;
	[tilespmem:s24+$0x14690] =	vst v0  }
0x387: {  	v0 =	vld [tilespmem:s14+$0x4700];
	_ =	sdelay $0x4  }
0x388: {  	[tilespmem:s24+$0x14700] =	vst v0  }
0x389: {  	v0 =	vld [tilespmem:s14+$0x4710];
	_ =	sdelay $0x4  }
0x38a: {  	s13 =	sadd.s32 s24, s13;
	[tilespmem:s24+$0x14710] =	vst v0  }
0x38b: {  	v0 =	vld [tilespmem:s13+$0x4780];
	_ =	sdelay $0x4  }
0x38c: {  	[tilespmem:s24+$0x14780] =	vst v0  }
0x38d: {  	v0 =	vld [tilespmem:s13+$0x4790];
	_ =	sdelay $0x4  }
0x38e: {  	s12 =	sadd.s32 s24, s12;
	[tilespmem:s24+$0x14790] =	vst v0  }
0x38f: {  	v0 =	vld [tilespmem:s12+$0x4800];
	_ =	sdelay $0x4  }
0x390: {  	[tilespmem:s24+$0x14800] =	vst v0  }
0x391: {  	v0 =	vld [tilespmem:s12+$0x4810];
	_ =	sdelay $0x4  }
0x392: {  	s2 =	sadd.s32 s24, s2;
	[tilespmem:s24+$0x14810] =	vst v0  }
0x393: {  	v0 =	vld [tilespmem:s2+$0x4880];
	_ =	sdelay $0x4  }
0x394: {  	[tilespmem:s24+$0x14880] =	vst v0  }
0x395: {  	v0 =	vld [tilespmem:s2+$0x4890];
	_ =	sdelay $0x4  }
0x396: {  	s0 =	sadd.s32 s24, s0;
	[tilespmem:s24+$0x14890] =	vst v0  }
0x397: {  	v0 =	vld [tilespmem:s0+$0x4900];
	_ =	sdelay $0x4  }
0x398: {  	[tilespmem:s24+$0x14900] =	vst v0  }
0x399: {  	v0 =	vld [tilespmem:s0+$0x4910];
	_ =	sdelay $0x4  }
0x39a: {  	s0 =	sadd.s32 s24, s31;
	[tilespmem:s24+$0x14910] =	vst v0  }
0x39b: {  	v0 =	vld [tilespmem:s0+$0x4980];
	_ =	sdelay $0x4  }
0x39c: {  	[tilespmem:s24+$0x14980] =	vst v0  }
0x39d: {  	v0 =	vld [tilespmem:s0+$0x4990];
	_ =	sdelay $0x4  }
0x39e: {  	s0 =	sadd.s32 s24, s30;
	[tilespmem:s24+$0x14990] =	vst v0  }
0x39f: {  	v0 =	vld [tilespmem:s0+$0x4A00];
	_ =	sdelay $0x4  }
0x3a0: {  	[tilespmem:s24+$0x14A00] =	vst v0  }
0x3a1: {  	v0 =	vld [tilespmem:s0+$0x4A10];
	_ =	sdelay $0x4  }
0x3a2: {  	s0 =	sadd.s32 s24, s29;
	[tilespmem:s24+$0x14A10] =	vst v0  }
0x3a3: {  	v0 =	vld [tilespmem:s0+$0x4A80];
	_ =	sdelay $0x4  }
0x3a4: {  	[tilespmem:s24+$0x14A80] =	vst v0  }
0x3a5: {  	v0 =	vld [tilespmem:s0+$0x4A90];
	_ =	sdelay $0x4  }
0x3a6: {  	s0 =	sadd.s32 s24, s28;
	[tilespmem:s24+$0x14A90] =	vst v0  }
0x3a7: {  	v0 =	vld [tilespmem:s0+$0x4B00];
	_ =	sdelay $0x4  }
0x3a8: {  	[tilespmem:s24+$0x14B00] =	vst v0  }
0x3a9: {  	v0 =	vld [tilespmem:s0+$0x4B10];
	_ =	sdelay $0x4  }
0x3aa: {  	s0 =	sadd.s32 s24, s26;
	[tilespmem:s24+$0x14B10] =	vst v0  }
0x3ab: {  	v0 =	vld [tilespmem:s0+$0x4B80];
	_ =	sdelay $0x1  }
.Ltmp3:
0x3ac: {  	(pc) =	sbr.rel @p0 .LBB2_8-.Ltmp3, $3  }
0x3ad: {  	_ =	sdelay $0x1  }
0x3ae: {  	[tilespmem:s24+$0x14B80] =	vst v0  }
0x3af: {  	v0 =	vld [tilespmem:s0+$0x4B90]  }
0x3b0: {  	_ =	sdelay $0x1  }
0x3b1: {  	s22 =	sadd.s32 $0x1, s22  }
0x3b2: {  	p0 =	sne.s32 s22, s9  }
.Ltmp4:
0x3b3: {  	s0 =	simm.s32 $0x8400;
	[tilespmem:s24+$0x14B90] =	vst v0;
	(pc) =	sbr.rel @p0 .LBB2_1-.Ltmp4, $4  }
0x3b4: {  	[hbm4b:s8+s3] =	stream.linear.scatter [tilespmem:s0], [sflag:$0x2], $0x10000, $0x38;
	[tilespmem:$0x18400] =	vst v63  }
0x3b5: {  	_ =	swait.ge [sflag:s10], $0x10000  }
0x3b6: {  	[sflag:s10] =	ssyncset.done $0x0  }
0x3b7: {  	[sflag:s10] =	ssyncadd.s32 $0xFFFF0000  }
0x3b8: {  	_ =	sfence.sel $0x180000  }
0x3b9: {  	[bflag:$0x0] =	sbarrier.arrive $0xFFFF  }
0x3ba: {  	_ =	strace $0x90000047  }
0x3bb: {  	s0 =	stileid.u32;
	[bflag:$0x2] =	sbarrier.arrive $0xFFFF  }
0x3bc: {  	p0 =	sne.s32 s0, $0x0;
	s0 =	rddreg [dreg:$0x3]  }
0x3bd: {  	s0 =	sadd.s32 @!p0 $0x100000, s0  }
0x3be: {  	[sflag:s0] =	ssyncadd.tile.s32 @!p0 $0x1;
	_ =	shalt  }
.Lfunc_end2:
_tile_overlayer_lowered:
.L_overlay_start_2:
0x3bf: {  	(tag) =	ssettag $0x2  }
0x3c0: {  	s0 =	rddreg [dreg:$0x0];
	s2 =	stileid.u32  }
0x3c1: {  	s1 =	rddreg [dreg:$0x1];
	p0 =	sne.s32 s2, $0x0  }
0x3c2: {  	s3 =	rddreg [dreg:$0x2];
	[bflag:$0x3] =	sbarrier.arrive $0xFFFF;
	s2 =	simm.s32 @!p0 $0x1C02  }
0x3c3: {  	[timem:s3], [sflag:s2] =	dma.local @!p0 [hbm:s0], s1  }
0x3c4: {  	s0 =	simm.s32 @!p0 $0x2  }
0x3c5: {  	_ =	swait.ge @!p0 [sflag:s0], s1  }
0x3c6: {  	s1 =	ssub.s32 @!p0 $0x0, s1;
	[sflag:s0] =	ssyncset.done @!p0 $0x0  }
0x3c7: {  	[sflag:s0] =	ssyncadd.s32 @!p0 s1  }
0x3c8: {  	[bflag:$0x3] =	sbarrier.arrive $0xFFFF  }
0x3c9: {  	_ =	shalt  }

</sc_bundles>
